<compile_context>
chip_gen: v7x
topology: tpu7x:2x2x1
jax: 0.10.2.dev20260603
libtpu: 0.0.44.dev20260713+nightly
codegen_flags: <defaults>
</compile_context>

<pallas_src>
import functools

import jax
import jax.numpy as jnp
import numpy as np
from jax import lax
from jax.experimental import pallas as pl
from jax.experimental.pallas import tpu as pltpu
from jax.experimental.pallas import tpu_sc as plsc

_DIM_IN = 1024
_DIM_H = 256
_N = 4096
_K = 6
_OT_REG = 0.1
_OT_TAU = 0.5
_FI = _OT_TAU / (_OT_TAU + _OT_REG)
_SCALE = _DIM_H ** (-0.5)
_RB = 256
_NRB = _N // _RB
_NEG = float(np.float32(-3.0e38))
_IMAX = np.int32(2**31 - 1)
_F32 = jnp.float32


def _lrelu(x):
    return jnp.where(x >= 0, x, 0.01 * x)


def _elu(x):
    return jnp.where(x > 0, x, jnp.exp(x) - 1.0)


def _sigmoid(x):
    return 1.0 / (1.0 + jnp.exp(-x))


def _dot(a, b):
    return jnp.dot(a, b, preferred_element_type=_F32)


def _dot_bt(a, b):
    return lax.dot_general(a, b, (((1,), (1,)), ((), ())),
                           preferred_element_type=_F32)


def _xp_body(x_ref, w_ref, b_ref, xp_ref, psum_ref):
    xp = _lrelu(_dot(x_ref[...], w_ref[...]) + b_ref[...])
    xp_ref[...] = xp
    psum_ref[...] = jnp.sum(xp, axis=0, keepdims=True)[None]


def _run_xp(x_path, fc1w, fc1b):
    return pl.pallas_call(
        _xp_body,
        grid=(_NRB,),
        in_specs=[
            pl.BlockSpec((_RB, _DIM_IN), lambda i: (i, 0)),
            pl.BlockSpec((_DIM_IN, _DIM_H), lambda i: (0, 0)),
            pl.BlockSpec((1, _DIM_H), lambda i: (0, 0)),
        ],
        out_specs=[
            pl.BlockSpec((_RB, _DIM_H), lambda i: (i, 0)),
            pl.BlockSpec((1, 1, _DIM_H), lambda i: (i, 0, 0)),
        ],
        out_shape=[
            jax.ShapeDtypeStruct((_N, _DIM_H), _F32),
            jax.ShapeDtypeStruct((_NRB, 1, _DIM_H), _F32),
        ],
    )(x_path, fc1w, fc1b)


def _et_body(xp_ref, psum_ref, wh_ref, bh_ref, wt_ref, bt_ref,
             eh_ref, ehb_ref, etb_ref, etp_ref):
    m = jnp.sum(psum_ref[...].reshape(_NRB, _DIM_H), axis=0,
                keepdims=True) * (1.0 / _N)
    xpm = (xp_ref[...] + m) * 0.5
    eh = _dot(xpm, wh_ref[...]) + bh_ref[...]
    et = _dot(xpm, wt_ref[...]) + bt_ref[...]
    eh_ref[...] = eh
    ehb_ref[...] = eh.astype(jnp.bfloat16)
    etb_ref[...] = et.astype(jnp.bfloat16)
    b = lax.bitcast_convert_type(et, jnp.int32)
    rne = lax.shift_right_logical(
        b + jnp.int32(0x7FFF) + (lax.shift_right_logical(b, 16) &
                                 jnp.int32(1)), 16)
    etp_ref[...] = rne[:, :_DIM_H // 2] | lax.shift_left(
        rne[:, _DIM_H // 2:], 16)


def _run_et(xp, psum, whw, bh, wtw, bt):
    return pl.pallas_call(
        _et_body,
        grid=(_NRB,),
        in_specs=[
            pl.BlockSpec((_RB, _DIM_H), lambda i: (i, 0)),
            pl.BlockSpec((_NRB, 1, _DIM_H), lambda i: (0, 0, 0)),
            pl.BlockSpec((_DIM_H, _DIM_H), lambda i: (0, 0)),
            pl.BlockSpec((1, _DIM_H), lambda i: (0, 0)),
            pl.BlockSpec((_DIM_H, _DIM_H), lambda i: (0, 0)),
            pl.BlockSpec((1, _DIM_H), lambda i: (0, 0)),
        ],
        out_specs=[
            pl.BlockSpec((_RB, _DIM_H), lambda i: (i, 0)),
            pl.BlockSpec((_RB, _DIM_H), lambda i: (i, 0)),
            pl.BlockSpec((_RB, _DIM_H), lambda i: (i, 0)),
            pl.BlockSpec((_RB, _DIM_H // 2), lambda i: (i, 0)),
        ],
        out_shape=[
            jax.ShapeDtypeStruct((_N, _DIM_H), _F32),
            jax.ShapeDtypeStruct((_N, _DIM_H), jnp.bfloat16),
            jax.ShapeDtypeStruct((_N, _DIM_H), jnp.bfloat16),
            jax.ShapeDtypeStruct((_N, _DIM_H // 2), jnp.int32),
        ],
    )(xp, psum, whw, bh, wtw, bt)


def _topk_body(eh_ref, et_ref, w_ref, i_ref):
    vals = _dot_bt(eh_ref[...] * jnp.bfloat16(_SCALE), et_ref[...])
    bits = lax.bitcast_convert_type(vals, jnp.int32)
    skey = jnp.where(bits < 0, bits ^ jnp.int32(0x7FFFFFFF), bits)
    col = lax.broadcasted_iota(jnp.int32, (_RB, _N), 1)
    skey = (skey & jnp.int32(~0xFFF)) | (jnp.int32(_N - 1) - col)
    ws, idxs = [], []
    for _ in range(_K):
        m = jnp.max(skey, axis=1, keepdims=True)
        skey = jnp.where(skey == m, jnp.int32(-0x80000000), skey)
        idxs.append(jnp.int32(_N - 1) - (m & jnp.int32(0xFFF)))
        vb = m & jnp.int32(~0xFFF)
        vb = jnp.where(vb < 0, vb ^ jnp.int32(0x7FFFFFFF), vb)
        ws.append(lax.bitcast_convert_type(vb, jnp.float32))
    w_ref[...] = jnp.concatenate(ws, axis=1)
    i_ref[...] = jnp.concatenate(idxs, axis=1)


def _run_topk(ehb, etb):
    return pl.pallas_call(
        _topk_body,
        grid=(_NRB,),
        in_specs=[
            pl.BlockSpec((_RB, _DIM_H), lambda i: (i, 0)),
            pl.BlockSpec((_N, _DIM_H), lambda i: (0, 0)),
        ],
        out_specs=[
            pl.BlockSpec((_RB, _K), lambda i: (i, 0)),
            pl.BlockSpec((_RB, _K), lambda i: (i, 0)),
        ],
        out_shape=[
            jax.ShapeDtypeStruct((_N, _K), _F32),
            jax.ShapeDtypeStruct((_N, _K), jnp.int32),
        ],
    )(ehb, etb)


def _gather_rows(et, idx3d):
    d = et.shape[1]
    dt = et.dtype
    info = plsc.get_sparse_core_info()
    nc = info.num_cores
    nw = nc * info.num_subcores
    nch = idx3d.shape[1]
    rows_per_w = nch * 128
    rows = nw * rows_per_w
    mesh = plsc.VectorSubcoreMesh(core_axis_name="c", subcore_axis_name="s")

    @functools.partial(
        pl.kernel,
        out_type=jax.ShapeDtypeStruct((rows, d), dt),
        mesh=mesh,
        scratch_types=[
            pltpu.VMEM((nch, 128), jnp.int32),
            pltpu.VMEM((nch, 128, d), dt),
            pltpu.SemaphoreType.DMA,
            pltpu.SemaphoreType.DMA,
        ],
    )
    def gk(table_hbm, idx_hbm, out_hbm, idx_v, rows_v, gsem, wsem):
        wid = lax.axis_index("s") * nc + lax.axis_index("c")
        base = wid * rows_per_w
        pltpu.sync_copy(idx_hbm.at[wid], idx_v)
        hg = [pltpu.async_copy(table_hbm.at[idx_v.at[c]], rows_v.at[c], gsem)
              for c in range(nch)]
        hw = []
        for c in range(nch):
            hg[c].wait()
            hw.append(pltpu.async_copy(
                rows_v.at[c], out_hbm.at[pl.ds(base + c * 128, 128)], wsem))
        for h in hw:
            h.wait()

    return gk(et, idx3d)


def _comb_body(eh_ref, tw_ref, nb_ref, w1_ref, b1_ref, w2_ref, b2_ref,
               out_ref):
    eh = eh_ref[...]
    p = jax.nn.softmax(tw_ref[...], axis=1)
    nbs = []
    kas = []
    for k in range(_K):
        raw = nb_ref[k]
        lo = lax.bitcast_convert_type(lax.shift_left(raw, 16), _F32)
        hi = lax.bitcast_convert_type(raw & jnp.int32(-65536), _F32)
        nbk = jnp.concatenate([lo, hi], axis=1)
        pk = p[:, k:k + 1]
        gk = jnp.tanh((2.0 - pk) * eh + pk * nbk)
        kas.append(jnp.sum(nbk, axis=1, keepdims=True) *
                   jnp.sum(gk, axis=1, keepdims=True))
        nbs.append(nbk)
    kp = jax.nn.softmax(jnp.concatenate(kas, axis=1), axis=1)
    enh = kp[:, 0:1] * nbs[0]
    for k in range(1, _K):
        enh = enh + kp[:, k:k + 1] * nbs[k]
    s = _lrelu(_dot(eh + enh, w1_ref[...]) + b1_ref[...])
    b = _lrelu(_dot(eh * enh, w2_ref[...]) + b2_ref[...])
    out_ref[...] = s + b


def _run_comb(eh, tw, nb3, lin1w, b1, lin2w, b2):
    return pl.pallas_call(
        _comb_body,
        grid=(_NRB,),
        in_specs=[
            pl.BlockSpec((_RB, _DIM_H), lambda i: (i, 0)),
            pl.BlockSpec((_RB, _K), lambda i: (i, 0)),
            pl.BlockSpec((_K, _RB, _DIM_H // 2), lambda i: (0, i, 0)),
            pl.BlockSpec((_DIM_H, _DIM_H), lambda i: (0, 0)),
            pl.BlockSpec((1, _DIM_H), lambda i: (0, 0)),
            pl.BlockSpec((_DIM_H, _DIM_H), lambda i: (0, 0)),
            pl.BlockSpec((1, _DIM_H), lambda i: (0, 0)),
        ],
        out_specs=pl.BlockSpec((_RB, _DIM_H), lambda i: (i, 0)),
        out_shape=jax.ShapeDtypeStruct((_N, _DIM_H), _F32),
    )(eh, tw, nb3, lin1w, b1, lin2w, b2)


def _omic_body(*refs):
    out_ref = refs[-1]
    rows = []
    for j in range(6):
        x_ref, w1_ref, b1_ref, w2_ref, b2_ref = refs[5 * j:5 * j + 5]
        h = _elu(_dot_bt(x_ref[...], w1_ref[...]) + b1_ref[...])
        rows.append(_elu(_dot_bt(h, w2_ref[...]) + b2_ref[...]))
    out_ref[...] = jnp.concatenate(rows, axis=0)


def _run_omic(args):
    return pl.pallas_call(
        _omic_body,
        out_shape=jax.ShapeDtypeStruct((6, _DIM_H), _F32),
    )(*args)


def _ot_body(eh2_ref, ho_ref, ones_ref, out_ref):
    ns = 8
    cw = _N // ns
    y = ho_ref[...]
    y = y - jnp.min(y, axis=1, keepdims=True)
    xys, xsqs = [], []
    for s in range(ns):
        x_s = eh2_ref[pl.ds(s * cw, cw), :]
        x_s = x_s - jnp.min(x_s, axis=1, keepdims=True)
        xys.append(_dot_bt(y, x_s))
        xsqs.append(_dot_bt(ones_ref[...], x_s * x_s))
    xsqF = jnp.concatenate(xsqs, axis=0)
    costs = []
    for j in range(6):
        xyFj = jnp.concatenate([xys[s][j:j + 1, :] for s in range(ns)],
                               axis=0)
        ysqj = jnp.sum(y[j:j + 1, :] * y[j:j + 1, :])
        costs.append((ysqj - 2.0 * xyFj) + xsqF)
    mx = jnp.max(costs[0])
    for j in range(1, 6):
        mx = jnp.maximum(mx, jnp.max(costs[j]))
    sc = -1.0 / (_OT_REG * mx)
    kts = [jnp.exp(c * sc) for c in costs]
    a = 1.0 / _N
    b = 1.0 / 6.0
    afi = float(a) ** _FI
    bfi = float(b) ** _FI

    def _rsum(t):
        return jnp.sum(jnp.sum(t, axis=1, keepdims=True), axis=0,
                       keepdims=True)

    def body(_, carry):
        u, v = carry
        kv = kts[0] * v[0]
        for j in range(1, 6):
            kv = kv + kts[j] * v[j]
        u = afi * jnp.exp(-_FI * jnp.log(kv + 1e-16))
        v = tuple(
            bfi * jnp.exp(-_FI * jnp.log(_rsum(kts[j] * u) + 1e-16))
            for j in range(6))
        return u, v

    u0 = jnp.full((ns, cw), a, _F32)
    v0 = tuple(jnp.full((1, 1), b, _F32) for _ in range(6))
    u, v = lax.fori_loop(0, 100, body, (u0, v0))
    acc = jnp.zeros((6, _DIM_H), _F32)
    for s in range(ns):
        rows = [kts[j][s:s + 1, :] * (u[s:s + 1, :] * v[j])
                for j in range(6)]
        acc = acc + _dot(jnp.concatenate(rows, axis=0),
                         eh2_ref[pl.ds(s * cw, cw), :])
    out_ref[...] = acc


def _run_ot(eh2, ho):
    ones = jnp.ones((1, _DIM_H), _F32)
    return pl.pallas_call(
        _ot_body,
        out_shape=jax.ShapeDtypeStruct((6, _DIM_H), _F32),
    )(eh2, ho, ones)


def _head_body(*refs):
    hpc_ref, ho_ref = refs[0], refs[1]
    enc_refs = refs[2:50]
    ga = refs[50:62]
    rho = refs[62:66]
    mm = refs[66:72]
    out_ref = refs[72]
    isq = float(1.0 / np.sqrt(32.0).astype(np.float32))

    def ln(x, g, b):
        m = jnp.mean(x, axis=-1, keepdims=True)
        v = jnp.mean((x - m) ** 2, axis=-1, keepdims=True)
        return (x - m) / jnp.sqrt(v + 1e-5) * g + b

    def enc(x, l):
        (inw, inb, outw, outb, ln1g, ln1b, ff1w, ff1b, ff2w, ff2b,
         ln2g, ln2b) = enc_refs[12 * l:12 * (l + 1)]
        qkv = _dot_bt(x, inw[...]) + inb[...]
        ohs = []
        for h in range(8):
            q = qkv[:, h * 32:(h + 1) * 32]
            k = qkv[:, 256 + h * 32:256 + (h + 1) * 32]
            v = qkv[:, 512 + h * 32:512 + (h + 1) * 32]
            att = jax.nn.softmax(_dot_bt(q, k) * isq, axis=-1)
            ohs.append(_dot(att, v))
        mo = _dot_bt(jnp.concatenate(ohs, axis=1), outw[...]) + outb[...]
        x = ln(x + mo, ln1g[...], ln1b[...])
        ff = jnp.maximum(_dot_bt(x, ff1w[...]) + ff1b[...], 0.0)
        ff = _dot_bt(ff, ff2w[...]) + ff2b[...]
        return ln(x + ff, ln2g[...], ln2b[...])

    def pool(x, i):
        aw, ab, bw, bb, cw, cb = ga[6 * i:6 * (i + 1)]
        rw, rb = rho[2 * i:2 * (i + 1)]
        va = jnp.tanh(_dot_bt(x, aw[...]) + ab[...])
        vg = _sigmoid(_dot_bt(x, bw[...]) + bb[...])
        s = jnp.sum(va * vg * cw[...], axis=1, keepdims=True) + cb[...]
        w = jax.nn.softmax(s, axis=0)
        pooled = jnp.sum(w * x, axis=0, keepdims=True)
        return jnp.maximum(_dot_bt(pooled, rw[...]) + rb[...], 0.0)

    hp = enc(enc(hpc_ref[...], 0), 1)
    hom = enc(enc(ho_ref[...], 2), 3)
    h = jnp.concatenate([pool(hp, 0), pool(hom, 1)], axis=1)
    h = jnp.maximum(_dot_bt(h, mm[0][...]) + mm[1][...], 0.0)
    h = jnp.maximum(_dot_bt(h, mm[2][...]) + mm[3][...], 0.0)
    out_ref[...] = _dot_bt(h, mm[4][...]) + mm[5][...]


def _run_head(hpc, ho, wts):
    return pl.pallas_call(
        _head_body,
        out_shape=jax.ShapeDtypeStruct((1, 4), _F32),
    )(hpc, ho, *wts)


def kernel(x_path, x_omic1, x_omic2, x_omic3, x_omic4, x_omic5, x_omic6,
           params):
    P = params
    omics = (x_omic1, x_omic2, x_omic3, x_omic4, x_omic5, x_omic6)

    xp, psum = _run_xp(x_path, P['fc1_w'].T, P['fc1_b'][None])
    eh, ehb, etb, etp = _run_et(xp, psum, P['Wh_w'].T, P['Wh_b'][None],
                                P['Wt_w'].T, P['Wt_b'][None])
    tw, ti = _run_topk(ehb, etb)
    nb = _gather_rows(etp, ti.T.reshape(32, 6, 128))

    oargs = []
    for i in range(6):
        sp = P['sig'][i]
        oargs += [omics[i][None], sp['w1'], sp['b1'][None],
                  sp['w2'], sp['b2'][None]]
    ho = _run_omic(oargs)

    eh2 = _run_comb(eh, tw, nb.reshape(_K, _N, _DIM_H // 2),
                    P['lin1_w'].T, P['lin1_b'][None],
                    P['lin2_w'].T, P['lin2_b'][None])

    hpc = _run_ot(eh2, ho)

    wts = []
    for L in P['ptr'] + P['otr']:
        wts += [L['in_w'], L['in_b'][None], L['out_w'], L['out_b'][None],
                L['ln1_g'][None], L['ln1_b'][None],
                L['ff1_w'], L['ff1_b'][None], L['ff2_w'], L['ff2_b'][None],
                L['ln2_g'][None], L['ln2_b'][None]]
    for pre in ('pa', 'oa'):
        wts += [P[pre + '_a_w'], P[pre + '_a_b'][None],
                P[pre + '_b_w'], P[pre + '_b_b'][None],
                P[pre + '_c_w'], P[pre + '_c_b'][None]]
    wts += [P['prho_w'], P['prho_b'][None], P['orho_w'], P['orho_b'][None]]
    wts += [P['mm1_w'], P['mm1_b'][None], P['mm2_w'], P['mm2_b'][None],
            P['cls_w'], P['cls_b'][None]]
    return _run_head(hpc, ho, wts)

# --- scband reference (transcript-rebuilt; emitter-appended) ---
"""Pipeline reference for scband-motcat-surv-75565654606323 (READ-ONLY COPY).

The authoritative reference and input builder live on the scoring server;
editing this copy changes nothing except your own understanding.
"""

import jax, jax.numpy as jnp
import numpy as np

DIM_IN = 1024
DIM_H = 256
N_PATCH = 4096
OMIC_SIZES = [100, 200, 300, 400, 500, 600]
N_CLASSES = 4
TOPK = 6
OT_REG = 0.1
OT_TAU = 0.5
SCALE = DIM_H ** (-0.5)


def _randp(key, i, shape):
    return jax.random.normal(jax.random.fold_in(key, i), shape, dtype=jnp.float32) * 0.02


def init_params(key):
    c = [0]
    def nx(shape):
        c[0] += 1
        return _randp(key, c[0], shape)
    def lin(o, i):
        return nx((o, i)), nx((o,))
    P = {}
    P['wsi_w'], P['wsi_b'] = lin(256, 1024)
    P['fc1_w'], P['fc1_b'] = lin(DIM_H, DIM_IN)
    P['Wh_w'], P['Wh_b'] = lin(DIM_H, DIM_H)
    P['Wt_w'], P['Wt_b'] = lin(DIM_H, DIM_H)
    P['lin1_w'], P['lin1_b'] = lin(DIM_H, DIM_H)
    P['lin2_w'], P['lin2_b'] = lin(DIM_H, DIM_H)
    P['att0_w'], P['att0_b'] = lin(DIM_H // 2, DIM_H)
    P['att1_w'], P['att1_b'] = lin(1, DIM_H // 2)
    sig = []
    for s in OMIC_SIZES:
        w1, b1 = lin(256, s)
        w2, b2 = lin(256, 256)
        sig.append({'w1': w1, 'b1': b1, 'w2': w2, 'b2': b2})
    P['sig'] = sig
    def enc():
        L = {}
        L['in_w'], L['in_b'] = lin(3 * 256, 256)
        L['out_w'], L['out_b'] = lin(256, 256)
        L['ln1_g'] = jnp.ones((256,), jnp.float32)
        L['ln1_b'] = jnp.zeros((256,), jnp.float32)
        L['ff1_w'], L['ff1_b'] = lin(512, 256)
        L['ff2_w'], L['ff2_b'] = lin(256, 512)
        L['ln2_g'] = jnp.ones((256,), jnp.float32)
        L['ln2_b'] = jnp.zeros((256,), jnp.float32)
        return L
    P['ptr'] = [enc(), enc()]
    P['otr'] = [enc(), enc()]
    for pre in ('pa', 'oa'):
        P[pre + '_a_w'], P[pre + '_a_b'] = lin(256, 256)
        P[pre + '_b_w'], P[pre + '_b_b'] = lin(256, 256)
        P[pre + '_c_w'], P[pre + '_c_b'] = lin(1, 256)
    P['prho_w'], P['prho_b'] = lin(256, 256)
    P['orho_w'], P['orho_b'] = lin(256, 256)
    P['mm1_w'], P['mm1_b'] = lin(256, 512)
    P['mm2_w'], P['mm2_b'] = lin(256, 256)
    P['cls_w'], P['cls_b'] = lin(N_CLASSES, 256)
    return P


def setup_inputs(seed: int = 0):
    key = jax.random.key(seed)
    inp = {}
    inp['x_path'] = jax.random.normal(jax.random.fold_in(key, 1000), (N_PATCH, DIM_IN), dtype=jnp.float32)
    for i, s in enumerate(OMIC_SIZES):
        inp['x_omic%d' % (i + 1)] = jax.random.normal(jax.random.fold_in(key, 1001 + i), (s,), dtype=jnp.float32)
    inp['params'] = init_params(key)
    return inp


def _ln(x, g, b, eps=1e-5):
    m = x.mean(-1, keepdims=True)
    v = ((x - m) ** 2).mean(-1, keepdims=True)
    return (x - m) / jnp.sqrt(v + eps) * g + b


def _mha(x, L, nh=8):
    S, B, D = x.shape
    hd = D // nh
    qkv = x @ L['in_w'].T + L['in_b']
    q, k, v = jnp.split(qkv, 3, axis=-1)
    def rs(t):
        return t.reshape(S, B * nh, hd).transpose(1, 0, 2)
    q, k, v = rs(q), rs(k), rs(v)
    att = jax.nn.softmax(q @ k.transpose(0, 2, 1) / np.sqrt(hd).astype(np.float32), axis=-1)
    o = (att @ v).transpose(1, 0, 2).reshape(S, B, D)
    return o @ L['out_w'].T + L['out_b']


def _enc(x, L):
    x = _ln(x + _mha(x, L), L['ln1_g'], L['ln1_b'])
    ff = jax.nn.relu(x @ L['ff1_w'].T + L['ff1_b']) @ L['ff2_w'].T + L['ff2_b']
    return _ln(x + ff, L['ln2_g'], L['ln2_b'])


def _uot_flow(Mn, reg, tau, n_iter=100):
    # POT sinkhorn_knopp_unbalanced, fixed iteration count (flow is detached in the original)
    K = jnp.exp(-Mn / reg)
    fi = tau / (tau + reg)
    a = jnp.ones((Mn.shape[0],), jnp.float32) / Mn.shape[0]
    b = jnp.ones((Mn.shape[1],), jnp.float32) / Mn.shape[1]
    u = a
    v = b
    for _ in range(n_iter):
        u = (a / (K @ v + 1e-16)) ** fi
        v = (b / (K.T @ u + 1e-16)) ** fi
    return u[:, None] * K * v[None, :]


def _gated_attn(h, P, pre):
    a = jnp.tanh(h @ P[pre + '_a_w'].T + P[pre + '_a_b'])
    g = jax.nn.sigmoid(h @ P[pre + '_b_w'].T + P[pre + '_b_b'])
    return (a * g) @ P[pre + '_c_w'].T + P[pre + '_c_b']


def _forward(x_path, omics, P):
    # wsi_net branch (computed in torch forward, unused downstream)
    h_path_bag = jax.nn.relu(x_path @ P['wsi_w'].T + P['wsi_b'])[:, None, :]
    xp = jax.nn.leaky_relu(x_path @ P['fc1_w'].T + P['fc1_b'])[None]
    xp = (xp + xp.mean(axis=1, keepdims=True)) * 0.5
    e_h = xp @ P['Wh_w'].T + P['Wh_b']
    e_t = xp @ P['Wt_w'].T + P['Wt_b']
    attn_logit = (e_h * SCALE) @ jnp.swapaxes(e_t, -2, -1)
    topk_w, topk_i = jax.lax.top_k(attn_logit, TOPK)
    topk_p = jax.nn.softmax(topk_w, axis=2)
    Nb_h = e_t[0][topk_i[0]][None]
    eh_r = topk_p[..., None] * Nb_h + (1.0 - topk_p)[..., None] * e_h[:, :, None, :]
    gate = jnp.tanh(e_h[:, :, None, :] + eh_r)
    ka_w = jnp.einsum('ijkl,ijkm->ijk', Nb_h, gate)
    ka_p = jax.nn.softmax(ka_w, axis=2)[:, :, None, :]
    e_Nh = jnp.matmul(ka_p, Nb_h).squeeze(2)
    s_emb = jax.nn.leaky_relu((e_h + e_Nh) @ P['lin1_w'].T + P['lin1_b'])
    b_emb = jax.nn.leaky_relu((e_h * e_Nh) @ P['lin2_w'].T + P['lin2_b'])
    e_h = s_emb + b_emb
    # global attention readout (computed but unused downstream, as in torch)
    gsc = jax.nn.leaky_relu(e_h[0] @ P['att0_w'].T + P['att0_b']) @ P['att1_w'].T + P['att1_b']
    e_g = (jax.nn.softmax(gsc, axis=0) * e_h[0]).sum(0)
    h_omic = []
    for i in range(6):
        sp = P['sig'][i]
        h = jax.nn.elu(omics[i] @ sp['w1'].T + sp['b1'])
        h = jax.nn.elu(h @ sp['w2'].T + sp['b2'])
        h_omic.append(h)
    h_omic_bag = jnp.stack(h_omic)[:, None, :]
    # OT co-attention
    xq = e_h[0]
    yq = h_omic_bag[:, 0, :]
    xq = xq - xq.min(-1, keepdims=True)
    yq = yq - yq.min(-1, keepdims=True)
    cost = jnp.sum((xq[:, None, :] - yq[None, :, :]) ** 2, axis=-1)
    Md = jax.lax.stop_gradient(cost)
    Mn = Md / Md.max()
    flow = jax.lax.stop_gradient(_uot_flow(Mn, OT_REG, OT_TAU))
    A_coattn = flow.T
    h_path_co = (A_coattn @ e_h[0])[:, None, :]
    hp = _enc(_enc(h_path_co, P['ptr'][0]), P['ptr'][1])[:, 0, :]
    A_path = _gated_attn(hp, P, 'pa')
    h_path = jax.nn.softmax(A_path.T, axis=1) @ hp
    h_path = jax.nn.relu(h_path @ P['prho_w'].T + P['prho_b'])[0]
    ho = _enc(_enc(h_omic_bag, P['otr'][0]), P['otr'][1])[:, 0, :]
    A_omic = _gated_attn(ho, P, 'oa')
    h_om = jax.nn.softmax(A_omic.T, axis=1) @ ho
    h_om = jax.nn.relu(h_om @ P['orho_w'].T + P['orho_b'])[0]
    h = jnp.concatenate([h_path, h_om], axis=0)
    h = jax.nn.relu(h @ P['mm1_w'].T + P['mm1_b'])
    h = jax.nn.relu(h @ P['mm2_w'].T + P['mm2_b'])
    logits = (h @ P['cls_w'].T + P['cls_b'])[None]
    return logits


def reference(x_path, x_omic1, x_omic2, x_omic3, x_omic4, x_omic5, x_omic6, params):
    return _forward(x_path, (x_omic1, x_omic2, x_omic3, x_omic4, x_omic5, x_omic6), params)

if __name__ == "__main__":
    import jax
    _d = setup_inputs()
    print(jax.jit(kernel)(*tuple(_d.values())))

</pallas_src>

<mosaic_0001>
#map = affine_map<(d0, d1) -> (0, 0)>
#map1 = affine_map<(d0, d1) -> (0, 0, 0)>
module attributes {stable_mosaic.version = 14 : i64} {
  func.func @gk(%arg0: i32, %arg1: i32, %arg2: memref<4096x128xi32, #tpu.memory_space<hbm>>, %arg3: memref<32x6x128xi32, #tpu.memory_space<hbm>>, %arg4: memref<24576x128xi32, #tpu.memory_space<hbm>>, %arg5: memref<6x128xi32, #tpu.memory_space<vmem>>, %arg6: memref<6x128x128xi32, #tpu.memory_space<vmem>>, %arg7: memref<!tpu.dma_semaphore, #tpu.memory_space<semaphore_mem>>, %arg8: memref<!tpu.dma_semaphore, #tpu.memory_space<semaphore_mem>>) attributes {dimension_semantics = [#tpu.dimension_semantics<core_parallel>, #tpu.dimension_semantics<subcore_parallel>], iteration_bounds = array<i64: 2, 16>, scalar_prefetch = 0 : i64, scratch_operands = 4 : i64, tpu.core_type = #tpu.core_type<sc_vector_subcore>, window_params = [{transform_indices = #map}, {transform_indices = #map1}, {transform_indices = #map}]} {
    %mul3A = arith.constant 2 : i32
    %mul3A_0 = arith.muli %arg1, %mul3A : i32
    %add3A = arith.addi %mul3A_0, %arg0 : i32
    %mul3A_1 = arith.constant 768 : i32
    %mul3A_2 = arith.muli %add3A, %mul3A_1 : i32
    "tpu.region"() ({
      %run_scoped3A = tpu.sem_alloc : memref<!tpu.dma_semaphore, #tpu.memory_space<semaphore_mem>>
      %dma_start3A_313 = arith.constant 0 : i32
      %dma_start3A_314 = arith.constant 0 : i32
      %dma_start3A_315 = tpu.memref_slice %arg3[%add3A, %dma_start3A_313, %dma_start3A_314] : memref<32x6x128xi32, #tpu.memory_space<hbm>> -> memref<1x6x128xi32, #tpu.memory_space<hbm>>
      %dma_start3A_316 = tpu.memref_squeeze %dma_start3A_315 : memref<1x6x128xi32, #tpu.memory_space<hbm>> -> memref<6x128xi32, #tpu.memory_space<hbm>>
      %dma_start3A_317 = arith.constant 0 : i32
      %dma_start3A_318 = arith.constant 0 : i32
      %dma_start3A_319 = tpu.memref_slice %arg3[%add3A, %dma_start3A_317, %dma_start3A_318] : memref<32x6x128xi32, #tpu.memory_space<hbm>> -> memref<1x6x128xi32, #tpu.memory_space<hbm>>
      %dma_start3A_320 = tpu.memref_squeeze %dma_start3A_319 : memref<1x6x128xi32, #tpu.memory_space<hbm>> -> memref<6x128xi32, #tpu.memory_space<hbm>>
      tpu.enqueue_dma source(%dma_start3A_320 : memref<6x128xi32, #tpu.memory_space<hbm>>) target(%arg5 : memref<6x128xi32, #tpu.memory_space<vmem>>) target_semaphore(%run_scoped3A : memref<!tpu.dma_semaphore, #tpu.memory_space<semaphore_mem>>)
      %dma_wait3A_321 = arith.constant 0 : i32
      %dma_wait3A_322 = arith.constant 0 : i32
      %dma_wait3A_323 = tpu.memref_slice %arg3[%add3A, %dma_wait3A_321, %dma_wait3A_322] : memref<32x6x128xi32, #tpu.memory_space<hbm>> -> memref<1x6x128xi32, #tpu.memory_space<hbm>>
      %dma_wait3A_324 = tpu.memref_squeeze %dma_wait3A_323 : memref<1x6x128xi32, #tpu.memory_space<hbm>> -> memref<6x128xi32, #tpu.memory_space<hbm>>
      %dma_wait3A_325 = arith.constant 0 : i32
      %dma_wait3A_326 = arith.constant 0 : i32
      %dma_wait3A_327 = tpu.memref_slice %arg3[%add3A, %dma_wait3A_325, %dma_wait3A_326] : memref<32x6x128xi32, #tpu.memory_space<hbm>> -> memref<1x6x128xi32, #tpu.memory_space<hbm>>
      %dma_wait3A_328 = tpu.memref_squeeze %dma_wait3A_327 : memref<1x6x128xi32, #tpu.memory_space<hbm>> -> memref<6x128xi32, #tpu.memory_space<hbm>>
      tpu.wait_dma2 semaphore(%run_scoped3A : memref<!tpu.dma_semaphore, #tpu.memory_space<semaphore_mem>>) src(%dma_wait3A_328 : memref<6x128xi32, #tpu.memory_space<hbm>>) dst(%arg5 : memref<6x128xi32, #tpu.memory_space<vmem>>)
      tpu.yield
    }) : () -> ()
    %dma_start3A = arith.constant 0 : i32
    %dma_start3A_3 = arith.constant 0 : i32
    %dma_start3A_4 = arith.constant 0 : i32
    %dma_start3A_5 = arith.constant 0 : i32
    %dma_start3A_6 = tpu.memref_slice %arg6[%dma_start3A_3, %dma_start3A_4, %dma_start3A_5] : memref<6x128x128xi32, #tpu.memory_space<vmem>> -> memref<1x128x128xi32, #tpu.memory_space<vmem>>
    %dma_start3A_7 = tpu.memref_squeeze %dma_start3A_6 : memref<1x128x128xi32, #tpu.memory_space<vmem>> -> memref<128x128xi32, #tpu.memory_space<vmem>>
    %dma_start3A_8 = arith.constant 0 : i32
    %dma_start3A_9 = tpu.memref_slice %arg5[%dma_start3A, %dma_start3A_8] : memref<6x128xi32, #tpu.memory_space<vmem>> -> memref<1x128xi32, #tpu.memory_space<vmem>>
    %dma_start3A_10 = tpu.memref_squeeze %dma_start3A_9 : memref<1x128xi32, #tpu.memory_space<vmem>> -> memref<128xi32, #tpu.memory_space<vmem>>
    %dma_start3A_11 = arith.constant 0 : i32
    %dma_start3A_12 = arith.constant 0 : i32
    %dma_start3A_13 = tpu.memref_slice %arg2[%dma_start3A_11, %dma_start3A_12] : memref<4096x128xi32, #tpu.memory_space<hbm>> -> memref<4096x128xi32, #tpu.memory_space<hbm>>
    tpu.enqueue_indirect_dma source(%dma_start3A_13 : memref<4096x128xi32, #tpu.memory_space<hbm>>) target(%dma_start3A_7 : memref<128x128xi32, #tpu.memory_space<vmem>>) offsets(%dma_start3A_10 : memref<128xi32, #tpu.memory_space<vmem>>) semaphore(%arg7 : memref<!tpu.dma_semaphore, #tpu.memory_space<semaphore_mem>>)
    %dma_start3A_14 = arith.constant 1 : i32
    %dma_start3A_15 = arith.constant 1 : i32
    %dma_start3A_16 = arith.constant 0 : i32
    %dma_start3A_17 = arith.constant 0 : i32
    %dma_start3A_18 = tpu.memref_slice %arg6[%dma_start3A_15, %dma_start3A_16, %dma_start3A_17] : memref<6x128x128xi32, #tpu.memory_space<vmem>> -> memref<1x128x128xi32, #tpu.memory_space<vmem>>
    %dma_start3A_19 = tpu.memref_squeeze %dma_start3A_18 : memref<1x128x128xi32, #tpu.memory_space<vmem>> -> memref<128x128xi32, #tpu.memory_space<vmem>>
    %dma_start3A_20 = arith.constant 0 : i32
    %dma_start3A_21 = tpu.memref_slice %arg5[%dma_start3A_14, %dma_start3A_20] : memref<6x128xi32, #tpu.memory_space<vmem>> -> memref<1x128xi32, #tpu.memory_space<vmem>>
    %dma_start3A_22 = tpu.memref_squeeze %dma_start3A_21 : memref<1x128xi32, #tpu.memory_space<vmem>> -> memref<128xi32, #tpu.memory_space<vmem>>
    %dma_start3A_23 = arith.constant 0 : i32
    %dma_start3A_24 = arith.constant 0 : i32
    %dma_start3A_25 = tpu.memref_slice %arg2[%dma_start3A_23, %dma_start3A_24] : memref<4096x128xi32, #tpu.memory_space<hbm>> -> memref<4096x128xi32, #tpu.memory_space<hbm>>
    tpu.enqueue_indirect_dma source(%dma_start3A_25 : memref<4096x128xi32, #tpu.memory_space<hbm>>) target(%dma_start3A_19 : memref<128x128xi32, #tpu.memory_space<vmem>>) offsets(%dma_start3A_22 : memref<128xi32, #tpu.memory_space<vmem>>) semaphore(%arg7 : memref<!tpu.dma_semaphore, #tpu.memory_space<semaphore_mem>>)
    %dma_start3A_26 = arith.constant 2 : i32
    %dma_start3A_27 = arith.constant 2 : i32
    %dma_start3A_28 = arith.constant 0 : i32
    %dma_start3A_29 = arith.constant 0 : i32
    %dma_start3A_30 = tpu.memref_slice %arg6[%dma_start3A_27, %dma_start3A_28, %dma_start3A_29] : memref<6x128x128xi32, #tpu.memory_space<vmem>> -> memref<1x128x128xi32, #tpu.memory_space<vmem>>
    %dma_start3A_31 = tpu.memref_squeeze %dma_start3A_30 : memref<1x128x128xi32, #tpu.memory_space<vmem>> -> memref<128x128xi32, #tpu.memory_space<vmem>>
    %dma_start3A_32 = arith.constant 0 : i32
    %dma_start3A_33 = tpu.memref_slice %arg5[%dma_start3A_26, %dma_start3A_32] : memref<6x128xi32, #tpu.memory_space<vmem>> -> memref<1x128xi32, #tpu.memory_space<vmem>>
    %dma_start3A_34 = tpu.memref_squeeze %dma_start3A_33 : memref<1x128xi32, #tpu.memory_space<vmem>> -> memref<128xi32, #tpu.memory_space<vmem>>
    %dma_start3A_35 = arith.constant 0 : i32
    %dma_start3A_36 = arith.constant 0 : i32
    %dma_start3A_37 = tpu.memref_slice %arg2[%dma_start3A_35, %dma_start3A_36] : memref<4096x128xi32, #tpu.memory_space<hbm>> -> memref<4096x128xi32, #tpu.memory_space<hbm>>
    tpu.enqueue_indirect_dma source(%dma_start3A_37 : memref<4096x128xi32, #tpu.memory_space<hbm>>) target(%dma_start3A_31 : memref<128x128xi32, #tpu.memory_space<vmem>>) offsets(%dma_start3A_34 : memref<128xi32, #tpu.memory_space<vmem>>) semaphore(%arg7 : memref<!tpu.dma_semaphore, #tpu.memory_space<semaphore_mem>>)
    %dma_start3A_38 = arith.constant 3 : i32
    %dma_start3A_39 = arith.constant 3 : i32
    %dma_start3A_40 = arith.constant 0 : i32
    %dma_start3A_41 = arith.constant 0 : i32
    %dma_start3A_42 = tpu.memref_slice %arg6[%dma_start3A_39, %dma_start3A_40, %dma_start3A_41] : memref<6x128x128xi32, #tpu.memory_space<vmem>> -> memref<1x128x128xi32, #tpu.memory_space<vmem>>
    %dma_start3A_43 = tpu.memref_squeeze %dma_start3A_42 : memref<1x128x128xi32, #tpu.memory_space<vmem>> -> memref<128x128xi32, #tpu.memory_space<vmem>>
    %dma_start3A_44 = arith.constant 0 : i32
    %dma_start3A_45 = tpu.memref_slice %arg5[%dma_start3A_38, %dma_start3A_44] : memref<6x128xi32, #tpu.memory_space<vmem>> -> memref<1x128xi32, #tpu.memory_space<vmem>>
    %dma_start3A_46 = tpu.memref_squeeze %dma_start3A_45 : memref<1x128xi32, #tpu.memory_space<vmem>> -> memref<128xi32, #tpu.memory_space<vmem>>
    %dma_start3A_47 = arith.constant 0 : i32
    %dma_start3A_48 = arith.constant 0 : i32
    %dma_start3A_49 = tpu.memref_slice %arg2[%dma_start3A_47, %dma_start3A_48] : memref<4096x128xi32, #tpu.memory_space<hbm>> -> memref<4096x128xi32, #tpu.memory_space<hbm>>
    tpu.enqueue_indirect_dma source(%dma_start3A_49 : memref<4096x128xi32, #tpu.memory_space<hbm>>) target(%dma_start3A_43 : memref<128x128xi32, #tpu.memory_space<vmem>>) offsets(%dma_start3A_46 : memref<128xi32, #tpu.memory_space<vmem>>) semaphore(%arg7 : memref<!tpu.dma_semaphore, #tpu.memory_space<semaphore_mem>>)
    %dma_start3A_50 = arith.constant 4 : i32
    %dma_start3A_51 = arith.constant 4 : i32
    %dma_start3A_52 = arith.constant 0 : i32
    %dma_start3A_53 = arith.constant 0 : i32
    %dma_start3A_54 = tpu.memref_slice %arg6[%dma_start3A_51, %dma_start3A_52, %dma_start3A_53] : memref<6x128x128xi32, #tpu.memory_space<vmem>> -> memref<1x128x128xi32, #tpu.memory_space<vmem>>
    %dma_start3A_55 = tpu.memref_squeeze %dma_start3A_54 : memref<1x128x128xi32, #tpu.memory_space<vmem>> -> memref<128x128xi32, #tpu.memory_space<vmem>>
    %dma_start3A_56 = arith.constant 0 : i32
    %dma_start3A_57 = tpu.memref_slice %arg5[%dma_start3A_50, %dma_start3A_56] : memref<6x128xi32, #tpu.memory_space<vmem>> -> memref<1x128xi32, #tpu.memory_space<vmem>>
    %dma_start3A_58 = tpu.memref_squeeze %dma_start3A_57 : memref<1x128xi32, #tpu.memory_space<vmem>> -> memref<128xi32, #tpu.memory_space<vmem>>
    %dma_start3A_59 = arith.constant 0 : i32
    %dma_start3A_60 = arith.constant 0 : i32
    %dma_start3A_61 = tpu.memref_slice %arg2[%dma_start3A_59, %dma_start3A_60] : memref<4096x128xi32, #tpu.memory_space<hbm>> -> memref<4096x128xi32, #tpu.memory_space<hbm>>
    tpu.enqueue_indirect_dma source(%dma_start3A_61 : memref<4096x128xi32, #tpu.memory_space<hbm>>) target(%dma_start3A_55 : memref<128x128xi32, #tpu.memory_space<vmem>>) offsets(%dma_start3A_58 : memref<128xi32, #tpu.memory_space<vmem>>) semaphore(%arg7 : memref<!tpu.dma_semaphore, #tpu.memory_space<semaphore_mem>>)
    %dma_start3A_62 = arith.constant 5 : i32
    %dma_start3A_63 = arith.constant 5 : i32
    %dma_start3A_64 = arith.constant 0 : i32
    %dma_start3A_65 = arith.constant 0 : i32
    %dma_start3A_66 = tpu.memref_slice %arg6[%dma_start3A_63, %dma_start3A_64, %dma_start3A_65] : memref<6x128x128xi32, #tpu.memory_space<vmem>> -> memref<1x128x128xi32, #tpu.memory_space<vmem>>
    %dma_start3A_67 = tpu.memref_squeeze %dma_start3A_66 : memref<1x128x128xi32, #tpu.memory_space<vmem>> -> memref<128x128xi32, #tpu.memory_space<vmem>>
    %dma_start3A_68 = arith.constant 0 : i32
    %dma_start3A_69 = tpu.memref_slice %arg5[%dma_start3A_62, %dma_start3A_68] : memref<6x128xi32, #tpu.memory_space<vmem>> -> memref<1x128xi32, #tpu.memory_space<vmem>>
    %dma_start3A_70 = tpu.memref_squeeze %dma_start3A_69 : memref<1x128xi32, #tpu.memory_space<vmem>> -> memref<128xi32, #tpu.memory_space<vmem>>
    %dma_start3A_71 = arith.constant 0 : i32
    %dma_start3A_72 = arith.constant 0 : i32
    %dma_start3A_73 = tpu.memref_slice %arg2[%dma_start3A_71, %dma_start3A_72] : memref<4096x128xi32, #tpu.memory_space<hbm>> -> memref<4096x128xi32, #tpu.memory_space<hbm>>
    tpu.enqueue_indirect_dma source(%dma_start3A_73 : memref<4096x128xi32, #tpu.memory_space<hbm>>) target(%dma_start3A_67 : memref<128x128xi32, #tpu.memory_space<vmem>>) offsets(%dma_start3A_70 : memref<128xi32, #tpu.memory_space<vmem>>) semaphore(%arg7 : memref<!tpu.dma_semaphore, #tpu.memory_space<semaphore_mem>>)
    %dma_wait3A = arith.constant 0 : i32
    %dma_wait3A_74 = arith.constant 0 : i32
    %dma_wait3A_75 = arith.constant 0 : i32
    %dma_wait3A_76 = arith.constant 0 : i32
    %dma_wait3A_77 = tpu.memref_slice %arg6[%dma_wait3A_74, %dma_wait3A_75, %dma_wait3A_76] : memref<6x128x128xi32, #tpu.memory_space<vmem>> -> memref<1x128x128xi32, #tpu.memory_space<vmem>>
    %dma_wait3A_78 = tpu.memref_squeeze %dma_wait3A_77 : memref<1x128x128xi32, #tpu.memory_space<vmem>> -> memref<128x128xi32, #tpu.memory_space<vmem>>
    %dma_wait3A_79 = arith.constant 0 : i32
    %dma_wait3A_80 = tpu.memref_slice %arg5[%dma_wait3A, %dma_wait3A_79] : memref<6x128xi32, #tpu.memory_space<vmem>> -> memref<1x128xi32, #tpu.memory_space<vmem>>
    %dma_wait3A_81 = tpu.memref_squeeze %dma_wait3A_80 : memref<1x128xi32, #tpu.memory_space<vmem>> -> memref<128xi32, #tpu.memory_space<vmem>>
    %dma_wait3A_82 = arith.constant 0 : i32
    %dma_wait3A_83 = arith.constant 0 : i32
    %dma_wait3A_84 = tpu.memref_slice %arg2[%dma_wait3A_82, %dma_wait3A_83] : memref<4096x128xi32, #tpu.memory_space<hbm>> -> memref<4096x128xi32, #tpu.memory_space<hbm>>
    tpu.wait_indirect_dma semaphore(%arg7 : memref<!tpu.dma_semaphore, #tpu.memory_space<semaphore_mem>>) src(%dma_wait3A_84 : memref<4096x128xi32, #tpu.memory_space<hbm>>) dst(%dma_wait3A_78 : memref<128x128xi32, #tpu.memory_space<vmem>>)
    %add3A_85 = arith.constant 0 : i32
    %add3A_86 = arith.addi %mul3A_2, %add3A_85 : i32
    %dma_start3A_87 = arith.constant 0 : i32
    %dma_start3A_88 = arith.constant 0 : i32
    %dma_start3A_89 = arith.constant 0 : i32
    %dma_start3A_90 = tpu.memref_slice %arg6[%dma_start3A_87, %dma_start3A_88, %dma_start3A_89] : memref<6x128x128xi32, #tpu.memory_space<vmem>> -> memref<1x128x128xi32, #tpu.memory_space<vmem>>
    %dma_start3A_91 = tpu.memref_squeeze %dma_start3A_90 : memref<1x128x128xi32, #tpu.memory_space<vmem>> -> memref<128x128xi32, #tpu.memory_space<vmem>>
    %dma_start3A_92 = arith.constant 0 : i32
    %dma_start3A_93 = tpu.memref_slice %arg4[%add3A_86, %dma_start3A_92] : memref<24576x128xi32, #tpu.memory_space<hbm>> -> memref<128x128xi32, #tpu.memory_space<hbm>>
    %dma_start3A_94 = arith.constant 0 : i32
    %dma_start3A_95 = tpu.memref_slice %arg4[%add3A_86, %dma_start3A_94] : memref<24576x128xi32, #tpu.memory_space<hbm>> -> memref<128x128xi32, #tpu.memory_space<hbm>>
    %dma_start3A_96 = arith.constant 0 : i32
    %dma_start3A_97 = arith.constant 0 : i32
    %dma_start3A_98 = tpu.memref_slice %arg6[%dma_start3A_87, %dma_start3A_96, %dma_start3A_97] : memref<6x128x128xi32, #tpu.memory_space<vmem>> -> memref<1x128x128xi32, #tpu.memory_space<vmem>>
    %dma_start3A_99 = tpu.memref_squeeze %dma_start3A_98 : memref<1x128x128xi32, #tpu.memory_space<vmem>> -> memref<128x128xi32, #tpu.memory_space<vmem>>
    tpu.enqueue_dma source(%dma_start3A_99 : memref<128x128xi32, #tpu.memory_space<vmem>>) target(%dma_start3A_95 : memref<128x128xi32, #tpu.memory_space<hbm>>) target_semaphore(%arg8 : memref<!tpu.dma_semaphore, #tpu.memory_space<semaphore_mem>>)
    %dma_wait3A_100 = arith.constant 1 : i32
    %dma_wait3A_101 = arith.constant 1 : i32
    %dma_wait3A_102 = arith.constant 0 : i32
    %dma_wait3A_103 = arith.constant 0 : i32
    %dma_wait3A_104 = tpu.memref_slice %arg6[%dma_wait3A_101, %dma_wait3A_102, %dma_wait3A_103] : memref<6x128x128xi32, #tpu.memory_space<vmem>> -> memref<1x128x128xi32, #tpu.memory_space<vmem>>
    %dma_wait3A_105 = tpu.memref_squeeze %dma_wait3A_104 : memref<1x128x128xi32, #tpu.memory_space<vmem>> -> memref<128x128xi32, #tpu.memory_space<vmem>>
    %dma_wait3A_106 = arith.constant 0 : i32
    %dma_wait3A_107 = tpu.memref_slice %arg5[%dma_wait3A_100, %dma_wait3A_106] : memref<6x128xi32, #tpu.memory_space<vmem>> -> memref<1x128xi32, #tpu.memory_space<vmem>>
    %dma_wait3A_108 = tpu.memref_squeeze %dma_wait3A_107 : memref<1x128xi32, #tpu.memory_space<vmem>> -> memref<128xi32, #tpu.memory_space<vmem>>
    %dma_wait3A_109 = arith.constant 0 : i32
    %dma_wait3A_110 = arith.constant 0 : i32
    %dma_wait3A_111 = tpu.memref_slice %arg2[%dma_wait3A_109, %dma_wait3A_110] : memref<4096x128xi32, #tpu.memory_space<hbm>> -> memref<4096x128xi32, #tpu.memory_space<hbm>>
    tpu.wait_indirect_dma semaphore(%arg7 : memref<!tpu.dma_semaphore, #tpu.memory_space<semaphore_mem>>) src(%dma_wait3A_111 : memref<4096x128xi32, #tpu.memory_space<hbm>>) dst(%dma_wait3A_105 : memref<128x128xi32, #tpu.memory_space<vmem>>)
    %add3A_112 = arith.constant 128 : i32
    %add3A_113 = arith.addi %mul3A_2, %add3A_112 : i32
    %dma_start3A_114 = arith.constant 1 : i32
    %dma_start3A_115 = arith.constant 0 : i32
    %dma_start3A_116 = arith.constant 0 : i32
    %dma_start3A_117 = tpu.memref_slice %arg6[%dma_start3A_114, %dma_start3A_115, %dma_start3A_116] : memref<6x128x128xi32, #tpu.memory_space<vmem>> -> memref<1x128x128xi32, #tpu.memory_space<vmem>>
    %dma_start3A_118 = tpu.memref_squeeze %dma_start3A_117 : memref<1x128x128xi32, #tpu.memory_space<vmem>> -> memref<128x128xi32, #tpu.memory_space<vmem>>
    %dma_start3A_119 = arith.constant 0 : i32
    %dma_start3A_120 = tpu.memref_slice %arg4[%add3A_113, %dma_start3A_119] : memref<24576x128xi32, #tpu.memory_space<hbm>> -> memref<128x128xi32, #tpu.memory_space<hbm>>
    %dma_start3A_121 = arith.constant 0 : i32
    %dma_start3A_122 = tpu.memref_slice %arg4[%add3A_113, %dma_start3A_121] : memref<24576x128xi32, #tpu.memory_space<hbm>> -> memref<128x128xi32, #tpu.memory_space<hbm>>
    %dma_start3A_123 = arith.constant 0 : i32
    %dma_start3A_124 = arith.constant 0 : i32
    %dma_start3A_125 = tpu.memref_slice %arg6[%dma_start3A_114, %dma_start3A_123, %dma_start3A_124] : memref<6x128x128xi32, #tpu.memory_space<vmem>> -> memref<1x128x128xi32, #tpu.memory_space<vmem>>
    %dma_start3A_126 = tpu.memref_squeeze %dma_start3A_125 : memref<1x128x128xi32, #tpu.memory_space<vmem>> -> memref<128x128xi32, #tpu.memory_space<vmem>>
    tpu.enqueue_dma source(%dma_start3A_126 : memref<128x128xi32, #tpu.memory_space<vmem>>) target(%dma_start3A_122 : memref<128x128xi32, #tpu.memory_space<hbm>>) target_semaphore(%arg8 : memref<!tpu.dma_semaphore, #tpu.memory_space<semaphore_mem>>)
    %dma_wait3A_127 = arith.constant 2 : i32
    %dma_wait3A_128 = arith.constant 2 : i32
    %dma_wait3A_129 = arith.constant 0 : i32
    %dma_wait3A_130 = arith.constant 0 : i32
    %dma_wait3A_131 = tpu.memref_slice %arg6[%dma_wait3A_128, %dma_wait3A_129, %dma_wait3A_130] : memref<6x128x128xi32, #tpu.memory_space<vmem>> -> memref<1x128x128xi32, #tpu.memory_space<vmem>>
    %dma_wait3A_132 = tpu.memref_squeeze %dma_wait3A_131 : memref<1x128x128xi32, #tpu.memory_space<vmem>> -> memref<128x128xi32, #tpu.memory_space<vmem>>
    %dma_wait3A_133 = arith.constant 0 : i32
    %dma_wait3A_134 = tpu.memref_slice %arg5[%dma_wait3A_127, %dma_wait3A_133] : memref<6x128xi32, #tpu.memory_space<vmem>> -> memref<1x128xi32, #tpu.memory_space<vmem>>
    %dma_wait3A_135 = tpu.memref_squeeze %dma_wait3A_134 : memref<1x128xi32, #tpu.memory_space<vmem>> -> memref<128xi32, #tpu.memory_space<vmem>>
    %dma_wait3A_136 = arith.constant 0 : i32
    %dma_wait3A_137 = arith.constant 0 : i32
    %dma_wait3A_138 = tpu.memref_slice %arg2[%dma_wait3A_136, %dma_wait3A_137] : memref<4096x128xi32, #tpu.memory_space<hbm>> -> memref<4096x128xi32, #tpu.memory_space<hbm>>
    tpu.wait_indirect_dma semaphore(%arg7 : memref<!tpu.dma_semaphore, #tpu.memory_space<semaphore_mem>>) src(%dma_wait3A_138 : memref<4096x128xi32, #tpu.memory_space<hbm>>) dst(%dma_wait3A_132 : memref<128x128xi32, #tpu.memory_space<vmem>>)
    %add3A_139 = arith.constant 256 : i32
    %add3A_140 = arith.addi %mul3A_2, %add3A_139 : i32
    %dma_start3A_141 = arith.constant 2 : i32
    %dma_start3A_142 = arith.constant 0 : i32
    %dma_start3A_143 = arith.constant 0 : i32
    %dma_start3A_144 = tpu.memref_slice %arg6[%dma_start3A_141, %dma_start3A_142, %dma_start3A_143] : memref<6x128x128xi32, #tpu.memory_space<vmem>> -> memref<1x128x128xi32, #tpu.memory_space<vmem>>
    %dma_start3A_145 = tpu.memref_squeeze %dma_start3A_144 : memref<1x128x128xi32, #tpu.memory_space<vmem>> -> memref<128x128xi32, #tpu.memory_space<vmem>>
    %dma_start3A_146 = arith.constant 0 : i32
    %dma_start3A_147 = tpu.memref_slice %arg4[%add3A_140, %dma_start3A_146] : memref<24576x128xi32, #tpu.memory_space<hbm>> -> memref<128x128xi32, #tpu.memory_space<hbm>>
    %dma_start3A_148 = arith.constant 0 : i32
    %dma_start3A_149 = tpu.memref_slice %arg4[%add3A_140, %dma_start3A_148] : memref<24576x128xi32, #tpu.memory_space<hbm>> -> memref<128x128xi32, #tpu.memory_space<hbm>>
    %dma_start3A_150 = arith.constant 0 : i32
    %dma_start3A_151 = arith.constant 0 : i32
    %dma_start3A_152 = tpu.memref_slice %arg6[%dma_start3A_141, %dma_start3A_150, %dma_start3A_151] : memref<6x128x128xi32, #tpu.memory_space<vmem>> -> memref<1x128x128xi32, #tpu.memory_space<vmem>>
    %dma_start3A_153 = tpu.memref_squeeze %dma_start3A_152 : memref<1x128x128xi32, #tpu.memory_space<vmem>> -> memref<128x128xi32, #tpu.memory_space<vmem>>
    tpu.enqueue_dma source(%dma_start3A_153 : memref<128x128xi32, #tpu.memory_space<vmem>>) target(%dma_start3A_149 : memref<128x128xi32, #tpu.memory_space<hbm>>) target_semaphore(%arg8 : memref<!tpu.dma_semaphore, #tpu.memory_space<semaphore_mem>>)
    %dma_wait3A_154 = arith.constant 3 : i32
    %dma_wait3A_155 = arith.constant 3 : i32
    %dma_wait3A_156 = arith.constant 0 : i32
    %dma_wait3A_157 = arith.constant 0 : i32
    %dma_wait3A_158 = tpu.memref_slice %arg6[%dma_wait3A_155, %dma_wait3A_156, %dma_wait3A_157] : memref<6x128x128xi32, #tpu.memory_space<vmem>> -> memref<1x128x128xi32, #tpu.memory_space<vmem>>
    %dma_wait3A_159 = tpu.memref_squeeze %dma_wait3A_158 : memref<1x128x128xi32, #tpu.memory_space<vmem>> -> memref<128x128xi32, #tpu.memory_space<vmem>>
    %dma_wait3A_160 = arith.constant 0 : i32
    %dma_wait3A_161 = tpu.memref_slice %arg5[%dma_wait3A_154, %dma_wait3A_160] : memref<6x128xi32, #tpu.memory_space<vmem>> -> memref<1x128xi32, #tpu.memory_space<vmem>>
    %dma_wait3A_162 = tpu.memref_squeeze %dma_wait3A_161 : memref<1x128xi32, #tpu.memory_space<vmem>> -> memref<128xi32, #tpu.memory_space<vmem>>
    %dma_wait3A_163 = arith.constant 0 : i32
    %dma_wait3A_164 = arith.constant 0 : i32
    %dma_wait3A_165 = tpu.memref_slice %arg2[%dma_wait3A_163, %dma_wait3A_164] : memref<4096x128xi32, #tpu.memory_space<hbm>> -> memref<4096x128xi32, #tpu.memory_space<hbm>>
    tpu.wait_indirect_dma semaphore(%arg7 : memref<!tpu.dma_semaphore, #tpu.memory_space<semaphore_mem>>) src(%dma_wait3A_165 : memref<4096x128xi32, #tpu.memory_space<hbm>>) dst(%dma_wait3A_159 : memref<128x128xi32, #tpu.memory_space<vmem>>)
    %add3A_166 = arith.constant 384 : i32
    %add3A_167 = arith.addi %mul3A_2, %add3A_166 : i32
    %dma_start3A_168 = arith.constant 3 : i32
    %dma_start3A_169 = arith.constant 0 : i32
    %dma_start3A_170 = arith.constant 0 : i32
    %dma_start3A_171 = tpu.memref_slice %arg6[%dma_start3A_168, %dma_start3A_169, %dma_start3A_170] : memref<6x128x128xi32, #tpu.memory_space<vmem>> -> memref<1x128x128xi32, #tpu.memory_space<vmem>>
    %dma_start3A_172 = tpu.memref_squeeze %dma_start3A_171 : memref<1x128x128xi32, #tpu.memory_space<vmem>> -> memref<128x128xi32, #tpu.memory_space<vmem>>
    %dma_start3A_173 = arith.constant 0 : i32
    %dma_start3A_174 = tpu.memref_slice %arg4[%add3A_167, %dma_start3A_173] : memref<24576x128xi32, #tpu.memory_space<hbm>> -> memref<128x128xi32, #tpu.memory_space<hbm>>
    %dma_start3A_175 = arith.constant 0 : i32
    %dma_start3A_176 = tpu.memref_slice %arg4[%add3A_167, %dma_start3A_175] : memref<24576x128xi32, #tpu.memory_space<hbm>> -> memref<128x128xi32, #tpu.memory_space<hbm>>
    %dma_start3A_177 = arith.constant 0 : i32
    %dma_start3A_178 = arith.constant 0 : i32
    %dma_start3A_179 = tpu.memref_slice %arg6[%dma_start3A_168, %dma_start3A_177, %dma_start3A_178] : memref<6x128x128xi32, #tpu.memory_space<vmem>> -> memref<1x128x128xi32, #tpu.memory_space<vmem>>
    %dma_start3A_180 = tpu.memref_squeeze %dma_start3A_179 : memref<1x128x128xi32, #tpu.memory_space<vmem>> -> memref<128x128xi32, #tpu.memory_space<vmem>>
    tpu.enqueue_dma source(%dma_start3A_180 : memref<128x128xi32, #tpu.memory_space<vmem>>) target(%dma_start3A_176 : memref<128x128xi32, #tpu.memory_space<hbm>>) target_semaphore(%arg8 : memref<!tpu.dma_semaphore, #tpu.memory_space<semaphore_mem>>)
    %dma_wait3A_181 = arith.constant 4 : i32
    %dma_wait3A_182 = arith.constant 4 : i32
    %dma_wait3A_183 = arith.constant 0 : i32
    %dma_wait3A_184 = arith.constant 0 : i32
    %dma_wait3A_185 = tpu.memref_slice %arg6[%dma_wait3A_182, %dma_wait3A_183, %dma_wait3A_184] : memref<6x128x128xi32, #tpu.memory_space<vmem>> -> memref<1x128x128xi32, #tpu.memory_space<vmem>>
    %dma_wait3A_186 = tpu.memref_squeeze %dma_wait3A_185 : memref<1x128x128xi32, #tpu.memory_space<vmem>> -> memref<128x128xi32, #tpu.memory_space<vmem>>
    %dma_wait3A_187 = arith.constant 0 : i32
    %dma_wait3A_188 = tpu.memref_slice %arg5[%dma_wait3A_181, %dma_wait3A_187] : memref<6x128xi32, #tpu.memory_space<vmem>> -> memref<1x128xi32, #tpu.memory_space<vmem>>
    %dma_wait3A_189 = tpu.memref_squeeze %dma_wait3A_188 : memref<1x128xi32, #tpu.memory_space<vmem>> -> memref<128xi32, #tpu.memory_space<vmem>>
    %dma_wait3A_190 = arith.constant 0 : i32
    %dma_wait3A_191 = arith.constant 0 : i32
    %dma_wait3A_192 = tpu.memref_slice %arg2[%dma_wait3A_190, %dma_wait3A_191] : memref<4096x128xi32, #tpu.memory_space<hbm>> -> memref<4096x128xi32, #tpu.memory_space<hbm>>
    tpu.wait_indirect_dma semaphore(%arg7 : memref<!tpu.dma_semaphore, #tpu.memory_space<semaphore_mem>>) src(%dma_wait3A_192 : memref<4096x128xi32, #tpu.memory_space<hbm>>) dst(%dma_wait3A_186 : memref<128x128xi32, #tpu.memory_space<vmem>>)
    %add3A_193 = arith.constant 512 : i32
    %add3A_194 = arith.addi %mul3A_2, %add3A_193 : i32
    %dma_start3A_195 = arith.constant 4 : i32
    %dma_start3A_196 = arith.constant 0 : i32
    %dma_start3A_197 = arith.constant 0 : i32
    %dma_start3A_198 = tpu.memref_slice %arg6[%dma_start3A_195, %dma_start3A_196, %dma_start3A_197] : memref<6x128x128xi32, #tpu.memory_space<vmem>> -> memref<1x128x128xi32, #tpu.memory_space<vmem>>
    %dma_start3A_199 = tpu.memref_squeeze %dma_start3A_198 : memref<1x128x128xi32, #tpu.memory_space<vmem>> -> memref<128x128xi32, #tpu.memory_space<vmem>>
    %dma_start3A_200 = arith.constant 0 : i32
    %dma_start3A_201 = tpu.memref_slice %arg4[%add3A_194, %dma_start3A_200] : memref<24576x128xi32, #tpu.memory_space<hbm>> -> memref<128x128xi32, #tpu.memory_space<hbm>>
    %dma_start3A_202 = arith.constant 0 : i32
    %dma_start3A_203 = tpu.memref_slice %arg4[%add3A_194, %dma_start3A_202] : memref<24576x128xi32, #tpu.memory_space<hbm>> -> memref<128x128xi32, #tpu.memory_space<hbm>>
    %dma_start3A_204 = arith.constant 0 : i32
    %dma_start3A_205 = arith.constant 0 : i32
    %dma_start3A_206 = tpu.memref_slice %arg6[%dma_start3A_195, %dma_start3A_204, %dma_start3A_205] : memref<6x128x128xi32, #tpu.memory_space<vmem>> -> memref<1x128x128xi32, #tpu.memory_space<vmem>>
    %dma_start3A_207 = tpu.memref_squeeze %dma_start3A_206 : memref<1x128x128xi32, #tpu.memory_space<vmem>> -> memref<128x128xi32, #tpu.memory_space<vmem>>
    tpu.enqueue_dma source(%dma_start3A_207 : memref<128x128xi32, #tpu.memory_space<vmem>>) target(%dma_start3A_203 : memref<128x128xi32, #tpu.memory_space<hbm>>) target_semaphore(%arg8 : memref<!tpu.dma_semaphore, #tpu.memory_space<semaphore_mem>>)
    %dma_wait3A_208 = arith.constant 5 : i32
    %dma_wait3A_209 = arith.constant 5 : i32
    %dma_wait3A_210 = arith.constant 0 : i32
    %dma_wait3A_211 = arith.constant 0 : i32
    %dma_wait3A_212 = tpu.memref_slice %arg6[%dma_wait3A_209, %dma_wait3A_210, %dma_wait3A_211] : memref<6x128x128xi32, #tpu.memory_space<vmem>> -> memref<1x128x128xi32, #tpu.memory_space<vmem>>
    %dma_wait3A_213 = tpu.memref_squeeze %dma_wait3A_212 : memref<1x128x128xi32, #tpu.memory_space<vmem>> -> memref<128x128xi32, #tpu.memory_space<vmem>>
    %dma_wait3A_214 = arith.constant 0 : i32
    %dma_wait3A_215 = tpu.memref_slice %arg5[%dma_wait3A_208, %dma_wait3A_214] : memref<6x128xi32, #tpu.memory_space<vmem>> -> memref<1x128xi32, #tpu.memory_space<vmem>>
    %dma_wait3A_216 = tpu.memref_squeeze %dma_wait3A_215 : memref<1x128xi32, #tpu.memory_space<vmem>> -> memref<128xi32, #tpu.memory_space<vmem>>
    %dma_wait3A_217 = arith.constant 0 : i32
    %dma_wait3A_218 = arith.constant 0 : i32
    %dma_wait3A_219 = tpu.memref_slice %arg2[%dma_wait3A_217, %dma_wait3A_218] : memref<4096x128xi32, #tpu.memory_space<hbm>> -> memref<4096x128xi32, #tpu.memory_space<hbm>>
    tpu.wait_indirect_dma semaphore(%arg7 : memref<!tpu.dma_semaphore, #tpu.memory_space<semaphore_mem>>) src(%dma_wait3A_219 : memref<4096x128xi32, #tpu.memory_space<hbm>>) dst(%dma_wait3A_213 : memref<128x128xi32, #tpu.memory_space<vmem>>)
    %add3A_220 = arith.constant 640 : i32
    %add3A_221 = arith.addi %mul3A_2, %add3A_220 : i32
    %dma_start3A_222 = arith.constant 5 : i32
    %dma_start3A_223 = arith.constant 0 : i32
    %dma_start3A_224 = arith.constant 0 : i32
    %dma_start3A_225 = tpu.memref_slice %arg6[%dma_start3A_222, %dma_start3A_223, %dma_start3A_224] : memref<6x128x128xi32, #tpu.memory_space<vmem>> -> memref<1x128x128xi32, #tpu.memory_space<vmem>>
    %dma_start3A_226 = tpu.memref_squeeze %dma_start3A_225 : memref<1x128x128xi32, #tpu.memory_space<vmem>> -> memref<128x128xi32, #tpu.memory_space<vmem>>
    %dma_start3A_227 = arith.constant 0 : i32
    %dma_start3A_228 = tpu.memref_slice %arg4[%add3A_221, %dma_start3A_227] : memref<24576x128xi32, #tpu.memory_space<hbm>> -> memref<128x128xi32, #tpu.memory_space<hbm>>
    %dma_start3A_229 = arith.constant 0 : i32
    %dma_start3A_230 = tpu.memref_slice %arg4[%add3A_221, %dma_start3A_229] : memref<24576x128xi32, #tpu.memory_space<hbm>> -> memref<128x128xi32, #tpu.memory_space<hbm>>
    %dma_start3A_231 = arith.constant 0 : i32
    %dma_start3A_232 = arith.constant 0 : i32
    %dma_start3A_233 = tpu.memref_slice %arg6[%dma_start3A_222, %dma_start3A_231, %dma_start3A_232] : memref<6x128x128xi32, #tpu.memory_space<vmem>> -> memref<1x128x128xi32, #tpu.memory_space<vmem>>
    %dma_start3A_234 = tpu.memref_squeeze %dma_start3A_233 : memref<1x128x128xi32, #tpu.memory_space<vmem>> -> memref<128x128xi32, #tpu.memory_space<vmem>>
    tpu.enqueue_dma source(%dma_start3A_234 : memref<128x128xi32, #tpu.memory_space<vmem>>) target(%dma_start3A_230 : memref<128x128xi32, #tpu.memory_space<hbm>>) target_semaphore(%arg8 : memref<!tpu.dma_semaphore, #tpu.memory_space<semaphore_mem>>)
    %dma_wait3A_235 = arith.constant 0 : i32
    %dma_wait3A_236 = arith.constant 0 : i32
    %dma_wait3A_237 = arith.constant 0 : i32
    %dma_wait3A_238 = tpu.memref_slice %arg6[%dma_wait3A_235, %dma_wait3A_236, %dma_wait3A_237] : memref<6x128x128xi32, #tpu.memory_space<vmem>> -> memref<1x128x128xi32, #tpu.memory_space<vmem>>
    %dma_wait3A_239 = tpu.memref_squeeze %dma_wait3A_238 : memref<1x128x128xi32, #tpu.memory_space<vmem>> -> memref<128x128xi32, #tpu.memory_space<vmem>>
    %dma_wait3A_240 = arith.constant 0 : i32
    %dma_wait3A_241 = tpu.memref_slice %arg4[%add3A_86, %dma_wait3A_240] : memref<24576x128xi32, #tpu.memory_space<hbm>> -> memref<128x128xi32, #tpu.memory_space<hbm>>
    %dma_wait3A_242 = arith.constant 0 : i32
    %dma_wait3A_243 = tpu.memref_slice %arg4[%add3A_86, %dma_wait3A_242] : memref<24576x128xi32, #tpu.memory_space<hbm>> -> memref<128x128xi32, #tpu.memory_space<hbm>>
    %dma_wait3A_244 = arith.constant 0 : i32
    %dma_wait3A_245 = arith.constant 0 : i32
    %dma_wait3A_246 = tpu.memref_slice %arg6[%dma_wait3A_235, %dma_wait3A_244, %dma_wait3A_245] : memref<6x128x128xi32, #tpu.memory_space<vmem>> -> memref<1x128x128xi32, #tpu.memory_space<vmem>>
    %dma_wait3A_247 = tpu.memref_squeeze %dma_wait3A_246 : memref<1x128x128xi32, #tpu.memory_space<vmem>> -> memref<128x128xi32, #tpu.memory_space<vmem>>
    tpu.wait_dma2 semaphore(%arg8 : memref<!tpu.dma_semaphore, #tpu.memory_space<semaphore_mem>>) src(%dma_wait3A_247 : memref<128x128xi32, #tpu.memory_space<vmem>>) dst(%dma_wait3A_243 : memref<128x128xi32, #tpu.memory_space<hbm>>)
    %dma_wait3A_248 = arith.constant 1 : i32
    %dma_wait3A_249 = arith.constant 0 : i32
    %dma_wait3A_250 = arith.constant 0 : i32
    %dma_wait3A_251 = tpu.memref_slice %arg6[%dma_wait3A_248, %dma_wait3A_249, %dma_wait3A_250] : memref<6x128x128xi32, #tpu.memory_space<vmem>> -> memref<1x128x128xi32, #tpu.memory_space<vmem>>
    %dma_wait3A_252 = tpu.memref_squeeze %dma_wait3A_251 : memref<1x128x128xi32, #tpu.memory_space<vmem>> -> memref<128x128xi32, #tpu.memory_space<vmem>>
    %dma_wait3A_253 = arith.constant 0 : i32
    %dma_wait3A_254 = tpu.memref_slice %arg4[%add3A_113, %dma_wait3A_253] : memref<24576x128xi32, #tpu.memory_space<hbm>> -> memref<128x128xi32, #tpu.memory_space<hbm>>
    %dma_wait3A_255 = arith.constant 0 : i32
    %dma_wait3A_256 = tpu.memref_slice %arg4[%add3A_113, %dma_wait3A_255] : memref<24576x128xi32, #tpu.memory_space<hbm>> -> memref<128x128xi32, #tpu.memory_space<hbm>>
    %dma_wait3A_257 = arith.constant 0 : i32
    %dma_wait3A_258 = arith.constant 0 : i32
    %dma_wait3A_259 = tpu.memref_slice %arg6[%dma_wait3A_248, %dma_wait3A_257, %dma_wait3A_258] : memref<6x128x128xi32, #tpu.memory_space<vmem>> -> memref<1x128x128xi32, #tpu.memory_space<vmem>>
    %dma_wait3A_260 = tpu.memref_squeeze %dma_wait3A_259 : memref<1x128x128xi32, #tpu.memory_space<vmem>> -> memref<128x128xi32, #tpu.memory_space<vmem>>
    tpu.wait_dma2 semaphore(%arg8 : memref<!tpu.dma_semaphore, #tpu.memory_space<semaphore_mem>>) src(%dma_wait3A_260 : memref<128x128xi32, #tpu.memory_space<vmem>>) dst(%dma_wait3A_256 : memref<128x128xi32, #tpu.memory_space<hbm>>)
    %dma_wait3A_261 = arith.constant 2 : i32
    %dma_wait3A_262 = arith.constant 0 : i32
    %dma_wait3A_263 = arith.constant 0 : i32
    %dma_wait3A_264 = tpu.memref_slice %arg6[%dma_wait3A_261, %dma_wait3A_262, %dma_wait3A_263] : memref<6x128x128xi32, #tpu.memory_space<vmem>> -> memref<1x128x128xi32, #tpu.memory_space<vmem>>
    %dma_wait3A_265 = tpu.memref_squeeze %dma_wait3A_264 : memref<1x128x128xi32, #tpu.memory_space<vmem>> -> memref<128x128xi32, #tpu.memory_space<vmem>>
    %dma_wait3A_266 = arith.constant 0 : i32
    %dma_wait3A_267 = tpu.memref_slice %arg4[%add3A_140, %dma_wait3A_266] : memref<24576x128xi32, #tpu.memory_space<hbm>> -> memref<128x128xi32, #tpu.memory_space<hbm>>
    %dma_wait3A_268 = arith.constant 0 : i32
    %dma_wait3A_269 = tpu.memref_slice %arg4[%add3A_140, %dma_wait3A_268] : memref<24576x128xi32, #tpu.memory_space<hbm>> -> memref<128x128xi32, #tpu.memory_space<hbm>>
    %dma_wait3A_270 = arith.constant 0 : i32
    %dma_wait3A_271 = arith.constant 0 : i32
    %dma_wait3A_272 = tpu.memref_slice %arg6[%dma_wait3A_261, %dma_wait3A_270, %dma_wait3A_271] : memref<6x128x128xi32, #tpu.memory_space<vmem>> -> memref<1x128x128xi32, #tpu.memory_space<vmem>>
    %dma_wait3A_273 = tpu.memref_squeeze %dma_wait3A_272 : memref<1x128x128xi32, #tpu.memory_space<vmem>> -> memref<128x128xi32, #tpu.memory_space<vmem>>
    tpu.wait_dma2 semaphore(%arg8 : memref<!tpu.dma_semaphore, #tpu.memory_space<semaphore_mem>>) src(%dma_wait3A_273 : memref<128x128xi32, #tpu.memory_space<vmem>>) dst(%dma_wait3A_269 : memref<128x128xi32, #tpu.memory_space<hbm>>)
    %dma_wait3A_274 = arith.constant 3 : i32
    %dma_wait3A_275 = arith.constant 0 : i32
    %dma_wait3A_276 = arith.constant 0 : i32
    %dma_wait3A_277 = tpu.memref_slice %arg6[%dma_wait3A_274, %dma_wait3A_275, %dma_wait3A_276] : memref<6x128x128xi32, #tpu.memory_space<vmem>> -> memref<1x128x128xi32, #tpu.memory_space<vmem>>
    %dma_wait3A_278 = tpu.memref_squeeze %dma_wait3A_277 : memref<1x128x128xi32, #tpu.memory_space<vmem>> -> memref<128x128xi32, #tpu.memory_space<vmem>>
    %dma_wait3A_279 = arith.constant 0 : i32
    %dma_wait3A_280 = tpu.memref_slice %arg4[%add3A_167, %dma_wait3A_279] : memref<24576x128xi32, #tpu.memory_space<hbm>> -> memref<128x128xi32, #tpu.memory_space<hbm>>
    %dma_wait3A_281 = arith.constant 0 : i32
    %dma_wait3A_282 = tpu.memref_slice %arg4[%add3A_167, %dma_wait3A_281] : memref<24576x128xi32, #tpu.memory_space<hbm>> -> memref<128x128xi32, #tpu.memory_space<hbm>>
    %dma_wait3A_283 = arith.constant 0 : i32
    %dma_wait3A_284 = arith.constant 0 : i32
    %dma_wait3A_285 = tpu.memref_slice %arg6[%dma_wait3A_274, %dma_wait3A_283, %dma_wait3A_284] : memref<6x128x128xi32, #tpu.memory_space<vmem>> -> memref<1x128x128xi32, #tpu.memory_space<vmem>>
    %dma_wait3A_286 = tpu.memref_squeeze %dma_wait3A_285 : memref<1x128x128xi32, #tpu.memory_space<vmem>> -> memref<128x128xi32, #tpu.memory_space<vmem>>
    tpu.wait_dma2 semaphore(%arg8 : memref<!tpu.dma_semaphore, #tpu.memory_space<semaphore_mem>>) src(%dma_wait3A_286 : memref<128x128xi32, #tpu.memory_space<vmem>>) dst(%dma_wait3A_282 : memref<128x128xi32, #tpu.memory_space<hbm>>)
    %dma_wait3A_287 = arith.constant 4 : i32
    %dma_wait3A_288 = arith.constant 0 : i32
    %dma_wait3A_289 = arith.constant 0 : i32
    %dma_wait3A_290 = tpu.memref_slice %arg6[%dma_wait3A_287, %dma_wait3A_288, %dma_wait3A_289] : memref<6x128x128xi32, #tpu.memory_space<vmem>> -> memref<1x128x128xi32, #tpu.memory_space<vmem>>
    %dma_wait3A_291 = tpu.memref_squeeze %dma_wait3A_290 : memref<1x128x128xi32, #tpu.memory_space<vmem>> -> memref<128x128xi32, #tpu.memory_space<vmem>>
    %dma_wait3A_292 = arith.constant 0 : i32
    %dma_wait3A_293 = tpu.memref_slice %arg4[%add3A_194, %dma_wait3A_292] : memref<24576x128xi32, #tpu.memory_space<hbm>> -> memref<128x128xi32, #tpu.memory_space<hbm>>
    %dma_wait3A_294 = arith.constant 0 : i32
    %dma_wait3A_295 = tpu.memref_slice %arg4[%add3A_194, %dma_wait3A_294] : memref<24576x128xi32, #tpu.memory_space<hbm>> -> memref<128x128xi32, #tpu.memory_space<hbm>>
    %dma_wait3A_296 = arith.constant 0 : i32
    %dma_wait3A_297 = arith.constant 0 : i32
    %dma_wait3A_298 = tpu.memref_slice %arg6[%dma_wait3A_287, %dma_wait3A_296, %dma_wait3A_297] : memref<6x128x128xi32, #tpu.memory_space<vmem>> -> memref<1x128x128xi32, #tpu.memory_space<vmem>>
    %dma_wait3A_299 = tpu.memref_squeeze %dma_wait3A_298 : memref<1x128x128xi32, #tpu.memory_space<vmem>> -> memref<128x128xi32, #tpu.memory_space<vmem>>
    tpu.wait_dma2 semaphore(%arg8 : memref<!tpu.dma_semaphore, #tpu.memory_space<semaphore_mem>>) src(%dma_wait3A_299 : memref<128x128xi32, #tpu.memory_space<vmem>>) dst(%dma_wait3A_295 : memref<128x128xi32, #tpu.memory_space<hbm>>)
    %dma_wait3A_300 = arith.constant 5 : i32
    %dma_wait3A_301 = arith.constant 0 : i32
    %dma_wait3A_302 = arith.constant 0 : i32
    %dma_wait3A_303 = tpu.memref_slice %arg6[%dma_wait3A_300, %dma_wait3A_301, %dma_wait3A_302] : memref<6x128x128xi32, #tpu.memory_space<vmem>> -> memref<1x128x128xi32, #tpu.memory_space<vmem>>
    %dma_wait3A_304 = tpu.memref_squeeze %dma_wait3A_303 : memref<1x128x128xi32, #tpu.memory_space<vmem>> -> memref<128x128xi32, #tpu.memory_space<vmem>>
    %dma_wait3A_305 = arith.constant 0 : i32
    %dma_wait3A_306 = tpu.memref_slice %arg4[%add3A_221, %dma_wait3A_305] : memref<24576x128xi32, #tpu.memory_space<hbm>> -> memref<128x128xi32, #tpu.memory_space<hbm>>
    %dma_wait3A_307 = arith.constant 0 : i32
    %dma_wait3A_308 = tpu.memref_slice %arg4[%add3A_221, %dma_wait3A_307] : memref<24576x128xi32, #tpu.memory_space<hbm>> -> memref<128x128xi32, #tpu.memory_space<hbm>>
    %dma_wait3A_309 = arith.constant 0 : i32
    %dma_wait3A_310 = arith.constant 0 : i32
    %dma_wait3A_311 = tpu.memref_slice %arg6[%dma_wait3A_300, %dma_wait3A_309, %dma_wait3A_310] : memref<6x128x128xi32, #tpu.memory_space<vmem>> -> memref<1x128x128xi32, #tpu.memory_space<vmem>>
    %dma_wait3A_312 = tpu.memref_squeeze %dma_wait3A_311 : memref<1x128x128xi32, #tpu.memory_space<vmem>> -> memref<128x128xi32, #tpu.memory_space<vmem>>
    tpu.wait_dma2 semaphore(%arg8 : memref<!tpu.dma_semaphore, #tpu.memory_space<semaphore_mem>>) src(%dma_wait3A_312 : memref<128x128xi32, #tpu.memory_space<vmem>>) dst(%dma_wait3A_308 : memref<128x128xi32, #tpu.memory_space<hbm>>)
    return
  }
}

module attributes {stable_mosaic.version = 14 : i64} {
  func.func @_xp_body(%arg0: i32, %arg1: memref<256x1024xf32, #tpu.memory_space<vmem>>, %arg2: memref<1024x256xf32, #tpu.memory_space<vmem>>, %arg3: memref<1x256xf32, #tpu.memory_space<vmem>>, %arg4: memref<256x256xf32, #tpu.memory_space<vmem>>, %arg5: memref<1x1x256xf32, #tpu.memory_space<vmem>>) attributes {dimension_semantics = [#tpu.dimension_semantics<arbitrary>], iteration_bounds = array<i64: 16>, scalar_prefetch = 0 : i64, scratch_operands = 0 : i64, tpu.core_type = #tpu.core_type<tc>, window_params = [{transform_indices = @transform_0, window_bounds = array<i64: 256, 1024>}, {pipeline_mode = #tpu.pipeline_mode<synchronous>, transform_indices = @transform_1, window_bounds = array<i64: 1024, 256>}, {pipeline_mode = #tpu.pipeline_mode<synchronous>, transform_indices = @transform_2, window_bounds = array<i64: 1, 256>}, {transform_indices = @transform_3, window_bounds = array<i64: 256, 256>}, {transform_indices = @transform_4, window_bounds = array<i64: 1, 1, 256>}]} {
    %get3A = arith.constant 0 : index
    %get3A_0 = arith.constant 0 : index
    %get3A_1 = vector.load %arg1[%get3A, %get3A_0] : memref<256x1024xf32, #tpu.memory_space<vmem>>, vector<256x1024xf32>
    %get3A_2 = arith.constant 0 : index
    %get3A_3 = arith.constant 0 : index
    %get3A_4 = vector.load %arg2[%get3A_2, %get3A_3] : memref<1024x256xf32, #tpu.memory_space<vmem>>, vector<1024x256xf32>
    %dot_general3A = arith.constant dense<0.000000e+00> : vector<256x256xf32>
    %dot_general3A_5 = tpu.matmul %get3A_1, %get3A_4, %dot_general3A {dimension_numbers = #tpu.dot_dimension_numbers<[1], [0], [0], [1], [0, 0, 1, 1], [], []>, transpose_lhs_hint = false} : vector<256x1024xf32>, vector<1024x256xf32>, vector<256x256xf32> -> vector<256x256xf32>
    %get3A_6 = arith.constant 0 : index
    %get3A_7 = arith.constant 0 : index
    %get3A_8 = vector.load %arg3[%get3A_6, %get3A_7] : memref<1x256xf32, #tpu.memory_space<vmem>>, vector<1x256xf32>
    %add3A = vector.broadcast %get3A_8 : vector<1x256xf32> to vector<256x256xf32>
    %add3A_9 = arith.addf %dot_general3A_5, %add3A : vector<256x256xf32>
    %ge3A = arith.constant 0.000000e+00 : f32
    %ge3A_10 = vector.broadcast %ge3A : f32 to vector<256x256xf32>
    %ge3A_11 = arith.cmpf oge, %add3A_9, %ge3A_10 : vector<256x256xf32>
    %mul3A = arith.constant 0.00999999977 : f32
    %mul3A_12 = vector.broadcast %mul3A : f32 to vector<256x256xf32>
    %mul3A_13 = arith.mulf %mul3A_12, %add3A_9 : vector<256x256xf32>
    %select_n3A = arith.select %ge3A_11, %add3A_9, %mul3A_13 : vector<256x256xi1>, vector<256x256xf32>
    %swap3A = arith.constant 0 : index
    %swap3A_14 = arith.constant 0 : index
    %swap3A_15 = vector.load %arg4[%swap3A, %swap3A_14] : memref<256x256xf32, #tpu.memory_space<vmem>>, vector<256x256xf32>
    tpu.vector_store %arg4[%swap3A, %swap3A_14], %select_n3A {strides = array<i32>} : memref<256x256xf32, #tpu.memory_space<vmem>>, vector<256x256xf32>,
    %reduce_sum3A = arith.constant dense<0.000000e+00> : vector<256xf32>
    %reduce_sum3A_16 = vector.multi_reduction <add>, %select_n3A, %reduce_sum3A [0] : vector<256x256xf32> to vector<256xf32>
    %broadcast_in_dim3A = vector.shape_cast %reduce_sum3A_16 : vector<256xf32> to vector<1x256xf32>
    %broadcast_in_dim3A_17 = vector.shape_cast %broadcast_in_dim3A : vector<1x256xf32> to vector<1x1x256xf32>
    %swap3A_18 = arith.constant 0 : index
    %swap3A_19 = arith.constant 0 : index
    %swap3A_20 = arith.constant 0 : index
    %swap3A_21 = vector.load %arg5[%swap3A_18, %swap3A_19, %swap3A_20] : memref<1x1x256xf32, #tpu.memory_space<vmem>>, vector<1x1x256xf32>
    tpu.vector_store %arg5[%swap3A_18, %swap3A_19, %swap3A_20], %broadcast_in_dim3A_17 {strides = array<i32>} : memref<1x1x256xf32, #tpu.memory_space<vmem>>, vector<1x1x256xf32>,
    return
  }
  func.func @transform_0(%arg0: i32) -> (i32, i32) {
    %c0_i32 = arith.constant 0 : i32
    %c0_i32_0 = arith.constant 0 : i32
    return %arg0, %c0_i32 : i32, i32
  }
  func.func @transform_1(%arg0: i32) -> (i32, i32) {
    %c0_i32 = arith.constant 0 : i32
    %c0_i32_0 = arith.constant 0 : i32
    %c0_i32_1 = arith.constant 0 : i32
    return %c0_i32, %c0_i32_0 : i32, i32
  }
  func.func @transform_2(%arg0: i32) -> (i32, i32) {
    %c0_i32 = arith.constant 0 : i32
    %c0_i32_0 = arith.constant 0 : i32
    %c0_i32_1 = arith.constant 0 : i32
    return %c0_i32, %c0_i32_0 : i32, i32
  }
  func.func @transform_3(%arg0: i32) -> (i32, i32) {
    %c0_i32 = arith.constant 0 : i32
    %c0_i32_0 = arith.constant 0 : i32
    return %arg0, %c0_i32 : i32, i32
  }
  func.func @transform_4(%arg0: i32) -> (i32, i32, i32) {
    %c0_i32 = arith.constant 0 : i32
    %c0_i32_0 = arith.constant 0 : i32
    %c0_i32_1 = arith.constant 0 : i32
    return %arg0, %c0_i32, %c0_i32_0 : i32, i32, i32
  }
}

module attributes {stable_mosaic.version = 14 : i64} {
  func.func @_et_body(%arg0: i32, %arg1: memref<256x256xf32, #tpu.memory_space<vmem>>, %arg2: memref<16x1x256xf32, #tpu.memory_space<vmem>>, %arg3: memref<256x256xf32, #tpu.memory_space<vmem>>, %arg4: memref<1x256xf32, #tpu.memory_space<vmem>>, %arg5: memref<256x256xf32, #tpu.memory_space<vmem>>, %arg6: memref<1x256xf32, #tpu.memory_space<vmem>>, %arg7: memref<256x256xf32, #tpu.memory_space<vmem>>, %arg8: memref<256x256xbf16, #tpu.memory_space<vmem>>, %arg9: memref<256x256xbf16, #tpu.memory_space<vmem>>, %arg10: memref<256x128xi32, #tpu.memory_space<vmem>>) attributes {dimension_semantics = [#tpu.dimension_semantics<arbitrary>], iteration_bounds = array<i64: 16>, scalar_prefetch = 0 : i64, scratch_operands = 0 : i64, tpu.core_type = #tpu.core_type<tc>, window_params = [{transform_indices = @transform_0, window_bounds = array<i64: 256, 256>}, {pipeline_mode = #tpu.pipeline_mode<synchronous>, transform_indices = @transform_1, window_bounds = array<i64: 16, 1, 256>}, {pipeline_mode = #tpu.pipeline_mode<synchronous>, transform_indices = @transform_2, window_bounds = array<i64: 256, 256>}, {pipeline_mode = #tpu.pipeline_mode<synchronous>, transform_indices = @transform_3, window_bounds = array<i64: 1, 256>}, {pipeline_mode = #tpu.pipeline_mode<synchronous>, transform_indices = @transform_4, window_bounds = array<i64: 256, 256>}, {pipeline_mode = #tpu.pipeline_mode<synchronous>, transform_indices = @transform_5, window_bounds = array<i64: 1, 256>}, {transform_indices = @transform_6, window_bounds = array<i64: 256, 256>}, {transform_indices = @transform_7, window_bounds = array<i64: 256, 256>}, {transform_indices = @transform_8, window_bounds = array<i64: 256, 256>}, {transform_indices = @transform_9, window_bounds = array<i64: 256, 128>}]} {
    %get3A = arith.constant 0 : index
    %get3A_0 = arith.constant 0 : index
    %get3A_1 = arith.constant 0 : index
    %get3A_2 = vector.load %arg2[%get3A, %get3A_0, %get3A_1] : memref<16x1x256xf32, #tpu.memory_space<vmem>>, vector<16x1x256xf32>
    %reshape3A = vector.shape_cast %get3A_2 : vector<16x1x256xf32> to vector<16x256xf32>
    %reduce_sum3A = arith.constant dense<0.000000e+00> : vector<256xf32>
    %reduce_sum3A_3 = vector.multi_reduction <add>, %reshape3A, %reduce_sum3A [0] : vector<16x256xf32> to vector<256xf32>
    %broadcast_in_dim3A = vector.shape_cast %reduce_sum3A_3 : vector<256xf32> to vector<1x256xf32>
    %mul3A = arith.constant 2.44140625E-4 : f32
    %mul3A_4 = vector.broadcast %mul3A : f32 to vector<1x256xf32>
    %mul3A_5 = arith.mulf %broadcast_in_dim3A, %mul3A_4 : vector<1x256xf32>
    %get3A_6 = arith.constant 0 : index
    %get3A_7 = arith.constant 0 : index
    %get3A_8 = vector.load %arg1[%get3A_6, %get3A_7] : memref<256x256xf32, #tpu.memory_space<vmem>>, vector<256x256xf32>
    %add3A = vector.broadcast %mul3A_5 : vector<1x256xf32> to vector<256x256xf32>
    %add3A_9 = arith.addf %get3A_8, %add3A : vector<256x256xf32>
    %mul3A_10 = arith.constant 5.000000e-01 : f32
    %mul3A_11 = vector.broadcast %mul3A_10 : f32 to vector<256x256xf32>
    %mul3A_12 = arith.mulf %add3A_9, %mul3A_11 : vector<256x256xf32>
    %get3A_13 = arith.constant 0 : index
    %get3A_14 = arith.constant 0 : index
    %get3A_15 = vector.load %arg3[%get3A_13, %get3A_14] : memref<256x256xf32, #tpu.memory_space<vmem>>, vector<256x256xf32>
    %dot_general3A = arith.constant dense<0.000000e+00> : vector<256x256xf32>
    %dot_general3A_16 = tpu.matmul %mul3A_12, %get3A_15, %dot_general3A {dimension_numbers = #tpu.dot_dimension_numbers<[1], [0], [0], [1], [0, 0, 1, 1], [], []>, transpose_lhs_hint = false} : vector<256x256xf32>, vector<256x256xf32>, vector<256x256xf32> -> vector<256x256xf32>
    %get3A_17 = arith.constant 0 : index
    %get3A_18 = arith.constant 0 : index
    %get3A_19 = vector.load %arg4[%get3A_17, %get3A_18] : memref<1x256xf32, #tpu.memory_space<vmem>>, vector<1x256xf32>
    %add3A_20 = vector.broadcast %get3A_19 : vector<1x256xf32> to vector<256x256xf32>
    %add3A_21 = arith.addf %dot_general3A_16, %add3A_20 : vector<256x256xf32>
    %get3A_22 = arith.constant 0 : index
    %get3A_23 = arith.constant 0 : index
    %get3A_24 = vector.load %arg5[%get3A_22, %get3A_23] : memref<256x256xf32, #tpu.memory_space<vmem>>, vector<256x256xf32>
    %dot_general3A_25 = arith.constant dense<0.000000e+00> : vector<256x256xf32>
    %dot_general3A_26 = tpu.matmul %mul3A_12, %get3A_24, %dot_general3A_25 {dimension_numbers = #tpu.dot_dimension_numbers<[1], [0], [0], [1], [0, 0, 1, 1], [], []>, transpose_lhs_hint = false} : vector<256x256xf32>, vector<256x256xf32>, vector<256x256xf32> -> vector<256x256xf32>
    %get3A_27 = arith.constant 0 : index
    %get3A_28 = arith.constant 0 : index
    %get3A_29 = vector.load %arg6[%get3A_27, %get3A_28] : memref<1x256xf32, #tpu.memory_space<vmem>>, vector<1x256xf32>
    %add3A_30 = vector.broadcast %get3A_29 : vector<1x256xf32> to vector<256x256xf32>
    %add3A_31 = arith.addf %dot_general3A_26, %add3A_30 : vector<256x256xf32>
    %swap3A = arith.constant 0 : index
    %swap3A_32 = arith.constant 0 : index
    %swap3A_33 = vector.load %arg7[%swap3A, %swap3A_32] : memref<256x256xf32, #tpu.memory_space<vmem>>, vector<256x256xf32>
    tpu.vector_store %arg7[%swap3A, %swap3A_32], %add3A_21 {strides = array<i32>} : memref<256x256xf32, #tpu.memory_space<vmem>>, vector<256x256xf32>,
    %convert_element_type3A = arith.truncf %add3A_21 : vector<256x256xf32> to vector<256x256xbf16>
    %swap3A_34 = arith.constant 0 : index
    %swap3A_35 = arith.constant 0 : index
    %swap3A_36 = vector.load %arg8[%swap3A_34, %swap3A_35] : memref<256x256xbf16, #tpu.memory_space<vmem>>, vector<256x256xbf16>
    tpu.vector_store %arg8[%swap3A_34, %swap3A_35], %convert_element_type3A {strides = array<i32>} : memref<256x256xbf16, #tpu.memory_space<vmem>>, vector<256x256xbf16>,
    %convert_element_type3A_37 = arith.truncf %add3A_31 : vector<256x256xf32> to vector<256x256xbf16>
    %swap3A_38 = arith.constant 0 : index
    %swap3A_39 = arith.constant 0 : index
    %swap3A_40 = vector.load %arg9[%swap3A_38, %swap3A_39] : memref<256x256xbf16, #tpu.memory_space<vmem>>, vector<256x256xbf16>
    tpu.vector_store %arg9[%swap3A_38, %swap3A_39], %convert_element_type3A_37 {strides = array<i32>} : memref<256x256xbf16, #tpu.memory_space<vmem>>, vector<256x256xbf16>,
    %bitcast_convert_type3A = tpu.bitcast %add3A_31 : vector<256x256xf32> -> vector<256x256xi32>
    %add3A_41 = arith.constant 32767 : i32
    %add3A_42 = vector.broadcast %add3A_41 : i32 to vector<256x256xi32>
    %add3A_43 = arith.addi %bitcast_convert_type3A, %add3A_42 : vector<256x256xi32>
    %shift_right_logical3A = arith.constant 16 : i32
    %shift_right_logical3A_44 = vector.broadcast %shift_right_logical3A : i32 to vector<256x256xi32>
    %shift_right_logical3A_45 = arith.shrui %bitcast_convert_type3A, %shift_right_logical3A_44 : vector<256x256xi32>
    %and3A = arith.constant 1 : i32
    %and3A_46 = vector.broadcast %and3A : i32 to vector<256x256xi32>
    %and3A_47 = arith.andi %shift_right_logical3A_45, %and3A_46 : vector<256x256xi32>
    %add3A_48 = arith.addi %add3A_43, %and3A_47 : vector<256x256xi32>
    %shift_right_logical3A_49 = arith.constant 16 : i32
    %shift_right_logical3A_50 = vector.broadcast %shift_right_logical3A_49 : i32 to vector<256x256xi32>
    %shift_right_logical3A_51 = arith.shrui %add3A_48, %shift_right_logical3A_50 : vector<256x256xi32>
    %slice3A = vector.extract_strided_slice %shift_right_logical3A_51 {offsets = [0, 0], sizes = [256, 128], strides = [1, 1]} : vector<256x256xi32> to vector<256x128xi32>
    %slice3A_52 = vector.extract_strided_slice %shift_right_logical3A_51 {offsets = [0, 128], sizes = [256, 128], strides = [1, 1]} : vector<256x256xi32> to vector<256x128xi32>
    %shift_left3A = arith.constant 16 : i32
    %shift_left3A_53 = vector.broadcast %shift_left3A : i32 to vector<256x128xi32>
    %shift_left3A_54 = arith.shli %slice3A_52, %shift_left3A_53 : vector<256x128xi32>
    %or3A = arith.ori %slice3A, %shift_left3A_54 : vector<256x128xi32>
    %swap3A_55 = arith.constant 0 : index
    %swap3A_56 = arith.constant 0 : index
    %swap3A_57 = vector.load %arg10[%swap3A_55, %swap3A_56] : memref<256x128xi32, #tpu.memory_space<vmem>>, vector<256x128xi32>
    tpu.vector_store %arg10[%swap3A_55, %swap3A_56], %or3A {strides = array<i32>} : memref<256x128xi32, #tpu.memory_space<vmem>>, vector<256x128xi32>,
    return
  }
  func.func @transform_0(%arg0: i32) -> (i32, i32) {
    %c0_i32 = arith.constant 0 : i32
    %c0_i32_0 = arith.constant 0 : i32
    return %arg0, %c0_i32 : i32, i32
  }
  func.func @transform_1(%arg0: i32) -> (i32, i32, i32) {
    %c0_i32 = arith.constant 0 : i32
    %c0_i32_0 = arith.constant 0 : i32
    %c0_i32_1 = arith.constant 0 : i32
    %c0_i32_2 = arith.constant 0 : i32
    return %c0_i32, %c0_i32_0, %c0_i32_1 : i32, i32, i32
  }
  func.func @transform_2(%arg0: i32) -> (i32, i32) {
    %c0_i32 = arith.constant 0 : i32
    %c0_i32_0 = arith.constant 0 : i32
    %c0_i32_1 = arith.constant 0 : i32
    return %c0_i32, %c0_i32_0 : i32, i32
  }
  func.func @transform_3(%arg0: i32) -> (i32, i32) {
    %c0_i32 = arith.constant 0 : i32
    %c0_i32_0 = arith.constant 0 : i32
    %c0_i32_1 = arith.constant 0 : i32
    return %c0_i32, %c0_i32_0 : i32, i32
  }
  func.func @transform_4(%arg0: i32) -> (i32, i32) {
    %c0_i32 = arith.constant 0 : i32
    %c0_i32_0 = arith.constant 0 : i32
    %c0_i32_1 = arith.constant 0 : i32
    return %c0_i32, %c0_i32_0 : i32, i32
  }
  func.func @transform_5(%arg0: i32) -> (i32, i32) {
    %c0_i32 = arith.constant 0 : i32
    %c0_i32_0 = arith.constant 0 : i32
    %c0_i32_1 = arith.constant 0 : i32
    return %c0_i32, %c0_i32_0 : i32, i32
  }
  func.func @transform_6(%arg0: i32) -> (i32, i32) {
    %c0_i32 = arith.constant 0 : i32
    %c0_i32_0 = arith.constant 0 : i32
    return %arg0, %c0_i32 : i32, i32
  }
  func.func @transform_7(%arg0: i32) -> (i32, i32) {
    %c0_i32 = arith.constant 0 : i32
    %c0_i32_0 = arith.constant 0 : i32
    return %arg0, %c0_i32 : i32, i32
  }
  func.func @transform_8(%arg0: i32) -> (i32, i32) {
    %c0_i32 = arith.constant 0 : i32
    %c0_i32_0 = arith.constant 0 : i32
    return %arg0, %c0_i32 : i32, i32
  }
  func.func @transform_9(%arg0: i32) -> (i32, i32) {
    %c0_i32 = arith.constant 0 : i32
    %c0_i32_0 = arith.constant 0 : i32
    return %arg0, %c0_i32 : i32, i32
  }
}

module attributes {stable_mosaic.version = 14 : i64} {
  func.func @_topk_body(%arg0: i32, %arg1: memref<256x256xbf16, #tpu.memory_space<vmem>>, %arg2: memref<4096x256xbf16, #tpu.memory_space<vmem>>, %arg3: memref<256x6xf32, #tpu.memory_space<vmem>>, %arg4: memref<256x6xi32, #tpu.memory_space<vmem>>) attributes {dimension_semantics = [#tpu.dimension_semantics<arbitrary>], iteration_bounds = array<i64: 16>, scalar_prefetch = 0 : i64, scratch_operands = 0 : i64, tpu.core_type = #tpu.core_type<tc>, window_params = [{transform_indices = @transform_0, window_bounds = array<i64: 256, 256>}, {pipeline_mode = #tpu.pipeline_mode<synchronous>, transform_indices = @transform_1, window_bounds = array<i64: 4096, 256>}, {transform_indices = @transform_2, window_bounds = array<i64: 256, 6>}, {transform_indices = @transform_3, window_bounds = array<i64: 256, 6>}]} {
    %get3A = arith.constant 0 : index
    %get3A_0 = arith.constant 0 : index
    %get3A_1 = vector.load %arg1[%get3A, %get3A_0] : memref<256x256xbf16, #tpu.memory_space<vmem>>, vector<256x256xbf16>
    %mul3A = arith.constant 6.250000e-02 : bf16
    %mul3A_2 = vector.broadcast %mul3A : bf16 to vector<256x256xbf16>
    %mul3A_3 = arith.mulf %get3A_1, %mul3A_2 : vector<256x256xbf16>
    %get3A_4 = arith.constant 0 : index
    %get3A_5 = arith.constant 0 : index
    %get3A_6 = vector.load %arg2[%get3A_4, %get3A_5] : memref<4096x256xbf16, #tpu.memory_space<vmem>>, vector<4096x256xbf16>
    %dot_general3A = arith.constant dense<0.000000e+00> : vector<256x4096xf32>
    %dot_general3A_7 = tpu.matmul %mul3A_3, %get3A_6, %dot_general3A {dimension_numbers = #tpu.dot_dimension_numbers<[1], [1], [0], [0], [0, 0, 1, 0], [], []>, transpose_lhs_hint = false} : vector<256x256xbf16>, vector<4096x256xbf16>, vector<256x4096xf32> -> vector<256x4096xf32>
    %bitcast_convert_type3A = tpu.bitcast %dot_general3A_7 : vector<256x4096xf32> -> vector<256x4096xi32>
    %lt3A = arith.constant 0 : i32
    %lt3A_8 = vector.broadcast %lt3A : i32 to vector<256x4096xi32>
    %lt3A_9 = arith.cmpi slt, %bitcast_convert_type3A, %lt3A_8 : vector<256x4096xi32>
    %xor3A = arith.constant 2147483647 : i32
    %xor3A_10 = vector.broadcast %xor3A : i32 to vector<256x4096xi32>
    %xor3A_11 = arith.xori %bitcast_convert_type3A, %xor3A_10 : vector<256x4096xi32>
    %select_n3A = arith.select %lt3A_9, %xor3A_11, %bitcast_convert_type3A : vector<256x4096xi1>, vector<256x4096xi32>
    %iota3A = tpu.iota {dimensions = array<i32: 1>} : vector<256x4096xi32>
    %and3A = arith.constant -4096 : i32
    %and3A_12 = vector.broadcast %and3A : i32 to vector<256x4096xi32>
    %and3A_13 = arith.andi %select_n3A, %and3A_12 : vector<256x4096xi32>
    %sub3A = arith.constant 4095 : i32
    %sub3A_14 = vector.broadcast %sub3A : i32 to vector<256x4096xi32>
    %sub3A_15 = arith.subi %sub3A_14, %iota3A : vector<256x4096xi32>
    %or3A = arith.ori %and3A_13, %sub3A_15 : vector<256x4096xi32>
    %reduce_max3A = arith.constant dense<-2147483648> : vector<256xi32>
    %reduce_max3A_16 = vector.multi_reduction <maxsi>, %or3A, %reduce_max3A [1] : vector<256x4096xi32> to vector<256xi32>
    %broadcast_in_dim3A = vector.shape_cast %reduce_max3A_16 : vector<256xi32> to vector<256x1xi32>
    %eq3A = vector.broadcast %broadcast_in_dim3A : vector<256x1xi32> to vector<256x4096xi32>
    %eq3A_17 = arith.cmpi eq, %or3A, %eq3A : vector<256x4096xi32>
    %jit3A = arith.constant -2147483648 : i32
    %broadcast_in_dim3A_18 = vector.broadcast %jit3A : i32 to vector<256x4096xi32>
    %select_n3A_19 = arith.select %eq3A_17, %broadcast_in_dim3A_18, %or3A : vector<256x4096xi1>, vector<256x4096xi32>
    %and3A_20 = arith.constant 4095 : i32
    %and3A_21 = vector.broadcast %and3A_20 : i32 to vector<256x1xi32>
    %and3A_22 = arith.andi %broadcast_in_dim3A, %and3A_21 : vector<256x1xi32>
    %sub3A_23 = arith.constant 4095 : i32
    %sub3A_24 = vector.broadcast %sub3A_23 : i32 to vector<256x1xi32>
    %sub3A_25 = arith.subi %sub3A_24, %and3A_22 : vector<256x1xi32>
    %and3A_26 = arith.constant -4096 : i32
    %and3A_27 = vector.broadcast %and3A_26 : i32 to vector<256x1xi32>
    %and3A_28 = arith.andi %broadcast_in_dim3A, %and3A_27 : vector<256x1xi32>
    %lt3A_29 = arith.constant 0 : i32
    %lt3A_30 = vector.broadcast %lt3A_29 : i32 to vector<256x1xi32>
    %lt3A_31 = arith.cmpi slt, %and3A_28, %lt3A_30 : vector<256x1xi32>
    %xor3A_32 = arith.constant 2147483647 : i32
    %xor3A_33 = vector.broadcast %xor3A_32 : i32 to vector<256x1xi32>
    %xor3A_34 = arith.xori %and3A_28, %xor3A_33 : vector<256x1xi32>
    %select_n3A_35 = arith.select %lt3A_31, %xor3A_34, %and3A_28 : vector<256x1xi1>, vector<256x1xi32>
    %bitcast_convert_type3A_36 = tpu.bitcast %select_n3A_35 : vector<256x1xi32> -> vector<256x1xf32>
    %reduce_max3A_37 = arith.constant dense<-2147483648> : vector<256xi32>
    %reduce_max3A_38 = vector.multi_reduction <maxsi>, %select_n3A_19, %reduce_max3A_37 [1] : vector<256x4096xi32> to vector<256xi32>
    %broadcast_in_dim3A_39 = vector.shape_cast %reduce_max3A_38 : vector<256xi32> to vector<256x1xi32>
    %eq3A_40 = vector.broadcast %broadcast_in_dim3A_39 : vector<256x1xi32> to vector<256x4096xi32>
    %eq3A_41 = arith.cmpi eq, %select_n3A_19, %eq3A_40 : vector<256x4096xi32>
    %jit3A_42 = arith.constant -2147483648 : i32
    %broadcast_in_dim3A_43 = vector.broadcast %jit3A_42 : i32 to vector<256x4096xi32>
    %select_n3A_44 = arith.select %eq3A_41, %broadcast_in_dim3A_43, %select_n3A_19 : vector<256x4096xi1>, vector<256x4096xi32>
    %and3A_45 = arith.constant 4095 : i32
    %and3A_46 = vector.broadcast %and3A_45 : i32 to vector<256x1xi32>
    %and3A_47 = arith.andi %broadcast_in_dim3A_39, %and3A_46 : vector<256x1xi32>
    %sub3A_48 = arith.constant 4095 : i32
    %sub3A_49 = vector.broadcast %sub3A_48 : i32 to vector<256x1xi32>
    %sub3A_50 = arith.subi %sub3A_49, %and3A_47 : vector<256x1xi32>
    %and3A_51 = arith.constant -4096 : i32
    %and3A_52 = vector.broadcast %and3A_51 : i32 to vector<256x1xi32>
    %and3A_53 = arith.andi %broadcast_in_dim3A_39, %and3A_52 : vector<256x1xi32>
    %lt3A_54 = arith.constant 0 : i32
    %lt3A_55 = vector.broadcast %lt3A_54 : i32 to vector<256x1xi32>
    %lt3A_56 = arith.cmpi slt, %and3A_53, %lt3A_55 : vector<256x1xi32>
    %xor3A_57 = arith.constant 2147483647 : i32
    %xor3A_58 = vector.broadcast %xor3A_57 : i32 to vector<256x1xi32>
    %xor3A_59 = arith.xori %and3A_53, %xor3A_58 : vector<256x1xi32>
    %select_n3A_60 = arith.select %lt3A_56, %xor3A_59, %and3A_53 : vector<256x1xi1>, vector<256x1xi32>
    %bitcast_convert_type3A_61 = tpu.bitcast %select_n3A_60 : vector<256x1xi32> -> vector<256x1xf32>
    %reduce_max3A_62 = arith.constant dense<-2147483648> : vector<256xi32>
    %reduce_max3A_63 = vector.multi_reduction <maxsi>, %select_n3A_44, %reduce_max3A_62 [1] : vector<256x4096xi32> to vector<256xi32>
    %broadcast_in_dim3A_64 = vector.shape_cast %reduce_max3A_63 : vector<256xi32> to vector<256x1xi32>
    %eq3A_65 = vector.broadcast %broadcast_in_dim3A_64 : vector<256x1xi32> to vector<256x4096xi32>
    %eq3A_66 = arith.cmpi eq, %select_n3A_44, %eq3A_65 : vector<256x4096xi32>
    %jit3A_67 = arith.constant -2147483648 : i32
    %broadcast_in_dim3A_68 = vector.broadcast %jit3A_67 : i32 to vector<256x4096xi32>
    %select_n3A_69 = arith.select %eq3A_66, %broadcast_in_dim3A_68, %select_n3A_44 : vector<256x4096xi1>, vector<256x4096xi32>
    %and3A_70 = arith.constant 4095 : i32
    %and3A_71 = vector.broadcast %and3A_70 : i32 to vector<256x1xi32>
    %and3A_72 = arith.andi %broadcast_in_dim3A_64, %and3A_71 : vector<256x1xi32>
    %sub3A_73 = arith.constant 4095 : i32
    %sub3A_74 = vector.broadcast %sub3A_73 : i32 to vector<256x1xi32>
    %sub3A_75 = arith.subi %sub3A_74, %and3A_72 : vector<256x1xi32>
    %and3A_76 = arith.constant -4096 : i32
    %and3A_77 = vector.broadcast %and3A_76 : i32 to vector<256x1xi32>
    %and3A_78 = arith.andi %broadcast_in_dim3A_64, %and3A_77 : vector<256x1xi32>
    %lt3A_79 = arith.constant 0 : i32
    %lt3A_80 = vector.broadcast %lt3A_79 : i32 to vector<256x1xi32>
    %lt3A_81 = arith.cmpi slt, %and3A_78, %lt3A_80 : vector<256x1xi32>
    %xor3A_82 = arith.constant 2147483647 : i32
    %xor3A_83 = vector.broadcast %xor3A_82 : i32 to vector<256x1xi32>
    %xor3A_84 = arith.xori %and3A_78, %xor3A_83 : vector<256x1xi32>
    %select_n3A_85 = arith.select %lt3A_81, %xor3A_84, %and3A_78 : vector<256x1xi1>, vector<256x1xi32>
    %bitcast_convert_type3A_86 = tpu.bitcast %select_n3A_85 : vector<256x1xi32> -> vector<256x1xf32>
    %reduce_max3A_87 = arith.constant dense<-2147483648> : vector<256xi32>
    %reduce_max3A_88 = vector.multi_reduction <maxsi>, %select_n3A_69, %reduce_max3A_87 [1] : vector<256x4096xi32> to vector<256xi32>
    %broadcast_in_dim3A_89 = vector.shape_cast %reduce_max3A_88 : vector<256xi32> to vector<256x1xi32>
    %eq3A_90 = vector.broadcast %broadcast_in_dim3A_89 : vector<256x1xi32> to vector<256x4096xi32>
    %eq3A_91 = arith.cmpi eq, %select_n3A_69, %eq3A_90 : vector<256x4096xi32>
    %jit3A_92 = arith.constant -2147483648 : i32
    %broadcast_in_dim3A_93 = vector.broadcast %jit3A_92 : i32 to vector<256x4096xi32>
    %select_n3A_94 = arith.select %eq3A_91, %broadcast_in_dim3A_93, %select_n3A_69 : vector<256x4096xi1>, vector<256x4096xi32>
    %and3A_95 = arith.constant 4095 : i32
    %and3A_96 = vector.broadcast %and3A_95 : i32 to vector<256x1xi32>
    %and3A_97 = arith.andi %broadcast_in_dim3A_89, %and3A_96 : vector<256x1xi32>
    %sub3A_98 = arith.constant 4095 : i32
    %sub3A_99 = vector.broadcast %sub3A_98 : i32 to vector<256x1xi32>
    %sub3A_100 = arith.subi %sub3A_99, %and3A_97 : vector<256x1xi32>
    %and3A_101 = arith.constant -4096 : i32
    %and3A_102 = vector.broadcast %and3A_101 : i32 to vector<256x1xi32>
    %and3A_103 = arith.andi %broadcast_in_dim3A_89, %and3A_102 : vector<256x1xi32>
    %lt3A_104 = arith.constant 0 : i32
    %lt3A_105 = vector.broadcast %lt3A_104 : i32 to vector<256x1xi32>
    %lt3A_106 = arith.cmpi slt, %and3A_103, %lt3A_105 : vector<256x1xi32>
    %xor3A_107 = arith.constant 2147483647 : i32
    %xor3A_108 = vector.broadcast %xor3A_107 : i32 to vector<256x1xi32>
    %xor3A_109 = arith.xori %and3A_103, %xor3A_108 : vector<256x1xi32>
    %select_n3A_110 = arith.select %lt3A_106, %xor3A_109, %and3A_103 : vector<256x1xi1>, vector<256x1xi32>
    %bitcast_convert_type3A_111 = tpu.bitcast %select_n3A_110 : vector<256x1xi32> -> vector<256x1xf32>
    %reduce_max3A_112 = arith.constant dense<-2147483648> : vector<256xi32>
    %reduce_max3A_113 = vector.multi_reduction <maxsi>, %select_n3A_94, %reduce_max3A_112 [1] : vector<256x4096xi32> to vector<256xi32>
    %broadcast_in_dim3A_114 = vector.shape_cast %reduce_max3A_113 : vector<256xi32> to vector<256x1xi32>
    %eq3A_115 = vector.broadcast %broadcast_in_dim3A_114 : vector<256x1xi32> to vector<256x4096xi32>
    %eq3A_116 = arith.cmpi eq, %select_n3A_94, %eq3A_115 : vector<256x4096xi32>
    %jit3A_117 = arith.constant -2147483648 : i32
    %broadcast_in_dim3A_118 = vector.broadcast %jit3A_117 : i32 to vector<256x4096xi32>
    %select_n3A_119 = arith.select %eq3A_116, %broadcast_in_dim3A_118, %select_n3A_94 : vector<256x4096xi1>, vector<256x4096xi32>
    %and3A_120 = arith.constant 4095 : i32
    %and3A_121 = vector.broadcast %and3A_120 : i32 to vector<256x1xi32>
    %and3A_122 = arith.andi %broadcast_in_dim3A_114, %and3A_121 : vector<256x1xi32>
    %sub3A_123 = arith.constant 4095 : i32
    %sub3A_124 = vector.broadcast %sub3A_123 : i32 to vector<256x1xi32>
    %sub3A_125 = arith.subi %sub3A_124, %and3A_122 : vector<256x1xi32>
    %and3A_126 = arith.constant -4096 : i32
    %and3A_127 = vector.broadcast %and3A_126 : i32 to vector<256x1xi32>
    %and3A_128 = arith.andi %broadcast_in_dim3A_114, %and3A_127 : vector<256x1xi32>
    %lt3A_129 = arith.constant 0 : i32
    %lt3A_130 = vector.broadcast %lt3A_129 : i32 to vector<256x1xi32>
    %lt3A_131 = arith.cmpi slt, %and3A_128, %lt3A_130 : vector<256x1xi32>
    %xor3A_132 = arith.constant 2147483647 : i32
    %xor3A_133 = vector.broadcast %xor3A_132 : i32 to vector<256x1xi32>
    %xor3A_134 = arith.xori %and3A_128, %xor3A_133 : vector<256x1xi32>
    %select_n3A_135 = arith.select %lt3A_131, %xor3A_134, %and3A_128 : vector<256x1xi1>, vector<256x1xi32>
    %bitcast_convert_type3A_136 = tpu.bitcast %select_n3A_135 : vector<256x1xi32> -> vector<256x1xf32>
    %reduce_max3A_137 = arith.constant dense<-2147483648> : vector<256xi32>
    %reduce_max3A_138 = vector.multi_reduction <maxsi>, %select_n3A_119, %reduce_max3A_137 [1] : vector<256x4096xi32> to vector<256xi32>
    %broadcast_in_dim3A_139 = vector.shape_cast %reduce_max3A_138 : vector<256xi32> to vector<256x1xi32>
    %and3A_140 = arith.constant 4095 : i32
    %and3A_141 = vector.broadcast %and3A_140 : i32 to vector<256x1xi32>
    %and3A_142 = arith.andi %broadcast_in_dim3A_139, %and3A_141 : vector<256x1xi32>
    %sub3A_143 = arith.constant 4095 : i32
    %sub3A_144 = vector.broadcast %sub3A_143 : i32 to vector<256x1xi32>
    %sub3A_145 = arith.subi %sub3A_144, %and3A_142 : vector<256x1xi32>
    %and3A_146 = arith.constant -4096 : i32
    %and3A_147 = vector.broadcast %and3A_146 : i32 to vector<256x1xi32>
    %and3A_148 = arith.andi %broadcast_in_dim3A_139, %and3A_147 : vector<256x1xi32>
    %lt3A_149 = arith.constant 0 : i32
    %lt3A_150 = vector.broadcast %lt3A_149 : i32 to vector<256x1xi32>
    %lt3A_151 = arith.cmpi slt, %and3A_148, %lt3A_150 : vector<256x1xi32>
    %xor3A_152 = arith.constant 2147483647 : i32
    %xor3A_153 = vector.broadcast %xor3A_152 : i32 to vector<256x1xi32>
    %xor3A_154 = arith.xori %and3A_148, %xor3A_153 : vector<256x1xi32>
    %select_n3A_155 = arith.select %lt3A_151, %xor3A_154, %and3A_148 : vector<256x1xi1>, vector<256x1xi32>
    %bitcast_convert_type3A_156 = tpu.bitcast %select_n3A_155 : vector<256x1xi32> -> vector<256x1xf32>
    %concatenate3A = tpu.concatenate %bitcast_convert_type3A_36, %bitcast_convert_type3A_61, %bitcast_convert_type3A_86, %bitcast_convert_type3A_111, %bitcast_convert_type3A_136, %bitcast_convert_type3A_156 in 1 : vector<256x1xf32>, vector<256x1xf32>, vector<256x1xf32>, vector<256x1xf32>, vector<256x1xf32>, vector<256x1xf32> -> vector<256x6xf32>
    %swap3A = arith.constant 0 : index
    %swap3A_157 = arith.constant 0 : index
    %swap3A_158 = vector.load %arg3[%swap3A, %swap3A_157] : memref<256x6xf32, #tpu.memory_space<vmem>>, vector<256x6xf32>
    tpu.vector_store %arg3[%swap3A, %swap3A_157], %concatenate3A {strides = array<i32>} : memref<256x6xf32, #tpu.memory_space<vmem>>, vector<256x6xf32>,
    %concatenate3A_159 = tpu.concatenate %sub3A_25, %sub3A_50, %sub3A_75, %sub3A_100, %sub3A_125, %sub3A_145 in 1 : vector<256x1xi32>, vector<256x1xi32>, vector<256x1xi32>, vector<256x1xi32>, vector<256x1xi32>, vector<256x1xi32> -> vector<256x6xi32>
    %swap3A_160 = arith.constant 0 : index
    %swap3A_161 = arith.constant 0 : index
    %swap3A_162 = vector.load %arg4[%swap3A_160, %swap3A_161] : memref<256x6xi32, #tpu.memory_space<vmem>>, vector<256x6xi32>
    tpu.vector_store %arg4[%swap3A_160, %swap3A_161], %concatenate3A_159 {strides = array<i32>} : memref<256x6xi32, #tpu.memory_space<vmem>>, vector<256x6xi32>,
    return
  }
  func.func @transform_0(%arg0: i32) -> (i32, i32) {
    %c0_i32 = arith.constant 0 : i32
    %c0_i32_0 = arith.constant 0 : i32
    return %arg0, %c0_i32 : i32, i32
  }
  func.func @transform_1(%arg0: i32) -> (i32, i32) {
    %c0_i32 = arith.constant 0 : i32
    %c0_i32_0 = arith.constant 0 : i32
    %c0_i32_1 = arith.constant 0 : i32
    return %c0_i32, %c0_i32_0 : i32, i32
  }
  func.func @transform_2(%arg0: i32) -> (i32, i32) {
    %c0_i32 = arith.constant 0 : i32
    %c0_i32_0 = arith.constant 0 : i32
    return %arg0, %c0_i32 : i32, i32
  }
  func.func @transform_3(%arg0: i32) -> (i32, i32) {
    %c0_i32 = arith.constant 0 : i32
    %c0_i32_0 = arith.constant 0 : i32
    return %arg0, %c0_i32 : i32, i32
  }
}

module attributes {stable_mosaic.version = 14 : i64} {
  func.func @_comb_body(%arg0: i32, %arg1: memref<256x256xf32, #tpu.memory_space<vmem>>, %arg2: memref<256x6xf32, #tpu.memory_space<vmem>>, %arg3: memref<6x256x128xi32, #tpu.memory_space<vmem>>, %arg4: memref<256x256xf32, #tpu.memory_space<vmem>>, %arg5: memref<1x256xf32, #tpu.memory_space<vmem>>, %arg6: memref<256x256xf32, #tpu.memory_space<vmem>>, %arg7: memref<1x256xf32, #tpu.memory_space<vmem>>, %arg8: memref<256x256xf32, #tpu.memory_space<vmem>>) attributes {dimension_semantics = [#tpu.dimension_semantics<arbitrary>], iteration_bounds = array<i64: 16>, scalar_prefetch = 0 : i64, scratch_operands = 0 : i64, tpu.core_type = #tpu.core_type<tc>, window_params = [{transform_indices = @transform_0, window_bounds = array<i64: 256, 256>}, {transform_indices = @transform_1, window_bounds = array<i64: 256, 6>}, {transform_indices = @transform_2, window_bounds = array<i64: 6, 256, 128>}, {pipeline_mode = #tpu.pipeline_mode<synchronous>, transform_indices = @transform_3, window_bounds = array<i64: 256, 256>}, {pipeline_mode = #tpu.pipeline_mode<synchronous>, transform_indices = @transform_4, window_bounds = array<i64: 1, 256>}, {pipeline_mode = #tpu.pipeline_mode<synchronous>, transform_indices = @transform_5, window_bounds = array<i64: 256, 256>}, {pipeline_mode = #tpu.pipeline_mode<synchronous>, transform_indices = @transform_6, window_bounds = array<i64: 1, 256>}, {transform_indices = @transform_7, window_bounds = array<i64: 256, 256>}]} {
    %get3A = arith.constant 0 : index
    %get3A_0 = arith.constant 0 : index
    %get3A_1 = vector.load %arg1[%get3A, %get3A_0] : memref<256x256xf32, #tpu.memory_space<vmem>>, vector<256x256xf32>
    %get3A_2 = arith.constant 0 : index
    %get3A_3 = arith.constant 0 : index
    %get3A_4 = vector.load %arg2[%get3A_2, %get3A_3] : memref<256x6xf32, #tpu.memory_space<vmem>>, vector<256x6xf32>
    %reduce_max3A = arith.constant dense<0xFF800000> : vector<256xf32>
    %reduce_max3A_5 = vector.multi_reduction <maximumf>, %get3A_4, %reduce_max3A [1] : vector<256x6xf32> to vector<256xf32>
    %max3A = arith.constant 0xFF800000 : f32
    %max3A_6 = vector.broadcast %max3A : f32 to vector<256xf32>
    %max3A_7 = arith.maximumf %max3A_6, %reduce_max3A_5 : vector<256xf32>
    %broadcast_in_dim3A = vector.shape_cast %max3A_7 : vector<256xf32> to vector<256x1xf32>
    %sub3A = vector.broadcast %broadcast_in_dim3A : vector<256x1xf32> to vector<256x6xf32>
    %sub3A_8 = arith.subf %get3A_4, %sub3A : vector<256x6xf32>
    %exp3A = math.exp %sub3A_8 : vector<256x6xf32>
    %reduce_sum3A = arith.constant dense<0.000000e+00> : vector<256xf32>
    %reduce_sum3A_9 = vector.multi_reduction <add>, %exp3A, %reduce_sum3A [1] : vector<256x6xf32> to vector<256xf32>
    %broadcast_in_dim3A_10 = vector.shape_cast %reduce_sum3A_9 : vector<256xf32> to vector<256x1xf32>
    %div3A = vector.broadcast %broadcast_in_dim3A_10 : vector<256x1xf32> to vector<256x6xf32>
    %div3A_11 = arith.divf %exp3A, %div3A : vector<256x6xf32>
    %get3A_12 = arith.constant 0 : index
    %get3A_13 = arith.constant 0 : index
    %get3A_14 = arith.constant 0 : index
    %get3A_15 = vector.load %arg3[%get3A_12, %get3A_13, %get3A_14] : memref<6x256x128xi32, #tpu.memory_space<vmem>>, vector<1x256x128xi32>
    %get3A_16 = vector.shape_cast %get3A_15 : vector<1x256x128xi32> to vector<256x128xi32>
    %shift_left3A = arith.constant 16 : i32
    %shift_left3A_17 = vector.broadcast %shift_left3A : i32 to vector<256x128xi32>
    %shift_left3A_18 = arith.shli %get3A_16, %shift_left3A_17 : vector<256x128xi32>
    %bitcast_convert_type3A = tpu.bitcast %shift_left3A_18 : vector<256x128xi32> -> vector<256x128xf32>
    %and3A = arith.constant -65536 : i32
    %and3A_19 = vector.broadcast %and3A : i32 to vector<256x128xi32>
    %and3A_20 = arith.andi %get3A_16, %and3A_19 : vector<256x128xi32>
    %bitcast_convert_type3A_21 = tpu.bitcast %and3A_20 : vector<256x128xi32> -> vector<256x128xf32>
    %concatenate3A = tpu.concatenate %bitcast_convert_type3A, %bitcast_convert_type3A_21 in 1 : vector<256x128xf32>, vector<256x128xf32> -> vector<256x256xf32>
    %slice3A = vector.extract_strided_slice %div3A_11 {offsets = [0, 0], sizes = [256, 1], strides = [1, 1]} : vector<256x6xf32> to vector<256x1xf32>
    %sub3A_22 = arith.constant 2.000000e+00 : f32
    %sub3A_23 = vector.broadcast %sub3A_22 : f32 to vector<256x1xf32>
    %sub3A_24 = arith.subf %sub3A_23, %slice3A : vector<256x1xf32>
    %mul3A = vector.broadcast %sub3A_24 : vector<256x1xf32> to vector<256x256xf32>
    %mul3A_25 = arith.mulf %mul3A, %get3A_1 : vector<256x256xf32>
    %mul3A_26 = vector.broadcast %slice3A : vector<256x1xf32> to vector<256x256xf32>
    %mul3A_27 = arith.mulf %mul3A_26, %concatenate3A : vector<256x256xf32>
    %add3A = arith.addf %mul3A_25, %mul3A_27 : vector<256x256xf32>
    %tanh3A = math.tanh %add3A : vector<256x256xf32>
    %reduce_sum3A_28 = arith.constant dense<0.000000e+00> : vector<256xf32>
    %reduce_sum3A_29 = vector.multi_reduction <add>, %concatenate3A, %reduce_sum3A_28 [1] : vector<256x256xf32> to vector<256xf32>
    %broadcast_in_dim3A_30 = vector.shape_cast %reduce_sum3A_29 : vector<256xf32> to vector<256x1xf32>
    %reduce_sum3A_31 = arith.constant dense<0.000000e+00> : vector<256xf32>
    %reduce_sum3A_32 = vector.multi_reduction <add>, %tanh3A, %reduce_sum3A_31 [1] : vector<256x256xf32> to vector<256xf32>
    %broadcast_in_dim3A_33 = vector.shape_cast %reduce_sum3A_32 : vector<256xf32> to vector<256x1xf32>
    %mul3A_34 = arith.mulf %broadcast_in_dim3A_30, %broadcast_in_dim3A_33 : vector<256x1xf32>
    %get3A_35 = arith.constant 1 : index
    %get3A_36 = arith.constant 0 : index
    %get3A_37 = arith.constant 0 : index
    %get3A_38 = vector.load %arg3[%get3A_35, %get3A_36, %get3A_37] : memref<6x256x128xi32, #tpu.memory_space<vmem>>, vector<1x256x128xi32>
    %get3A_39 = vector.shape_cast %get3A_38 : vector<1x256x128xi32> to vector<256x128xi32>
    %shift_left3A_40 = arith.constant 16 : i32
    %shift_left3A_41 = vector.broadcast %shift_left3A_40 : i32 to vector<256x128xi32>
    %shift_left3A_42 = arith.shli %get3A_39, %shift_left3A_41 : vector<256x128xi32>
    %bitcast_convert_type3A_43 = tpu.bitcast %shift_left3A_42 : vector<256x128xi32> -> vector<256x128xf32>
    %and3A_44 = arith.constant -65536 : i32
    %and3A_45 = vector.broadcast %and3A_44 : i32 to vector<256x128xi32>
    %and3A_46 = arith.andi %get3A_39, %and3A_45 : vector<256x128xi32>
    %bitcast_convert_type3A_47 = tpu.bitcast %and3A_46 : vector<256x128xi32> -> vector<256x128xf32>
    %concatenate3A_48 = tpu.concatenate %bitcast_convert_type3A_43, %bitcast_convert_type3A_47 in 1 : vector<256x128xf32>, vector<256x128xf32> -> vector<256x256xf32>
    %slice3A_49 = vector.extract_strided_slice %div3A_11 {offsets = [0, 1], sizes = [256, 1], strides = [1, 1]} : vector<256x6xf32> to vector<256x1xf32>
    %sub3A_50 = arith.constant 2.000000e+00 : f32
    %sub3A_51 = vector.broadcast %sub3A_50 : f32 to vector<256x1xf32>
    %sub3A_52 = arith.subf %sub3A_51, %slice3A_49 : vector<256x1xf32>
    %mul3A_53 = vector.broadcast %sub3A_52 : vector<256x1xf32> to vector<256x256xf32>
    %mul3A_54 = arith.mulf %mul3A_53, %get3A_1 : vector<256x256xf32>
    %mul3A_55 = vector.broadcast %slice3A_49 : vector<256x1xf32> to vector<256x256xf32>
    %mul3A_56 = arith.mulf %mul3A_55, %concatenate3A_48 : vector<256x256xf32>
    %add3A_57 = arith.addf %mul3A_54, %mul3A_56 : vector<256x256xf32>
    %tanh3A_58 = math.tanh %add3A_57 : vector<256x256xf32>
    %reduce_sum3A_59 = arith.constant dense<0.000000e+00> : vector<256xf32>
    %reduce_sum3A_60 = vector.multi_reduction <add>, %concatenate3A_48, %reduce_sum3A_59 [1] : vector<256x256xf32> to vector<256xf32>
    %broadcast_in_dim3A_61 = vector.shape_cast %reduce_sum3A_60 : vector<256xf32> to vector<256x1xf32>
    %reduce_sum3A_62 = arith.constant dense<0.000000e+00> : vector<256xf32>
    %reduce_sum3A_63 = vector.multi_reduction <add>, %tanh3A_58, %reduce_sum3A_62 [1] : vector<256x256xf32> to vector<256xf32>
    %broadcast_in_dim3A_64 = vector.shape_cast %reduce_sum3A_63 : vector<256xf32> to vector<256x1xf32>
    %mul3A_65 = arith.mulf %broadcast_in_dim3A_61, %broadcast_in_dim3A_64 : vector<256x1xf32>
    %get3A_66 = arith.constant 2 : index
    %get3A_67 = arith.constant 0 : index
    %get3A_68 = arith.constant 0 : index
    %get3A_69 = vector.load %arg3[%get3A_66, %get3A_67, %get3A_68] : memref<6x256x128xi32, #tpu.memory_space<vmem>>, vector<1x256x128xi32>
    %get3A_70 = vector.shape_cast %get3A_69 : vector<1x256x128xi32> to vector<256x128xi32>
    %shift_left3A_71 = arith.constant 16 : i32
    %shift_left3A_72 = vector.broadcast %shift_left3A_71 : i32 to vector<256x128xi32>
    %shift_left3A_73 = arith.shli %get3A_70, %shift_left3A_72 : vector<256x128xi32>
    %bitcast_convert_type3A_74 = tpu.bitcast %shift_left3A_73 : vector<256x128xi32> -> vector<256x128xf32>
    %and3A_75 = arith.constant -65536 : i32
    %and3A_76 = vector.broadcast %and3A_75 : i32 to vector<256x128xi32>
    %and3A_77 = arith.andi %get3A_70, %and3A_76 : vector<256x128xi32>
    %bitcast_convert_type3A_78 = tpu.bitcast %and3A_77 : vector<256x128xi32> -> vector<256x128xf32>
    %concatenate3A_79 = tpu.concatenate %bitcast_convert_type3A_74, %bitcast_convert_type3A_78 in 1 : vector<256x128xf32>, vector<256x128xf32> -> vector<256x256xf32>
    %slice3A_80 = vector.extract_strided_slice %div3A_11 {offsets = [0, 2], sizes = [256, 1], strides = [1, 1]} : vector<256x6xf32> to vector<256x1xf32>
    %sub3A_81 = arith.constant 2.000000e+00 : f32
    %sub3A_82 = vector.broadcast %sub3A_81 : f32 to vector<256x1xf32>
    %sub3A_83 = arith.subf %sub3A_82, %slice3A_80 : vector<256x1xf32>
    %mul3A_84 = vector.broadcast %sub3A_83 : vector<256x1xf32> to vector<256x256xf32>
    %mul3A_85 = arith.mulf %mul3A_84, %get3A_1 : vector<256x256xf32>
    %mul3A_86 = vector.broadcast %slice3A_80 : vector<256x1xf32> to vector<256x256xf32>
    %mul3A_87 = arith.mulf %mul3A_86, %concatenate3A_79 : vector<256x256xf32>
    %add3A_88 = arith.addf %mul3A_85, %mul3A_87 : vector<256x256xf32>
    %tanh3A_89 = math.tanh %add3A_88 : vector<256x256xf32>
    %reduce_sum3A_90 = arith.constant dense<0.000000e+00> : vector<256xf32>
    %reduce_sum3A_91 = vector.multi_reduction <add>, %concatenate3A_79, %reduce_sum3A_90 [1] : vector<256x256xf32> to vector<256xf32>
    %broadcast_in_dim3A_92 = vector.shape_cast %reduce_sum3A_91 : vector<256xf32> to vector<256x1xf32>
    %reduce_sum3A_93 = arith.constant dense<0.000000e+00> : vector<256xf32>
    %reduce_sum3A_94 = vector.multi_reduction <add>, %tanh3A_89, %reduce_sum3A_93 [1] : vector<256x256xf32> to vector<256xf32>
    %broadcast_in_dim3A_95 = vector.shape_cast %reduce_sum3A_94 : vector<256xf32> to vector<256x1xf32>
    %mul3A_96 = arith.mulf %broadcast_in_dim3A_92, %broadcast_in_dim3A_95 : vector<256x1xf32>
    %get3A_97 = arith.constant 3 : index
    %get3A_98 = arith.constant 0 : index
    %get3A_99 = arith.constant 0 : index
    %get3A_100 = vector.load %arg3[%get3A_97, %get3A_98, %get3A_99] : memref<6x256x128xi32, #tpu.memory_space<vmem>>, vector<1x256x128xi32>
    %get3A_101 = vector.shape_cast %get3A_100 : vector<1x256x128xi32> to vector<256x128xi32>
    %shift_left3A_102 = arith.constant 16 : i32
    %shift_left3A_103 = vector.broadcast %shift_left3A_102 : i32 to vector<256x128xi32>
    %shift_left3A_104 = arith.shli %get3A_101, %shift_left3A_103 : vector<256x128xi32>
    %bitcast_convert_type3A_105 = tpu.bitcast %shift_left3A_104 : vector<256x128xi32> -> vector<256x128xf32>
    %and3A_106 = arith.constant -65536 : i32
    %and3A_107 = vector.broadcast %and3A_106 : i32 to vector<256x128xi32>
    %and3A_108 = arith.andi %get3A_101, %and3A_107 : vector<256x128xi32>
    %bitcast_convert_type3A_109 = tpu.bitcast %and3A_108 : vector<256x128xi32> -> vector<256x128xf32>
    %concatenate3A_110 = tpu.concatenate %bitcast_convert_type3A_105, %bitcast_convert_type3A_109 in 1 : vector<256x128xf32>, vector<256x128xf32> -> vector<256x256xf32>
    %slice3A_111 = vector.extract_strided_slice %div3A_11 {offsets = [0, 3], sizes = [256, 1], strides = [1, 1]} : vector<256x6xf32> to vector<256x1xf32>
    %sub3A_112 = arith.constant 2.000000e+00 : f32
    %sub3A_113 = vector.broadcast %sub3A_112 : f32 to vector<256x1xf32>
    %sub3A_114 = arith.subf %sub3A_113, %slice3A_111 : vector<256x1xf32>
    %mul3A_115 = vector.broadcast %sub3A_114 : vector<256x1xf32> to vector<256x256xf32>
    %mul3A_116 = arith.mulf %mul3A_115, %get3A_1 : vector<256x256xf32>
    %mul3A_117 = vector.broadcast %slice3A_111 : vector<256x1xf32> to vector<256x256xf32>
    %mul3A_118 = arith.mulf %mul3A_117, %concatenate3A_110 : vector<256x256xf32>
    %add3A_119 = arith.addf %mul3A_116, %mul3A_118 : vector<256x256xf32>
    %tanh3A_120 = math.tanh %add3A_119 : vector<256x256xf32>
    %reduce_sum3A_121 = arith.constant dense<0.000000e+00> : vector<256xf32>
    %reduce_sum3A_122 = vector.multi_reduction <add>, %concatenate3A_110, %reduce_sum3A_121 [1] : vector<256x256xf32> to vector<256xf32>
    %broadcast_in_dim3A_123 = vector.shape_cast %reduce_sum3A_122 : vector<256xf32> to vector<256x1xf32>
    %reduce_sum3A_124 = arith.constant dense<0.000000e+00> : vector<256xf32>
    %reduce_sum3A_125 = vector.multi_reduction <add>, %tanh3A_120, %reduce_sum3A_124 [1] : vector<256x256xf32> to vector<256xf32>
    %broadcast_in_dim3A_126 = vector.shape_cast %reduce_sum3A_125 : vector<256xf32> to vector<256x1xf32>
    %mul3A_127 = arith.mulf %broadcast_in_dim3A_123, %broadcast_in_dim3A_126 : vector<256x1xf32>
    %get3A_128 = arith.constant 4 : index
    %get3A_129 = arith.constant 0 : index
    %get3A_130 = arith.constant 0 : index
    %get3A_131 = vector.load %arg3[%get3A_128, %get3A_129, %get3A_130] : memref<6x256x128xi32, #tpu.memory_space<vmem>>, vector<1x256x128xi32>
    %get3A_132 = vector.shape_cast %get3A_131 : vector<1x256x128xi32> to vector<256x128xi32>
    %shift_left3A_133 = arith.constant 16 : i32
    %shift_left3A_134 = vector.broadcast %shift_left3A_133 : i32 to vector<256x128xi32>
    %shift_left3A_135 = arith.shli %get3A_132, %shift_left3A_134 : vector<256x128xi32>
    %bitcast_convert_type3A_136 = tpu.bitcast %shift_left3A_135 : vector<256x128xi32> -> vector<256x128xf32>
    %and3A_137 = arith.constant -65536 : i32
    %and3A_138 = vector.broadcast %and3A_137 : i32 to vector<256x128xi32>
    %and3A_139 = arith.andi %get3A_132, %and3A_138 : vector<256x128xi32>
    %bitcast_convert_type3A_140 = tpu.bitcast %and3A_139 : vector<256x128xi32> -> vector<256x128xf32>
    %concatenate3A_141 = tpu.concatenate %bitcast_convert_type3A_136, %bitcast_convert_type3A_140 in 1 : vector<256x128xf32>, vector<256x128xf32> -> vector<256x256xf32>
    %slice3A_142 = vector.extract_strided_slice %div3A_11 {offsets = [0, 4], sizes = [256, 1], strides = [1, 1]} : vector<256x6xf32> to vector<256x1xf32>
    %sub3A_143 = arith.constant 2.000000e+00 : f32
    %sub3A_144 = vector.broadcast %sub3A_143 : f32 to vector<256x1xf32>
    %sub3A_145 = arith.subf %sub3A_144, %slice3A_142 : vector<256x1xf32>
    %mul3A_146 = vector.broadcast %sub3A_145 : vector<256x1xf32> to vector<256x256xf32>
    %mul3A_147 = arith.mulf %mul3A_146, %get3A_1 : vector<256x256xf32>
    %mul3A_148 = vector.broadcast %slice3A_142 : vector<256x1xf32> to vector<256x256xf32>
    %mul3A_149 = arith.mulf %mul3A_148, %concatenate3A_141 : vector<256x256xf32>
    %add3A_150 = arith.addf %mul3A_147, %mul3A_149 : vector<256x256xf32>
    %tanh3A_151 = math.tanh %add3A_150 : vector<256x256xf32>
    %reduce_sum3A_152 = arith.constant dense<0.000000e+00> : vector<256xf32>
    %reduce_sum3A_153 = vector.multi_reduction <add>, %concatenate3A_141, %reduce_sum3A_152 [1] : vector<256x256xf32> to vector<256xf32>
    %broadcast_in_dim3A_154 = vector.shape_cast %reduce_sum3A_153 : vector<256xf32> to vector<256x1xf32>
    %reduce_sum3A_155 = arith.constant dense<0.000000e+00> : vector<256xf32>
    %reduce_sum3A_156 = vector.multi_reduction <add>, %tanh3A_151, %reduce_sum3A_155 [1] : vector<256x256xf32> to vector<256xf32>
    %broadcast_in_dim3A_157 = vector.shape_cast %reduce_sum3A_156 : vector<256xf32> to vector<256x1xf32>
    %mul3A_158 = arith.mulf %broadcast_in_dim3A_154, %broadcast_in_dim3A_157 : vector<256x1xf32>
    %get3A_159 = arith.constant 5 : index
    %get3A_160 = arith.constant 0 : index
    %get3A_161 = arith.constant 0 : index
    %get3A_162 = vector.load %arg3[%get3A_159, %get3A_160, %get3A_161] : memref<6x256x128xi32, #tpu.memory_space<vmem>>, vector<1x256x128xi32>
    %get3A_163 = vector.shape_cast %get3A_162 : vector<1x256x128xi32> to vector<256x128xi32>
    %shift_left3A_164 = arith.constant 16 : i32
    %shift_left3A_165 = vector.broadcast %shift_left3A_164 : i32 to vector<256x128xi32>
    %shift_left3A_166 = arith.shli %get3A_163, %shift_left3A_165 : vector<256x128xi32>
    %bitcast_convert_type3A_167 = tpu.bitcast %shift_left3A_166 : vector<256x128xi32> -> vector<256x128xf32>
    %and3A_168 = arith.constant -65536 : i32
    %and3A_169 = vector.broadcast %and3A_168 : i32 to vector<256x128xi32>
    %and3A_170 = arith.andi %get3A_163, %and3A_169 : vector<256x128xi32>
    %bitcast_convert_type3A_171 = tpu.bitcast %and3A_170 : vector<256x128xi32> -> vector<256x128xf32>
    %concatenate3A_172 = tpu.concatenate %bitcast_convert_type3A_167, %bitcast_convert_type3A_171 in 1 : vector<256x128xf32>, vector<256x128xf32> -> vector<256x256xf32>
    %slice3A_173 = vector.extract_strided_slice %div3A_11 {offsets = [0, 5], sizes = [256, 1], strides = [1, 1]} : vector<256x6xf32> to vector<256x1xf32>
    %sub3A_174 = arith.constant 2.000000e+00 : f32
    %sub3A_175 = vector.broadcast %sub3A_174 : f32 to vector<256x1xf32>
    %sub3A_176 = arith.subf %sub3A_175, %slice3A_173 : vector<256x1xf32>
    %mul3A_177 = vector.broadcast %sub3A_176 : vector<256x1xf32> to vector<256x256xf32>
    %mul3A_178 = arith.mulf %mul3A_177, %get3A_1 : vector<256x256xf32>
    %mul3A_179 = vector.broadcast %slice3A_173 : vector<256x1xf32> to vector<256x256xf32>
    %mul3A_180 = arith.mulf %mul3A_179, %concatenate3A_172 : vector<256x256xf32>
    %add3A_181 = arith.addf %mul3A_178, %mul3A_180 : vector<256x256xf32>
    %tanh3A_182 = math.tanh %add3A_181 : vector<256x256xf32>
    %reduce_sum3A_183 = arith.constant dense<0.000000e+00> : vector<256xf32>
    %reduce_sum3A_184 = vector.multi_reduction <add>, %concatenate3A_172, %reduce_sum3A_183 [1] : vector<256x256xf32> to vector<256xf32>
    %broadcast_in_dim3A_185 = vector.shape_cast %reduce_sum3A_184 : vector<256xf32> to vector<256x1xf32>
    %reduce_sum3A_186 = arith.constant dense<0.000000e+00> : vector<256xf32>
    %reduce_sum3A_187 = vector.multi_reduction <add>, %tanh3A_182, %reduce_sum3A_186 [1] : vector<256x256xf32> to vector<256xf32>
    %broadcast_in_dim3A_188 = vector.shape_cast %reduce_sum3A_187 : vector<256xf32> to vector<256x1xf32>
    %mul3A_189 = arith.mulf %broadcast_in_dim3A_185, %broadcast_in_dim3A_188 : vector<256x1xf32>
    %concatenate3A_190 = tpu.concatenate %mul3A_34, %mul3A_65, %mul3A_96, %mul3A_127, %mul3A_158, %mul3A_189 in 1 : vector<256x1xf32>, vector<256x1xf32>, vector<256x1xf32>, vector<256x1xf32>, vector<256x1xf32>, vector<256x1xf32> -> vector<256x6xf32>
    %reduce_max3A_191 = arith.constant dense<0xFF800000> : vector<256xf32>
    %reduce_max3A_192 = vector.multi_reduction <maximumf>, %concatenate3A_190, %reduce_max3A_191 [1] : vector<256x6xf32> to vector<256xf32>
    %max3A_193 = arith.constant 0xFF800000 : f32
    %max3A_194 = vector.broadcast %max3A_193 : f32 to vector<256xf32>
    %max3A_195 = arith.maximumf %max3A_194, %reduce_max3A_192 : vector<256xf32>
    %broadcast_in_dim3A_196 = vector.shape_cast %max3A_195 : vector<256xf32> to vector<256x1xf32>
    %sub3A_197 = vector.broadcast %broadcast_in_dim3A_196 : vector<256x1xf32> to vector<256x6xf32>
    %sub3A_198 = arith.subf %concatenate3A_190, %sub3A_197 : vector<256x6xf32>
    %exp3A_199 = math.exp %sub3A_198 : vector<256x6xf32>
    %reduce_sum3A_200 = arith.constant dense<0.000000e+00> : vector<256xf32>
    %reduce_sum3A_201 = vector.multi_reduction <add>, %exp3A_199, %reduce_sum3A_200 [1] : vector<256x6xf32> to vector<256xf32>
    %broadcast_in_dim3A_202 = vector.shape_cast %reduce_sum3A_201 : vector<256xf32> to vector<256x1xf32>
    %div3A_203 = vector.broadcast %broadcast_in_dim3A_202 : vector<256x1xf32> to vector<256x6xf32>
    %div3A_204 = arith.divf %exp3A_199, %div3A_203 : vector<256x6xf32>
    %slice3A_205 = vector.extract_strided_slice %div3A_204 {offsets = [0, 0], sizes = [256, 1], strides = [1, 1]} : vector<256x6xf32> to vector<256x1xf32>
    %mul3A_206 = vector.broadcast %slice3A_205 : vector<256x1xf32> to vector<256x256xf32>
    %mul3A_207 = arith.mulf %mul3A_206, %concatenate3A : vector<256x256xf32>
    %slice3A_208 = vector.extract_strided_slice %div3A_204 {offsets = [0, 1], sizes = [256, 1], strides = [1, 1]} : vector<256x6xf32> to vector<256x1xf32>
    %mul3A_209 = vector.broadcast %slice3A_208 : vector<256x1xf32> to vector<256x256xf32>
    %mul3A_210 = arith.mulf %mul3A_209, %concatenate3A_48 : vector<256x256xf32>
    %add3A_211 = arith.addf %mul3A_207, %mul3A_210 : vector<256x256xf32>
    %slice3A_212 = vector.extract_strided_slice %div3A_204 {offsets = [0, 2], sizes = [256, 1], strides = [1, 1]} : vector<256x6xf32> to vector<256x1xf32>
    %mul3A_213 = vector.broadcast %slice3A_212 : vector<256x1xf32> to vector<256x256xf32>
    %mul3A_214 = arith.mulf %mul3A_213, %concatenate3A_79 : vector<256x256xf32>
    %add3A_215 = arith.addf %add3A_211, %mul3A_214 : vector<256x256xf32>
    %slice3A_216 = vector.extract_strided_slice %div3A_204 {offsets = [0, 3], sizes = [256, 1], strides = [1, 1]} : vector<256x6xf32> to vector<256x1xf32>
    %mul3A_217 = vector.broadcast %slice3A_216 : vector<256x1xf32> to vector<256x256xf32>
    %mul3A_218 = arith.mulf %mul3A_217, %concatenate3A_110 : vector<256x256xf32>
    %add3A_219 = arith.addf %add3A_215, %mul3A_218 : vector<256x256xf32>
    %slice3A_220 = vector.extract_strided_slice %div3A_204 {offsets = [0, 4], sizes = [256, 1], strides = [1, 1]} : vector<256x6xf32> to vector<256x1xf32>
    %mul3A_221 = vector.broadcast %slice3A_220 : vector<256x1xf32> to vector<256x256xf32>
    %mul3A_222 = arith.mulf %mul3A_221, %concatenate3A_141 : vector<256x256xf32>
    %add3A_223 = arith.addf %add3A_219, %mul3A_222 : vector<256x256xf32>
    %slice3A_224 = vector.extract_strided_slice %div3A_204 {offsets = [0, 5], sizes = [256, 1], strides = [1, 1]} : vector<256x6xf32> to vector<256x1xf32>
    %mul3A_225 = vector.broadcast %slice3A_224 : vector<256x1xf32> to vector<256x256xf32>
    %mul3A_226 = arith.mulf %mul3A_225, %concatenate3A_172 : vector<256x256xf32>
    %add3A_227 = arith.addf %add3A_223, %mul3A_226 : vector<256x256xf32>
    %add3A_228 = arith.addf %get3A_1, %add3A_227 : vector<256x256xf32>
    %get3A_229 = arith.constant 0 : index
    %get3A_230 = arith.constant 0 : index
    %get3A_231 = vector.load %arg4[%get3A_229, %get3A_230] : memref<256x256xf32, #tpu.memory_space<vmem>>, vector<256x256xf32>
    %dot_general3A = arith.constant dense<0.000000e+00> : vector<256x256xf32>
    %dot_general3A_232 = tpu.matmul %add3A_228, %get3A_231, %dot_general3A {dimension_numbers = #tpu.dot_dimension_numbers<[1], [0], [0], [1], [0, 0, 1, 1], [], []>, transpose_lhs_hint = false} : vector<256x256xf32>, vector<256x256xf32>, vector<256x256xf32> -> vector<256x256xf32>
    %get3A_233 = arith.constant 0 : index
    %get3A_234 = arith.constant 0 : index
    %get3A_235 = vector.load %arg5[%get3A_233, %get3A_234] : memref<1x256xf32, #tpu.memory_space<vmem>>, vector<1x256xf32>
    %add3A_236 = vector.broadcast %get3A_235 : vector<1x256xf32> to vector<256x256xf32>
    %add3A_237 = arith.addf %dot_general3A_232, %add3A_236 : vector<256x256xf32>
    %ge3A = arith.constant 0.000000e+00 : f32
    %ge3A_238 = vector.broadcast %ge3A : f32 to vector<256x256xf32>
    %ge3A_239 = arith.cmpf oge, %add3A_237, %ge3A_238 : vector<256x256xf32>
    %mul3A_240 = arith.constant 0.00999999977 : f32
    %mul3A_241 = vector.broadcast %mul3A_240 : f32 to vector<256x256xf32>
    %mul3A_242 = arith.mulf %mul3A_241, %add3A_237 : vector<256x256xf32>
    %select_n3A = arith.select %ge3A_239, %add3A_237, %mul3A_242 : vector<256x256xi1>, vector<256x256xf32>
    %mul3A_243 = arith.mulf %get3A_1, %add3A_227 : vector<256x256xf32>
    %get3A_244 = arith.constant 0 : index
    %get3A_245 = arith.constant 0 : index
    %get3A_246 = vector.load %arg6[%get3A_244, %get3A_245] : memref<256x256xf32, #tpu.memory_space<vmem>>, vector<256x256xf32>
    %dot_general3A_247 = arith.constant dense<0.000000e+00> : vector<256x256xf32>
    %dot_general3A_248 = tpu.matmul %mul3A_243, %get3A_246, %dot_general3A_247 {dimension_numbers = #tpu.dot_dimension_numbers<[1], [0], [0], [1], [0, 0, 1, 1], [], []>, transpose_lhs_hint = false} : vector<256x256xf32>, vector<256x256xf32>, vector<256x256xf32> -> vector<256x256xf32>
    %get3A_249 = arith.constant 0 : index
    %get3A_250 = arith.constant 0 : index
    %get3A_251 = vector.load %arg7[%get3A_249, %get3A_250] : memref<1x256xf32, #tpu.memory_space<vmem>>, vector<1x256xf32>
    %add3A_252 = vector.broadcast %get3A_251 : vector<1x256xf32> to vector<256x256xf32>
    %add3A_253 = arith.addf %dot_general3A_248, %add3A_252 : vector<256x256xf32>
    %ge3A_254 = arith.constant 0.000000e+00 : f32
    %ge3A_255 = vector.broadcast %ge3A_254 : f32 to vector<256x256xf32>
    %ge3A_256 = arith.cmpf oge, %add3A_253, %ge3A_255 : vector<256x256xf32>
    %mul3A_257 = arith.constant 0.00999999977 : f32
    %mul3A_258 = vector.broadcast %mul3A_257 : f32 to vector<256x256xf32>
    %mul3A_259 = arith.mulf %mul3A_258, %add3A_253 : vector<256x256xf32>
    %select_n3A_260 = arith.select %ge3A_256, %add3A_253, %mul3A_259 : vector<256x256xi1>, vector<256x256xf32>
    %add3A_261 = arith.addf %select_n3A, %select_n3A_260 : vector<256x256xf32>
    %swap3A = arith.constant 0 : index
    %swap3A_262 = arith.constant 0 : index
    %swap3A_263 = vector.load %arg8[%swap3A, %swap3A_262] : memref<256x256xf32, #tpu.memory_space<vmem>>, vector<256x256xf32>
    tpu.vector_store %arg8[%swap3A, %swap3A_262], %add3A_261 {strides = array<i32>} : memref<256x256xf32, #tpu.memory_space<vmem>>, vector<256x256xf32>,
    return
  }
  func.func @transform_0(%arg0: i32) -> (i32, i32) {
    %c0_i32 = arith.constant 0 : i32
    %c0_i32_0 = arith.constant 0 : i32
    return %arg0, %c0_i32 : i32, i32
  }
  func.func @transform_1(%arg0: i32) -> (i32, i32) {
    %c0_i32 = arith.constant 0 : i32
    %c0_i32_0 = arith.constant 0 : i32
    return %arg0, %c0_i32 : i32, i32
  }
  func.func @transform_2(%arg0: i32) -> (i32, i32, i32) {
    %c0_i32 = arith.constant 0 : i32
    %c0_i32_0 = arith.constant 0 : i32
    %c0_i32_1 = arith.constant 0 : i32
    return %c0_i32, %arg0, %c0_i32_0 : i32, i32, i32
  }
  func.func @transform_3(%arg0: i32) -> (i32, i32) {
    %c0_i32 = arith.constant 0 : i32
    %c0_i32_0 = arith.constant 0 : i32
    %c0_i32_1 = arith.constant 0 : i32
    return %c0_i32, %c0_i32_0 : i32, i32
  }
  func.func @transform_4(%arg0: i32) -> (i32, i32) {
    %c0_i32 = arith.constant 0 : i32
    %c0_i32_0 = arith.constant 0 : i32
    %c0_i32_1 = arith.constant 0 : i32
    return %c0_i32, %c0_i32_0 : i32, i32
  }
  func.func @transform_5(%arg0: i32) -> (i32, i32) {
    %c0_i32 = arith.constant 0 : i32
    %c0_i32_0 = arith.constant 0 : i32
    %c0_i32_1 = arith.constant 0 : i32
    return %c0_i32, %c0_i32_0 : i32, i32
  }
  func.func @transform_6(%arg0: i32) -> (i32, i32) {
    %c0_i32 = arith.constant 0 : i32
    %c0_i32_0 = arith.constant 0 : i32
    %c0_i32_1 = arith.constant 0 : i32
    return %c0_i32, %c0_i32_0 : i32, i32
  }
  func.func @transform_7(%arg0: i32) -> (i32, i32) {
    %c0_i32 = arith.constant 0 : i32
    %c0_i32_0 = arith.constant 0 : i32
    return %arg0, %c0_i32 : i32, i32
  }
}

module attributes {stable_mosaic.version = 14 : i64} {
  func.func @_omic_body(%arg0: memref<1x100xf32, #tpu.memory_space<vmem>>, %arg1: memref<256x100xf32, #tpu.memory_space<vmem>>, %arg2: memref<1x256xf32, #tpu.memory_space<vmem>>, %arg3: memref<256x256xf32, #tpu.memory_space<vmem>>, %arg4: memref<1x256xf32, #tpu.memory_space<vmem>>, %arg5: memref<1x200xf32, #tpu.memory_space<vmem>>, %arg6: memref<256x200xf32, #tpu.memory_space<vmem>>, %arg7: memref<1x256xf32, #tpu.memory_space<vmem>>, %arg8: memref<256x256xf32, #tpu.memory_space<vmem>>, %arg9: memref<1x256xf32, #tpu.memory_space<vmem>>, %arg10: memref<1x300xf32, #tpu.memory_space<vmem>>, %arg11: memref<256x300xf32, #tpu.memory_space<vmem>>, %arg12: memref<1x256xf32, #tpu.memory_space<vmem>>, %arg13: memref<256x256xf32, #tpu.memory_space<vmem>>, %arg14: memref<1x256xf32, #tpu.memory_space<vmem>>, %arg15: memref<1x400xf32, #tpu.memory_space<vmem>>, %arg16: memref<256x400xf32, #tpu.memory_space<vmem>>, %arg17: memref<1x256xf32, #tpu.memory_space<vmem>>, %arg18: memref<256x256xf32, #tpu.memory_space<vmem>>, %arg19: memref<1x256xf32, #tpu.memory_space<vmem>>, %arg20: memref<1x500xf32, #tpu.memory_space<vmem>>, %arg21: memref<256x500xf32, #tpu.memory_space<vmem>>, %arg22: memref<1x256xf32, #tpu.memory_space<vmem>>, %arg23: memref<256x256xf32, #tpu.memory_space<vmem>>, %arg24: memref<1x256xf32, #tpu.memory_space<vmem>>, %arg25: memref<1x600xf32, #tpu.memory_space<vmem>>, %arg26: memref<256x600xf32, #tpu.memory_space<vmem>>, %arg27: memref<1x256xf32, #tpu.memory_space<vmem>>, %arg28: memref<256x256xf32, #tpu.memory_space<vmem>>, %arg29: memref<1x256xf32, #tpu.memory_space<vmem>>, %arg30: memref<6x256xf32, #tpu.memory_space<vmem>>) attributes {dimension_semantics = [], scalar_prefetch = 0 : i64, scratch_operands = 0 : i64, tpu.core_type = #tpu.core_type<tc>} {
    %get3A = arith.constant 0 : index
    %get3A_0 = arith.constant 0 : index
    %get3A_1 = vector.load %arg0[%get3A, %get3A_0] : memref<1x100xf32, #tpu.memory_space<vmem>>, vector<1x100xf32>
    %get3A_2 = arith.constant 0 : index
    %get3A_3 = arith.constant 0 : index
    %get3A_4 = vector.load %arg1[%get3A_2, %get3A_3] : memref<256x100xf32, #tpu.memory_space<vmem>>, vector<256x100xf32>
    %dot_general3A = arith.constant dense<0.000000e+00> : vector<1x256xf32>
    %dot_general3A_5 = tpu.matmul %get3A_1, %get3A_4, %dot_general3A {dimension_numbers = #tpu.dot_dimension_numbers<[1], [1], [0], [0], [0, 0, 1, 0], [], []>, transpose_lhs_hint = false} : vector<1x100xf32>, vector<256x100xf32>, vector<1x256xf32> -> vector<1x256xf32>
    %get3A_6 = arith.constant 0 : index
    %get3A_7 = arith.constant 0 : index
    %get3A_8 = vector.load %arg2[%get3A_6, %get3A_7] : memref<1x256xf32, #tpu.memory_space<vmem>>, vector<1x256xf32>
    %add3A = arith.addf %dot_general3A_5, %get3A_8 : vector<1x256xf32>
    %gt3A = arith.constant 0.000000e+00 : f32
    %gt3A_9 = vector.broadcast %gt3A : f32 to vector<1x256xf32>
    %gt3A_10 = arith.cmpf ogt, %add3A, %gt3A_9 : vector<1x256xf32>
    %exp3A = math.exp %add3A : vector<1x256xf32>
    %sub3A = arith.constant 1.000000e+00 : f32
    %sub3A_11 = vector.broadcast %sub3A : f32 to vector<1x256xf32>
    %sub3A_12 = arith.subf %exp3A, %sub3A_11 : vector<1x256xf32>
    %select_n3A = arith.select %gt3A_10, %add3A, %sub3A_12 : vector<1x256xi1>, vector<1x256xf32>
    %get3A_13 = arith.constant 0 : index
    %get3A_14 = arith.constant 0 : index
    %get3A_15 = vector.load %arg3[%get3A_13, %get3A_14] : memref<256x256xf32, #tpu.memory_space<vmem>>, vector<256x256xf32>
    %dot_general3A_16 = arith.constant dense<0.000000e+00> : vector<1x256xf32>
    %dot_general3A_17 = tpu.matmul %select_n3A, %get3A_15, %dot_general3A_16 {dimension_numbers = #tpu.dot_dimension_numbers<[1], [1], [0], [0], [0, 0, 1, 0], [], []>, transpose_lhs_hint = false} : vector<1x256xf32>, vector<256x256xf32>, vector<1x256xf32> -> vector<1x256xf32>
    %get3A_18 = arith.constant 0 : index
    %get3A_19 = arith.constant 0 : index
    %get3A_20 = vector.load %arg4[%get3A_18, %get3A_19] : memref<1x256xf32, #tpu.memory_space<vmem>>, vector<1x256xf32>
    %add3A_21 = arith.addf %dot_general3A_17, %get3A_20 : vector<1x256xf32>
    %gt3A_22 = arith.constant 0.000000e+00 : f32
    %gt3A_23 = vector.broadcast %gt3A_22 : f32 to vector<1x256xf32>
    %gt3A_24 = arith.cmpf ogt, %add3A_21, %gt3A_23 : vector<1x256xf32>
    %exp3A_25 = math.exp %add3A_21 : vector<1x256xf32>
    %sub3A_26 = arith.constant 1.000000e+00 : f32
    %sub3A_27 = vector.broadcast %sub3A_26 : f32 to vector<1x256xf32>
    %sub3A_28 = arith.subf %exp3A_25, %sub3A_27 : vector<1x256xf32>
    %select_n3A_29 = arith.select %gt3A_24, %add3A_21, %sub3A_28 : vector<1x256xi1>, vector<1x256xf32>
    %get3A_30 = arith.constant 0 : index
    %get3A_31 = arith.constant 0 : index
    %get3A_32 = vector.load %arg5[%get3A_30, %get3A_31] : memref<1x200xf32, #tpu.memory_space<vmem>>, vector<1x200xf32>
    %get3A_33 = arith.constant 0 : index
    %get3A_34 = arith.constant 0 : index
    %get3A_35 = vector.load %arg6[%get3A_33, %get3A_34] : memref<256x200xf32, #tpu.memory_space<vmem>>, vector<256x200xf32>
    %dot_general3A_36 = arith.constant dense<0.000000e+00> : vector<1x256xf32>
    %dot_general3A_37 = tpu.matmul %get3A_32, %get3A_35, %dot_general3A_36 {dimension_numbers = #tpu.dot_dimension_numbers<[1], [1], [0], [0], [0, 0, 1, 0], [], []>, transpose_lhs_hint = false} : vector<1x200xf32>, vector<256x200xf32>, vector<1x256xf32> -> vector<1x256xf32>
    %get3A_38 = arith.constant 0 : index
    %get3A_39 = arith.constant 0 : index
    %get3A_40 = vector.load %arg7[%get3A_38, %get3A_39] : memref<1x256xf32, #tpu.memory_space<vmem>>, vector<1x256xf32>
    %add3A_41 = arith.addf %dot_general3A_37, %get3A_40 : vector<1x256xf32>
    %gt3A_42 = arith.constant 0.000000e+00 : f32
    %gt3A_43 = vector.broadcast %gt3A_42 : f32 to vector<1x256xf32>
    %gt3A_44 = arith.cmpf ogt, %add3A_41, %gt3A_43 : vector<1x256xf32>
    %exp3A_45 = math.exp %add3A_41 : vector<1x256xf32>
    %sub3A_46 = arith.constant 1.000000e+00 : f32
    %sub3A_47 = vector.broadcast %sub3A_46 : f32 to vector<1x256xf32>
    %sub3A_48 = arith.subf %exp3A_45, %sub3A_47 : vector<1x256xf32>
    %select_n3A_49 = arith.select %gt3A_44, %add3A_41, %sub3A_48 : vector<1x256xi1>, vector<1x256xf32>
    %get3A_50 = arith.constant 0 : index
    %get3A_51 = arith.constant 0 : index
    %get3A_52 = vector.load %arg8[%get3A_50, %get3A_51] : memref<256x256xf32, #tpu.memory_space<vmem>>, vector<256x256xf32>
    %dot_general3A_53 = arith.constant dense<0.000000e+00> : vector<1x256xf32>
    %dot_general3A_54 = tpu.matmul %select_n3A_49, %get3A_52, %dot_general3A_53 {dimension_numbers = #tpu.dot_dimension_numbers<[1], [1], [0], [0], [0, 0, 1, 0], [], []>, transpose_lhs_hint = false} : vector<1x256xf32>, vector<256x256xf32>, vector<1x256xf32> -> vector<1x256xf32>
    %get3A_55 = arith.constant 0 : index
    %get3A_56 = arith.constant 0 : index
    %get3A_57 = vector.load %arg9[%get3A_55, %get3A_56] : memref<1x256xf32, #tpu.memory_space<vmem>>, vector<1x256xf32>
    %add3A_58 = arith.addf %dot_general3A_54, %get3A_57 : vector<1x256xf32>
    %gt3A_59 = arith.constant 0.000000e+00 : f32
    %gt3A_60 = vector.broadcast %gt3A_59 : f32 to vector<1x256xf32>
    %gt3A_61 = arith.cmpf ogt, %add3A_58, %gt3A_60 : vector<1x256xf32>
    %exp3A_62 = math.exp %add3A_58 : vector<1x256xf32>
    %sub3A_63 = arith.constant 1.000000e+00 : f32
    %sub3A_64 = vector.broadcast %sub3A_63 : f32 to vector<1x256xf32>
    %sub3A_65 = arith.subf %exp3A_62, %sub3A_64 : vector<1x256xf32>
    %select_n3A_66 = arith.select %gt3A_61, %add3A_58, %sub3A_65 : vector<1x256xi1>, vector<1x256xf32>
    %get3A_67 = arith.constant 0 : index
    %get3A_68 = arith.constant 0 : index
    %get3A_69 = vector.load %arg10[%get3A_67, %get3A_68] : memref<1x300xf32, #tpu.memory_space<vmem>>, vector<1x300xf32>
    %get3A_70 = arith.constant 0 : index
    %get3A_71 = arith.constant 0 : index
    %get3A_72 = vector.load %arg11[%get3A_70, %get3A_71] : memref<256x300xf32, #tpu.memory_space<vmem>>, vector<256x300xf32>
    %dot_general3A_73 = arith.constant dense<0.000000e+00> : vector<1x256xf32>
    %dot_general3A_74 = tpu.matmul %get3A_69, %get3A_72, %dot_general3A_73 {dimension_numbers = #tpu.dot_dimension_numbers<[1], [1], [0], [0], [0, 0, 1, 0], [], []>, transpose_lhs_hint = false} : vector<1x300xf32>, vector<256x300xf32>, vector<1x256xf32> -> vector<1x256xf32>
    %get3A_75 = arith.constant 0 : index
    %get3A_76 = arith.constant 0 : index
    %get3A_77 = vector.load %arg12[%get3A_75, %get3A_76] : memref<1x256xf32, #tpu.memory_space<vmem>>, vector<1x256xf32>
    %add3A_78 = arith.addf %dot_general3A_74, %get3A_77 : vector<1x256xf32>
    %gt3A_79 = arith.constant 0.000000e+00 : f32
    %gt3A_80 = vector.broadcast %gt3A_79 : f32 to vector<1x256xf32>
    %gt3A_81 = arith.cmpf ogt, %add3A_78, %gt3A_80 : vector<1x256xf32>
    %exp3A_82 = math.exp %add3A_78 : vector<1x256xf32>
    %sub3A_83 = arith.constant 1.000000e+00 : f32
    %sub3A_84 = vector.broadcast %sub3A_83 : f32 to vector<1x256xf32>
    %sub3A_85 = arith.subf %exp3A_82, %sub3A_84 : vector<1x256xf32>
    %select_n3A_86 = arith.select %gt3A_81, %add3A_78, %sub3A_85 : vector<1x256xi1>, vector<1x256xf32>
    %get3A_87 = arith.constant 0 : index
    %get3A_88 = arith.constant 0 : index
    %get3A_89 = vector.load %arg13[%get3A_87, %get3A_88] : memref<256x256xf32, #tpu.memory_space<vmem>>, vector<256x256xf32>
    %dot_general3A_90 = arith.constant dense<0.000000e+00> : vector<1x256xf32>
    %dot_general3A_91 = tpu.matmul %select_n3A_86, %get3A_89, %dot_general3A_90 {dimension_numbers = #tpu.dot_dimension_numbers<[1], [1], [0], [0], [0, 0, 1, 0], [], []>, transpose_lhs_hint = false} : vector<1x256xf32>, vector<256x256xf32>, vector<1x256xf32> -> vector<1x256xf32>
    %get3A_92 = arith.constant 0 : index
    %get3A_93 = arith.constant 0 : index
    %get3A_94 = vector.load %arg14[%get3A_92, %get3A_93] : memref<1x256xf32, #tpu.memory_space<vmem>>, vector<1x256xf32>
    %add3A_95 = arith.addf %dot_general3A_91, %get3A_94 : vector<1x256xf32>
    %gt3A_96 = arith.constant 0.000000e+00 : f32
    %gt3A_97 = vector.broadcast %gt3A_96 : f32 to vector<1x256xf32>
    %gt3A_98 = arith.cmpf ogt, %add3A_95, %gt3A_97 : vector<1x256xf32>
    %exp3A_99 = math.exp %add3A_95 : vector<1x256xf32>
    %sub3A_100 = arith.constant 1.000000e+00 : f32
    %sub3A_101 = vector.broadcast %sub3A_100 : f32 to vector<1x256xf32>
    %sub3A_102 = arith.subf %exp3A_99, %sub3A_101 : vector<1x256xf32>
    %select_n3A_103 = arith.select %gt3A_98, %add3A_95, %sub3A_102 : vector<1x256xi1>, vector<1x256xf32>
    %get3A_104 = arith.constant 0 : index
    %get3A_105 = arith.constant 0 : index
    %get3A_106 = vector.load %arg15[%get3A_104, %get3A_105] : memref<1x400xf32, #tpu.memory_space<vmem>>, vector<1x400xf32>
    %get3A_107 = arith.constant 0 : index
    %get3A_108 = arith.constant 0 : index
    %get3A_109 = vector.load %arg16[%get3A_107, %get3A_108] : memref<256x400xf32, #tpu.memory_space<vmem>>, vector<256x400xf32>
    %dot_general3A_110 = arith.constant dense<0.000000e+00> : vector<1x256xf32>
    %dot_general3A_111 = tpu.matmul %get3A_106, %get3A_109, %dot_general3A_110 {dimension_numbers = #tpu.dot_dimension_numbers<[1], [1], [0], [0], [0, 0, 1, 0], [], []>, transpose_lhs_hint = false} : vector<1x400xf32>, vector<256x400xf32>, vector<1x256xf32> -> vector<1x256xf32>
    %get3A_112 = arith.constant 0 : index
    %get3A_113 = arith.constant 0 : index
    %get3A_114 = vector.load %arg17[%get3A_112, %get3A_113] : memref<1x256xf32, #tpu.memory_space<vmem>>, vector<1x256xf32>
    %add3A_115 = arith.addf %dot_general3A_111, %get3A_114 : vector<1x256xf32>
    %gt3A_116 = arith.constant 0.000000e+00 : f32
    %gt3A_117 = vector.broadcast %gt3A_116 : f32 to vector<1x256xf32>
    %gt3A_118 = arith.cmpf ogt, %add3A_115, %gt3A_117 : vector<1x256xf32>
    %exp3A_119 = math.exp %add3A_115 : vector<1x256xf32>
    %sub3A_120 = arith.constant 1.000000e+00 : f32
    %sub3A_121 = vector.broadcast %sub3A_120 : f32 to vector<1x256xf32>
    %sub3A_122 = arith.subf %exp3A_119, %sub3A_121 : vector<1x256xf32>
    %select_n3A_123 = arith.select %gt3A_118, %add3A_115, %sub3A_122 : vector<1x256xi1>, vector<1x256xf32>
    %get3A_124 = arith.constant 0 : index
    %get3A_125 = arith.constant 0 : index
    %get3A_126 = vector.load %arg18[%get3A_124, %get3A_125] : memref<256x256xf32, #tpu.memory_space<vmem>>, vector<256x256xf32>
    %dot_general3A_127 = arith.constant dense<0.000000e+00> : vector<1x256xf32>
    %dot_general3A_128 = tpu.matmul %select_n3A_123, %get3A_126, %dot_general3A_127 {dimension_numbers = #tpu.dot_dimension_numbers<[1], [1], [0], [0], [0, 0, 1, 0], [], []>, transpose_lhs_hint = false} : vector<1x256xf32>, vector<256x256xf32>, vector<1x256xf32> -> vector<1x256xf32>
    %get3A_129 = arith.constant 0 : index
    %get3A_130 = arith.constant 0 : index
    %get3A_131 = vector.load %arg19[%get3A_129, %get3A_130] : memref<1x256xf32, #tpu.memory_space<vmem>>, vector<1x256xf32>
    %add3A_132 = arith.addf %dot_general3A_128, %get3A_131 : vector<1x256xf32>
    %gt3A_133 = arith.constant 0.000000e+00 : f32
    %gt3A_134 = vector.broadcast %gt3A_133 : f32 to vector<1x256xf32>
    %gt3A_135 = arith.cmpf ogt, %add3A_132, %gt3A_134 : vector<1x256xf32>
    %exp3A_136 = math.exp %add3A_132 : vector<1x256xf32>
    %sub3A_137 = arith.constant 1.000000e+00 : f32
    %sub3A_138 = vector.broadcast %sub3A_137 : f32 to vector<1x256xf32>
    %sub3A_139 = arith.subf %exp3A_136, %sub3A_138 : vector<1x256xf32>
    %select_n3A_140 = arith.select %gt3A_135, %add3A_132, %sub3A_139 : vector<1x256xi1>, vector<1x256xf32>
    %get3A_141 = arith.constant 0 : index
    %get3A_142 = arith.constant 0 : index
    %get3A_143 = vector.load %arg20[%get3A_141, %get3A_142] : memref<1x500xf32, #tpu.memory_space<vmem>>, vector<1x500xf32>
    %get3A_144 = arith.constant 0 : index
    %get3A_145 = arith.constant 0 : index
    %get3A_146 = vector.load %arg21[%get3A_144, %get3A_145] : memref<256x500xf32, #tpu.memory_space<vmem>>, vector<256x500xf32>
    %dot_general3A_147 = arith.constant dense<0.000000e+00> : vector<1x256xf32>
    %dot_general3A_148 = tpu.matmul %get3A_143, %get3A_146, %dot_general3A_147 {dimension_numbers = #tpu.dot_dimension_numbers<[1], [1], [0], [0], [0, 0, 1, 0], [], []>, transpose_lhs_hint = false} : vector<1x500xf32>, vector<256x500xf32>, vector<1x256xf32> -> vector<1x256xf32>
    %get3A_149 = arith.constant 0 : index
    %get3A_150 = arith.constant 0 : index
    %get3A_151 = vector.load %arg22[%get3A_149, %get3A_150] : memref<1x256xf32, #tpu.memory_space<vmem>>, vector<1x256xf32>
    %add3A_152 = arith.addf %dot_general3A_148, %get3A_151 : vector<1x256xf32>
    %gt3A_153 = arith.constant 0.000000e+00 : f32
    %gt3A_154 = vector.broadcast %gt3A_153 : f32 to vector<1x256xf32>
    %gt3A_155 = arith.cmpf ogt, %add3A_152, %gt3A_154 : vector<1x256xf32>
    %exp3A_156 = math.exp %add3A_152 : vector<1x256xf32>
    %sub3A_157 = arith.constant 1.000000e+00 : f32
    %sub3A_158 = vector.broadcast %sub3A_157 : f32 to vector<1x256xf32>
    %sub3A_159 = arith.subf %exp3A_156, %sub3A_158 : vector<1x256xf32>
    %select_n3A_160 = arith.select %gt3A_155, %add3A_152, %sub3A_159 : vector<1x256xi1>, vector<1x256xf32>
    %get3A_161 = arith.constant 0 : index
    %get3A_162 = arith.constant 0 : index
    %get3A_163 = vector.load %arg23[%get3A_161, %get3A_162] : memref<256x256xf32, #tpu.memory_space<vmem>>, vector<256x256xf32>
    %dot_general3A_164 = arith.constant dense<0.000000e+00> : vector<1x256xf32>
    %dot_general3A_165 = tpu.matmul %select_n3A_160, %get3A_163, %dot_general3A_164 {dimension_numbers = #tpu.dot_dimension_numbers<[1], [1], [0], [0], [0, 0, 1, 0], [], []>, transpose_lhs_hint = false} : vector<1x256xf32>, vector<256x256xf32>, vector<1x256xf32> -> vector<1x256xf32>
    %get3A_166 = arith.constant 0 : index
    %get3A_167 = arith.constant 0 : index
    %get3A_168 = vector.load %arg24[%get3A_166, %get3A_167] : memref<1x256xf32, #tpu.memory_space<vmem>>, vector<1x256xf32>
    %add3A_169 = arith.addf %dot_general3A_165, %get3A_168 : vector<1x256xf32>
    %gt3A_170 = arith.constant 0.000000e+00 : f32
    %gt3A_171 = vector.broadcast %gt3A_170 : f32 to vector<1x256xf32>
    %gt3A_172 = arith.cmpf ogt, %add3A_169, %gt3A_171 : vector<1x256xf32>
    %exp3A_173 = math.exp %add3A_169 : vector<1x256xf32>
    %sub3A_174 = arith.constant 1.000000e+00 : f32
    %sub3A_175 = vector.broadcast %sub3A_174 : f32 to vector<1x256xf32>
    %sub3A_176 = arith.subf %exp3A_173, %sub3A_175 : vector<1x256xf32>
    %select_n3A_177 = arith.select %gt3A_172, %add3A_169, %sub3A_176 : vector<1x256xi1>, vector<1x256xf32>
    %get3A_178 = arith.constant 0 : index
    %get3A_179 = arith.constant 0 : index
    %get3A_180 = vector.load %arg25[%get3A_178, %get3A_179] : memref<1x600xf32, #tpu.memory_space<vmem>>, vector<1x600xf32>
    %get3A_181 = arith.constant 0 : index
    %get3A_182 = arith.constant 0 : index
    %get3A_183 = vector.load %arg26[%get3A_181, %get3A_182] : memref<256x600xf32, #tpu.memory_space<vmem>>, vector<256x600xf32>
    %dot_general3A_184 = arith.constant dense<0.000000e+00> : vector<1x256xf32>
    %dot_general3A_185 = tpu.matmul %get3A_180, %get3A_183, %dot_general3A_184 {dimension_numbers = #tpu.dot_dimension_numbers<[1], [1], [0], [0], [0, 0, 1, 0], [], []>, transpose_lhs_hint = false} : vector<1x600xf32>, vector<256x600xf32>, vector<1x256xf32> -> vector<1x256xf32>
    %get3A_186 = arith.constant 0 : index
    %get3A_187 = arith.constant 0 : index
    %get3A_188 = vector.load %arg27[%get3A_186, %get3A_187] : memref<1x256xf32, #tpu.memory_space<vmem>>, vector<1x256xf32>
    %add3A_189 = arith.addf %dot_general3A_185, %get3A_188 : vector<1x256xf32>
    %gt3A_190 = arith.constant 0.000000e+00 : f32
    %gt3A_191 = vector.broadcast %gt3A_190 : f32 to vector<1x256xf32>
    %gt3A_192 = arith.cmpf ogt, %add3A_189, %gt3A_191 : vector<1x256xf32>
    %exp3A_193 = math.exp %add3A_189 : vector<1x256xf32>
    %sub3A_194 = arith.constant 1.000000e+00 : f32
    %sub3A_195 = vector.broadcast %sub3A_194 : f32 to vector<1x256xf32>
    %sub3A_196 = arith.subf %exp3A_193, %sub3A_195 : vector<1x256xf32>
    %select_n3A_197 = arith.select %gt3A_192, %add3A_189, %sub3A_196 : vector<1x256xi1>, vector<1x256xf32>
    %get3A_198 = arith.constant 0 : index
    %get3A_199 = arith.constant 0 : index
    %get3A_200 = vector.load %arg28[%get3A_198, %get3A_199] : memref<256x256xf32, #tpu.memory_space<vmem>>, vector<256x256xf32>
    %dot_general3A_201 = arith.constant dense<0.000000e+00> : vector<1x256xf32>
    %dot_general3A_202 = tpu.matmul %select_n3A_197, %get3A_200, %dot_general3A_201 {dimension_numbers = #tpu.dot_dimension_numbers<[1], [1], [0], [0], [0, 0, 1, 0], [], []>, transpose_lhs_hint = false} : vector<1x256xf32>, vector<256x256xf32>, vector<1x256xf32> -> vector<1x256xf32>
    %get3A_203 = arith.constant 0 : index
    %get3A_204 = arith.constant 0 : index
    %get3A_205 = vector.load %arg29[%get3A_203, %get3A_204] : memref<1x256xf32, #tpu.memory_space<vmem>>, vector<1x256xf32>
    %add3A_206 = arith.addf %dot_general3A_202, %get3A_205 : vector<1x256xf32>
    %gt3A_207 = arith.constant 0.000000e+00 : f32
    %gt3A_208 = vector.broadcast %gt3A_207 : f32 to vector<1x256xf32>
    %gt3A_209 = arith.cmpf ogt, %add3A_206, %gt3A_208 : vector<1x256xf32>
    %exp3A_210 = math.exp %add3A_206 : vector<1x256xf32>
    %sub3A_211 = arith.constant 1.000000e+00 : f32
    %sub3A_212 = vector.broadcast %sub3A_211 : f32 to vector<1x256xf32>
    %sub3A_213 = arith.subf %exp3A_210, %sub3A_212 : vector<1x256xf32>
    %select_n3A_214 = arith.select %gt3A_209, %add3A_206, %sub3A_213 : vector<1x256xi1>, vector<1x256xf32>
    %concatenate3A = tpu.concatenate %select_n3A_29, %select_n3A_66, %select_n3A_103, %select_n3A_140, %select_n3A_177, %select_n3A_214 in 0 : vector<1x256xf32>, vector<1x256xf32>, vector<1x256xf32>, vector<1x256xf32>, vector<1x256xf32>, vector<1x256xf32> -> vector<6x256xf32>
    %swap3A = arith.constant 0 : index
    %swap3A_215 = arith.constant 0 : index
    %swap3A_216 = vector.load %arg30[%swap3A, %swap3A_215] : memref<6x256xf32, #tpu.memory_space<vmem>>, vector<6x256xf32>
    tpu.vector_store %arg30[%swap3A, %swap3A_215], %concatenate3A {strides = array<i32>} : memref<6x256xf32, #tpu.memory_space<vmem>>, vector<6x256xf32>,
    return
  }
}

module attributes {stable_mosaic.version = 14 : i64} {
  func.func @_ot_body(%arg0: memref<4096x256xf32, #tpu.memory_space<vmem>>, %arg1: memref<6x256xf32, #tpu.memory_space<vmem>>, %arg2: memref<1x256xf32, #tpu.memory_space<vmem>>, %arg3: memref<6x256xf32, #tpu.memory_space<vmem>>) attributes {dimension_semantics = [], scalar_prefetch = 0 : i64, scratch_operands = 0 : i64, tpu.core_type = #tpu.core_type<tc>} {
    %get3A = arith.constant 0 : index
    %get3A_0 = arith.constant 0 : index
    %get3A_1 = vector.load %arg1[%get3A, %get3A_0] : memref<6x256xf32, #tpu.memory_space<vmem>>, vector<6x256xf32>
    %reduce_min3A = arith.constant dense<0x7F800000> : vector<6xf32>
    %reduce_min3A_2 = vector.multi_reduction <minimumf>, %get3A_1, %reduce_min3A [1] : vector<6x256xf32> to vector<6xf32>
    %broadcast_in_dim3A = vector.shape_cast %reduce_min3A_2 : vector<6xf32> to vector<6x1xf32>
    %sub3A = vector.broadcast %broadcast_in_dim3A : vector<6x1xf32> to vector<6x256xf32>
    %sub3A_3 = arith.subf %get3A_1, %sub3A : vector<6x256xf32>
    %get3A_4 = arith.constant 0 : index
    %get3A_5 = arith.constant 0 : index
    %get3A_6 = vector.load %arg0[%get3A_4, %get3A_5] : memref<4096x256xf32, #tpu.memory_space<vmem>>, vector<512x256xf32>
    %reduce_min3A_7 = arith.constant dense<0x7F800000> : vector<512xf32>
    %reduce_min3A_8 = vector.multi_reduction <minimumf>, %get3A_6, %reduce_min3A_7 [1] : vector<512x256xf32> to vector<512xf32>
    %broadcast_in_dim3A_9 = vector.shape_cast %reduce_min3A_8 : vector<512xf32> to vector<512x1xf32>
    %sub3A_10 = vector.broadcast %broadcast_in_dim3A_9 : vector<512x1xf32> to vector<512x256xf32>
    %sub3A_11 = arith.subf %get3A_6, %sub3A_10 : vector<512x256xf32>
    %dot_general3A = arith.constant dense<0.000000e+00> : vector<6x512xf32>
    %dot_general3A_12 = tpu.matmul %sub3A_3, %sub3A_11, %dot_general3A {dimension_numbers = #tpu.dot_dimension_numbers<[1], [1], [0], [0], [0, 0, 1, 0], [], []>, transpose_lhs_hint = false} : vector<6x256xf32>, vector<512x256xf32>, vector<6x512xf32> -> vector<6x512xf32>
    %get3A_13 = arith.constant 0 : index
    %get3A_14 = arith.constant 0 : index
    %get3A_15 = vector.load %arg2[%get3A_13, %get3A_14] : memref<1x256xf32, #tpu.memory_space<vmem>>, vector<1x256xf32>
    %mul3A = arith.mulf %sub3A_11, %sub3A_11 : vector<512x256xf32>
    %dot_general3A_16 = arith.constant dense<0.000000e+00> : vector<1x512xf32>
    %dot_general3A_17 = tpu.matmul %get3A_15, %mul3A, %dot_general3A_16 {dimension_numbers = #tpu.dot_dimension_numbers<[1], [1], [0], [0], [0, 0, 1, 0], [], []>, transpose_lhs_hint = false} : vector<1x256xf32>, vector<512x256xf32>, vector<1x512xf32> -> vector<1x512xf32>
    %get3A_18 = arith.constant 512 : index
    %get3A_19 = arith.constant 0 : index
    %get3A_20 = vector.load %arg0[%get3A_18, %get3A_19] : memref<4096x256xf32, #tpu.memory_space<vmem>>, vector<512x256xf32>
    %reduce_min3A_21 = arith.constant dense<0x7F800000> : vector<512xf32>
    %reduce_min3A_22 = vector.multi_reduction <minimumf>, %get3A_20, %reduce_min3A_21 [1] : vector<512x256xf32> to vector<512xf32>
    %broadcast_in_dim3A_23 = vector.shape_cast %reduce_min3A_22 : vector<512xf32> to vector<512x1xf32>
    %sub3A_24 = vector.broadcast %broadcast_in_dim3A_23 : vector<512x1xf32> to vector<512x256xf32>
    %sub3A_25 = arith.subf %get3A_20, %sub3A_24 : vector<512x256xf32>
    %dot_general3A_26 = arith.constant dense<0.000000e+00> : vector<6x512xf32>
    %dot_general3A_27 = tpu.matmul %sub3A_3, %sub3A_25, %dot_general3A_26 {dimension_numbers = #tpu.dot_dimension_numbers<[1], [1], [0], [0], [0, 0, 1, 0], [], []>, transpose_lhs_hint = false} : vector<6x256xf32>, vector<512x256xf32>, vector<6x512xf32> -> vector<6x512xf32>
    %get3A_28 = arith.constant 0 : index
    %get3A_29 = arith.constant 0 : index
    %get3A_30 = vector.load %arg2[%get3A_28, %get3A_29] : memref<1x256xf32, #tpu.memory_space<vmem>>, vector<1x256xf32>
    %mul3A_31 = arith.mulf %sub3A_25, %sub3A_25 : vector<512x256xf32>
    %dot_general3A_32 = arith.constant dense<0.000000e+00> : vector<1x512xf32>
    %dot_general3A_33 = tpu.matmul %get3A_30, %mul3A_31, %dot_general3A_32 {dimension_numbers = #tpu.dot_dimension_numbers<[1], [1], [0], [0], [0, 0, 1, 0], [], []>, transpose_lhs_hint = false} : vector<1x256xf32>, vector<512x256xf32>, vector<1x512xf32> -> vector<1x512xf32>
    %get3A_34 = arith.constant 1024 : index
    %get3A_35 = arith.constant 0 : index
    %get3A_36 = vector.load %arg0[%get3A_34, %get3A_35] : memref<4096x256xf32, #tpu.memory_space<vmem>>, vector<512x256xf32>
    %reduce_min3A_37 = arith.constant dense<0x7F800000> : vector<512xf32>
    %reduce_min3A_38 = vector.multi_reduction <minimumf>, %get3A_36, %reduce_min3A_37 [1] : vector<512x256xf32> to vector<512xf32>
    %broadcast_in_dim3A_39 = vector.shape_cast %reduce_min3A_38 : vector<512xf32> to vector<512x1xf32>
    %sub3A_40 = vector.broadcast %broadcast_in_dim3A_39 : vector<512x1xf32> to vector<512x256xf32>
    %sub3A_41 = arith.subf %get3A_36, %sub3A_40 : vector<512x256xf32>
    %dot_general3A_42 = arith.constant dense<0.000000e+00> : vector<6x512xf32>
    %dot_general3A_43 = tpu.matmul %sub3A_3, %sub3A_41, %dot_general3A_42 {dimension_numbers = #tpu.dot_dimension_numbers<[1], [1], [0], [0], [0, 0, 1, 0], [], []>, transpose_lhs_hint = false} : vector<6x256xf32>, vector<512x256xf32>, vector<6x512xf32> -> vector<6x512xf32>
    %get3A_44 = arith.constant 0 : index
    %get3A_45 = arith.constant 0 : index
    %get3A_46 = vector.load %arg2[%get3A_44, %get3A_45] : memref<1x256xf32, #tpu.memory_space<vmem>>, vector<1x256xf32>
    %mul3A_47 = arith.mulf %sub3A_41, %sub3A_41 : vector<512x256xf32>
    %dot_general3A_48 = arith.constant dense<0.000000e+00> : vector<1x512xf32>
    %dot_general3A_49 = tpu.matmul %get3A_46, %mul3A_47, %dot_general3A_48 {dimension_numbers = #tpu.dot_dimension_numbers<[1], [1], [0], [0], [0, 0, 1, 0], [], []>, transpose_lhs_hint = false} : vector<1x256xf32>, vector<512x256xf32>, vector<1x512xf32> -> vector<1x512xf32>
    %get3A_50 = arith.constant 1536 : index
    %get3A_51 = arith.constant 0 : index
    %get3A_52 = vector.load %arg0[%get3A_50, %get3A_51] : memref<4096x256xf32, #tpu.memory_space<vmem>>, vector<512x256xf32>
    %reduce_min3A_53 = arith.constant dense<0x7F800000> : vector<512xf32>
    %reduce_min3A_54 = vector.multi_reduction <minimumf>, %get3A_52, %reduce_min3A_53 [1] : vector<512x256xf32> to vector<512xf32>
    %broadcast_in_dim3A_55 = vector.shape_cast %reduce_min3A_54 : vector<512xf32> to vector<512x1xf32>
    %sub3A_56 = vector.broadcast %broadcast_in_dim3A_55 : vector<512x1xf32> to vector<512x256xf32>
    %sub3A_57 = arith.subf %get3A_52, %sub3A_56 : vector<512x256xf32>
    %dot_general3A_58 = arith.constant dense<0.000000e+00> : vector<6x512xf32>
    %dot_general3A_59 = tpu.matmul %sub3A_3, %sub3A_57, %dot_general3A_58 {dimension_numbers = #tpu.dot_dimension_numbers<[1], [1], [0], [0], [0, 0, 1, 0], [], []>, transpose_lhs_hint = false} : vector<6x256xf32>, vector<512x256xf32>, vector<6x512xf32> -> vector<6x512xf32>
    %get3A_60 = arith.constant 0 : index
    %get3A_61 = arith.constant 0 : index
    %get3A_62 = vector.load %arg2[%get3A_60, %get3A_61] : memref<1x256xf32, #tpu.memory_space<vmem>>, vector<1x256xf32>
    %mul3A_63 = arith.mulf %sub3A_57, %sub3A_57 : vector<512x256xf32>
    %dot_general3A_64 = arith.constant dense<0.000000e+00> : vector<1x512xf32>
    %dot_general3A_65 = tpu.matmul %get3A_62, %mul3A_63, %dot_general3A_64 {dimension_numbers = #tpu.dot_dimension_numbers<[1], [1], [0], [0], [0, 0, 1, 0], [], []>, transpose_lhs_hint = false} : vector<1x256xf32>, vector<512x256xf32>, vector<1x512xf32> -> vector<1x512xf32>
    %get3A_66 = arith.constant 2048 : index
    %get3A_67 = arith.constant 0 : index
    %get3A_68 = vector.load %arg0[%get3A_66, %get3A_67] : memref<4096x256xf32, #tpu.memory_space<vmem>>, vector<512x256xf32>
    %reduce_min3A_69 = arith.constant dense<0x7F800000> : vector<512xf32>
    %reduce_min3A_70 = vector.multi_reduction <minimumf>, %get3A_68, %reduce_min3A_69 [1] : vector<512x256xf32> to vector<512xf32>
    %broadcast_in_dim3A_71 = vector.shape_cast %reduce_min3A_70 : vector<512xf32> to vector<512x1xf32>
    %sub3A_72 = vector.broadcast %broadcast_in_dim3A_71 : vector<512x1xf32> to vector<512x256xf32>
    %sub3A_73 = arith.subf %get3A_68, %sub3A_72 : vector<512x256xf32>
    %dot_general3A_74 = arith.constant dense<0.000000e+00> : vector<6x512xf32>
    %dot_general3A_75 = tpu.matmul %sub3A_3, %sub3A_73, %dot_general3A_74 {dimension_numbers = #tpu.dot_dimension_numbers<[1], [1], [0], [0], [0, 0, 1, 0], [], []>, transpose_lhs_hint = false} : vector<6x256xf32>, vector<512x256xf32>, vector<6x512xf32> -> vector<6x512xf32>
    %get3A_76 = arith.constant 0 : index
    %get3A_77 = arith.constant 0 : index
    %get3A_78 = vector.load %arg2[%get3A_76, %get3A_77] : memref<1x256xf32, #tpu.memory_space<vmem>>, vector<1x256xf32>
    %mul3A_79 = arith.mulf %sub3A_73, %sub3A_73 : vector<512x256xf32>
    %dot_general3A_80 = arith.constant dense<0.000000e+00> : vector<1x512xf32>
    %dot_general3A_81 = tpu.matmul %get3A_78, %mul3A_79, %dot_general3A_80 {dimension_numbers = #tpu.dot_dimension_numbers<[1], [1], [0], [0], [0, 0, 1, 0], [], []>, transpose_lhs_hint = false} : vector<1x256xf32>, vector<512x256xf32>, vector<1x512xf32> -> vector<1x512xf32>
    %get3A_82 = arith.constant 2560 : index
    %get3A_83 = arith.constant 0 : index
    %get3A_84 = vector.load %arg0[%get3A_82, %get3A_83] : memref<4096x256xf32, #tpu.memory_space<vmem>>, vector<512x256xf32>
    %reduce_min3A_85 = arith.constant dense<0x7F800000> : vector<512xf32>
    %reduce_min3A_86 = vector.multi_reduction <minimumf>, %get3A_84, %reduce_min3A_85 [1] : vector<512x256xf32> to vector<512xf32>
    %broadcast_in_dim3A_87 = vector.shape_cast %reduce_min3A_86 : vector<512xf32> to vector<512x1xf32>
    %sub3A_88 = vector.broadcast %broadcast_in_dim3A_87 : vector<512x1xf32> to vector<512x256xf32>
    %sub3A_89 = arith.subf %get3A_84, %sub3A_88 : vector<512x256xf32>
    %dot_general3A_90 = arith.constant dense<0.000000e+00> : vector<6x512xf32>
    %dot_general3A_91 = tpu.matmul %sub3A_3, %sub3A_89, %dot_general3A_90 {dimension_numbers = #tpu.dot_dimension_numbers<[1], [1], [0], [0], [0, 0, 1, 0], [], []>, transpose_lhs_hint = false} : vector<6x256xf32>, vector<512x256xf32>, vector<6x512xf32> -> vector<6x512xf32>
    %get3A_92 = arith.constant 0 : index
    %get3A_93 = arith.constant 0 : index
    %get3A_94 = vector.load %arg2[%get3A_92, %get3A_93] : memref<1x256xf32, #tpu.memory_space<vmem>>, vector<1x256xf32>
    %mul3A_95 = arith.mulf %sub3A_89, %sub3A_89 : vector<512x256xf32>
    %dot_general3A_96 = arith.constant dense<0.000000e+00> : vector<1x512xf32>
    %dot_general3A_97 = tpu.matmul %get3A_94, %mul3A_95, %dot_general3A_96 {dimension_numbers = #tpu.dot_dimension_numbers<[1], [1], [0], [0], [0, 0, 1, 0], [], []>, transpose_lhs_hint = false} : vector<1x256xf32>, vector<512x256xf32>, vector<1x512xf32> -> vector<1x512xf32>
    %get3A_98 = arith.constant 3072 : index
    %get3A_99 = arith.constant 0 : index
    %get3A_100 = vector.load %arg0[%get3A_98, %get3A_99] : memref<4096x256xf32, #tpu.memory_space<vmem>>, vector<512x256xf32>
    %reduce_min3A_101 = arith.constant dense<0x7F800000> : vector<512xf32>
    %reduce_min3A_102 = vector.multi_reduction <minimumf>, %get3A_100, %reduce_min3A_101 [1] : vector<512x256xf32> to vector<512xf32>
    %broadcast_in_dim3A_103 = vector.shape_cast %reduce_min3A_102 : vector<512xf32> to vector<512x1xf32>
    %sub3A_104 = vector.broadcast %broadcast_in_dim3A_103 : vector<512x1xf32> to vector<512x256xf32>
    %sub3A_105 = arith.subf %get3A_100, %sub3A_104 : vector<512x256xf32>
    %dot_general3A_106 = arith.constant dense<0.000000e+00> : vector<6x512xf32>
    %dot_general3A_107 = tpu.matmul %sub3A_3, %sub3A_105, %dot_general3A_106 {dimension_numbers = #tpu.dot_dimension_numbers<[1], [1], [0], [0], [0, 0, 1, 0], [], []>, transpose_lhs_hint = false} : vector<6x256xf32>, vector<512x256xf32>, vector<6x512xf32> -> vector<6x512xf32>
    %get3A_108 = arith.constant 0 : index
    %get3A_109 = arith.constant 0 : index
    %get3A_110 = vector.load %arg2[%get3A_108, %get3A_109] : memref<1x256xf32, #tpu.memory_space<vmem>>, vector<1x256xf32>
    %mul3A_111 = arith.mulf %sub3A_105, %sub3A_105 : vector<512x256xf32>
    %dot_general3A_112 = arith.constant dense<0.000000e+00> : vector<1x512xf32>
    %dot_general3A_113 = tpu.matmul %get3A_110, %mul3A_111, %dot_general3A_112 {dimension_numbers = #tpu.dot_dimension_numbers<[1], [1], [0], [0], [0, 0, 1, 0], [], []>, transpose_lhs_hint = false} : vector<1x256xf32>, vector<512x256xf32>, vector<1x512xf32> -> vector<1x512xf32>
    %get3A_114 = arith.constant 3584 : index
    %get3A_115 = arith.constant 0 : index
    %get3A_116 = vector.load %arg0[%get3A_114, %get3A_115] : memref<4096x256xf32, #tpu.memory_space<vmem>>, vector<512x256xf32>
    %reduce_min3A_117 = arith.constant dense<0x7F800000> : vector<512xf32>
    %reduce_min3A_118 = vector.multi_reduction <minimumf>, %get3A_116, %reduce_min3A_117 [1] : vector<512x256xf32> to vector<512xf32>
    %broadcast_in_dim3A_119 = vector.shape_cast %reduce_min3A_118 : vector<512xf32> to vector<512x1xf32>
    %sub3A_120 = vector.broadcast %broadcast_in_dim3A_119 : vector<512x1xf32> to vector<512x256xf32>
    %sub3A_121 = arith.subf %get3A_116, %sub3A_120 : vector<512x256xf32>
    %dot_general3A_122 = arith.constant dense<0.000000e+00> : vector<6x512xf32>
    %dot_general3A_123 = tpu.matmul %sub3A_3, %sub3A_121, %dot_general3A_122 {dimension_numbers = #tpu.dot_dimension_numbers<[1], [1], [0], [0], [0, 0, 1, 0], [], []>, transpose_lhs_hint = false} : vector<6x256xf32>, vector<512x256xf32>, vector<6x512xf32> -> vector<6x512xf32>
    %get3A_124 = arith.constant 0 : index
    %get3A_125 = arith.constant 0 : index
    %get3A_126 = vector.load %arg2[%get3A_124, %get3A_125] : memref<1x256xf32, #tpu.memory_space<vmem>>, vector<1x256xf32>
    %mul3A_127 = arith.mulf %sub3A_121, %sub3A_121 : vector<512x256xf32>
    %dot_general3A_128 = arith.constant dense<0.000000e+00> : vector<1x512xf32>
    %dot_general3A_129 = tpu.matmul %get3A_126, %mul3A_127, %dot_general3A_128 {dimension_numbers = #tpu.dot_dimension_numbers<[1], [1], [0], [0], [0, 0, 1, 0], [], []>, transpose_lhs_hint = false} : vector<1x256xf32>, vector<512x256xf32>, vector<1x512xf32> -> vector<1x512xf32>
    %concatenate3A = tpu.concatenate %dot_general3A_17, %dot_general3A_33, %dot_general3A_49, %dot_general3A_65, %dot_general3A_81, %dot_general3A_97, %dot_general3A_113, %dot_general3A_129 in 0 : vector<1x512xf32>, vector<1x512xf32>, vector<1x512xf32>, vector<1x512xf32>, vector<1x512xf32>, vector<1x512xf32>, vector<1x512xf32>, vector<1x512xf32> -> vector<8x512xf32>
    %slice3A = vector.extract_strided_slice %dot_general3A_12 {offsets = [0, 0], sizes = [1, 512], strides = [1, 1]} : vector<6x512xf32> to vector<1x512xf32>
    %slice3A_130 = vector.extract_strided_slice %dot_general3A_27 {offsets = [0, 0], sizes = [1, 512], strides = [1, 1]} : vector<6x512xf32> to vector<1x512xf32>
    %slice3A_131 = vector.extract_strided_slice %dot_general3A_43 {offsets = [0, 0], sizes = [1, 512], strides = [1, 1]} : vector<6x512xf32> to vector<1x512xf32>
    %slice3A_132 = vector.extract_strided_slice %dot_general3A_59 {offsets = [0, 0], sizes = [1, 512], strides = [1, 1]} : vector<6x512xf32> to vector<1x512xf32>
    %slice3A_133 = vector.extract_strided_slice %dot_general3A_75 {offsets = [0, 0], sizes = [1, 512], strides = [1, 1]} : vector<6x512xf32> to vector<1x512xf32>
    %slice3A_134 = vector.extract_strided_slice %dot_general3A_91 {offsets = [0, 0], sizes = [1, 512], strides = [1, 1]} : vector<6x512xf32> to vector<1x512xf32>
    %slice3A_135 = vector.extract_strided_slice %dot_general3A_107 {offsets = [0, 0], sizes = [1, 512], strides = [1, 1]} : vector<6x512xf32> to vector<1x512xf32>
    %slice3A_136 = vector.extract_strided_slice %dot_general3A_123 {offsets = [0, 0], sizes = [1, 512], strides = [1, 1]} : vector<6x512xf32> to vector<1x512xf32>
    %concatenate3A_137 = tpu.concatenate %slice3A, %slice3A_130, %slice3A_131, %slice3A_132, %slice3A_133, %slice3A_134, %slice3A_135, %slice3A_136 in 0 : vector<1x512xf32>, vector<1x512xf32>, vector<1x512xf32>, vector<1x512xf32>, vector<1x512xf32>, vector<1x512xf32>, vector<1x512xf32>, vector<1x512xf32> -> vector<8x512xf32>
    %slice3A_138 = vector.extract_strided_slice %sub3A_3 {offsets = [0, 0], sizes = [1, 256], strides = [1, 1]} : vector<6x256xf32> to vector<1x256xf32>
    %slice3A_139 = vector.extract_strided_slice %sub3A_3 {offsets = [0, 0], sizes = [1, 256], strides = [1, 1]} : vector<6x256xf32> to vector<1x256xf32>
    %mul3A_140 = arith.mulf %slice3A_138, %slice3A_139 : vector<1x256xf32>
    %reduce_sum3A = vector.shape_cast %mul3A_140 : vector<1x256xf32> to vector<1x1x256xf32>
    %reduce_sum3A_141 = arith.constant dense<0.000000e+00> : vector<1xf32>
    %reduce_sum3A_142 = vector.multi_reduction <add>, %reduce_sum3A, %reduce_sum3A_141 [1, 2] : vector<1x1x256xf32> to vector<1xf32>
    %reduce_sum3A_143 = vector.shape_cast %reduce_sum3A_142 : vector<1xf32> to vector<1x1x1xf32>
    %reduce_sum3A_144 = vector.extract %reduce_sum3A_143[0, 0, 0] : f32 from vector<1x1x1xf32>
    %mul3A_145 = arith.constant 2.000000e+00 : f32
    %mul3A_146 = vector.broadcast %mul3A_145 : f32 to vector<8x512xf32>
    %mul3A_147 = arith.mulf %mul3A_146, %concatenate3A_137 : vector<8x512xf32>
    %sub3A_148 = vector.broadcast %reduce_sum3A_144 : f32 to vector<8x512xf32>
    %sub3A_149 = arith.subf %sub3A_148, %mul3A_147 : vector<8x512xf32>
    %add3A = arith.addf %sub3A_149, %concatenate3A : vector<8x512xf32>
    %slice3A_150 = vector.extract_strided_slice %dot_general3A_12 {offsets = [1, 0], sizes = [1, 512], strides = [1, 1]} : vector<6x512xf32> to vector<1x512xf32>
    %slice3A_151 = vector.extract_strided_slice %dot_general3A_27 {offsets = [1, 0], sizes = [1, 512], strides = [1, 1]} : vector<6x512xf32> to vector<1x512xf32>
    %slice3A_152 = vector.extract_strided_slice %dot_general3A_43 {offsets = [1, 0], sizes = [1, 512], strides = [1, 1]} : vector<6x512xf32> to vector<1x512xf32>
    %slice3A_153 = vector.extract_strided_slice %dot_general3A_59 {offsets = [1, 0], sizes = [1, 512], strides = [1, 1]} : vector<6x512xf32> to vector<1x512xf32>
    %slice3A_154 = vector.extract_strided_slice %dot_general3A_75 {offsets = [1, 0], sizes = [1, 512], strides = [1, 1]} : vector<6x512xf32> to vector<1x512xf32>
    %slice3A_155 = vector.extract_strided_slice %dot_general3A_91 {offsets = [1, 0], sizes = [1, 512], strides = [1, 1]} : vector<6x512xf32> to vector<1x512xf32>
    %slice3A_156 = vector.extract_strided_slice %dot_general3A_107 {offsets = [1, 0], sizes = [1, 512], strides = [1, 1]} : vector<6x512xf32> to vector<1x512xf32>
    %slice3A_157 = vector.extract_strided_slice %dot_general3A_123 {offsets = [1, 0], sizes = [1, 512], strides = [1, 1]} : vector<6x512xf32> to vector<1x512xf32>
    %concatenate3A_158 = tpu.concatenate %slice3A_150, %slice3A_151, %slice3A_152, %slice3A_153, %slice3A_154, %slice3A_155, %slice3A_156, %slice3A_157 in 0 : vector<1x512xf32>, vector<1x512xf32>, vector<1x512xf32>, vector<1x512xf32>, vector<1x512xf32>, vector<1x512xf32>, vector<1x512xf32>, vector<1x512xf32> -> vector<8x512xf32>
    %slice3A_159 = vector.extract_strided_slice %sub3A_3 {offsets = [1, 0], sizes = [1, 256], strides = [1, 1]} : vector<6x256xf32> to vector<1x256xf32>
    %slice3A_160 = vector.extract_strided_slice %sub3A_3 {offsets = [1, 0], sizes = [1, 256], strides = [1, 1]} : vector<6x256xf32> to vector<1x256xf32>
    %mul3A_161 = arith.mulf %slice3A_159, %slice3A_160 : vector<1x256xf32>
    %reduce_sum3A_162 = vector.shape_cast %mul3A_161 : vector<1x256xf32> to vector<1x1x256xf32>
    %reduce_sum3A_163 = arith.constant dense<0.000000e+00> : vector<1xf32>
    %reduce_sum3A_164 = vector.multi_reduction <add>, %reduce_sum3A_162, %reduce_sum3A_163 [1, 2] : vector<1x1x256xf32> to vector<1xf32>
    %reduce_sum3A_165 = vector.shape_cast %reduce_sum3A_164 : vector<1xf32> to vector<1x1x1xf32>
    %reduce_sum3A_166 = vector.extract %reduce_sum3A_165[0, 0, 0] : f32 from vector<1x1x1xf32>
    %mul3A_167 = arith.constant 2.000000e+00 : f32
    %mul3A_168 = vector.broadcast %mul3A_167 : f32 to vector<8x512xf32>
    %mul3A_169 = arith.mulf %mul3A_168, %concatenate3A_158 : vector<8x512xf32>
    %sub3A_170 = vector.broadcast %reduce_sum3A_166 : f32 to vector<8x512xf32>
    %sub3A_171 = arith.subf %sub3A_170, %mul3A_169 : vector<8x512xf32>
    %add3A_172 = arith.addf %sub3A_171, %concatenate3A : vector<8x512xf32>
    %slice3A_173 = vector.extract_strided_slice %dot_general3A_12 {offsets = [2, 0], sizes = [1, 512], strides = [1, 1]} : vector<6x512xf32> to vector<1x512xf32>
    %slice3A_174 = vector.extract_strided_slice %dot_general3A_27 {offsets = [2, 0], sizes = [1, 512], strides = [1, 1]} : vector<6x512xf32> to vector<1x512xf32>
    %slice3A_175 = vector.extract_strided_slice %dot_general3A_43 {offsets = [2, 0], sizes = [1, 512], strides = [1, 1]} : vector<6x512xf32> to vector<1x512xf32>
    %slice3A_176 = vector.extract_strided_slice %dot_general3A_59 {offsets = [2, 0], sizes = [1, 512], strides = [1, 1]} : vector<6x512xf32> to vector<1x512xf32>
    %slice3A_177 = vector.extract_strided_slice %dot_general3A_75 {offsets = [2, 0], sizes = [1, 512], strides = [1, 1]} : vector<6x512xf32> to vector<1x512xf32>
    %slice3A_178 = vector.extract_strided_slice %dot_general3A_91 {offsets = [2, 0], sizes = [1, 512], strides = [1, 1]} : vector<6x512xf32> to vector<1x512xf32>
    %slice3A_179 = vector.extract_strided_slice %dot_general3A_107 {offsets = [2, 0], sizes = [1, 512], strides = [1, 1]} : vector<6x512xf32> to vector<1x512xf32>
    %slice3A_180 = vector.extract_strided_slice %dot_general3A_123 {offsets = [2, 0], sizes = [1, 512], strides = [1, 1]} : vector<6x512xf32> to vector<1x512xf32>
    %concatenate3A_181 = tpu.concatenate %slice3A_173, %slice3A_174, %slice3A_175, %slice3A_176, %slice3A_177, %slice3A_178, %slice3A_179, %slice3A_180 in 0 : vector<1x512xf32>, vector<1x512xf32>, vector<1x512xf32>, vector<1x512xf32>, vector<1x512xf32>, vector<1x512xf32>, vector<1x512xf32>, vector<1x512xf32> -> vector<8x512xf32>
    %slice3A_182 = vector.extract_strided_slice %sub3A_3 {offsets = [2, 0], sizes = [1, 256], strides = [1, 1]} : vector<6x256xf32> to vector<1x256xf32>
    %slice3A_183 = vector.extract_strided_slice %sub3A_3 {offsets = [2, 0], sizes = [1, 256], strides = [1, 1]} : vector<6x256xf32> to vector<1x256xf32>
    %mul3A_184 = arith.mulf %slice3A_182, %slice3A_183 : vector<1x256xf32>
    %reduce_sum3A_185 = vector.shape_cast %mul3A_184 : vector<1x256xf32> to vector<1x1x256xf32>
    %reduce_sum3A_186 = arith.constant dense<0.000000e+00> : vector<1xf32>
    %reduce_sum3A_187 = vector.multi_reduction <add>, %reduce_sum3A_185, %reduce_sum3A_186 [1, 2] : vector<1x1x256xf32> to vector<1xf32>
    %reduce_sum3A_188 = vector.shape_cast %reduce_sum3A_187 : vector<1xf32> to vector<1x1x1xf32>
    %reduce_sum3A_189 = vector.extract %reduce_sum3A_188[0, 0, 0] : f32 from vector<1x1x1xf32>
    %mul3A_190 = arith.constant 2.000000e+00 : f32
    %mul3A_191 = vector.broadcast %mul3A_190 : f32 to vector<8x512xf32>
    %mul3A_192 = arith.mulf %mul3A_191, %concatenate3A_181 : vector<8x512xf32>
    %sub3A_193 = vector.broadcast %reduce_sum3A_189 : f32 to vector<8x512xf32>
    %sub3A_194 = arith.subf %sub3A_193, %mul3A_192 : vector<8x512xf32>
    %add3A_195 = arith.addf %sub3A_194, %concatenate3A : vector<8x512xf32>
    %slice3A_196 = vector.extract_strided_slice %dot_general3A_12 {offsets = [3, 0], sizes = [1, 512], strides = [1, 1]} : vector<6x512xf32> to vector<1x512xf32>
    %slice3A_197 = vector.extract_strided_slice %dot_general3A_27 {offsets = [3, 0], sizes = [1, 512], strides = [1, 1]} : vector<6x512xf32> to vector<1x512xf32>
    %slice3A_198 = vector.extract_strided_slice %dot_general3A_43 {offsets = [3, 0], sizes = [1, 512], strides = [1, 1]} : vector<6x512xf32> to vector<1x512xf32>
    %slice3A_199 = vector.extract_strided_slice %dot_general3A_59 {offsets = [3, 0], sizes = [1, 512], strides = [1, 1]} : vector<6x512xf32> to vector<1x512xf32>
    %slice3A_200 = vector.extract_strided_slice %dot_general3A_75 {offsets = [3, 0], sizes = [1, 512], strides = [1, 1]} : vector<6x512xf32> to vector<1x512xf32>
    %slice3A_201 = vector.extract_strided_slice %dot_general3A_91 {offsets = [3, 0], sizes = [1, 512], strides = [1, 1]} : vector<6x512xf32> to vector<1x512xf32>
    %slice3A_202 = vector.extract_strided_slice %dot_general3A_107 {offsets = [3, 0], sizes = [1, 512], strides = [1, 1]} : vector<6x512xf32> to vector<1x512xf32>
    %slice3A_203 = vector.extract_strided_slice %dot_general3A_123 {offsets = [3, 0], sizes = [1, 512], strides = [1, 1]} : vector<6x512xf32> to vector<1x512xf32>
    %concatenate3A_204 = tpu.concatenate %slice3A_196, %slice3A_197, %slice3A_198, %slice3A_199, %slice3A_200, %slice3A_201, %slice3A_202, %slice3A_203 in 0 : vector<1x512xf32>, vector<1x512xf32>, vector<1x512xf32>, vector<1x512xf32>, vector<1x512xf32>, vector<1x512xf32>, vector<1x512xf32>, vector<1x512xf32> -> vector<8x512xf32>
    %slice3A_205 = vector.extract_strided_slice %sub3A_3 {offsets = [3, 0], sizes = [1, 256], strides = [1, 1]} : vector<6x256xf32> to vector<1x256xf32>
    %slice3A_206 = vector.extract_strided_slice %sub3A_3 {offsets = [3, 0], sizes = [1, 256], strides = [1, 1]} : vector<6x256xf32> to vector<1x256xf32>
    %mul3A_207 = arith.mulf %slice3A_205, %slice3A_206 : vector<1x256xf32>
    %reduce_sum3A_208 = vector.shape_cast %mul3A_207 : vector<1x256xf32> to vector<1x1x256xf32>
    %reduce_sum3A_209 = arith.constant dense<0.000000e+00> : vector<1xf32>
    %reduce_sum3A_210 = vector.multi_reduction <add>, %reduce_sum3A_208, %reduce_sum3A_209 [1, 2] : vector<1x1x256xf32> to vector<1xf32>
    %reduce_sum3A_211 = vector.shape_cast %reduce_sum3A_210 : vector<1xf32> to vector<1x1x1xf32>
    %reduce_sum3A_212 = vector.extract %reduce_sum3A_211[0, 0, 0] : f32 from vector<1x1x1xf32>
    %mul3A_213 = arith.constant 2.000000e+00 : f32
    %mul3A_214 = vector.broadcast %mul3A_213 : f32 to vector<8x512xf32>
    %mul3A_215 = arith.mulf %mul3A_214, %concatenate3A_204 : vector<8x512xf32>
    %sub3A_216 = vector.broadcast %reduce_sum3A_212 : f32 to vector<8x512xf32>
    %sub3A_217 = arith.subf %sub3A_216, %mul3A_215 : vector<8x512xf32>
    %add3A_218 = arith.addf %sub3A_217, %concatenate3A : vector<8x512xf32>
    %slice3A_219 = vector.extract_strided_slice %dot_general3A_12 {offsets = [4, 0], sizes = [1, 512], strides = [1, 1]} : vector<6x512xf32> to vector<1x512xf32>
    %slice3A_220 = vector.extract_strided_slice %dot_general3A_27 {offsets = [4, 0], sizes = [1, 512], strides = [1, 1]} : vector<6x512xf32> to vector<1x512xf32>
    %slice3A_221 = vector.extract_strided_slice %dot_general3A_43 {offsets = [4, 0], sizes = [1, 512], strides = [1, 1]} : vector<6x512xf32> to vector<1x512xf32>
    %slice3A_222 = vector.extract_strided_slice %dot_general3A_59 {offsets = [4, 0], sizes = [1, 512], strides = [1, 1]} : vector<6x512xf32> to vector<1x512xf32>
    %slice3A_223 = vector.extract_strided_slice %dot_general3A_75 {offsets = [4, 0], sizes = [1, 512], strides = [1, 1]} : vector<6x512xf32> to vector<1x512xf32>
    %slice3A_224 = vector.extract_strided_slice %dot_general3A_91 {offsets = [4, 0], sizes = [1, 512], strides = [1, 1]} : vector<6x512xf32> to vector<1x512xf32>
    %slice3A_225 = vector.extract_strided_slice %dot_general3A_107 {offsets = [4, 0], sizes = [1, 512], strides = [1, 1]} : vector<6x512xf32> to vector<1x512xf32>
    %slice3A_226 = vector.extract_strided_slice %dot_general3A_123 {offsets = [4, 0], sizes = [1, 512], strides = [1, 1]} : vector<6x512xf32> to vector<1x512xf32>
    %concatenate3A_227 = tpu.concatenate %slice3A_219, %slice3A_220, %slice3A_221, %slice3A_222, %slice3A_223, %slice3A_224, %slice3A_225, %slice3A_226 in 0 : vector<1x512xf32>, vector<1x512xf32>, vector<1x512xf32>, vector<1x512xf32>, vector<1x512xf32>, vector<1x512xf32>, vector<1x512xf32>, vector<1x512xf32> -> vector<8x512xf32>
    %slice3A_228 = vector.extract_strided_slice %sub3A_3 {offsets = [4, 0], sizes = [1, 256], strides = [1, 1]} : vector<6x256xf32> to vector<1x256xf32>
    %slice3A_229 = vector.extract_strided_slice %sub3A_3 {offsets = [4, 0], sizes = [1, 256], strides = [1, 1]} : vector<6x256xf32> to vector<1x256xf32>
    %mul3A_230 = arith.mulf %slice3A_228, %slice3A_229 : vector<1x256xf32>
    %reduce_sum3A_231 = vector.shape_cast %mul3A_230 : vector<1x256xf32> to vector<1x1x256xf32>
    %reduce_sum3A_232 = arith.constant dense<0.000000e+00> : vector<1xf32>
    %reduce_sum3A_233 = vector.multi_reduction <add>, %reduce_sum3A_231, %reduce_sum3A_232 [1, 2] : vector<1x1x256xf32> to vector<1xf32>
    %reduce_sum3A_234 = vector.shape_cast %reduce_sum3A_233 : vector<1xf32> to vector<1x1x1xf32>
    %reduce_sum3A_235 = vector.extract %reduce_sum3A_234[0, 0, 0] : f32 from vector<1x1x1xf32>
    %mul3A_236 = arith.constant 2.000000e+00 : f32
    %mul3A_237 = vector.broadcast %mul3A_236 : f32 to vector<8x512xf32>
    %mul3A_238 = arith.mulf %mul3A_237, %concatenate3A_227 : vector<8x512xf32>
    %sub3A_239 = vector.broadcast %reduce_sum3A_235 : f32 to vector<8x512xf32>
    %sub3A_240 = arith.subf %sub3A_239, %mul3A_238 : vector<8x512xf32>
    %add3A_241 = arith.addf %sub3A_240, %concatenate3A : vector<8x512xf32>
    %slice3A_242 = vector.extract_strided_slice %dot_general3A_12 {offsets = [5, 0], sizes = [1, 512], strides = [1, 1]} : vector<6x512xf32> to vector<1x512xf32>
    %slice3A_243 = vector.extract_strided_slice %dot_general3A_27 {offsets = [5, 0], sizes = [1, 512], strides = [1, 1]} : vector<6x512xf32> to vector<1x512xf32>
    %slice3A_244 = vector.extract_strided_slice %dot_general3A_43 {offsets = [5, 0], sizes = [1, 512], strides = [1, 1]} : vector<6x512xf32> to vector<1x512xf32>
    %slice3A_245 = vector.extract_strided_slice %dot_general3A_59 {offsets = [5, 0], sizes = [1, 512], strides = [1, 1]} : vector<6x512xf32> to vector<1x512xf32>
    %slice3A_246 = vector.extract_strided_slice %dot_general3A_75 {offsets = [5, 0], sizes = [1, 512], strides = [1, 1]} : vector<6x512xf32> to vector<1x512xf32>
    %slice3A_247 = vector.extract_strided_slice %dot_general3A_91 {offsets = [5, 0], sizes = [1, 512], strides = [1, 1]} : vector<6x512xf32> to vector<1x512xf32>
    %slice3A_248 = vector.extract_strided_slice %dot_general3A_107 {offsets = [5, 0], sizes = [1, 512], strides = [1, 1]} : vector<6x512xf32> to vector<1x512xf32>
    %slice3A_249 = vector.extract_strided_slice %dot_general3A_123 {offsets = [5, 0], sizes = [1, 512], strides = [1, 1]} : vector<6x512xf32> to vector<1x512xf32>
    %concatenate3A_250 = tpu.concatenate %slice3A_242, %slice3A_243, %slice3A_244, %slice3A_245, %slice3A_246, %slice3A_247, %slice3A_248, %slice3A_249 in 0 : vector<1x512xf32>, vector<1x512xf32>, vector<1x512xf32>, vector<1x512xf32>, vector<1x512xf32>, vector<1x512xf32>, vector<1x512xf32>, vector<1x512xf32> -> vector<8x512xf32>
    %slice3A_251 = vector.extract_strided_slice %sub3A_3 {offsets = [5, 0], sizes = [1, 256], strides = [1, 1]} : vector<6x256xf32> to vector<1x256xf32>
    %slice3A_252 = vector.extract_strided_slice %sub3A_3 {offsets = [5, 0], sizes = [1, 256], strides = [1, 1]} : vector<6x256xf32> to vector<1x256xf32>
    %mul3A_253 = arith.mulf %slice3A_251, %slice3A_252 : vector<1x256xf32>
    %reduce_sum3A_254 = vector.shape_cast %mul3A_253 : vector<1x256xf32> to vector<1x1x256xf32>
    %reduce_sum3A_255 = arith.constant dense<0.000000e+00> : vector<1xf32>
    %reduce_sum3A_256 = vector.multi_reduction <add>, %reduce_sum3A_254, %reduce_sum3A_255 [1, 2] : vector<1x1x256xf32> to vector<1xf32>
    %reduce_sum3A_257 = vector.shape_cast %reduce_sum3A_256 : vector<1xf32> to vector<1x1x1xf32>
    %reduce_sum3A_258 = vector.extract %reduce_sum3A_257[0, 0, 0] : f32 from vector<1x1x1xf32>
    %mul3A_259 = arith.constant 2.000000e+00 : f32
    %mul3A_260 = vector.broadcast %mul3A_259 : f32 to vector<8x512xf32>
    %mul3A_261 = arith.mulf %mul3A_260, %concatenate3A_250 : vector<8x512xf32>
    %sub3A_262 = vector.broadcast %reduce_sum3A_258 : f32 to vector<8x512xf32>
    %sub3A_263 = arith.subf %sub3A_262, %mul3A_261 : vector<8x512xf32>
    %add3A_264 = arith.addf %sub3A_263, %concatenate3A : vector<8x512xf32>
    %reduce_max3A = vector.shape_cast %add3A : vector<8x512xf32> to vector<1x8x512xf32>
    %reduce_max3A_265 = arith.constant dense<0xFF800000> : vector<1xf32>
    %reduce_max3A_266 = vector.multi_reduction <maximumf>, %reduce_max3A, %reduce_max3A_265 [1, 2] : vector<1x8x512xf32> to vector<1xf32>
    %reduce_max3A_267 = vector.shape_cast %reduce_max3A_266 : vector<1xf32> to vector<1x1x1xf32>
    %reduce_max3A_268 = vector.extract %reduce_max3A_267[0, 0, 0] : f32 from vector<1x1x1xf32>
    %reduce_max3A_269 = vector.shape_cast %add3A_172 : vector<8x512xf32> to vector<1x8x512xf32>
    %reduce_max3A_270 = arith.constant dense<0xFF800000> : vector<1xf32>
    %reduce_max3A_271 = vector.multi_reduction <maximumf>, %reduce_max3A_269, %reduce_max3A_270 [1, 2] : vector<1x8x512xf32> to vector<1xf32>
    %reduce_max3A_272 = vector.shape_cast %reduce_max3A_271 : vector<1xf32> to vector<1x1x1xf32>
    %reduce_max3A_273 = vector.extract %reduce_max3A_272[0, 0, 0] : f32 from vector<1x1x1xf32>
    %max3A = arith.maximumf %reduce_max3A_268, %reduce_max3A_273 : f32
    %reduce_max3A_274 = vector.shape_cast %add3A_195 : vector<8x512xf32> to vector<1x8x512xf32>
    %reduce_max3A_275 = arith.constant dense<0xFF800000> : vector<1xf32>
    %reduce_max3A_276 = vector.multi_reduction <maximumf>, %reduce_max3A_274, %reduce_max3A_275 [1, 2] : vector<1x8x512xf32> to vector<1xf32>
    %reduce_max3A_277 = vector.shape_cast %reduce_max3A_276 : vector<1xf32> to vector<1x1x1xf32>
    %reduce_max3A_278 = vector.extract %reduce_max3A_277[0, 0, 0] : f32 from vector<1x1x1xf32>
    %max3A_279 = arith.maximumf %max3A, %reduce_max3A_278 : f32
    %reduce_max3A_280 = vector.shape_cast %add3A_218 : vector<8x512xf32> to vector<1x8x512xf32>
    %reduce_max3A_281 = arith.constant dense<0xFF800000> : vector<1xf32>
    %reduce_max3A_282 = vector.multi_reduction <maximumf>, %reduce_max3A_280, %reduce_max3A_281 [1, 2] : vector<1x8x512xf32> to vector<1xf32>
    %reduce_max3A_283 = vector.shape_cast %reduce_max3A_282 : vector<1xf32> to vector<1x1x1xf32>
    %reduce_max3A_284 = vector.extract %reduce_max3A_283[0, 0, 0] : f32 from vector<1x1x1xf32>
    %max3A_285 = arith.maximumf %max3A_279, %reduce_max3A_284 : f32
    %reduce_max3A_286 = vector.shape_cast %add3A_241 : vector<8x512xf32> to vector<1x8x512xf32>
    %reduce_max3A_287 = arith.constant dense<0xFF800000> : vector<1xf32>
    %reduce_max3A_288 = vector.multi_reduction <maximumf>, %reduce_max3A_286, %reduce_max3A_287 [1, 2] : vector<1x8x512xf32> to vector<1xf32>
    %reduce_max3A_289 = vector.shape_cast %reduce_max3A_288 : vector<1xf32> to vector<1x1x1xf32>
    %reduce_max3A_290 = vector.extract %reduce_max3A_289[0, 0, 0] : f32 from vector<1x1x1xf32>
    %max3A_291 = arith.maximumf %max3A_285, %reduce_max3A_290 : f32
    %reduce_max3A_292 = vector.shape_cast %add3A_264 : vector<8x512xf32> to vector<1x8x512xf32>
    %reduce_max3A_293 = arith.constant dense<0xFF800000> : vector<1xf32>
    %reduce_max3A_294 = vector.multi_reduction <maximumf>, %reduce_max3A_292, %reduce_max3A_293 [1, 2] : vector<1x8x512xf32> to vector<1xf32>
    %reduce_max3A_295 = vector.shape_cast %reduce_max3A_294 : vector<1xf32> to vector<1x1x1xf32>
    %reduce_max3A_296 = vector.extract %reduce_max3A_295[0, 0, 0] : f32 from vector<1x1x1xf32>
    %max3A_297 = arith.maximumf %max3A_291, %reduce_max3A_296 : f32
    %mul3A_298 = arith.constant 1.000000e-01 : f32
    %mul3A_299 = arith.mulf %mul3A_298, %max3A_297 : f32
    %div3A = arith.constant -1.000000e+00 : f32
    %div3A_300 = arith.divf %div3A, %mul3A_299 : f32
    %mul3A_301 = vector.broadcast %div3A_300 : f32 to vector<8x512xf32>
    %mul3A_302 = arith.mulf %add3A, %mul3A_301 : vector<8x512xf32>
    %exp3A = math.exp %mul3A_302 : vector<8x512xf32>
    %mul3A_303 = vector.broadcast %div3A_300 : f32 to vector<8x512xf32>
    %mul3A_304 = arith.mulf %add3A_172, %mul3A_303 : vector<8x512xf32>
    %exp3A_305 = math.exp %mul3A_304 : vector<8x512xf32>
    %mul3A_306 = vector.broadcast %div3A_300 : f32 to vector<8x512xf32>
    %mul3A_307 = arith.mulf %add3A_195, %mul3A_306 : vector<8x512xf32>
    %exp3A_308 = math.exp %mul3A_307 : vector<8x512xf32>
    %mul3A_309 = vector.broadcast %div3A_300 : f32 to vector<8x512xf32>
    %mul3A_310 = arith.mulf %add3A_218, %mul3A_309 : vector<8x512xf32>
    %exp3A_311 = math.exp %mul3A_310 : vector<8x512xf32>
    %mul3A_312 = vector.broadcast %div3A_300 : f32 to vector<8x512xf32>
    %mul3A_313 = arith.mulf %add3A_241, %mul3A_312 : vector<8x512xf32>
    %exp3A_314 = math.exp %mul3A_313 : vector<8x512xf32>
    %mul3A_315 = vector.broadcast %div3A_300 : f32 to vector<8x512xf32>
    %mul3A_316 = arith.mulf %add3A_264, %mul3A_315 : vector<8x512xf32>
    %exp3A_317 = math.exp %mul3A_316 : vector<8x512xf32>
    %broadcast_in_dim3A_318 = arith.constant 2.44140625E-4 : f32
    %broadcast_in_dim3A_319 = vector.broadcast %broadcast_in_dim3A_318 : f32 to vector<8x512xf32>
    %broadcast_in_dim3A_320 = arith.constant 0.166666672 : f32
    %broadcast_in_dim3A_321 = vector.broadcast %broadcast_in_dim3A_320 : f32 to vector<1x1xf32>
    %broadcast_in_dim3A_322 = arith.constant 0.166666672 : f32
    %broadcast_in_dim3A_323 = vector.broadcast %broadcast_in_dim3A_322 : f32 to vector<1x1xf32>
    %broadcast_in_dim3A_324 = arith.constant 0.166666672 : f32
    %broadcast_in_dim3A_325 = vector.broadcast %broadcast_in_dim3A_324 : f32 to vector<1x1xf32>
    %broadcast_in_dim3A_326 = arith.constant 0.166666672 : f32
    %broadcast_in_dim3A_327 = vector.broadcast %broadcast_in_dim3A_326 : f32 to vector<1x1xf32>
    %broadcast_in_dim3A_328 = arith.constant 0.166666672 : f32
    %broadcast_in_dim3A_329 = vector.broadcast %broadcast_in_dim3A_328 : f32 to vector<1x1xf32>
    %broadcast_in_dim3A_330 = arith.constant 0.166666672 : f32
    %broadcast_in_dim3A_331 = vector.broadcast %broadcast_in_dim3A_330 : f32 to vector<1x1xf32>
    %scan3A = arith.constant 0 : i32
    %scan3A_332 = arith.constant 100 : i32
    %scan3A_333 = arith.addi %scan3A, %scan3A_332 : i32
    %scan3A_334 = arith.constant 1 : i32
    %scan3A_335:7 = scf.for %scan3A_636 = %scan3A to %scan3A_333 step %scan3A_334 iter_args(%scan3A_637 = %broadcast_in_dim3A_319, %scan3A_638 = %broadcast_in_dim3A_321, %scan3A_639 = %broadcast_in_dim3A_323, %scan3A_640 = %broadcast_in_dim3A_325, %scan3A_641 = %broadcast_in_dim3A_327, %scan3A_642 = %broadcast_in_dim3A_329, %scan3A_643 = %broadcast_in_dim3A_331) -> (vector<8x512xf32>, vector<1x1xf32>, vector<1x1xf32>, vector<1x1xf32>, vector<1x1xf32>, vector<1x1xf32>, vector<1x1xf32>)  : i32 {
      %mul3A_644 = vector.broadcast %scan3A_638 : vector<1x1xf32> to vector<8x512xf32>
      %mul3A_645 = arith.mulf %exp3A, %mul3A_644 : vector<8x512xf32>
      %mul3A_646 = vector.broadcast %scan3A_639 : vector<1x1xf32> to vector<8x512xf32>
      %mul3A_647 = arith.mulf %exp3A_305, %mul3A_646 : vector<8x512xf32>
      %add3A_648 = arith.addf %mul3A_645, %mul3A_647 : vector<8x512xf32>
      %mul3A_649 = vector.broadcast %scan3A_640 : vector<1x1xf32> to vector<8x512xf32>
      %mul3A_650 = arith.mulf %exp3A_308, %mul3A_649 : vector<8x512xf32>
      %add3A_651 = arith.addf %add3A_648, %mul3A_650 : vector<8x512xf32>
      %mul3A_652 = vector.broadcast %scan3A_641 : vector<1x1xf32> to vector<8x512xf32>
      %mul3A_653 = arith.mulf %exp3A_311, %mul3A_652 : vector<8x512xf32>
      %add3A_654 = arith.addf %add3A_651, %mul3A_653 : vector<8x512xf32>
      %mul3A_655 = vector.broadcast %scan3A_642 : vector<1x1xf32> to vector<8x512xf32>
      %mul3A_656 = arith.mulf %exp3A_314, %mul3A_655 : vector<8x512xf32>
      %add3A_657 = arith.addf %add3A_654, %mul3A_656 : vector<8x512xf32>
      %mul3A_658 = vector.broadcast %scan3A_643 : vector<1x1xf32> to vector<8x512xf32>
      %mul3A_659 = arith.mulf %exp3A_317, %mul3A_658 : vector<8x512xf32>
      %add3A_660 = arith.addf %add3A_657, %mul3A_659 : vector<8x512xf32>
      %add3A_661 = arith.constant 1.000000e-16 : f32
      %add3A_662 = vector.broadcast %add3A_661 : f32 to vector<8x512xf32>
      %add3A_663 = arith.addf %add3A_660, %add3A_662 : vector<8x512xf32>
      %log3A = math.log %add3A_663 : vector<8x512xf32>
      %mul3A_664 = arith.constant -0.833333313 : f32
      %mul3A_665 = vector.broadcast %mul3A_664 : f32 to vector<8x512xf32>
      %mul3A_666 = arith.mulf %mul3A_665, %log3A : vector<8x512xf32>
      %exp3A_667 = math.exp %mul3A_666 : vector<8x512xf32>
      %mul3A_668 = arith.constant 9.765625E-4 : f32
      %mul3A_669 = vector.broadcast %mul3A_668 : f32 to vector<8x512xf32>
      %mul3A_670 = arith.mulf %mul3A_669, %exp3A_667 : vector<8x512xf32>
      %mul3A_671 = arith.mulf %exp3A, %mul3A_670 : vector<8x512xf32>
      %reduce_sum3A_672 = arith.constant dense<0.000000e+00> : vector<8xf32>
      %reduce_sum3A_673 = vector.multi_reduction <add>, %mul3A_671, %reduce_sum3A_672 [1] : vector<8x512xf32> to vector<8xf32>
      %broadcast_in_dim3A_674 = vector.shape_cast %reduce_sum3A_673 : vector<8xf32> to vector<8x1xf32>
      %reduce_sum3A_675 = arith.constant dense<0.000000e+00> : vector<1xf32>
      %reduce_sum3A_676 = vector.multi_reduction <add>, %broadcast_in_dim3A_674, %reduce_sum3A_675 [0] : vector<8x1xf32> to vector<1xf32>
      %broadcast_in_dim3A_677 = vector.shape_cast %reduce_sum3A_676 : vector<1xf32> to vector<1x1xf32>
      %add3A_678 = arith.constant 1.000000e-16 : f32
      %add3A_679 = vector.broadcast %add3A_678 : f32 to vector<1x1xf32>
      %add3A_680 = arith.addf %broadcast_in_dim3A_677, %add3A_679 : vector<1x1xf32>
      %log3A_681 = math.log %add3A_680 : vector<1x1xf32>
      %mul3A_682 = arith.constant -0.833333313 : f32
      %mul3A_683 = vector.broadcast %mul3A_682 : f32 to vector<1x1xf32>
      %mul3A_684 = arith.mulf %mul3A_683, %log3A_681 : vector<1x1xf32>
      %exp3A_685 = math.exp %mul3A_684 : vector<1x1xf32>
      %mul3A_686 = arith.constant 0.224667698 : f32
      %mul3A_687 = vector.broadcast %mul3A_686 : f32 to vector<1x1xf32>
      %mul3A_688 = arith.mulf %mul3A_687, %exp3A_685 : vector<1x1xf32>
      %mul3A_689 = arith.mulf %exp3A_305, %mul3A_670 : vector<8x512xf32>
      %reduce_sum3A_690 = arith.constant dense<0.000000e+00> : vector<8xf32>
      %reduce_sum3A_691 = vector.multi_reduction <add>, %mul3A_689, %reduce_sum3A_690 [1] : vector<8x512xf32> to vector<8xf32>
      %broadcast_in_dim3A_692 = vector.shape_cast %reduce_sum3A_691 : vector<8xf32> to vector<8x1xf32>
      %reduce_sum3A_693 = arith.constant dense<0.000000e+00> : vector<1xf32>
      %reduce_sum3A_694 = vector.multi_reduction <add>, %broadcast_in_dim3A_692, %reduce_sum3A_693 [0] : vector<8x1xf32> to vector<1xf32>
      %broadcast_in_dim3A_695 = vector.shape_cast %reduce_sum3A_694 : vector<1xf32> to vector<1x1xf32>
      %add3A_696 = arith.constant 1.000000e-16 : f32
      %add3A_697 = vector.broadcast %add3A_696 : f32 to vector<1x1xf32>
      %add3A_698 = arith.addf %broadcast_in_dim3A_695, %add3A_697 : vector<1x1xf32>
      %log3A_699 = math.log %add3A_698 : vector<1x1xf32>
      %mul3A_700 = arith.constant -0.833333313 : f32
      %mul3A_701 = vector.broadcast %mul3A_700 : f32 to vector<1x1xf32>
      %mul3A_702 = arith.mulf %mul3A_701, %log3A_699 : vector<1x1xf32>
      %exp3A_703 = math.exp %mul3A_702 : vector<1x1xf32>
      %mul3A_704 = arith.constant 0.224667698 : f32
      %mul3A_705 = vector.broadcast %mul3A_704 : f32 to vector<1x1xf32>
      %mul3A_706 = arith.mulf %mul3A_705, %exp3A_703 : vector<1x1xf32>
      %mul3A_707 = arith.mulf %exp3A_308, %mul3A_670 : vector<8x512xf32>
      %reduce_sum3A_708 = arith.constant dense<0.000000e+00> : vector<8xf32>
      %reduce_sum3A_709 = vector.multi_reduction <add>, %mul3A_707, %reduce_sum3A_708 [1] : vector<8x512xf32> to vector<8xf32>
      %broadcast_in_dim3A_710 = vector.shape_cast %reduce_sum3A_709 : vector<8xf32> to vector<8x1xf32>
      %reduce_sum3A_711 = arith.constant dense<0.000000e+00> : vector<1xf32>
      %reduce_sum3A_712 = vector.multi_reduction <add>, %broadcast_in_dim3A_710, %reduce_sum3A_711 [0] : vector<8x1xf32> to vector<1xf32>
      %broadcast_in_dim3A_713 = vector.shape_cast %reduce_sum3A_712 : vector<1xf32> to vector<1x1xf32>
      %add3A_714 = arith.constant 1.000000e-16 : f32
      %add3A_715 = vector.broadcast %add3A_714 : f32 to vector<1x1xf32>
      %add3A_716 = arith.addf %broadcast_in_dim3A_713, %add3A_715 : vector<1x1xf32>
      %log3A_717 = math.log %add3A_716 : vector<1x1xf32>
      %mul3A_718 = arith.constant -0.833333313 : f32
      %mul3A_719 = vector.broadcast %mul3A_718 : f32 to vector<1x1xf32>
      %mul3A_720 = arith.mulf %mul3A_719, %log3A_717 : vector<1x1xf32>
      %exp3A_721 = math.exp %mul3A_720 : vector<1x1xf32>
      %mul3A_722 = arith.constant 0.224667698 : f32
      %mul3A_723 = vector.broadcast %mul3A_722 : f32 to vector<1x1xf32>
      %mul3A_724 = arith.mulf %mul3A_723, %exp3A_721 : vector<1x1xf32>
      %mul3A_725 = arith.mulf %exp3A_311, %mul3A_670 : vector<8x512xf32>
      %reduce_sum3A_726 = arith.constant dense<0.000000e+00> : vector<8xf32>
      %reduce_sum3A_727 = vector.multi_reduction <add>, %mul3A_725, %reduce_sum3A_726 [1] : vector<8x512xf32> to vector<8xf32>
      %broadcast_in_dim3A_728 = vector.shape_cast %reduce_sum3A_727 : vector<8xf32> to vector<8x1xf32>
      %reduce_sum3A_729 = arith.constant dense<0.000000e+00> : vector<1xf32>
      %reduce_sum3A_730 = vector.multi_reduction <add>, %broadcast_in_dim3A_728, %reduce_sum3A_729 [0] : vector<8x1xf32> to vector<1xf32>
      %broadcast_in_dim3A_731 = vector.shape_cast %reduce_sum3A_730 : vector<1xf32> to vector<1x1xf32>
      %add3A_732 = arith.constant 1.000000e-16 : f32
      %add3A_733 = vector.broadcast %add3A_732 : f32 to vector<1x1xf32>
      %add3A_734 = arith.addf %broadcast_in_dim3A_731, %add3A_733 : vector<1x1xf32>
      %log3A_735 = math.log %add3A_734 : vector<1x1xf32>
      %mul3A_736 = arith.constant -0.833333313 : f32
      %mul3A_737 = vector.broadcast %mul3A_736 : f32 to vector<1x1xf32>
      %mul3A_738 = arith.mulf %mul3A_737, %log3A_735 : vector<1x1xf32>
      %exp3A_739 = math.exp %mul3A_738 : vector<1x1xf32>
      %mul3A_740 = arith.constant 0.224667698 : f32
      %mul3A_741 = vector.broadcast %mul3A_740 : f32 to vector<1x1xf32>
      %mul3A_742 = arith.mulf %mul3A_741, %exp3A_739 : vector<1x1xf32>
      %mul3A_743 = arith.mulf %exp3A_314, %mul3A_670 : vector<8x512xf32>
      %reduce_sum3A_744 = arith.constant dense<0.000000e+00> : vector<8xf32>
      %reduce_sum3A_745 = vector.multi_reduction <add>, %mul3A_743, %reduce_sum3A_744 [1] : vector<8x512xf32> to vector<8xf32>
      %broadcast_in_dim3A_746 = vector.shape_cast %reduce_sum3A_745 : vector<8xf32> to vector<8x1xf32>
      %reduce_sum3A_747 = arith.constant dense<0.000000e+00> : vector<1xf32>
      %reduce_sum3A_748 = vector.multi_reduction <add>, %broadcast_in_dim3A_746, %reduce_sum3A_747 [0] : vector<8x1xf32> to vector<1xf32>
      %broadcast_in_dim3A_749 = vector.shape_cast %reduce_sum3A_748 : vector<1xf32> to vector<1x1xf32>
      %add3A_750 = arith.constant 1.000000e-16 : f32
      %add3A_751 = vector.broadcast %add3A_750 : f32 to vector<1x1xf32>
      %add3A_752 = arith.addf %broadcast_in_dim3A_749, %add3A_751 : vector<1x1xf32>
      %log3A_753 = math.log %add3A_752 : vector<1x1xf32>
      %mul3A_754 = arith.constant -0.833333313 : f32
      %mul3A_755 = vector.broadcast %mul3A_754 : f32 to vector<1x1xf32>
      %mul3A_756 = arith.mulf %mul3A_755, %log3A_753 : vector<1x1xf32>
      %exp3A_757 = math.exp %mul3A_756 : vector<1x1xf32>
      %mul3A_758 = arith.constant 0.224667698 : f32
      %mul3A_759 = vector.broadcast %mul3A_758 : f32 to vector<1x1xf32>
      %mul3A_760 = arith.mulf %mul3A_759, %exp3A_757 : vector<1x1xf32>
      %mul3A_761 = arith.mulf %exp3A_317, %mul3A_670 : vector<8x512xf32>
      %reduce_sum3A_762 = arith.constant dense<0.000000e+00> : vector<8xf32>
      %reduce_sum3A_763 = vector.multi_reduction <add>, %mul3A_761, %reduce_sum3A_762 [1] : vector<8x512xf32> to vector<8xf32>
      %broadcast_in_dim3A_764 = vector.shape_cast %reduce_sum3A_763 : vector<8xf32> to vector<8x1xf32>
      %reduce_sum3A_765 = arith.constant dense<0.000000e+00> : vector<1xf32>
      %reduce_sum3A_766 = vector.multi_reduction <add>, %broadcast_in_dim3A_764, %reduce_sum3A_765 [0] : vector<8x1xf32> to vector<1xf32>
      %broadcast_in_dim3A_767 = vector.shape_cast %reduce_sum3A_766 : vector<1xf32> to vector<1x1xf32>
      %add3A_768 = arith.constant 1.000000e-16 : f32
      %add3A_769 = vector.broadcast %add3A_768 : f32 to vector<1x1xf32>
      %add3A_770 = arith.addf %broadcast_in_dim3A_767, %add3A_769 : vector<1x1xf32>
      %log3A_771 = math.log %add3A_770 : vector<1x1xf32>
      %mul3A_772 = arith.constant -0.833333313 : f32
      %mul3A_773 = vector.broadcast %mul3A_772 : f32 to vector<1x1xf32>
      %mul3A_774 = arith.mulf %mul3A_773, %log3A_771 : vector<1x1xf32>
      %exp3A_775 = math.exp %mul3A_774 : vector<1x1xf32>
      %mul3A_776 = arith.constant 0.224667698 : f32
      %mul3A_777 = vector.broadcast %mul3A_776 : f32 to vector<1x1xf32>
      %mul3A_778 = arith.mulf %mul3A_777, %exp3A_775 : vector<1x1xf32>
      scf.yield %mul3A_670, %mul3A_688, %mul3A_706, %mul3A_724, %mul3A_742, %mul3A_760, %mul3A_778 : vector<8x512xf32>, vector<1x1xf32>, vector<1x1xf32>, vector<1x1xf32>, vector<1x1xf32>, vector<1x1xf32>, vector<1x1xf32>
    }
    %broadcast_in_dim3A_336 = arith.constant 0.000000e+00 : f32
    %broadcast_in_dim3A_337 = vector.broadcast %broadcast_in_dim3A_336 : f32 to vector<6x256xf32>
    %slice3A_338 = vector.extract_strided_slice %exp3A {offsets = [0, 0], sizes = [1, 512], strides = [1, 1]} : vector<8x512xf32> to vector<1x512xf32>
    %slice3A_339 = vector.extract_strided_slice %scan3A_335#0 {offsets = [0, 0], sizes = [1, 512], strides = [1, 1]} : vector<8x512xf32> to vector<1x512xf32>
    %mul3A_340 = vector.broadcast %scan3A_335#1 : vector<1x1xf32> to vector<1x512xf32>
    %mul3A_341 = arith.mulf %slice3A_339, %mul3A_340 : vector<1x512xf32>
    %mul3A_342 = arith.mulf %slice3A_338, %mul3A_341 : vector<1x512xf32>
    %slice3A_343 = vector.extract_strided_slice %exp3A_305 {offsets = [0, 0], sizes = [1, 512], strides = [1, 1]} : vector<8x512xf32> to vector<1x512xf32>
    %slice3A_344 = vector.extract_strided_slice %scan3A_335#0 {offsets = [0, 0], sizes = [1, 512], strides = [1, 1]} : vector<8x512xf32> to vector<1x512xf32>
    %mul3A_345 = vector.broadcast %scan3A_335#2 : vector<1x1xf32> to vector<1x512xf32>
    %mul3A_346 = arith.mulf %slice3A_344, %mul3A_345 : vector<1x512xf32>
    %mul3A_347 = arith.mulf %slice3A_343, %mul3A_346 : vector<1x512xf32>
    %slice3A_348 = vector.extract_strided_slice %exp3A_308 {offsets = [0, 0], sizes = [1, 512], strides = [1, 1]} : vector<8x512xf32> to vector<1x512xf32>
    %slice3A_349 = vector.extract_strided_slice %scan3A_335#0 {offsets = [0, 0], sizes = [1, 512], strides = [1, 1]} : vector<8x512xf32> to vector<1x512xf32>
    %mul3A_350 = vector.broadcast %scan3A_335#3 : vector<1x1xf32> to vector<1x512xf32>
    %mul3A_351 = arith.mulf %slice3A_349, %mul3A_350 : vector<1x512xf32>
    %mul3A_352 = arith.mulf %slice3A_348, %mul3A_351 : vector<1x512xf32>
    %slice3A_353 = vector.extract_strided_slice %exp3A_311 {offsets = [0, 0], sizes = [1, 512], strides = [1, 1]} : vector<8x512xf32> to vector<1x512xf32>
    %slice3A_354 = vector.extract_strided_slice %scan3A_335#0 {offsets = [0, 0], sizes = [1, 512], strides = [1, 1]} : vector<8x512xf32> to vector<1x512xf32>
    %mul3A_355 = vector.broadcast %scan3A_335#4 : vector<1x1xf32> to vector<1x512xf32>
    %mul3A_356 = arith.mulf %slice3A_354, %mul3A_355 : vector<1x512xf32>
    %mul3A_357 = arith.mulf %slice3A_353, %mul3A_356 : vector<1x512xf32>
    %slice3A_358 = vector.extract_strided_slice %exp3A_314 {offsets = [0, 0], sizes = [1, 512], strides = [1, 1]} : vector<8x512xf32> to vector<1x512xf32>
    %slice3A_359 = vector.extract_strided_slice %scan3A_335#0 {offsets = [0, 0], sizes = [1, 512], strides = [1, 1]} : vector<8x512xf32> to vector<1x512xf32>
    %mul3A_360 = vector.broadcast %scan3A_335#5 : vector<1x1xf32> to vector<1x512xf32>
    %mul3A_361 = arith.mulf %slice3A_359, %mul3A_360 : vector<1x512xf32>
    %mul3A_362 = arith.mulf %slice3A_358, %mul3A_361 : vector<1x512xf32>
    %slice3A_363 = vector.extract_strided_slice %exp3A_317 {offsets = [0, 0], sizes = [1, 512], strides = [1, 1]} : vector<8x512xf32> to vector<1x512xf32>
    %slice3A_364 = vector.extract_strided_slice %scan3A_335#0 {offsets = [0, 0], sizes = [1, 512], strides = [1, 1]} : vector<8x512xf32> to vector<1x512xf32>
    %mul3A_365 = vector.broadcast %scan3A_335#6 : vector<1x1xf32> to vector<1x512xf32>
    %mul3A_366 = arith.mulf %slice3A_364, %mul3A_365 : vector<1x512xf32>
    %mul3A_367 = arith.mulf %slice3A_363, %mul3A_366 : vector<1x512xf32>
    %concatenate3A_368 = tpu.concatenate %mul3A_342, %mul3A_347, %mul3A_352, %mul3A_357, %mul3A_362, %mul3A_367 in 0 : vector<1x512xf32>, vector<1x512xf32>, vector<1x512xf32>, vector<1x512xf32>, vector<1x512xf32>, vector<1x512xf32> -> vector<6x512xf32>
    %get3A_369 = arith.constant 0 : index
    %get3A_370 = arith.constant 0 : index
    %get3A_371 = vector.load %arg0[%get3A_369, %get3A_370] : memref<4096x256xf32, #tpu.memory_space<vmem>>, vector<512x256xf32>
    %dot_general3A_372 = arith.constant dense<0.000000e+00> : vector<6x256xf32>
    %dot_general3A_373 = tpu.matmul %concatenate3A_368, %get3A_371, %dot_general3A_372 {dimension_numbers = #tpu.dot_dimension_numbers<[1], [0], [0], [1], [0, 0, 1, 1], [], []>, transpose_lhs_hint = false} : vector<6x512xf32>, vector<512x256xf32>, vector<6x256xf32> -> vector<6x256xf32>
    %add3A_374 = arith.addf %broadcast_in_dim3A_337, %dot_general3A_373 : vector<6x256xf32>
    %slice3A_375 = vector.extract_strided_slice %exp3A {offsets = [1, 0], sizes = [1, 512], strides = [1, 1]} : vector<8x512xf32> to vector<1x512xf32>
    %slice3A_376 = vector.extract_strided_slice %scan3A_335#0 {offsets = [1, 0], sizes = [1, 512], strides = [1, 1]} : vector<8x512xf32> to vector<1x512xf32>
    %mul3A_377 = vector.broadcast %scan3A_335#1 : vector<1x1xf32> to vector<1x512xf32>
    %mul3A_378 = arith.mulf %slice3A_376, %mul3A_377 : vector<1x512xf32>
    %mul3A_379 = arith.mulf %slice3A_375, %mul3A_378 : vector<1x512xf32>
    %slice3A_380 = vector.extract_strided_slice %exp3A_305 {offsets = [1, 0], sizes = [1, 512], strides = [1, 1]} : vector<8x512xf32> to vector<1x512xf32>
    %slice3A_381 = vector.extract_strided_slice %scan3A_335#0 {offsets = [1, 0], sizes = [1, 512], strides = [1, 1]} : vector<8x512xf32> to vector<1x512xf32>
    %mul3A_382 = vector.broadcast %scan3A_335#2 : vector<1x1xf32> to vector<1x512xf32>
    %mul3A_383 = arith.mulf %slice3A_381, %mul3A_382 : vector<1x512xf32>
    %mul3A_384 = arith.mulf %slice3A_380, %mul3A_383 : vector<1x512xf32>
    %slice3A_385 = vector.extract_strided_slice %exp3A_308 {offsets = [1, 0], sizes = [1, 512], strides = [1, 1]} : vector<8x512xf32> to vector<1x512xf32>
    %slice3A_386 = vector.extract_strided_slice %scan3A_335#0 {offsets = [1, 0], sizes = [1, 512], strides = [1, 1]} : vector<8x512xf32> to vector<1x512xf32>
    %mul3A_387 = vector.broadcast %scan3A_335#3 : vector<1x1xf32> to vector<1x512xf32>
    %mul3A_388 = arith.mulf %slice3A_386, %mul3A_387 : vector<1x512xf32>
    %mul3A_389 = arith.mulf %slice3A_385, %mul3A_388 : vector<1x512xf32>
    %slice3A_390 = vector.extract_strided_slice %exp3A_311 {offsets = [1, 0], sizes = [1, 512], strides = [1, 1]} : vector<8x512xf32> to vector<1x512xf32>
    %slice3A_391 = vector.extract_strided_slice %scan3A_335#0 {offsets = [1, 0], sizes = [1, 512], strides = [1, 1]} : vector<8x512xf32> to vector<1x512xf32>
    %mul3A_392 = vector.broadcast %scan3A_335#4 : vector<1x1xf32> to vector<1x512xf32>
    %mul3A_393 = arith.mulf %slice3A_391, %mul3A_392 : vector<1x512xf32>
    %mul3A_394 = arith.mulf %slice3A_390, %mul3A_393 : vector<1x512xf32>
    %slice3A_395 = vector.extract_strided_slice %exp3A_314 {offsets = [1, 0], sizes = [1, 512], strides = [1, 1]} : vector<8x512xf32> to vector<1x512xf32>
    %slice3A_396 = vector.extract_strided_slice %scan3A_335#0 {offsets = [1, 0], sizes = [1, 512], strides = [1, 1]} : vector<8x512xf32> to vector<1x512xf32>
    %mul3A_397 = vector.broadcast %scan3A_335#5 : vector<1x1xf32> to vector<1x512xf32>
    %mul3A_398 = arith.mulf %slice3A_396, %mul3A_397 : vector<1x512xf32>
    %mul3A_399 = arith.mulf %slice3A_395, %mul3A_398 : vector<1x512xf32>
    %slice3A_400 = vector.extract_strided_slice %exp3A_317 {offsets = [1, 0], sizes = [1, 512], strides = [1, 1]} : vector<8x512xf32> to vector<1x512xf32>
    %slice3A_401 = vector.extract_strided_slice %scan3A_335#0 {offsets = [1, 0], sizes = [1, 512], strides = [1, 1]} : vector<8x512xf32> to vector<1x512xf32>
    %mul3A_402 = vector.broadcast %scan3A_335#6 : vector<1x1xf32> to vector<1x512xf32>
    %mul3A_403 = arith.mulf %slice3A_401, %mul3A_402 : vector<1x512xf32>
    %mul3A_404 = arith.mulf %slice3A_400, %mul3A_403 : vector<1x512xf32>
    %concatenate3A_405 = tpu.concatenate %mul3A_379, %mul3A_384, %mul3A_389, %mul3A_394, %mul3A_399, %mul3A_404 in 0 : vector<1x512xf32>, vector<1x512xf32>, vector<1x512xf32>, vector<1x512xf32>, vector<1x512xf32>, vector<1x512xf32> -> vector<6x512xf32>
    %get3A_406 = arith.constant 512 : index
    %get3A_407 = arith.constant 0 : index
    %get3A_408 = vector.load %arg0[%get3A_406, %get3A_407] : memref<4096x256xf32, #tpu.memory_space<vmem>>, vector<512x256xf32>
    %dot_general3A_409 = arith.constant dense<0.000000e+00> : vector<6x256xf32>
    %dot_general3A_410 = tpu.matmul %concatenate3A_405, %get3A_408, %dot_general3A_409 {dimension_numbers = #tpu.dot_dimension_numbers<[1], [0], [0], [1], [0, 0, 1, 1], [], []>, transpose_lhs_hint = false} : vector<6x512xf32>, vector<512x256xf32>, vector<6x256xf32> -> vector<6x256xf32>
    %add3A_411 = arith.addf %add3A_374, %dot_general3A_410 : vector<6x256xf32>
    %slice3A_412 = vector.extract_strided_slice %exp3A {offsets = [2, 0], sizes = [1, 512], strides = [1, 1]} : vector<8x512xf32> to vector<1x512xf32>
    %slice3A_413 = vector.extract_strided_slice %scan3A_335#0 {offsets = [2, 0], sizes = [1, 512], strides = [1, 1]} : vector<8x512xf32> to vector<1x512xf32>
    %mul3A_414 = vector.broadcast %scan3A_335#1 : vector<1x1xf32> to vector<1x512xf32>
    %mul3A_415 = arith.mulf %slice3A_413, %mul3A_414 : vector<1x512xf32>
    %mul3A_416 = arith.mulf %slice3A_412, %mul3A_415 : vector<1x512xf32>
    %slice3A_417 = vector.extract_strided_slice %exp3A_305 {offsets = [2, 0], sizes = [1, 512], strides = [1, 1]} : vector<8x512xf32> to vector<1x512xf32>
    %slice3A_418 = vector.extract_strided_slice %scan3A_335#0 {offsets = [2, 0], sizes = [1, 512], strides = [1, 1]} : vector<8x512xf32> to vector<1x512xf32>
    %mul3A_419 = vector.broadcast %scan3A_335#2 : vector<1x1xf32> to vector<1x512xf32>
    %mul3A_420 = arith.mulf %slice3A_418, %mul3A_419 : vector<1x512xf32>
    %mul3A_421 = arith.mulf %slice3A_417, %mul3A_420 : vector<1x512xf32>
    %slice3A_422 = vector.extract_strided_slice %exp3A_308 {offsets = [2, 0], sizes = [1, 512], strides = [1, 1]} : vector<8x512xf32> to vector<1x512xf32>
    %slice3A_423 = vector.extract_strided_slice %scan3A_335#0 {offsets = [2, 0], sizes = [1, 512], strides = [1, 1]} : vector<8x512xf32> to vector<1x512xf32>
    %mul3A_424 = vector.broadcast %scan3A_335#3 : vector<1x1xf32> to vector<1x512xf32>
    %mul3A_425 = arith.mulf %slice3A_423, %mul3A_424 : vector<1x512xf32>
    %mul3A_426 = arith.mulf %slice3A_422, %mul3A_425 : vector<1x512xf32>
    %slice3A_427 = vector.extract_strided_slice %exp3A_311 {offsets = [2, 0], sizes = [1, 512], strides = [1, 1]} : vector<8x512xf32> to vector<1x512xf32>
    %slice3A_428 = vector.extract_strided_slice %scan3A_335#0 {offsets = [2, 0], sizes = [1, 512], strides = [1, 1]} : vector<8x512xf32> to vector<1x512xf32>
    %mul3A_429 = vector.broadcast %scan3A_335#4 : vector<1x1xf32> to vector<1x512xf32>
    %mul3A_430 = arith.mulf %slice3A_428, %mul3A_429 : vector<1x512xf32>
    %mul3A_431 = arith.mulf %slice3A_427, %mul3A_430 : vector<1x512xf32>
    %slice3A_432 = vector.extract_strided_slice %exp3A_314 {offsets = [2, 0], sizes = [1, 512], strides = [1, 1]} : vector<8x512xf32> to vector<1x512xf32>
    %slice3A_433 = vector.extract_strided_slice %scan3A_335#0 {offsets = [2, 0], sizes = [1, 512], strides = [1, 1]} : vector<8x512xf32> to vector<1x512xf32>
    %mul3A_434 = vector.broadcast %scan3A_335#5 : vector<1x1xf32> to vector<1x512xf32>
    %mul3A_435 = arith.mulf %slice3A_433, %mul3A_434 : vector<1x512xf32>
    %mul3A_436 = arith.mulf %slice3A_432, %mul3A_435 : vector<1x512xf32>
    %slice3A_437 = vector.extract_strided_slice %exp3A_317 {offsets = [2, 0], sizes = [1, 512], strides = [1, 1]} : vector<8x512xf32> to vector<1x512xf32>
    %slice3A_438 = vector.extract_strided_slice %scan3A_335#0 {offsets = [2, 0], sizes = [1, 512], strides = [1, 1]} : vector<8x512xf32> to vector<1x512xf32>
    %mul3A_439 = vector.broadcast %scan3A_335#6 : vector<1x1xf32> to vector<1x512xf32>
    %mul3A_440 = arith.mulf %slice3A_438, %mul3A_439 : vector<1x512xf32>
    %mul3A_441 = arith.mulf %slice3A_437, %mul3A_440 : vector<1x512xf32>
    %concatenate3A_442 = tpu.concatenate %mul3A_416, %mul3A_421, %mul3A_426, %mul3A_431, %mul3A_436, %mul3A_441 in 0 : vector<1x512xf32>, vector<1x512xf32>, vector<1x512xf32>, vector<1x512xf32>, vector<1x512xf32>, vector<1x512xf32> -> vector<6x512xf32>
    %get3A_443 = arith.constant 1024 : index
    %get3A_444 = arith.constant 0 : index
    %get3A_445 = vector.load %arg0[%get3A_443, %get3A_444] : memref<4096x256xf32, #tpu.memory_space<vmem>>, vector<512x256xf32>
    %dot_general3A_446 = arith.constant dense<0.000000e+00> : vector<6x256xf32>
    %dot_general3A_447 = tpu.matmul %concatenate3A_442, %get3A_445, %dot_general3A_446 {dimension_numbers = #tpu.dot_dimension_numbers<[1], [0], [0], [1], [0, 0, 1, 1], [], []>, transpose_lhs_hint = false} : vector<6x512xf32>, vector<512x256xf32>, vector<6x256xf32> -> vector<6x256xf32>
    %add3A_448 = arith.addf %add3A_411, %dot_general3A_447 : vector<6x256xf32>
    %slice3A_449 = vector.extract_strided_slice %exp3A {offsets = [3, 0], sizes = [1, 512], strides = [1, 1]} : vector<8x512xf32> to vector<1x512xf32>
    %slice3A_450 = vector.extract_strided_slice %scan3A_335#0 {offsets = [3, 0], sizes = [1, 512], strides = [1, 1]} : vector<8x512xf32> to vector<1x512xf32>
    %mul3A_451 = vector.broadcast %scan3A_335#1 : vector<1x1xf32> to vector<1x512xf32>
    %mul3A_452 = arith.mulf %slice3A_450, %mul3A_451 : vector<1x512xf32>
    %mul3A_453 = arith.mulf %slice3A_449, %mul3A_452 : vector<1x512xf32>
    %slice3A_454 = vector.extract_strided_slice %exp3A_305 {offsets = [3, 0], sizes = [1, 512], strides = [1, 1]} : vector<8x512xf32> to vector<1x512xf32>
    %slice3A_455 = vector.extract_strided_slice %scan3A_335#0 {offsets = [3, 0], sizes = [1, 512], strides = [1, 1]} : vector<8x512xf32> to vector<1x512xf32>
    %mul3A_456 = vector.broadcast %scan3A_335#2 : vector<1x1xf32> to vector<1x512xf32>
    %mul3A_457 = arith.mulf %slice3A_455, %mul3A_456 : vector<1x512xf32>
    %mul3A_458 = arith.mulf %slice3A_454, %mul3A_457 : vector<1x512xf32>
    %slice3A_459 = vector.extract_strided_slice %exp3A_308 {offsets = [3, 0], sizes = [1, 512], strides = [1, 1]} : vector<8x512xf32> to vector<1x512xf32>
    %slice3A_460 = vector.extract_strided_slice %scan3A_335#0 {offsets = [3, 0], sizes = [1, 512], strides = [1, 1]} : vector<8x512xf32> to vector<1x512xf32>
    %mul3A_461 = vector.broadcast %scan3A_335#3 : vector<1x1xf32> to vector<1x512xf32>
    %mul3A_462 = arith.mulf %slice3A_460, %mul3A_461 : vector<1x512xf32>
    %mul3A_463 = arith.mulf %slice3A_459, %mul3A_462 : vector<1x512xf32>
    %slice3A_464 = vector.extract_strided_slice %exp3A_311 {offsets = [3, 0], sizes = [1, 512], strides = [1, 1]} : vector<8x512xf32> to vector<1x512xf32>
    %slice3A_465 = vector.extract_strided_slice %scan3A_335#0 {offsets = [3, 0], sizes = [1, 512], strides = [1, 1]} : vector<8x512xf32> to vector<1x512xf32>
    %mul3A_466 = vector.broadcast %scan3A_335#4 : vector<1x1xf32> to vector<1x512xf32>
    %mul3A_467 = arith.mulf %slice3A_465, %mul3A_466 : vector<1x512xf32>
    %mul3A_468 = arith.mulf %slice3A_464, %mul3A_467 : vector<1x512xf32>
    %slice3A_469 = vector.extract_strided_slice %exp3A_314 {offsets = [3, 0], sizes = [1, 512], strides = [1, 1]} : vector<8x512xf32> to vector<1x512xf32>
    %slice3A_470 = vector.extract_strided_slice %scan3A_335#0 {offsets = [3, 0], sizes = [1, 512], strides = [1, 1]} : vector<8x512xf32> to vector<1x512xf32>
    %mul3A_471 = vector.broadcast %scan3A_335#5 : vector<1x1xf32> to vector<1x512xf32>
    %mul3A_472 = arith.mulf %slice3A_470, %mul3A_471 : vector<1x512xf32>
    %mul3A_473 = arith.mulf %slice3A_469, %mul3A_472 : vector<1x512xf32>
    %slice3A_474 = vector.extract_strided_slice %exp3A_317 {offsets = [3, 0], sizes = [1, 512], strides = [1, 1]} : vector<8x512xf32> to vector<1x512xf32>
    %slice3A_475 = vector.extract_strided_slice %scan3A_335#0 {offsets = [3, 0], sizes = [1, 512], strides = [1, 1]} : vector<8x512xf32> to vector<1x512xf32>
    %mul3A_476 = vector.broadcast %scan3A_335#6 : vector<1x1xf32> to vector<1x512xf32>
    %mul3A_477 = arith.mulf %slice3A_475, %mul3A_476 : vector<1x512xf32>
    %mul3A_478 = arith.mulf %slice3A_474, %mul3A_477 : vector<1x512xf32>
    %concatenate3A_479 = tpu.concatenate %mul3A_453, %mul3A_458, %mul3A_463, %mul3A_468, %mul3A_473, %mul3A_478 in 0 : vector<1x512xf32>, vector<1x512xf32>, vector<1x512xf32>, vector<1x512xf32>, vector<1x512xf32>, vector<1x512xf32> -> vector<6x512xf32>
    %get3A_480 = arith.constant 1536 : index
    %get3A_481 = arith.constant 0 : index
    %get3A_482 = vector.load %arg0[%get3A_480, %get3A_481] : memref<4096x256xf32, #tpu.memory_space<vmem>>, vector<512x256xf32>
    %dot_general3A_483 = arith.constant dense<0.000000e+00> : vector<6x256xf32>
    %dot_general3A_484 = tpu.matmul %concatenate3A_479, %get3A_482, %dot_general3A_483 {dimension_numbers = #tpu.dot_dimension_numbers<[1], [0], [0], [1], [0, 0, 1, 1], [], []>, transpose_lhs_hint = false} : vector<6x512xf32>, vector<512x256xf32>, vector<6x256xf32> -> vector<6x256xf32>
    %add3A_485 = arith.addf %add3A_448, %dot_general3A_484 : vector<6x256xf32>
    %slice3A_486 = vector.extract_strided_slice %exp3A {offsets = [4, 0], sizes = [1, 512], strides = [1, 1]} : vector<8x512xf32> to vector<1x512xf32>
    %slice3A_487 = vector.extract_strided_slice %scan3A_335#0 {offsets = [4, 0], sizes = [1, 512], strides = [1, 1]} : vector<8x512xf32> to vector<1x512xf32>
    %mul3A_488 = vector.broadcast %scan3A_335#1 : vector<1x1xf32> to vector<1x512xf32>
    %mul3A_489 = arith.mulf %slice3A_487, %mul3A_488 : vector<1x512xf32>
    %mul3A_490 = arith.mulf %slice3A_486, %mul3A_489 : vector<1x512xf32>
    %slice3A_491 = vector.extract_strided_slice %exp3A_305 {offsets = [4, 0], sizes = [1, 512], strides = [1, 1]} : vector<8x512xf32> to vector<1x512xf32>
    %slice3A_492 = vector.extract_strided_slice %scan3A_335#0 {offsets = [4, 0], sizes = [1, 512], strides = [1, 1]} : vector<8x512xf32> to vector<1x512xf32>
    %mul3A_493 = vector.broadcast %scan3A_335#2 : vector<1x1xf32> to vector<1x512xf32>
    %mul3A_494 = arith.mulf %slice3A_492, %mul3A_493 : vector<1x512xf32>
    %mul3A_495 = arith.mulf %slice3A_491, %mul3A_494 : vector<1x512xf32>
    %slice3A_496 = vector.extract_strided_slice %exp3A_308 {offsets = [4, 0], sizes = [1, 512], strides = [1, 1]} : vector<8x512xf32> to vector<1x512xf32>
    %slice3A_497 = vector.extract_strided_slice %scan3A_335#0 {offsets = [4, 0], sizes = [1, 512], strides = [1, 1]} : vector<8x512xf32> to vector<1x512xf32>
    %mul3A_498 = vector.broadcast %scan3A_335#3 : vector<1x1xf32> to vector<1x512xf32>
    %mul3A_499 = arith.mulf %slice3A_497, %mul3A_498 : vector<1x512xf32>
    %mul3A_500 = arith.mulf %slice3A_496, %mul3A_499 : vector<1x512xf32>
    %slice3A_501 = vector.extract_strided_slice %exp3A_311 {offsets = [4, 0], sizes = [1, 512], strides = [1, 1]} : vector<8x512xf32> to vector<1x512xf32>
    %slice3A_502 = vector.extract_strided_slice %scan3A_335#0 {offsets = [4, 0], sizes = [1, 512], strides = [1, 1]} : vector<8x512xf32> to vector<1x512xf32>
    %mul3A_503 = vector.broadcast %scan3A_335#4 : vector<1x1xf32> to vector<1x512xf32>
    %mul3A_504 = arith.mulf %slice3A_502, %mul3A_503 : vector<1x512xf32>
    %mul3A_505 = arith.mulf %slice3A_501, %mul3A_504 : vector<1x512xf32>
    %slice3A_506 = vector.extract_strided_slice %exp3A_314 {offsets = [4, 0], sizes = [1, 512], strides = [1, 1]} : vector<8x512xf32> to vector<1x512xf32>
    %slice3A_507 = vector.extract_strided_slice %scan3A_335#0 {offsets = [4, 0], sizes = [1, 512], strides = [1, 1]} : vector<8x512xf32> to vector<1x512xf32>
    %mul3A_508 = vector.broadcast %scan3A_335#5 : vector<1x1xf32> to vector<1x512xf32>
    %mul3A_509 = arith.mulf %slice3A_507, %mul3A_508 : vector<1x512xf32>
    %mul3A_510 = arith.mulf %slice3A_506, %mul3A_509 : vector<1x512xf32>
    %slice3A_511 = vector.extract_strided_slice %exp3A_317 {offsets = [4, 0], sizes = [1, 512], strides = [1, 1]} : vector<8x512xf32> to vector<1x512xf32>
    %slice3A_512 = vector.extract_strided_slice %scan3A_335#0 {offsets = [4, 0], sizes = [1, 512], strides = [1, 1]} : vector<8x512xf32> to vector<1x512xf32>
    %mul3A_513 = vector.broadcast %scan3A_335#6 : vector<1x1xf32> to vector<1x512xf32>
    %mul3A_514 = arith.mulf %slice3A_512, %mul3A_513 : vector<1x512xf32>
    %mul3A_515 = arith.mulf %slice3A_511, %mul3A_514 : vector<1x512xf32>
    %concatenate3A_516 = tpu.concatenate %mul3A_490, %mul3A_495, %mul3A_500, %mul3A_505, %mul3A_510, %mul3A_515 in 0 : vector<1x512xf32>, vector<1x512xf32>, vector<1x512xf32>, vector<1x512xf32>, vector<1x512xf32>, vector<1x512xf32> -> vector<6x512xf32>
    %get3A_517 = arith.constant 2048 : index
    %get3A_518 = arith.constant 0 : index
    %get3A_519 = vector.load %arg0[%get3A_517, %get3A_518] : memref<4096x256xf32, #tpu.memory_space<vmem>>, vector<512x256xf32>
    %dot_general3A_520 = arith.constant dense<0.000000e+00> : vector<6x256xf32>
    %dot_general3A_521 = tpu.matmul %concatenate3A_516, %get3A_519, %dot_general3A_520 {dimension_numbers = #tpu.dot_dimension_numbers<[1], [0], [0], [1], [0, 0, 1, 1], [], []>, transpose_lhs_hint = false} : vector<6x512xf32>, vector<512x256xf32>, vector<6x256xf32> -> vector<6x256xf32>
    %add3A_522 = arith.addf %add3A_485, %dot_general3A_521 : vector<6x256xf32>
    %slice3A_523 = vector.extract_strided_slice %exp3A {offsets = [5, 0], sizes = [1, 512], strides = [1, 1]} : vector<8x512xf32> to vector<1x512xf32>
    %slice3A_524 = vector.extract_strided_slice %scan3A_335#0 {offsets = [5, 0], sizes = [1, 512], strides = [1, 1]} : vector<8x512xf32> to vector<1x512xf32>
    %mul3A_525 = vector.broadcast %scan3A_335#1 : vector<1x1xf32> to vector<1x512xf32>
    %mul3A_526 = arith.mulf %slice3A_524, %mul3A_525 : vector<1x512xf32>
    %mul3A_527 = arith.mulf %slice3A_523, %mul3A_526 : vector<1x512xf32>
    %slice3A_528 = vector.extract_strided_slice %exp3A_305 {offsets = [5, 0], sizes = [1, 512], strides = [1, 1]} : vector<8x512xf32> to vector<1x512xf32>
    %slice3A_529 = vector.extract_strided_slice %scan3A_335#0 {offsets = [5, 0], sizes = [1, 512], strides = [1, 1]} : vector<8x512xf32> to vector<1x512xf32>
    %mul3A_530 = vector.broadcast %scan3A_335#2 : vector<1x1xf32> to vector<1x512xf32>
    %mul3A_531 = arith.mulf %slice3A_529, %mul3A_530 : vector<1x512xf32>
    %mul3A_532 = arith.mulf %slice3A_528, %mul3A_531 : vector<1x512xf32>
    %slice3A_533 = vector.extract_strided_slice %exp3A_308 {offsets = [5, 0], sizes = [1, 512], strides = [1, 1]} : vector<8x512xf32> to vector<1x512xf32>
    %slice3A_534 = vector.extract_strided_slice %scan3A_335#0 {offsets = [5, 0], sizes = [1, 512], strides = [1, 1]} : vector<8x512xf32> to vector<1x512xf32>
    %mul3A_535 = vector.broadcast %scan3A_335#3 : vector<1x1xf32> to vector<1x512xf32>
    %mul3A_536 = arith.mulf %slice3A_534, %mul3A_535 : vector<1x512xf32>
    %mul3A_537 = arith.mulf %slice3A_533, %mul3A_536 : vector<1x512xf32>
    %slice3A_538 = vector.extract_strided_slice %exp3A_311 {offsets = [5, 0], sizes = [1, 512], strides = [1, 1]} : vector<8x512xf32> to vector<1x512xf32>
    %slice3A_539 = vector.extract_strided_slice %scan3A_335#0 {offsets = [5, 0], sizes = [1, 512], strides = [1, 1]} : vector<8x512xf32> to vector<1x512xf32>
    %mul3A_540 = vector.broadcast %scan3A_335#4 : vector<1x1xf32> to vector<1x512xf32>
    %mul3A_541 = arith.mulf %slice3A_539, %mul3A_540 : vector<1x512xf32>
    %mul3A_542 = arith.mulf %slice3A_538, %mul3A_541 : vector<1x512xf32>
    %slice3A_543 = vector.extract_strided_slice %exp3A_314 {offsets = [5, 0], sizes = [1, 512], strides = [1, 1]} : vector<8x512xf32> to vector<1x512xf32>
    %slice3A_544 = vector.extract_strided_slice %scan3A_335#0 {offsets = [5, 0], sizes = [1, 512], strides = [1, 1]} : vector<8x512xf32> to vector<1x512xf32>
    %mul3A_545 = vector.broadcast %scan3A_335#5 : vector<1x1xf32> to vector<1x512xf32>
    %mul3A_546 = arith.mulf %slice3A_544, %mul3A_545 : vector<1x512xf32>
    %mul3A_547 = arith.mulf %slice3A_543, %mul3A_546 : vector<1x512xf32>
    %slice3A_548 = vector.extract_strided_slice %exp3A_317 {offsets = [5, 0], sizes = [1, 512], strides = [1, 1]} : vector<8x512xf32> to vector<1x512xf32>
    %slice3A_549 = vector.extract_strided_slice %scan3A_335#0 {offsets = [5, 0], sizes = [1, 512], strides = [1, 1]} : vector<8x512xf32> to vector<1x512xf32>
    %mul3A_550 = vector.broadcast %scan3A_335#6 : vector<1x1xf32> to vector<1x512xf32>
    %mul3A_551 = arith.mulf %slice3A_549, %mul3A_550 : vector<1x512xf32>
    %mul3A_552 = arith.mulf %slice3A_548, %mul3A_551 : vector<1x512xf32>
    %concatenate3A_553 = tpu.concatenate %mul3A_527, %mul3A_532, %mul3A_537, %mul3A_542, %mul3A_547, %mul3A_552 in 0 : vector<1x512xf32>, vector<1x512xf32>, vector<1x512xf32>, vector<1x512xf32>, vector<1x512xf32>, vector<1x512xf32> -> vector<6x512xf32>
    %get3A_554 = arith.constant 2560 : index
    %get3A_555 = arith.constant 0 : index
    %get3A_556 = vector.load %arg0[%get3A_554, %get3A_555] : memref<4096x256xf32, #tpu.memory_space<vmem>>, vector<512x256xf32>
    %dot_general3A_557 = arith.constant dense<0.000000e+00> : vector<6x256xf32>
    %dot_general3A_558 = tpu.matmul %concatenate3A_553, %get3A_556, %dot_general3A_557 {dimension_numbers = #tpu.dot_dimension_numbers<[1], [0], [0], [1], [0, 0, 1, 1], [], []>, transpose_lhs_hint = false} : vector<6x512xf32>, vector<512x256xf32>, vector<6x256xf32> -> vector<6x256xf32>
    %add3A_559 = arith.addf %add3A_522, %dot_general3A_558 : vector<6x256xf32>
    %slice3A_560 = vector.extract_strided_slice %exp3A {offsets = [6, 0], sizes = [1, 512], strides = [1, 1]} : vector<8x512xf32> to vector<1x512xf32>
    %slice3A_561 = vector.extract_strided_slice %scan3A_335#0 {offsets = [6, 0], sizes = [1, 512], strides = [1, 1]} : vector<8x512xf32> to vector<1x512xf32>
    %mul3A_562 = vector.broadcast %scan3A_335#1 : vector<1x1xf32> to vector<1x512xf32>
    %mul3A_563 = arith.mulf %slice3A_561, %mul3A_562 : vector<1x512xf32>
    %mul3A_564 = arith.mulf %slice3A_560, %mul3A_563 : vector<1x512xf32>
    %slice3A_565 = vector.extract_strided_slice %exp3A_305 {offsets = [6, 0], sizes = [1, 512], strides = [1, 1]} : vector<8x512xf32> to vector<1x512xf32>
    %slice3A_566 = vector.extract_strided_slice %scan3A_335#0 {offsets = [6, 0], sizes = [1, 512], strides = [1, 1]} : vector<8x512xf32> to vector<1x512xf32>
    %mul3A_567 = vector.broadcast %scan3A_335#2 : vector<1x1xf32> to vector<1x512xf32>
    %mul3A_568 = arith.mulf %slice3A_566, %mul3A_567 : vector<1x512xf32>
    %mul3A_569 = arith.mulf %slice3A_565, %mul3A_568 : vector<1x512xf32>
    %slice3A_570 = vector.extract_strided_slice %exp3A_308 {offsets = [6, 0], sizes = [1, 512], strides = [1, 1]} : vector<8x512xf32> to vector<1x512xf32>
    %slice3A_571 = vector.extract_strided_slice %scan3A_335#0 {offsets = [6, 0], sizes = [1, 512], strides = [1, 1]} : vector<8x512xf32> to vector<1x512xf32>
    %mul3A_572 = vector.broadcast %scan3A_335#3 : vector<1x1xf32> to vector<1x512xf32>
    %mul3A_573 = arith.mulf %slice3A_571, %mul3A_572 : vector<1x512xf32>
    %mul3A_574 = arith.mulf %slice3A_570, %mul3A_573 : vector<1x512xf32>
    %slice3A_575 = vector.extract_strided_slice %exp3A_311 {offsets = [6, 0], sizes = [1, 512], strides = [1, 1]} : vector<8x512xf32> to vector<1x512xf32>
    %slice3A_576 = vector.extract_strided_slice %scan3A_335#0 {offsets = [6, 0], sizes = [1, 512], strides = [1, 1]} : vector<8x512xf32> to vector<1x512xf32>
    %mul3A_577 = vector.broadcast %scan3A_335#4 : vector<1x1xf32> to vector<1x512xf32>
    %mul3A_578 = arith.mulf %slice3A_576, %mul3A_577 : vector<1x512xf32>
    %mul3A_579 = arith.mulf %slice3A_575, %mul3A_578 : vector<1x512xf32>
    %slice3A_580 = vector.extract_strided_slice %exp3A_314 {offsets = [6, 0], sizes = [1, 512], strides = [1, 1]} : vector<8x512xf32> to vector<1x512xf32>
    %slice3A_581 = vector.extract_strided_slice %scan3A_335#0 {offsets = [6, 0], sizes = [1, 512], strides = [1, 1]} : vector<8x512xf32> to vector<1x512xf32>
    %mul3A_582 = vector.broadcast %scan3A_335#5 : vector<1x1xf32> to vector<1x512xf32>
    %mul3A_583 = arith.mulf %slice3A_581, %mul3A_582 : vector<1x512xf32>
    %mul3A_584 = arith.mulf %slice3A_580, %mul3A_583 : vector<1x512xf32>
    %slice3A_585 = vector.extract_strided_slice %exp3A_317 {offsets = [6, 0], sizes = [1, 512], strides = [1, 1]} : vector<8x512xf32> to vector<1x512xf32>
    %slice3A_586 = vector.extract_strided_slice %scan3A_335#0 {offsets = [6, 0], sizes = [1, 512], strides = [1, 1]} : vector<8x512xf32> to vector<1x512xf32>
    %mul3A_587 = vector.broadcast %scan3A_335#6 : vector<1x1xf32> to vector<1x512xf32>
    %mul3A_588 = arith.mulf %slice3A_586, %mul3A_587 : vector<1x512xf32>
    %mul3A_589 = arith.mulf %slice3A_585, %mul3A_588 : vector<1x512xf32>
    %concatenate3A_590 = tpu.concatenate %mul3A_564, %mul3A_569, %mul3A_574, %mul3A_579, %mul3A_584, %mul3A_589 in 0 : vector<1x512xf32>, vector<1x512xf32>, vector<1x512xf32>, vector<1x512xf32>, vector<1x512xf32>, vector<1x512xf32> -> vector<6x512xf32>
    %get3A_591 = arith.constant 3072 : index
    %get3A_592 = arith.constant 0 : index
    %get3A_593 = vector.load %arg0[%get3A_591, %get3A_592] : memref<4096x256xf32, #tpu.memory_space<vmem>>, vector<512x256xf32>
    %dot_general3A_594 = arith.constant dense<0.000000e+00> : vector<6x256xf32>
    %dot_general3A_595 = tpu.matmul %concatenate3A_590, %get3A_593, %dot_general3A_594 {dimension_numbers = #tpu.dot_dimension_numbers<[1], [0], [0], [1], [0, 0, 1, 1], [], []>, transpose_lhs_hint = false} : vector<6x512xf32>, vector<512x256xf32>, vector<6x256xf32> -> vector<6x256xf32>
    %add3A_596 = arith.addf %add3A_559, %dot_general3A_595 : vector<6x256xf32>
    %slice3A_597 = vector.extract_strided_slice %exp3A {offsets = [7, 0], sizes = [1, 512], strides = [1, 1]} : vector<8x512xf32> to vector<1x512xf32>
    %slice3A_598 = vector.extract_strided_slice %scan3A_335#0 {offsets = [7, 0], sizes = [1, 512], strides = [1, 1]} : vector<8x512xf32> to vector<1x512xf32>
    %mul3A_599 = vector.broadcast %scan3A_335#1 : vector<1x1xf32> to vector<1x512xf32>
    %mul3A_600 = arith.mulf %slice3A_598, %mul3A_599 : vector<1x512xf32>
    %mul3A_601 = arith.mulf %slice3A_597, %mul3A_600 : vector<1x512xf32>
    %slice3A_602 = vector.extract_strided_slice %exp3A_305 {offsets = [7, 0], sizes = [1, 512], strides = [1, 1]} : vector<8x512xf32> to vector<1x512xf32>
    %slice3A_603 = vector.extract_strided_slice %scan3A_335#0 {offsets = [7, 0], sizes = [1, 512], strides = [1, 1]} : vector<8x512xf32> to vector<1x512xf32>
    %mul3A_604 = vector.broadcast %scan3A_335#2 : vector<1x1xf32> to vector<1x512xf32>
    %mul3A_605 = arith.mulf %slice3A_603, %mul3A_604 : vector<1x512xf32>
    %mul3A_606 = arith.mulf %slice3A_602, %mul3A_605 : vector<1x512xf32>
    %slice3A_607 = vector.extract_strided_slice %exp3A_308 {offsets = [7, 0], sizes = [1, 512], strides = [1, 1]} : vector<8x512xf32> to vector<1x512xf32>
    %slice3A_608 = vector.extract_strided_slice %scan3A_335#0 {offsets = [7, 0], sizes = [1, 512], strides = [1, 1]} : vector<8x512xf32> to vector<1x512xf32>
    %mul3A_609 = vector.broadcast %scan3A_335#3 : vector<1x1xf32> to vector<1x512xf32>
    %mul3A_610 = arith.mulf %slice3A_608, %mul3A_609 : vector<1x512xf32>
    %mul3A_611 = arith.mulf %slice3A_607, %mul3A_610 : vector<1x512xf32>
    %slice3A_612 = vector.extract_strided_slice %exp3A_311 {offsets = [7, 0], sizes = [1, 512], strides = [1, 1]} : vector<8x512xf32> to vector<1x512xf32>
    %slice3A_613 = vector.extract_strided_slice %scan3A_335#0 {offsets = [7, 0], sizes = [1, 512], strides = [1, 1]} : vector<8x512xf32> to vector<1x512xf32>
    %mul3A_614 = vector.broadcast %scan3A_335#4 : vector<1x1xf32> to vector<1x512xf32>
    %mul3A_615 = arith.mulf %slice3A_613, %mul3A_614 : vector<1x512xf32>
    %mul3A_616 = arith.mulf %slice3A_612, %mul3A_615 : vector<1x512xf32>
    %slice3A_617 = vector.extract_strided_slice %exp3A_314 {offsets = [7, 0], sizes = [1, 512], strides = [1, 1]} : vector<8x512xf32> to vector<1x512xf32>
    %slice3A_618 = vector.extract_strided_slice %scan3A_335#0 {offsets = [7, 0], sizes = [1, 512], strides = [1, 1]} : vector<8x512xf32> to vector<1x512xf32>
    %mul3A_619 = vector.broadcast %scan3A_335#5 : vector<1x1xf32> to vector<1x512xf32>
    %mul3A_620 = arith.mulf %slice3A_618, %mul3A_619 : vector<1x512xf32>
    %mul3A_621 = arith.mulf %slice3A_617, %mul3A_620 : vector<1x512xf32>
    %slice3A_622 = vector.extract_strided_slice %exp3A_317 {offsets = [7, 0], sizes = [1, 512], strides = [1, 1]} : vector<8x512xf32> to vector<1x512xf32>
    %slice3A_623 = vector.extract_strided_slice %scan3A_335#0 {offsets = [7, 0], sizes = [1, 512], strides = [1, 1]} : vector<8x512xf32> to vector<1x512xf32>
    %mul3A_624 = vector.broadcast %scan3A_335#6 : vector<1x1xf32> to vector<1x512xf32>
    %mul3A_625 = arith.mulf %slice3A_623, %mul3A_624 : vector<1x512xf32>
    %mul3A_626 = arith.mulf %slice3A_622, %mul3A_625 : vector<1x512xf32>
    %concatenate3A_627 = tpu.concatenate %mul3A_601, %mul3A_606, %mul3A_611, %mul3A_616, %mul3A_621, %mul3A_626 in 0 : vector<1x512xf32>, vector<1x512xf32>, vector<1x512xf32>, vector<1x512xf32>, vector<1x512xf32>, vector<1x512xf32> -> vector<6x512xf32>
    %get3A_628 = arith.constant 3584 : index
    %get3A_629 = arith.constant 0 : index
    %get3A_630 = vector.load %arg0[%get3A_628, %get3A_629] : memref<4096x256xf32, #tpu.memory_space<vmem>>, vector<512x256xf32>
    %dot_general3A_631 = arith.constant dense<0.000000e+00> : vector<6x256xf32>
    %dot_general3A_632 = tpu.matmul %concatenate3A_627, %get3A_630, %dot_general3A_631 {dimension_numbers = #tpu.dot_dimension_numbers<[1], [0], [0], [1], [0, 0, 1, 1], [], []>, transpose_lhs_hint = false} : vector<6x512xf32>, vector<512x256xf32>, vector<6x256xf32> -> vector<6x256xf32>
    %add3A_633 = arith.addf %add3A_596, %dot_general3A_632 : vector<6x256xf32>
    %swap3A = arith.constant 0 : index
    %swap3A_634 = arith.constant 0 : index
    %swap3A_635 = vector.load %arg3[%swap3A, %swap3A_634] : memref<6x256xf32, #tpu.memory_space<vmem>>, vector<6x256xf32>
    tpu.vector_store %arg3[%swap3A, %swap3A_634], %add3A_633 {strides = array<i32>} : memref<6x256xf32, #tpu.memory_space<vmem>>, vector<6x256xf32>,
    return
  }
}

module attributes {stable_mosaic.version = 14 : i64} {
  func.func @_head_body(%arg0: memref<6x256xf32, #tpu.memory_space<vmem>>, %arg1: memref<6x256xf32, #tpu.memory_space<vmem>>, %arg2: memref<768x256xf32, #tpu.memory_space<vmem>>, %arg3: memref<1x768xf32, #tpu.memory_space<vmem>>, %arg4: memref<256x256xf32, #tpu.memory_space<vmem>>, %arg5: memref<1x256xf32, #tpu.memory_space<vmem>>, %arg6: memref<1x256xf32, #tpu.memory_space<vmem>>, %arg7: memref<1x256xf32, #tpu.memory_space<vmem>>, %arg8: memref<512x256xf32, #tpu.memory_space<vmem>>, %arg9: memref<1x512xf32, #tpu.memory_space<vmem>>, %arg10: memref<256x512xf32, #tpu.memory_space<vmem>>, %arg11: memref<1x256xf32, #tpu.memory_space<vmem>>, %arg12: memref<1x256xf32, #tpu.memory_space<vmem>>, %arg13: memref<1x256xf32, #tpu.memory_space<vmem>>, %arg14: memref<768x256xf32, #tpu.memory_space<vmem>>, %arg15: memref<1x768xf32, #tpu.memory_space<vmem>>, %arg16: memref<256x256xf32, #tpu.memory_space<vmem>>, %arg17: memref<1x256xf32, #tpu.memory_space<vmem>>, %arg18: memref<1x256xf32, #tpu.memory_space<vmem>>, %arg19: memref<1x256xf32, #tpu.memory_space<vmem>>, %arg20: memref<512x256xf32, #tpu.memory_space<vmem>>, %arg21: memref<1x512xf32, #tpu.memory_space<vmem>>, %arg22: memref<256x512xf32, #tpu.memory_space<vmem>>, %arg23: memref<1x256xf32, #tpu.memory_space<vmem>>, %arg24: memref<1x256xf32, #tpu.memory_space<vmem>>, %arg25: memref<1x256xf32, #tpu.memory_space<vmem>>, %arg26: memref<768x256xf32, #tpu.memory_space<vmem>>, %arg27: memref<1x768xf32, #tpu.memory_space<vmem>>, %arg28: memref<256x256xf32, #tpu.memory_space<vmem>>, %arg29: memref<1x256xf32, #tpu.memory_space<vmem>>, %arg30: memref<1x256xf32, #tpu.memory_space<vmem>>, %arg31: memref<1x256xf32, #tpu.memory_space<vmem>>, %arg32: memref<512x256xf32, #tpu.memory_space<vmem>>, %arg33: memref<1x512xf32, #tpu.memory_space<vmem>>, %arg34: memref<256x512xf32, #tpu.memory_space<vmem>>, %arg35: memref<1x256xf32, #tpu.memory_space<vmem>>, %arg36: memref<1x256xf32, #tpu.memory_space<vmem>>, %arg37: memref<1x256xf32, #tpu.memory_space<vmem>>, %arg38: memref<768x256xf32, #tpu.memory_space<vmem>>, %arg39: memref<1x768xf32, #tpu.memory_space<vmem>>, %arg40: memref<256x256xf32, #tpu.memory_space<vmem>>, %arg41: memref<1x256xf32, #tpu.memory_space<vmem>>, %arg42: memref<1x256xf32, #tpu.memory_space<vmem>>, %arg43: memref<1x256xf32, #tpu.memory_space<vmem>>, %arg44: memref<512x256xf32, #tpu.memory_space<vmem>>, %arg45: memref<1x512xf32, #tpu.memory_space<vmem>>, %arg46: memref<256x512xf32, #tpu.memory_space<vmem>>, %arg47: memref<1x256xf32, #tpu.memory_space<vmem>>, %arg48: memref<1x256xf32, #tpu.memory_space<vmem>>, %arg49: memref<1x256xf32, #tpu.memory_space<vmem>>, %arg50: memref<256x256xf32, #tpu.memory_space<vmem>>, %arg51: memref<1x256xf32, #tpu.memory_space<vmem>>, %arg52: memref<256x256xf32, #tpu.memory_space<vmem>>, %arg53: memref<1x256xf32, #tpu.memory_space<vmem>>, %arg54: memref<1x256xf32, #tpu.memory_space<vmem>>, %arg55: memref<1x1xf32, #tpu.memory_space<vmem>>, %arg56: memref<256x256xf32, #tpu.memory_space<vmem>>, %arg57: memref<1x256xf32, #tpu.memory_space<vmem>>, %arg58: memref<256x256xf32, #tpu.memory_space<vmem>>, %arg59: memref<1x256xf32, #tpu.memory_space<vmem>>, %arg60: memref<1x256xf32, #tpu.memory_space<vmem>>, %arg61: memref<1x1xf32, #tpu.memory_space<vmem>>, %arg62: memref<256x256xf32, #tpu.memory_space<vmem>>, %arg63: memref<1x256xf32, #tpu.memory_space<vmem>>, %arg64: memref<256x256xf32, #tpu.memory_space<vmem>>, %arg65: memref<1x256xf32, #tpu.memory_space<vmem>>, %arg66: memref<256x512xf32, #tpu.memory_space<vmem>>, %arg67: memref<1x256xf32, #tpu.memory_space<vmem>>, %arg68: memref<256x256xf32, #tpu.memory_space<vmem>>, %arg69: memref<1x256xf32, #tpu.memory_space<vmem>>, %arg70: memref<4x256xf32, #tpu.memory_space<vmem>>, %arg71: memref<1x4xf32, #tpu.memory_space<vmem>>, %arg72: memref<1x4xf32, #tpu.memory_space<vmem>>) attributes {dimension_semantics = [], scalar_prefetch = 0 : i64, scratch_operands = 0 : i64, tpu.core_type = #tpu.core_type<tc>} {
    %get3A = arith.constant 0 : index
    %get3A_0 = arith.constant 0 : index
    %get3A_1 = vector.load %arg0[%get3A, %get3A_0] : memref<6x256xf32, #tpu.memory_space<vmem>>, vector<6x256xf32>
    %get3A_2 = arith.constant 0 : index
    %get3A_3 = arith.constant 0 : index
    %get3A_4 = vector.load %arg2[%get3A_2, %get3A_3] : memref<768x256xf32, #tpu.memory_space<vmem>>, vector<768x256xf32>
    %dot_general3A = arith.constant dense<0.000000e+00> : vector<6x768xf32>
    %dot_general3A_5 = tpu.matmul %get3A_1, %get3A_4, %dot_general3A {dimension_numbers = #tpu.dot_dimension_numbers<[1], [1], [0], [0], [0, 0, 1, 0], [], []>, transpose_lhs_hint = false} : vector<6x256xf32>, vector<768x256xf32>, vector<6x768xf32> -> vector<6x768xf32>
    %get3A_6 = arith.constant 0 : index
    %get3A_7 = arith.constant 0 : index
    %get3A_8 = vector.load %arg3[%get3A_6, %get3A_7] : memref<1x768xf32, #tpu.memory_space<vmem>>, vector<1x768xf32>
    %add3A = vector.broadcast %get3A_8 : vector<1x768xf32> to vector<6x768xf32>
    %add3A_9 = arith.addf %dot_general3A_5, %add3A : vector<6x768xf32>
    %slice3A = vector.extract_strided_slice %add3A_9 {offsets = [0, 0], sizes = [6, 32], strides = [1, 1]} : vector<6x768xf32> to vector<6x32xf32>
    %slice3A_10 = vector.extract_strided_slice %add3A_9 {offsets = [0, 256], sizes = [6, 32], strides = [1, 1]} : vector<6x768xf32> to vector<6x32xf32>
    %slice3A_11 = vector.extract_strided_slice %add3A_9 {offsets = [0, 512], sizes = [6, 32], strides = [1, 1]} : vector<6x768xf32> to vector<6x32xf32>
    %dot_general3A_12 = arith.constant dense<0.000000e+00> : vector<6x6xf32>
    %dot_general3A_13 = tpu.matmul %slice3A, %slice3A_10, %dot_general3A_12 {dimension_numbers = #tpu.dot_dimension_numbers<[1], [1], [0], [0], [0, 0, 1, 0], [], []>, transpose_lhs_hint = false} : vector<6x32xf32>, vector<6x32xf32>, vector<6x6xf32> -> vector<6x6xf32>
    %mul3A = arith.constant 0.176776692 : f32
    %mul3A_14 = vector.broadcast %mul3A : f32 to vector<6x6xf32>
    %mul3A_15 = arith.mulf %dot_general3A_13, %mul3A_14 : vector<6x6xf32>
    %reduce_max3A = arith.constant dense<0xFF800000> : vector<6xf32>
    %reduce_max3A_16 = vector.multi_reduction <maximumf>, %mul3A_15, %reduce_max3A [1] : vector<6x6xf32> to vector<6xf32>
    %max3A = arith.constant 0xFF800000 : f32
    %max3A_17 = vector.broadcast %max3A : f32 to vector<6xf32>
    %max3A_18 = arith.maximumf %max3A_17, %reduce_max3A_16 : vector<6xf32>
    %broadcast_in_dim3A = vector.shape_cast %max3A_18 : vector<6xf32> to vector<6x1xf32>
    %sub3A = vector.broadcast %broadcast_in_dim3A : vector<6x1xf32> to vector<6x6xf32>
    %sub3A_19 = arith.subf %mul3A_15, %sub3A : vector<6x6xf32>
    %exp3A = math.exp %sub3A_19 : vector<6x6xf32>
    %reduce_sum3A = arith.constant dense<0.000000e+00> : vector<6xf32>
    %reduce_sum3A_20 = vector.multi_reduction <add>, %exp3A, %reduce_sum3A [1] : vector<6x6xf32> to vector<6xf32>
    %broadcast_in_dim3A_21 = vector.shape_cast %reduce_sum3A_20 : vector<6xf32> to vector<6x1xf32>
    %div3A = vector.broadcast %broadcast_in_dim3A_21 : vector<6x1xf32> to vector<6x6xf32>
    %div3A_22 = arith.divf %exp3A, %div3A : vector<6x6xf32>
    %dot_general3A_23 = arith.constant dense<0.000000e+00> : vector<6x32xf32>
    %dot_general3A_24 = tpu.matmul %div3A_22, %slice3A_11, %dot_general3A_23 {dimension_numbers = #tpu.dot_dimension_numbers<[1], [0], [0], [1], [0, 0, 1, 1], [], []>, transpose_lhs_hint = false} : vector<6x6xf32>, vector<6x32xf32>, vector<6x32xf32> -> vector<6x32xf32>
    %slice3A_25 = vector.extract_strided_slice %add3A_9 {offsets = [0, 32], sizes = [6, 32], strides = [1, 1]} : vector<6x768xf32> to vector<6x32xf32>
    %slice3A_26 = vector.extract_strided_slice %add3A_9 {offsets = [0, 288], sizes = [6, 32], strides = [1, 1]} : vector<6x768xf32> to vector<6x32xf32>
    %slice3A_27 = vector.extract_strided_slice %add3A_9 {offsets = [0, 544], sizes = [6, 32], strides = [1, 1]} : vector<6x768xf32> to vector<6x32xf32>
    %dot_general3A_28 = arith.constant dense<0.000000e+00> : vector<6x6xf32>
    %dot_general3A_29 = tpu.matmul %slice3A_25, %slice3A_26, %dot_general3A_28 {dimension_numbers = #tpu.dot_dimension_numbers<[1], [1], [0], [0], [0, 0, 1, 0], [], []>, transpose_lhs_hint = false} : vector<6x32xf32>, vector<6x32xf32>, vector<6x6xf32> -> vector<6x6xf32>
    %mul3A_30 = arith.constant 0.176776692 : f32
    %mul3A_31 = vector.broadcast %mul3A_30 : f32 to vector<6x6xf32>
    %mul3A_32 = arith.mulf %dot_general3A_29, %mul3A_31 : vector<6x6xf32>
    %reduce_max3A_33 = arith.constant dense<0xFF800000> : vector<6xf32>
    %reduce_max3A_34 = vector.multi_reduction <maximumf>, %mul3A_32, %reduce_max3A_33 [1] : vector<6x6xf32> to vector<6xf32>
    %max3A_35 = arith.constant 0xFF800000 : f32
    %max3A_36 = vector.broadcast %max3A_35 : f32 to vector<6xf32>
    %max3A_37 = arith.maximumf %max3A_36, %reduce_max3A_34 : vector<6xf32>
    %broadcast_in_dim3A_38 = vector.shape_cast %max3A_37 : vector<6xf32> to vector<6x1xf32>
    %sub3A_39 = vector.broadcast %broadcast_in_dim3A_38 : vector<6x1xf32> to vector<6x6xf32>
    %sub3A_40 = arith.subf %mul3A_32, %sub3A_39 : vector<6x6xf32>
    %exp3A_41 = math.exp %sub3A_40 : vector<6x6xf32>
    %reduce_sum3A_42 = arith.constant dense<0.000000e+00> : vector<6xf32>
    %reduce_sum3A_43 = vector.multi_reduction <add>, %exp3A_41, %reduce_sum3A_42 [1] : vector<6x6xf32> to vector<6xf32>
    %broadcast_in_dim3A_44 = vector.shape_cast %reduce_sum3A_43 : vector<6xf32> to vector<6x1xf32>
    %div3A_45 = vector.broadcast %broadcast_in_dim3A_44 : vector<6x1xf32> to vector<6x6xf32>
    %div3A_46 = arith.divf %exp3A_41, %div3A_45 : vector<6x6xf32>
    %dot_general3A_47 = arith.constant dense<0.000000e+00> : vector<6x32xf32>
    %dot_general3A_48 = tpu.matmul %div3A_46, %slice3A_27, %dot_general3A_47 {dimension_numbers = #tpu.dot_dimension_numbers<[1], [0], [0], [1], [0, 0, 1, 1], [], []>, transpose_lhs_hint = false} : vector<6x6xf32>, vector<6x32xf32>, vector<6x32xf32> -> vector<6x32xf32>
    %slice3A_49 = vector.extract_strided_slice %add3A_9 {offsets = [0, 64], sizes = [6, 32], strides = [1, 1]} : vector<6x768xf32> to vector<6x32xf32>
    %slice3A_50 = vector.extract_strided_slice %add3A_9 {offsets = [0, 320], sizes = [6, 32], strides = [1, 1]} : vector<6x768xf32> to vector<6x32xf32>
    %slice3A_51 = vector.extract_strided_slice %add3A_9 {offsets = [0, 576], sizes = [6, 32], strides = [1, 1]} : vector<6x768xf32> to vector<6x32xf32>
    %dot_general3A_52 = arith.constant dense<0.000000e+00> : vector<6x6xf32>
    %dot_general3A_53 = tpu.matmul %slice3A_49, %slice3A_50, %dot_general3A_52 {dimension_numbers = #tpu.dot_dimension_numbers<[1], [1], [0], [0], [0, 0, 1, 0], [], []>, transpose_lhs_hint = false} : vector<6x32xf32>, vector<6x32xf32>, vector<6x6xf32> -> vector<6x6xf32>
    %mul3A_54 = arith.constant 0.176776692 : f32
    %mul3A_55 = vector.broadcast %mul3A_54 : f32 to vector<6x6xf32>
    %mul3A_56 = arith.mulf %dot_general3A_53, %mul3A_55 : vector<6x6xf32>
    %reduce_max3A_57 = arith.constant dense<0xFF800000> : vector<6xf32>
    %reduce_max3A_58 = vector.multi_reduction <maximumf>, %mul3A_56, %reduce_max3A_57 [1] : vector<6x6xf32> to vector<6xf32>
    %max3A_59 = arith.constant 0xFF800000 : f32
    %max3A_60 = vector.broadcast %max3A_59 : f32 to vector<6xf32>
    %max3A_61 = arith.maximumf %max3A_60, %reduce_max3A_58 : vector<6xf32>
    %broadcast_in_dim3A_62 = vector.shape_cast %max3A_61 : vector<6xf32> to vector<6x1xf32>
    %sub3A_63 = vector.broadcast %broadcast_in_dim3A_62 : vector<6x1xf32> to vector<6x6xf32>
    %sub3A_64 = arith.subf %mul3A_56, %sub3A_63 : vector<6x6xf32>
    %exp3A_65 = math.exp %sub3A_64 : vector<6x6xf32>
    %reduce_sum3A_66 = arith.constant dense<0.000000e+00> : vector<6xf32>
    %reduce_sum3A_67 = vector.multi_reduction <add>, %exp3A_65, %reduce_sum3A_66 [1] : vector<6x6xf32> to vector<6xf32>
    %broadcast_in_dim3A_68 = vector.shape_cast %reduce_sum3A_67 : vector<6xf32> to vector<6x1xf32>
    %div3A_69 = vector.broadcast %broadcast_in_dim3A_68 : vector<6x1xf32> to vector<6x6xf32>
    %div3A_70 = arith.divf %exp3A_65, %div3A_69 : vector<6x6xf32>
    %dot_general3A_71 = arith.constant dense<0.000000e+00> : vector<6x32xf32>
    %dot_general3A_72 = tpu.matmul %div3A_70, %slice3A_51, %dot_general3A_71 {dimension_numbers = #tpu.dot_dimension_numbers<[1], [0], [0], [1], [0, 0, 1, 1], [], []>, transpose_lhs_hint = false} : vector<6x6xf32>, vector<6x32xf32>, vector<6x32xf32> -> vector<6x32xf32>
    %slice3A_73 = vector.extract_strided_slice %add3A_9 {offsets = [0, 96], sizes = [6, 32], strides = [1, 1]} : vector<6x768xf32> to vector<6x32xf32>
    %slice3A_74 = vector.extract_strided_slice %add3A_9 {offsets = [0, 352], sizes = [6, 32], strides = [1, 1]} : vector<6x768xf32> to vector<6x32xf32>
    %slice3A_75 = vector.extract_strided_slice %add3A_9 {offsets = [0, 608], sizes = [6, 32], strides = [1, 1]} : vector<6x768xf32> to vector<6x32xf32>
    %dot_general3A_76 = arith.constant dense<0.000000e+00> : vector<6x6xf32>
    %dot_general3A_77 = tpu.matmul %slice3A_73, %slice3A_74, %dot_general3A_76 {dimension_numbers = #tpu.dot_dimension_numbers<[1], [1], [0], [0], [0, 0, 1, 0], [], []>, transpose_lhs_hint = false} : vector<6x32xf32>, vector<6x32xf32>, vector<6x6xf32> -> vector<6x6xf32>
    %mul3A_78 = arith.constant 0.176776692 : f32
    %mul3A_79 = vector.broadcast %mul3A_78 : f32 to vector<6x6xf32>
    %mul3A_80 = arith.mulf %dot_general3A_77, %mul3A_79 : vector<6x6xf32>
    %reduce_max3A_81 = arith.constant dense<0xFF800000> : vector<6xf32>
    %reduce_max3A_82 = vector.multi_reduction <maximumf>, %mul3A_80, %reduce_max3A_81 [1] : vector<6x6xf32> to vector<6xf32>
    %max3A_83 = arith.constant 0xFF800000 : f32
    %max3A_84 = vector.broadcast %max3A_83 : f32 to vector<6xf32>
    %max3A_85 = arith.maximumf %max3A_84, %reduce_max3A_82 : vector<6xf32>
    %broadcast_in_dim3A_86 = vector.shape_cast %max3A_85 : vector<6xf32> to vector<6x1xf32>
    %sub3A_87 = vector.broadcast %broadcast_in_dim3A_86 : vector<6x1xf32> to vector<6x6xf32>
    %sub3A_88 = arith.subf %mul3A_80, %sub3A_87 : vector<6x6xf32>
    %exp3A_89 = math.exp %sub3A_88 : vector<6x6xf32>
    %reduce_sum3A_90 = arith.constant dense<0.000000e+00> : vector<6xf32>
    %reduce_sum3A_91 = vector.multi_reduction <add>, %exp3A_89, %reduce_sum3A_90 [1] : vector<6x6xf32> to vector<6xf32>
    %broadcast_in_dim3A_92 = vector.shape_cast %reduce_sum3A_91 : vector<6xf32> to vector<6x1xf32>
    %div3A_93 = vector.broadcast %broadcast_in_dim3A_92 : vector<6x1xf32> to vector<6x6xf32>
    %div3A_94 = arith.divf %exp3A_89, %div3A_93 : vector<6x6xf32>
    %dot_general3A_95 = arith.constant dense<0.000000e+00> : vector<6x32xf32>
    %dot_general3A_96 = tpu.matmul %div3A_94, %slice3A_75, %dot_general3A_95 {dimension_numbers = #tpu.dot_dimension_numbers<[1], [0], [0], [1], [0, 0, 1, 1], [], []>, transpose_lhs_hint = false} : vector<6x6xf32>, vector<6x32xf32>, vector<6x32xf32> -> vector<6x32xf32>
    %slice3A_97 = vector.extract_strided_slice %add3A_9 {offsets = [0, 128], sizes = [6, 32], strides = [1, 1]} : vector<6x768xf32> to vector<6x32xf32>
    %slice3A_98 = vector.extract_strided_slice %add3A_9 {offsets = [0, 384], sizes = [6, 32], strides = [1, 1]} : vector<6x768xf32> to vector<6x32xf32>
    %slice3A_99 = vector.extract_strided_slice %add3A_9 {offsets = [0, 640], sizes = [6, 32], strides = [1, 1]} : vector<6x768xf32> to vector<6x32xf32>
    %dot_general3A_100 = arith.constant dense<0.000000e+00> : vector<6x6xf32>
    %dot_general3A_101 = tpu.matmul %slice3A_97, %slice3A_98, %dot_general3A_100 {dimension_numbers = #tpu.dot_dimension_numbers<[1], [1], [0], [0], [0, 0, 1, 0], [], []>, transpose_lhs_hint = false} : vector<6x32xf32>, vector<6x32xf32>, vector<6x6xf32> -> vector<6x6xf32>
    %mul3A_102 = arith.constant 0.176776692 : f32
    %mul3A_103 = vector.broadcast %mul3A_102 : f32 to vector<6x6xf32>
    %mul3A_104 = arith.mulf %dot_general3A_101, %mul3A_103 : vector<6x6xf32>
    %reduce_max3A_105 = arith.constant dense<0xFF800000> : vector<6xf32>
    %reduce_max3A_106 = vector.multi_reduction <maximumf>, %mul3A_104, %reduce_max3A_105 [1] : vector<6x6xf32> to vector<6xf32>
    %max3A_107 = arith.constant 0xFF800000 : f32
    %max3A_108 = vector.broadcast %max3A_107 : f32 to vector<6xf32>
    %max3A_109 = arith.maximumf %max3A_108, %reduce_max3A_106 : vector<6xf32>
    %broadcast_in_dim3A_110 = vector.shape_cast %max3A_109 : vector<6xf32> to vector<6x1xf32>
    %sub3A_111 = vector.broadcast %broadcast_in_dim3A_110 : vector<6x1xf32> to vector<6x6xf32>
    %sub3A_112 = arith.subf %mul3A_104, %sub3A_111 : vector<6x6xf32>
    %exp3A_113 = math.exp %sub3A_112 : vector<6x6xf32>
    %reduce_sum3A_114 = arith.constant dense<0.000000e+00> : vector<6xf32>
    %reduce_sum3A_115 = vector.multi_reduction <add>, %exp3A_113, %reduce_sum3A_114 [1] : vector<6x6xf32> to vector<6xf32>
    %broadcast_in_dim3A_116 = vector.shape_cast %reduce_sum3A_115 : vector<6xf32> to vector<6x1xf32>
    %div3A_117 = vector.broadcast %broadcast_in_dim3A_116 : vector<6x1xf32> to vector<6x6xf32>
    %div3A_118 = arith.divf %exp3A_113, %div3A_117 : vector<6x6xf32>
    %dot_general3A_119 = arith.constant dense<0.000000e+00> : vector<6x32xf32>
    %dot_general3A_120 = tpu.matmul %div3A_118, %slice3A_99, %dot_general3A_119 {dimension_numbers = #tpu.dot_dimension_numbers<[1], [0], [0], [1], [0, 0, 1, 1], [], []>, transpose_lhs_hint = false} : vector<6x6xf32>, vector<6x32xf32>, vector<6x32xf32> -> vector<6x32xf32>
    %slice3A_121 = vector.extract_strided_slice %add3A_9 {offsets = [0, 160], sizes = [6, 32], strides = [1, 1]} : vector<6x768xf32> to vector<6x32xf32>
    %slice3A_122 = vector.extract_strided_slice %add3A_9 {offsets = [0, 416], sizes = [6, 32], strides = [1, 1]} : vector<6x768xf32> to vector<6x32xf32>
    %slice3A_123 = vector.extract_strided_slice %add3A_9 {offsets = [0, 672], sizes = [6, 32], strides = [1, 1]} : vector<6x768xf32> to vector<6x32xf32>
    %dot_general3A_124 = arith.constant dense<0.000000e+00> : vector<6x6xf32>
    %dot_general3A_125 = tpu.matmul %slice3A_121, %slice3A_122, %dot_general3A_124 {dimension_numbers = #tpu.dot_dimension_numbers<[1], [1], [0], [0], [0, 0, 1, 0], [], []>, transpose_lhs_hint = false} : vector<6x32xf32>, vector<6x32xf32>, vector<6x6xf32> -> vector<6x6xf32>
    %mul3A_126 = arith.constant 0.176776692 : f32
    %mul3A_127 = vector.broadcast %mul3A_126 : f32 to vector<6x6xf32>
    %mul3A_128 = arith.mulf %dot_general3A_125, %mul3A_127 : vector<6x6xf32>
    %reduce_max3A_129 = arith.constant dense<0xFF800000> : vector<6xf32>
    %reduce_max3A_130 = vector.multi_reduction <maximumf>, %mul3A_128, %reduce_max3A_129 [1] : vector<6x6xf32> to vector<6xf32>
    %max3A_131 = arith.constant 0xFF800000 : f32
    %max3A_132 = vector.broadcast %max3A_131 : f32 to vector<6xf32>
    %max3A_133 = arith.maximumf %max3A_132, %reduce_max3A_130 : vector<6xf32>
    %broadcast_in_dim3A_134 = vector.shape_cast %max3A_133 : vector<6xf32> to vector<6x1xf32>
    %sub3A_135 = vector.broadcast %broadcast_in_dim3A_134 : vector<6x1xf32> to vector<6x6xf32>
    %sub3A_136 = arith.subf %mul3A_128, %sub3A_135 : vector<6x6xf32>
    %exp3A_137 = math.exp %sub3A_136 : vector<6x6xf32>
    %reduce_sum3A_138 = arith.constant dense<0.000000e+00> : vector<6xf32>
    %reduce_sum3A_139 = vector.multi_reduction <add>, %exp3A_137, %reduce_sum3A_138 [1] : vector<6x6xf32> to vector<6xf32>
    %broadcast_in_dim3A_140 = vector.shape_cast %reduce_sum3A_139 : vector<6xf32> to vector<6x1xf32>
    %div3A_141 = vector.broadcast %broadcast_in_dim3A_140 : vector<6x1xf32> to vector<6x6xf32>
    %div3A_142 = arith.divf %exp3A_137, %div3A_141 : vector<6x6xf32>
    %dot_general3A_143 = arith.constant dense<0.000000e+00> : vector<6x32xf32>
    %dot_general3A_144 = tpu.matmul %div3A_142, %slice3A_123, %dot_general3A_143 {dimension_numbers = #tpu.dot_dimension_numbers<[1], [0], [0], [1], [0, 0, 1, 1], [], []>, transpose_lhs_hint = false} : vector<6x6xf32>, vector<6x32xf32>, vector<6x32xf32> -> vector<6x32xf32>
    %slice3A_145 = vector.extract_strided_slice %add3A_9 {offsets = [0, 192], sizes = [6, 32], strides = [1, 1]} : vector<6x768xf32> to vector<6x32xf32>
    %slice3A_146 = vector.extract_strided_slice %add3A_9 {offsets = [0, 448], sizes = [6, 32], strides = [1, 1]} : vector<6x768xf32> to vector<6x32xf32>
    %slice3A_147 = vector.extract_strided_slice %add3A_9 {offsets = [0, 704], sizes = [6, 32], strides = [1, 1]} : vector<6x768xf32> to vector<6x32xf32>
    %dot_general3A_148 = arith.constant dense<0.000000e+00> : vector<6x6xf32>
    %dot_general3A_149 = tpu.matmul %slice3A_145, %slice3A_146, %dot_general3A_148 {dimension_numbers = #tpu.dot_dimension_numbers<[1], [1], [0], [0], [0, 0, 1, 0], [], []>, transpose_lhs_hint = false} : vector<6x32xf32>, vector<6x32xf32>, vector<6x6xf32> -> vector<6x6xf32>
    %mul3A_150 = arith.constant 0.176776692 : f32
    %mul3A_151 = vector.broadcast %mul3A_150 : f32 to vector<6x6xf32>
    %mul3A_152 = arith.mulf %dot_general3A_149, %mul3A_151 : vector<6x6xf32>
    %reduce_max3A_153 = arith.constant dense<0xFF800000> : vector<6xf32>
    %reduce_max3A_154 = vector.multi_reduction <maximumf>, %mul3A_152, %reduce_max3A_153 [1] : vector<6x6xf32> to vector<6xf32>
    %max3A_155 = arith.constant 0xFF800000 : f32
    %max3A_156 = vector.broadcast %max3A_155 : f32 to vector<6xf32>
    %max3A_157 = arith.maximumf %max3A_156, %reduce_max3A_154 : vector<6xf32>
    %broadcast_in_dim3A_158 = vector.shape_cast %max3A_157 : vector<6xf32> to vector<6x1xf32>
    %sub3A_159 = vector.broadcast %broadcast_in_dim3A_158 : vector<6x1xf32> to vector<6x6xf32>
    %sub3A_160 = arith.subf %mul3A_152, %sub3A_159 : vector<6x6xf32>
    %exp3A_161 = math.exp %sub3A_160 : vector<6x6xf32>
    %reduce_sum3A_162 = arith.constant dense<0.000000e+00> : vector<6xf32>
    %reduce_sum3A_163 = vector.multi_reduction <add>, %exp3A_161, %reduce_sum3A_162 [1] : vector<6x6xf32> to vector<6xf32>
    %broadcast_in_dim3A_164 = vector.shape_cast %reduce_sum3A_163 : vector<6xf32> to vector<6x1xf32>
    %div3A_165 = vector.broadcast %broadcast_in_dim3A_164 : vector<6x1xf32> to vector<6x6xf32>
    %div3A_166 = arith.divf %exp3A_161, %div3A_165 : vector<6x6xf32>
    %dot_general3A_167 = arith.constant dense<0.000000e+00> : vector<6x32xf32>
    %dot_general3A_168 = tpu.matmul %div3A_166, %slice3A_147, %dot_general3A_167 {dimension_numbers = #tpu.dot_dimension_numbers<[1], [0], [0], [1], [0, 0, 1, 1], [], []>, transpose_lhs_hint = false} : vector<6x6xf32>, vector<6x32xf32>, vector<6x32xf32> -> vector<6x32xf32>
    %slice3A_169 = vector.extract_strided_slice %add3A_9 {offsets = [0, 224], sizes = [6, 32], strides = [1, 1]} : vector<6x768xf32> to vector<6x32xf32>
    %slice3A_170 = vector.extract_strided_slice %add3A_9 {offsets = [0, 480], sizes = [6, 32], strides = [1, 1]} : vector<6x768xf32> to vector<6x32xf32>
    %slice3A_171 = vector.extract_strided_slice %add3A_9 {offsets = [0, 736], sizes = [6, 32], strides = [1, 1]} : vector<6x768xf32> to vector<6x32xf32>
    %dot_general3A_172 = arith.constant dense<0.000000e+00> : vector<6x6xf32>
    %dot_general3A_173 = tpu.matmul %slice3A_169, %slice3A_170, %dot_general3A_172 {dimension_numbers = #tpu.dot_dimension_numbers<[1], [1], [0], [0], [0, 0, 1, 0], [], []>, transpose_lhs_hint = false} : vector<6x32xf32>, vector<6x32xf32>, vector<6x6xf32> -> vector<6x6xf32>
    %mul3A_174 = arith.constant 0.176776692 : f32
    %mul3A_175 = vector.broadcast %mul3A_174 : f32 to vector<6x6xf32>
    %mul3A_176 = arith.mulf %dot_general3A_173, %mul3A_175 : vector<6x6xf32>
    %reduce_max3A_177 = arith.constant dense<0xFF800000> : vector<6xf32>
    %reduce_max3A_178 = vector.multi_reduction <maximumf>, %mul3A_176, %reduce_max3A_177 [1] : vector<6x6xf32> to vector<6xf32>
    %max3A_179 = arith.constant 0xFF800000 : f32
    %max3A_180 = vector.broadcast %max3A_179 : f32 to vector<6xf32>
    %max3A_181 = arith.maximumf %max3A_180, %reduce_max3A_178 : vector<6xf32>
    %broadcast_in_dim3A_182 = vector.shape_cast %max3A_181 : vector<6xf32> to vector<6x1xf32>
    %sub3A_183 = vector.broadcast %broadcast_in_dim3A_182 : vector<6x1xf32> to vector<6x6xf32>
    %sub3A_184 = arith.subf %mul3A_176, %sub3A_183 : vector<6x6xf32>
    %exp3A_185 = math.exp %sub3A_184 : vector<6x6xf32>
    %reduce_sum3A_186 = arith.constant dense<0.000000e+00> : vector<6xf32>
    %reduce_sum3A_187 = vector.multi_reduction <add>, %exp3A_185, %reduce_sum3A_186 [1] : vector<6x6xf32> to vector<6xf32>
    %broadcast_in_dim3A_188 = vector.shape_cast %reduce_sum3A_187 : vector<6xf32> to vector<6x1xf32>
    %div3A_189 = vector.broadcast %broadcast_in_dim3A_188 : vector<6x1xf32> to vector<6x6xf32>
    %div3A_190 = arith.divf %exp3A_185, %div3A_189 : vector<6x6xf32>
    %dot_general3A_191 = arith.constant dense<0.000000e+00> : vector<6x32xf32>
    %dot_general3A_192 = tpu.matmul %div3A_190, %slice3A_171, %dot_general3A_191 {dimension_numbers = #tpu.dot_dimension_numbers<[1], [0], [0], [1], [0, 0, 1, 1], [], []>, transpose_lhs_hint = false} : vector<6x6xf32>, vector<6x32xf32>, vector<6x32xf32> -> vector<6x32xf32>
    %concatenate3A = tpu.concatenate %dot_general3A_24, %dot_general3A_48, %dot_general3A_72, %dot_general3A_96, %dot_general3A_120, %dot_general3A_144, %dot_general3A_168, %dot_general3A_192 in 1 : vector<6x32xf32>, vector<6x32xf32>, vector<6x32xf32>, vector<6x32xf32>, vector<6x32xf32>, vector<6x32xf32>, vector<6x32xf32>, vector<6x32xf32> -> vector<6x256xf32>
    %get3A_193 = arith.constant 0 : index
    %get3A_194 = arith.constant 0 : index
    %get3A_195 = vector.load %arg4[%get3A_193, %get3A_194] : memref<256x256xf32, #tpu.memory_space<vmem>>, vector<256x256xf32>
    %dot_general3A_196 = arith.constant dense<0.000000e+00> : vector<6x256xf32>
    %dot_general3A_197 = tpu.matmul %concatenate3A, %get3A_195, %dot_general3A_196 {dimension_numbers = #tpu.dot_dimension_numbers<[1], [1], [0], [0], [0, 0, 1, 0], [], []>, transpose_lhs_hint = false} : vector<6x256xf32>, vector<256x256xf32>, vector<6x256xf32> -> vector<6x256xf32>
    %get3A_198 = arith.constant 0 : index
    %get3A_199 = arith.constant 0 : index
    %get3A_200 = vector.load %arg5[%get3A_198, %get3A_199] : memref<1x256xf32, #tpu.memory_space<vmem>>, vector<1x256xf32>
    %add3A_201 = vector.broadcast %get3A_200 : vector<1x256xf32> to vector<6x256xf32>
    %add3A_202 = arith.addf %dot_general3A_197, %add3A_201 : vector<6x256xf32>
    %add3A_203 = arith.addf %get3A_1, %add3A_202 : vector<6x256xf32>
    %get3A_204 = arith.constant 0 : index
    %get3A_205 = arith.constant 0 : index
    %get3A_206 = vector.load %arg6[%get3A_204, %get3A_205] : memref<1x256xf32, #tpu.memory_space<vmem>>, vector<1x256xf32>
    %get3A_207 = arith.constant 0 : index
    %get3A_208 = arith.constant 0 : index
    %get3A_209 = vector.load %arg7[%get3A_207, %get3A_208] : memref<1x256xf32, #tpu.memory_space<vmem>>, vector<1x256xf32>
    %reduce_sum3A_210 = arith.constant dense<0.000000e+00> : vector<6xf32>
    %reduce_sum3A_211 = vector.multi_reduction <add>, %add3A_203, %reduce_sum3A_210 [1] : vector<6x256xf32> to vector<6xf32>
    %broadcast_in_dim3A_212 = vector.shape_cast %reduce_sum3A_211 : vector<6xf32> to vector<6x1xf32>
    %div3A_213 = arith.constant 2.560000e+02 : f32
    %div3A_214 = vector.broadcast %div3A_213 : f32 to vector<6x1xf32>
    %div3A_215 = arith.divf %broadcast_in_dim3A_212, %div3A_214 : vector<6x1xf32>
    %sub3A_216 = vector.broadcast %div3A_215 : vector<6x1xf32> to vector<6x256xf32>
    %sub3A_217 = arith.subf %add3A_203, %sub3A_216 : vector<6x256xf32>
    %integer_pow3A = arith.mulf %sub3A_217, %sub3A_217 : vector<6x256xf32>
    %reduce_sum3A_218 = arith.constant dense<0.000000e+00> : vector<6xf32>
    %reduce_sum3A_219 = vector.multi_reduction <add>, %integer_pow3A, %reduce_sum3A_218 [1] : vector<6x256xf32> to vector<6xf32>
    %broadcast_in_dim3A_220 = vector.shape_cast %reduce_sum3A_219 : vector<6xf32> to vector<6x1xf32>
    %div3A_221 = arith.constant 2.560000e+02 : f32
    %div3A_222 = vector.broadcast %div3A_221 : f32 to vector<6x1xf32>
    %div3A_223 = arith.divf %broadcast_in_dim3A_220, %div3A_222 : vector<6x1xf32>
    %sub3A_224 = vector.broadcast %div3A_215 : vector<6x1xf32> to vector<6x256xf32>
    %sub3A_225 = arith.subf %add3A_203, %sub3A_224 : vector<6x256xf32>
    %add3A_226 = arith.constant 9.99999974E-6 : f32
    %add3A_227 = vector.broadcast %add3A_226 : f32 to vector<6x1xf32>
    %add3A_228 = arith.addf %div3A_223, %add3A_227 : vector<6x1xf32>
    %sqrt3A = math.sqrt %add3A_228 : vector<6x1xf32>
    %div3A_229 = vector.broadcast %sqrt3A : vector<6x1xf32> to vector<6x256xf32>
    %div3A_230 = arith.divf %sub3A_225, %div3A_229 : vector<6x256xf32>
    %mul3A_231 = vector.broadcast %get3A_206 : vector<1x256xf32> to vector<6x256xf32>
    %mul3A_232 = arith.mulf %div3A_230, %mul3A_231 : vector<6x256xf32>
    %add3A_233 = vector.broadcast %get3A_209 : vector<1x256xf32> to vector<6x256xf32>
    %add3A_234 = arith.addf %mul3A_232, %add3A_233 : vector<6x256xf32>
    %get3A_235 = arith.constant 0 : index
    %get3A_236 = arith.constant 0 : index
    %get3A_237 = vector.load %arg8[%get3A_235, %get3A_236] : memref<512x256xf32, #tpu.memory_space<vmem>>, vector<512x256xf32>
    %dot_general3A_238 = arith.constant dense<0.000000e+00> : vector<6x512xf32>
    %dot_general3A_239 = tpu.matmul %add3A_234, %get3A_237, %dot_general3A_238 {dimension_numbers = #tpu.dot_dimension_numbers<[1], [1], [0], [0], [0, 0, 1, 0], [], []>, transpose_lhs_hint = false} : vector<6x256xf32>, vector<512x256xf32>, vector<6x512xf32> -> vector<6x512xf32>
    %get3A_240 = arith.constant 0 : index
    %get3A_241 = arith.constant 0 : index
    %get3A_242 = vector.load %arg9[%get3A_240, %get3A_241] : memref<1x512xf32, #tpu.memory_space<vmem>>, vector<1x512xf32>
    %add3A_243 = vector.broadcast %get3A_242 : vector<1x512xf32> to vector<6x512xf32>
    %add3A_244 = arith.addf %dot_general3A_239, %add3A_243 : vector<6x512xf32>
    %max3A_245 = arith.constant 0.000000e+00 : f32
    %max3A_246 = vector.broadcast %max3A_245 : f32 to vector<6x512xf32>
    %max3A_247 = arith.maximumf %add3A_244, %max3A_246 : vector<6x512xf32>
    %get3A_248 = arith.constant 0 : index
    %get3A_249 = arith.constant 0 : index
    %get3A_250 = vector.load %arg10[%get3A_248, %get3A_249] : memref<256x512xf32, #tpu.memory_space<vmem>>, vector<256x512xf32>
    %dot_general3A_251 = arith.constant dense<0.000000e+00> : vector<6x256xf32>
    %dot_general3A_252 = tpu.matmul %max3A_247, %get3A_250, %dot_general3A_251 {dimension_numbers = #tpu.dot_dimension_numbers<[1], [1], [0], [0], [0, 0, 1, 0], [], []>, transpose_lhs_hint = false} : vector<6x512xf32>, vector<256x512xf32>, vector<6x256xf32> -> vector<6x256xf32>
    %get3A_253 = arith.constant 0 : index
    %get3A_254 = arith.constant 0 : index
    %get3A_255 = vector.load %arg11[%get3A_253, %get3A_254] : memref<1x256xf32, #tpu.memory_space<vmem>>, vector<1x256xf32>
    %add3A_256 = vector.broadcast %get3A_255 : vector<1x256xf32> to vector<6x256xf32>
    %add3A_257 = arith.addf %dot_general3A_252, %add3A_256 : vector<6x256xf32>
    %add3A_258 = arith.addf %add3A_234, %add3A_257 : vector<6x256xf32>
    %get3A_259 = arith.constant 0 : index
    %get3A_260 = arith.constant 0 : index
    %get3A_261 = vector.load %arg12[%get3A_259, %get3A_260] : memref<1x256xf32, #tpu.memory_space<vmem>>, vector<1x256xf32>
    %get3A_262 = arith.constant 0 : index
    %get3A_263 = arith.constant 0 : index
    %get3A_264 = vector.load %arg13[%get3A_262, %get3A_263] : memref<1x256xf32, #tpu.memory_space<vmem>>, vector<1x256xf32>
    %reduce_sum3A_265 = arith.constant dense<0.000000e+00> : vector<6xf32>
    %reduce_sum3A_266 = vector.multi_reduction <add>, %add3A_258, %reduce_sum3A_265 [1] : vector<6x256xf32> to vector<6xf32>
    %broadcast_in_dim3A_267 = vector.shape_cast %reduce_sum3A_266 : vector<6xf32> to vector<6x1xf32>
    %div3A_268 = arith.constant 2.560000e+02 : f32
    %div3A_269 = vector.broadcast %div3A_268 : f32 to vector<6x1xf32>
    %div3A_270 = arith.divf %broadcast_in_dim3A_267, %div3A_269 : vector<6x1xf32>
    %sub3A_271 = vector.broadcast %div3A_270 : vector<6x1xf32> to vector<6x256xf32>
    %sub3A_272 = arith.subf %add3A_258, %sub3A_271 : vector<6x256xf32>
    %integer_pow3A_273 = arith.mulf %sub3A_272, %sub3A_272 : vector<6x256xf32>
    %reduce_sum3A_274 = arith.constant dense<0.000000e+00> : vector<6xf32>
    %reduce_sum3A_275 = vector.multi_reduction <add>, %integer_pow3A_273, %reduce_sum3A_274 [1] : vector<6x256xf32> to vector<6xf32>
    %broadcast_in_dim3A_276 = vector.shape_cast %reduce_sum3A_275 : vector<6xf32> to vector<6x1xf32>
    %div3A_277 = arith.constant 2.560000e+02 : f32
    %div3A_278 = vector.broadcast %div3A_277 : f32 to vector<6x1xf32>
    %div3A_279 = arith.divf %broadcast_in_dim3A_276, %div3A_278 : vector<6x1xf32>
    %sub3A_280 = vector.broadcast %div3A_270 : vector<6x1xf32> to vector<6x256xf32>
    %sub3A_281 = arith.subf %add3A_258, %sub3A_280 : vector<6x256xf32>
    %add3A_282 = arith.constant 9.99999974E-6 : f32
    %add3A_283 = vector.broadcast %add3A_282 : f32 to vector<6x1xf32>
    %add3A_284 = arith.addf %div3A_279, %add3A_283 : vector<6x1xf32>
    %sqrt3A_285 = math.sqrt %add3A_284 : vector<6x1xf32>
    %div3A_286 = vector.broadcast %sqrt3A_285 : vector<6x1xf32> to vector<6x256xf32>
    %div3A_287 = arith.divf %sub3A_281, %div3A_286 : vector<6x256xf32>
    %mul3A_288 = vector.broadcast %get3A_261 : vector<1x256xf32> to vector<6x256xf32>
    %mul3A_289 = arith.mulf %div3A_287, %mul3A_288 : vector<6x256xf32>
    %add3A_290 = vector.broadcast %get3A_264 : vector<1x256xf32> to vector<6x256xf32>
    %add3A_291 = arith.addf %mul3A_289, %add3A_290 : vector<6x256xf32>
    %get3A_292 = arith.constant 0 : index
    %get3A_293 = arith.constant 0 : index
    %get3A_294 = vector.load %arg14[%get3A_292, %get3A_293] : memref<768x256xf32, #tpu.memory_space<vmem>>, vector<768x256xf32>
    %dot_general3A_295 = arith.constant dense<0.000000e+00> : vector<6x768xf32>
    %dot_general3A_296 = tpu.matmul %add3A_291, %get3A_294, %dot_general3A_295 {dimension_numbers = #tpu.dot_dimension_numbers<[1], [1], [0], [0], [0, 0, 1, 0], [], []>, transpose_lhs_hint = false} : vector<6x256xf32>, vector<768x256xf32>, vector<6x768xf32> -> vector<6x768xf32>
    %get3A_297 = arith.constant 0 : index
    %get3A_298 = arith.constant 0 : index
    %get3A_299 = vector.load %arg15[%get3A_297, %get3A_298] : memref<1x768xf32, #tpu.memory_space<vmem>>, vector<1x768xf32>
    %add3A_300 = vector.broadcast %get3A_299 : vector<1x768xf32> to vector<6x768xf32>
    %add3A_301 = arith.addf %dot_general3A_296, %add3A_300 : vector<6x768xf32>
    %slice3A_302 = vector.extract_strided_slice %add3A_301 {offsets = [0, 0], sizes = [6, 32], strides = [1, 1]} : vector<6x768xf32> to vector<6x32xf32>
    %slice3A_303 = vector.extract_strided_slice %add3A_301 {offsets = [0, 256], sizes = [6, 32], strides = [1, 1]} : vector<6x768xf32> to vector<6x32xf32>
    %slice3A_304 = vector.extract_strided_slice %add3A_301 {offsets = [0, 512], sizes = [6, 32], strides = [1, 1]} : vector<6x768xf32> to vector<6x32xf32>
    %dot_general3A_305 = arith.constant dense<0.000000e+00> : vector<6x6xf32>
    %dot_general3A_306 = tpu.matmul %slice3A_302, %slice3A_303, %dot_general3A_305 {dimension_numbers = #tpu.dot_dimension_numbers<[1], [1], [0], [0], [0, 0, 1, 0], [], []>, transpose_lhs_hint = false} : vector<6x32xf32>, vector<6x32xf32>, vector<6x6xf32> -> vector<6x6xf32>
    %mul3A_307 = arith.constant 0.176776692 : f32
    %mul3A_308 = vector.broadcast %mul3A_307 : f32 to vector<6x6xf32>
    %mul3A_309 = arith.mulf %dot_general3A_306, %mul3A_308 : vector<6x6xf32>
    %reduce_max3A_310 = arith.constant dense<0xFF800000> : vector<6xf32>
    %reduce_max3A_311 = vector.multi_reduction <maximumf>, %mul3A_309, %reduce_max3A_310 [1] : vector<6x6xf32> to vector<6xf32>
    %max3A_312 = arith.constant 0xFF800000 : f32
    %max3A_313 = vector.broadcast %max3A_312 : f32 to vector<6xf32>
    %max3A_314 = arith.maximumf %max3A_313, %reduce_max3A_311 : vector<6xf32>
    %broadcast_in_dim3A_315 = vector.shape_cast %max3A_314 : vector<6xf32> to vector<6x1xf32>
    %sub3A_316 = vector.broadcast %broadcast_in_dim3A_315 : vector<6x1xf32> to vector<6x6xf32>
    %sub3A_317 = arith.subf %mul3A_309, %sub3A_316 : vector<6x6xf32>
    %exp3A_318 = math.exp %sub3A_317 : vector<6x6xf32>
    %reduce_sum3A_319 = arith.constant dense<0.000000e+00> : vector<6xf32>
    %reduce_sum3A_320 = vector.multi_reduction <add>, %exp3A_318, %reduce_sum3A_319 [1] : vector<6x6xf32> to vector<6xf32>
    %broadcast_in_dim3A_321 = vector.shape_cast %reduce_sum3A_320 : vector<6xf32> to vector<6x1xf32>
    %div3A_322 = vector.broadcast %broadcast_in_dim3A_321 : vector<6x1xf32> to vector<6x6xf32>
    %div3A_323 = arith.divf %exp3A_318, %div3A_322 : vector<6x6xf32>
    %dot_general3A_324 = arith.constant dense<0.000000e+00> : vector<6x32xf32>
    %dot_general3A_325 = tpu.matmul %div3A_323, %slice3A_304, %dot_general3A_324 {dimension_numbers = #tpu.dot_dimension_numbers<[1], [0], [0], [1], [0, 0, 1, 1], [], []>, transpose_lhs_hint = false} : vector<6x6xf32>, vector<6x32xf32>, vector<6x32xf32> -> vector<6x32xf32>
    %slice3A_326 = vector.extract_strided_slice %add3A_301 {offsets = [0, 32], sizes = [6, 32], strides = [1, 1]} : vector<6x768xf32> to vector<6x32xf32>
    %slice3A_327 = vector.extract_strided_slice %add3A_301 {offsets = [0, 288], sizes = [6, 32], strides = [1, 1]} : vector<6x768xf32> to vector<6x32xf32>
    %slice3A_328 = vector.extract_strided_slice %add3A_301 {offsets = [0, 544], sizes = [6, 32], strides = [1, 1]} : vector<6x768xf32> to vector<6x32xf32>
    %dot_general3A_329 = arith.constant dense<0.000000e+00> : vector<6x6xf32>
    %dot_general3A_330 = tpu.matmul %slice3A_326, %slice3A_327, %dot_general3A_329 {dimension_numbers = #tpu.dot_dimension_numbers<[1], [1], [0], [0], [0, 0, 1, 0], [], []>, transpose_lhs_hint = false} : vector<6x32xf32>, vector<6x32xf32>, vector<6x6xf32> -> vector<6x6xf32>
    %mul3A_331 = arith.constant 0.176776692 : f32
    %mul3A_332 = vector.broadcast %mul3A_331 : f32 to vector<6x6xf32>
    %mul3A_333 = arith.mulf %dot_general3A_330, %mul3A_332 : vector<6x6xf32>
    %reduce_max3A_334 = arith.constant dense<0xFF800000> : vector<6xf32>
    %reduce_max3A_335 = vector.multi_reduction <maximumf>, %mul3A_333, %reduce_max3A_334 [1] : vector<6x6xf32> to vector<6xf32>
    %max3A_336 = arith.constant 0xFF800000 : f32
    %max3A_337 = vector.broadcast %max3A_336 : f32 to vector<6xf32>
    %max3A_338 = arith.maximumf %max3A_337, %reduce_max3A_335 : vector<6xf32>
    %broadcast_in_dim3A_339 = vector.shape_cast %max3A_338 : vector<6xf32> to vector<6x1xf32>
    %sub3A_340 = vector.broadcast %broadcast_in_dim3A_339 : vector<6x1xf32> to vector<6x6xf32>
    %sub3A_341 = arith.subf %mul3A_333, %sub3A_340 : vector<6x6xf32>
    %exp3A_342 = math.exp %sub3A_341 : vector<6x6xf32>
    %reduce_sum3A_343 = arith.constant dense<0.000000e+00> : vector<6xf32>
    %reduce_sum3A_344 = vector.multi_reduction <add>, %exp3A_342, %reduce_sum3A_343 [1] : vector<6x6xf32> to vector<6xf32>
    %broadcast_in_dim3A_345 = vector.shape_cast %reduce_sum3A_344 : vector<6xf32> to vector<6x1xf32>
    %div3A_346 = vector.broadcast %broadcast_in_dim3A_345 : vector<6x1xf32> to vector<6x6xf32>
    %div3A_347 = arith.divf %exp3A_342, %div3A_346 : vector<6x6xf32>
    %dot_general3A_348 = arith.constant dense<0.000000e+00> : vector<6x32xf32>
    %dot_general3A_349 = tpu.matmul %div3A_347, %slice3A_328, %dot_general3A_348 {dimension_numbers = #tpu.dot_dimension_numbers<[1], [0], [0], [1], [0, 0, 1, 1], [], []>, transpose_lhs_hint = false} : vector<6x6xf32>, vector<6x32xf32>, vector<6x32xf32> -> vector<6x32xf32>
    %slice3A_350 = vector.extract_strided_slice %add3A_301 {offsets = [0, 64], sizes = [6, 32], strides = [1, 1]} : vector<6x768xf32> to vector<6x32xf32>
    %slice3A_351 = vector.extract_strided_slice %add3A_301 {offsets = [0, 320], sizes = [6, 32], strides = [1, 1]} : vector<6x768xf32> to vector<6x32xf32>
    %slice3A_352 = vector.extract_strided_slice %add3A_301 {offsets = [0, 576], sizes = [6, 32], strides = [1, 1]} : vector<6x768xf32> to vector<6x32xf32>
    %dot_general3A_353 = arith.constant dense<0.000000e+00> : vector<6x6xf32>
    %dot_general3A_354 = tpu.matmul %slice3A_350, %slice3A_351, %dot_general3A_353 {dimension_numbers = #tpu.dot_dimension_numbers<[1], [1], [0], [0], [0, 0, 1, 0], [], []>, transpose_lhs_hint = false} : vector<6x32xf32>, vector<6x32xf32>, vector<6x6xf32> -> vector<6x6xf32>
    %mul3A_355 = arith.constant 0.176776692 : f32
    %mul3A_356 = vector.broadcast %mul3A_355 : f32 to vector<6x6xf32>
    %mul3A_357 = arith.mulf %dot_general3A_354, %mul3A_356 : vector<6x6xf32>
    %reduce_max3A_358 = arith.constant dense<0xFF800000> : vector<6xf32>
    %reduce_max3A_359 = vector.multi_reduction <maximumf>, %mul3A_357, %reduce_max3A_358 [1] : vector<6x6xf32> to vector<6xf32>
    %max3A_360 = arith.constant 0xFF800000 : f32
    %max3A_361 = vector.broadcast %max3A_360 : f32 to vector<6xf32>
    %max3A_362 = arith.maximumf %max3A_361, %reduce_max3A_359 : vector<6xf32>
    %broadcast_in_dim3A_363 = vector.shape_cast %max3A_362 : vector<6xf32> to vector<6x1xf32>
    %sub3A_364 = vector.broadcast %broadcast_in_dim3A_363 : vector<6x1xf32> to vector<6x6xf32>
    %sub3A_365 = arith.subf %mul3A_357, %sub3A_364 : vector<6x6xf32>
    %exp3A_366 = math.exp %sub3A_365 : vector<6x6xf32>
    %reduce_sum3A_367 = arith.constant dense<0.000000e+00> : vector<6xf32>
    %reduce_sum3A_368 = vector.multi_reduction <add>, %exp3A_366, %reduce_sum3A_367 [1] : vector<6x6xf32> to vector<6xf32>
    %broadcast_in_dim3A_369 = vector.shape_cast %reduce_sum3A_368 : vector<6xf32> to vector<6x1xf32>
    %div3A_370 = vector.broadcast %broadcast_in_dim3A_369 : vector<6x1xf32> to vector<6x6xf32>
    %div3A_371 = arith.divf %exp3A_366, %div3A_370 : vector<6x6xf32>
    %dot_general3A_372 = arith.constant dense<0.000000e+00> : vector<6x32xf32>
    %dot_general3A_373 = tpu.matmul %div3A_371, %slice3A_352, %dot_general3A_372 {dimension_numbers = #tpu.dot_dimension_numbers<[1], [0], [0], [1], [0, 0, 1, 1], [], []>, transpose_lhs_hint = false} : vector<6x6xf32>, vector<6x32xf32>, vector<6x32xf32> -> vector<6x32xf32>
    %slice3A_374 = vector.extract_strided_slice %add3A_301 {offsets = [0, 96], sizes = [6, 32], strides = [1, 1]} : vector<6x768xf32> to vector<6x32xf32>
    %slice3A_375 = vector.extract_strided_slice %add3A_301 {offsets = [0, 352], sizes = [6, 32], strides = [1, 1]} : vector<6x768xf32> to vector<6x32xf32>
    %slice3A_376 = vector.extract_strided_slice %add3A_301 {offsets = [0, 608], sizes = [6, 32], strides = [1, 1]} : vector<6x768xf32> to vector<6x32xf32>
    %dot_general3A_377 = arith.constant dense<0.000000e+00> : vector<6x6xf32>
    %dot_general3A_378 = tpu.matmul %slice3A_374, %slice3A_375, %dot_general3A_377 {dimension_numbers = #tpu.dot_dimension_numbers<[1], [1], [0], [0], [0, 0, 1, 0], [], []>, transpose_lhs_hint = false} : vector<6x32xf32>, vector<6x32xf32>, vector<6x6xf32> -> vector<6x6xf32>
    %mul3A_379 = arith.constant 0.176776692 : f32
    %mul3A_380 = vector.broadcast %mul3A_379 : f32 to vector<6x6xf32>
    %mul3A_381 = arith.mulf %dot_general3A_378, %mul3A_380 : vector<6x6xf32>
    %reduce_max3A_382 = arith.constant dense<0xFF800000> : vector<6xf32>
    %reduce_max3A_383 = vector.multi_reduction <maximumf>, %mul3A_381, %reduce_max3A_382 [1] : vector<6x6xf32> to vector<6xf32>
    %max3A_384 = arith.constant 0xFF800000 : f32
    %max3A_385 = vector.broadcast %max3A_384 : f32 to vector<6xf32>
    %max3A_386 = arith.maximumf %max3A_385, %reduce_max3A_383 : vector<6xf32>
    %broadcast_in_dim3A_387 = vector.shape_cast %max3A_386 : vector<6xf32> to vector<6x1xf32>
    %sub3A_388 = vector.broadcast %broadcast_in_dim3A_387 : vector<6x1xf32> to vector<6x6xf32>
    %sub3A_389 = arith.subf %mul3A_381, %sub3A_388 : vector<6x6xf32>
    %exp3A_390 = math.exp %sub3A_389 : vector<6x6xf32>
    %reduce_sum3A_391 = arith.constant dense<0.000000e+00> : vector<6xf32>
    %reduce_sum3A_392 = vector.multi_reduction <add>, %exp3A_390, %reduce_sum3A_391 [1] : vector<6x6xf32> to vector<6xf32>
    %broadcast_in_dim3A_393 = vector.shape_cast %reduce_sum3A_392 : vector<6xf32> to vector<6x1xf32>
    %div3A_394 = vector.broadcast %broadcast_in_dim3A_393 : vector<6x1xf32> to vector<6x6xf32>
    %div3A_395 = arith.divf %exp3A_390, %div3A_394 : vector<6x6xf32>
    %dot_general3A_396 = arith.constant dense<0.000000e+00> : vector<6x32xf32>
    %dot_general3A_397 = tpu.matmul %div3A_395, %slice3A_376, %dot_general3A_396 {dimension_numbers = #tpu.dot_dimension_numbers<[1], [0], [0], [1], [0, 0, 1, 1], [], []>, transpose_lhs_hint = false} : vector<6x6xf32>, vector<6x32xf32>, vector<6x32xf32> -> vector<6x32xf32>
    %slice3A_398 = vector.extract_strided_slice %add3A_301 {offsets = [0, 128], sizes = [6, 32], strides = [1, 1]} : vector<6x768xf32> to vector<6x32xf32>
    %slice3A_399 = vector.extract_strided_slice %add3A_301 {offsets = [0, 384], sizes = [6, 32], strides = [1, 1]} : vector<6x768xf32> to vector<6x32xf32>
    %slice3A_400 = vector.extract_strided_slice %add3A_301 {offsets = [0, 640], sizes = [6, 32], strides = [1, 1]} : vector<6x768xf32> to vector<6x32xf32>
    %dot_general3A_401 = arith.constant dense<0.000000e+00> : vector<6x6xf32>
    %dot_general3A_402 = tpu.matmul %slice3A_398, %slice3A_399, %dot_general3A_401 {dimension_numbers = #tpu.dot_dimension_numbers<[1], [1], [0], [0], [0, 0, 1, 0], [], []>, transpose_lhs_hint = false} : vector<6x32xf32>, vector<6x32xf32>, vector<6x6xf32> -> vector<6x6xf32>
    %mul3A_403 = arith.constant 0.176776692 : f32
    %mul3A_404 = vector.broadcast %mul3A_403 : f32 to vector<6x6xf32>
    %mul3A_405 = arith.mulf %dot_general3A_402, %mul3A_404 : vector<6x6xf32>
    %reduce_max3A_406 = arith.constant dense<0xFF800000> : vector<6xf32>
    %reduce_max3A_407 = vector.multi_reduction <maximumf>, %mul3A_405, %reduce_max3A_406 [1] : vector<6x6xf32> to vector<6xf32>
    %max3A_408 = arith.constant 0xFF800000 : f32
    %max3A_409 = vector.broadcast %max3A_408 : f32 to vector<6xf32>
    %max3A_410 = arith.maximumf %max3A_409, %reduce_max3A_407 : vector<6xf32>
    %broadcast_in_dim3A_411 = vector.shape_cast %max3A_410 : vector<6xf32> to vector<6x1xf32>
    %sub3A_412 = vector.broadcast %broadcast_in_dim3A_411 : vector<6x1xf32> to vector<6x6xf32>
    %sub3A_413 = arith.subf %mul3A_405, %sub3A_412 : vector<6x6xf32>
    %exp3A_414 = math.exp %sub3A_413 : vector<6x6xf32>
    %reduce_sum3A_415 = arith.constant dense<0.000000e+00> : vector<6xf32>
    %reduce_sum3A_416 = vector.multi_reduction <add>, %exp3A_414, %reduce_sum3A_415 [1] : vector<6x6xf32> to vector<6xf32>
    %broadcast_in_dim3A_417 = vector.shape_cast %reduce_sum3A_416 : vector<6xf32> to vector<6x1xf32>
    %div3A_418 = vector.broadcast %broadcast_in_dim3A_417 : vector<6x1xf32> to vector<6x6xf32>
    %div3A_419 = arith.divf %exp3A_414, %div3A_418 : vector<6x6xf32>
    %dot_general3A_420 = arith.constant dense<0.000000e+00> : vector<6x32xf32>
    %dot_general3A_421 = tpu.matmul %div3A_419, %slice3A_400, %dot_general3A_420 {dimension_numbers = #tpu.dot_dimension_numbers<[1], [0], [0], [1], [0, 0, 1, 1], [], []>, transpose_lhs_hint = false} : vector<6x6xf32>, vector<6x32xf32>, vector<6x32xf32> -> vector<6x32xf32>
    %slice3A_422 = vector.extract_strided_slice %add3A_301 {offsets = [0, 160], sizes = [6, 32], strides = [1, 1]} : vector<6x768xf32> to vector<6x32xf32>
    %slice3A_423 = vector.extract_strided_slice %add3A_301 {offsets = [0, 416], sizes = [6, 32], strides = [1, 1]} : vector<6x768xf32> to vector<6x32xf32>
    %slice3A_424 = vector.extract_strided_slice %add3A_301 {offsets = [0, 672], sizes = [6, 32], strides = [1, 1]} : vector<6x768xf32> to vector<6x32xf32>
    %dot_general3A_425 = arith.constant dense<0.000000e+00> : vector<6x6xf32>
    %dot_general3A_426 = tpu.matmul %slice3A_422, %slice3A_423, %dot_general3A_425 {dimension_numbers = #tpu.dot_dimension_numbers<[1], [1], [0], [0], [0, 0, 1, 0], [], []>, transpose_lhs_hint = false} : vector<6x32xf32>, vector<6x32xf32>, vector<6x6xf32> -> vector<6x6xf32>
    %mul3A_427 = arith.constant 0.176776692 : f32
    %mul3A_428 = vector.broadcast %mul3A_427 : f32 to vector<6x6xf32>
    %mul3A_429 = arith.mulf %dot_general3A_426, %mul3A_428 : vector<6x6xf32>
    %reduce_max3A_430 = arith.constant dense<0xFF800000> : vector<6xf32>
    %reduce_max3A_431 = vector.multi_reduction <maximumf>, %mul3A_429, %reduce_max3A_430 [1] : vector<6x6xf32> to vector<6xf32>
    %max3A_432 = arith.constant 0xFF800000 : f32
    %max3A_433 = vector.broadcast %max3A_432 : f32 to vector<6xf32>
    %max3A_434 = arith.maximumf %max3A_433, %reduce_max3A_431 : vector<6xf32>
    %broadcast_in_dim3A_435 = vector.shape_cast %max3A_434 : vector<6xf32> to vector<6x1xf32>
    %sub3A_436 = vector.broadcast %broadcast_in_dim3A_435 : vector<6x1xf32> to vector<6x6xf32>
    %sub3A_437 = arith.subf %mul3A_429, %sub3A_436 : vector<6x6xf32>
    %exp3A_438 = math.exp %sub3A_437 : vector<6x6xf32>
    %reduce_sum3A_439 = arith.constant dense<0.000000e+00> : vector<6xf32>
    %reduce_sum3A_440 = vector.multi_reduction <add>, %exp3A_438, %reduce_sum3A_439 [1] : vector<6x6xf32> to vector<6xf32>
    %broadcast_in_dim3A_441 = vector.shape_cast %reduce_sum3A_440 : vector<6xf32> to vector<6x1xf32>
    %div3A_442 = vector.broadcast %broadcast_in_dim3A_441 : vector<6x1xf32> to vector<6x6xf32>
    %div3A_443 = arith.divf %exp3A_438, %div3A_442 : vector<6x6xf32>
    %dot_general3A_444 = arith.constant dense<0.000000e+00> : vector<6x32xf32>
    %dot_general3A_445 = tpu.matmul %div3A_443, %slice3A_424, %dot_general3A_444 {dimension_numbers = #tpu.dot_dimension_numbers<[1], [0], [0], [1], [0, 0, 1, 1], [], []>, transpose_lhs_hint = false} : vector<6x6xf32>, vector<6x32xf32>, vector<6x32xf32> -> vector<6x32xf32>
    %slice3A_446 = vector.extract_strided_slice %add3A_301 {offsets = [0, 192], sizes = [6, 32], strides = [1, 1]} : vector<6x768xf32> to vector<6x32xf32>
    %slice3A_447 = vector.extract_strided_slice %add3A_301 {offsets = [0, 448], sizes = [6, 32], strides = [1, 1]} : vector<6x768xf32> to vector<6x32xf32>
    %slice3A_448 = vector.extract_strided_slice %add3A_301 {offsets = [0, 704], sizes = [6, 32], strides = [1, 1]} : vector<6x768xf32> to vector<6x32xf32>
    %dot_general3A_449 = arith.constant dense<0.000000e+00> : vector<6x6xf32>
    %dot_general3A_450 = tpu.matmul %slice3A_446, %slice3A_447, %dot_general3A_449 {dimension_numbers = #tpu.dot_dimension_numbers<[1], [1], [0], [0], [0, 0, 1, 0], [], []>, transpose_lhs_hint = false} : vector<6x32xf32>, vector<6x32xf32>, vector<6x6xf32> -> vector<6x6xf32>
    %mul3A_451 = arith.constant 0.176776692 : f32
    %mul3A_452 = vector.broadcast %mul3A_451 : f32 to vector<6x6xf32>
    %mul3A_453 = arith.mulf %dot_general3A_450, %mul3A_452 : vector<6x6xf32>
    %reduce_max3A_454 = arith.constant dense<0xFF800000> : vector<6xf32>
    %reduce_max3A_455 = vector.multi_reduction <maximumf>, %mul3A_453, %reduce_max3A_454 [1] : vector<6x6xf32> to vector<6xf32>
    %max3A_456 = arith.constant 0xFF800000 : f32
    %max3A_457 = vector.broadcast %max3A_456 : f32 to vector<6xf32>
    %max3A_458 = arith.maximumf %max3A_457, %reduce_max3A_455 : vector<6xf32>
    %broadcast_in_dim3A_459 = vector.shape_cast %max3A_458 : vector<6xf32> to vector<6x1xf32>
    %sub3A_460 = vector.broadcast %broadcast_in_dim3A_459 : vector<6x1xf32> to vector<6x6xf32>
    %sub3A_461 = arith.subf %mul3A_453, %sub3A_460 : vector<6x6xf32>
    %exp3A_462 = math.exp %sub3A_461 : vector<6x6xf32>
    %reduce_sum3A_463 = arith.constant dense<0.000000e+00> : vector<6xf32>
    %reduce_sum3A_464 = vector.multi_reduction <add>, %exp3A_462, %reduce_sum3A_463 [1] : vector<6x6xf32> to vector<6xf32>
    %broadcast_in_dim3A_465 = vector.shape_cast %reduce_sum3A_464 : vector<6xf32> to vector<6x1xf32>
    %div3A_466 = vector.broadcast %broadcast_in_dim3A_465 : vector<6x1xf32> to vector<6x6xf32>
    %div3A_467 = arith.divf %exp3A_462, %div3A_466 : vector<6x6xf32>
    %dot_general3A_468 = arith.constant dense<0.000000e+00> : vector<6x32xf32>
    %dot_general3A_469 = tpu.matmul %div3A_467, %slice3A_448, %dot_general3A_468 {dimension_numbers = #tpu.dot_dimension_numbers<[1], [0], [0], [1], [0, 0, 1, 1], [], []>, transpose_lhs_hint = false} : vector<6x6xf32>, vector<6x32xf32>, vector<6x32xf32> -> vector<6x32xf32>
    %slice3A_470 = vector.extract_strided_slice %add3A_301 {offsets = [0, 224], sizes = [6, 32], strides = [1, 1]} : vector<6x768xf32> to vector<6x32xf32>
    %slice3A_471 = vector.extract_strided_slice %add3A_301 {offsets = [0, 480], sizes = [6, 32], strides = [1, 1]} : vector<6x768xf32> to vector<6x32xf32>
    %slice3A_472 = vector.extract_strided_slice %add3A_301 {offsets = [0, 736], sizes = [6, 32], strides = [1, 1]} : vector<6x768xf32> to vector<6x32xf32>
    %dot_general3A_473 = arith.constant dense<0.000000e+00> : vector<6x6xf32>
    %dot_general3A_474 = tpu.matmul %slice3A_470, %slice3A_471, %dot_general3A_473 {dimension_numbers = #tpu.dot_dimension_numbers<[1], [1], [0], [0], [0, 0, 1, 0], [], []>, transpose_lhs_hint = false} : vector<6x32xf32>, vector<6x32xf32>, vector<6x6xf32> -> vector<6x6xf32>
    %mul3A_475 = arith.constant 0.176776692 : f32
    %mul3A_476 = vector.broadcast %mul3A_475 : f32 to vector<6x6xf32>
    %mul3A_477 = arith.mulf %dot_general3A_474, %mul3A_476 : vector<6x6xf32>
    %reduce_max3A_478 = arith.constant dense<0xFF800000> : vector<6xf32>
    %reduce_max3A_479 = vector.multi_reduction <maximumf>, %mul3A_477, %reduce_max3A_478 [1] : vector<6x6xf32> to vector<6xf32>
    %max3A_480 = arith.constant 0xFF800000 : f32
    %max3A_481 = vector.broadcast %max3A_480 : f32 to vector<6xf32>
    %max3A_482 = arith.maximumf %max3A_481, %reduce_max3A_479 : vector<6xf32>
    %broadcast_in_dim3A_483 = vector.shape_cast %max3A_482 : vector<6xf32> to vector<6x1xf32>
    %sub3A_484 = vector.broadcast %broadcast_in_dim3A_483 : vector<6x1xf32> to vector<6x6xf32>
    %sub3A_485 = arith.subf %mul3A_477, %sub3A_484 : vector<6x6xf32>
    %exp3A_486 = math.exp %sub3A_485 : vector<6x6xf32>
    %reduce_sum3A_487 = arith.constant dense<0.000000e+00> : vector<6xf32>
    %reduce_sum3A_488 = vector.multi_reduction <add>, %exp3A_486, %reduce_sum3A_487 [1] : vector<6x6xf32> to vector<6xf32>
    %broadcast_in_dim3A_489 = vector.shape_cast %reduce_sum3A_488 : vector<6xf32> to vector<6x1xf32>
    %div3A_490 = vector.broadcast %broadcast_in_dim3A_489 : vector<6x1xf32> to vector<6x6xf32>
    %div3A_491 = arith.divf %exp3A_486, %div3A_490 : vector<6x6xf32>
    %dot_general3A_492 = arith.constant dense<0.000000e+00> : vector<6x32xf32>
    %dot_general3A_493 = tpu.matmul %div3A_491, %slice3A_472, %dot_general3A_492 {dimension_numbers = #tpu.dot_dimension_numbers<[1], [0], [0], [1], [0, 0, 1, 1], [], []>, transpose_lhs_hint = false} : vector<6x6xf32>, vector<6x32xf32>, vector<6x32xf32> -> vector<6x32xf32>
    %concatenate3A_494 = tpu.concatenate %dot_general3A_325, %dot_general3A_349, %dot_general3A_373, %dot_general3A_397, %dot_general3A_421, %dot_general3A_445, %dot_general3A_469, %dot_general3A_493 in 1 : vector<6x32xf32>, vector<6x32xf32>, vector<6x32xf32>, vector<6x32xf32>, vector<6x32xf32>, vector<6x32xf32>, vector<6x32xf32>, vector<6x32xf32> -> vector<6x256xf32>
    %get3A_495 = arith.constant 0 : index
    %get3A_496 = arith.constant 0 : index
    %get3A_497 = vector.load %arg16[%get3A_495, %get3A_496] : memref<256x256xf32, #tpu.memory_space<vmem>>, vector<256x256xf32>
    %dot_general3A_498 = arith.constant dense<0.000000e+00> : vector<6x256xf32>
    %dot_general3A_499 = tpu.matmul %concatenate3A_494, %get3A_497, %dot_general3A_498 {dimension_numbers = #tpu.dot_dimension_numbers<[1], [1], [0], [0], [0, 0, 1, 0], [], []>, transpose_lhs_hint = false} : vector<6x256xf32>, vector<256x256xf32>, vector<6x256xf32> -> vector<6x256xf32>
    %get3A_500 = arith.constant 0 : index
    %get3A_501 = arith.constant 0 : index
    %get3A_502 = vector.load %arg17[%get3A_500, %get3A_501] : memref<1x256xf32, #tpu.memory_space<vmem>>, vector<1x256xf32>
    %add3A_503 = vector.broadcast %get3A_502 : vector<1x256xf32> to vector<6x256xf32>
    %add3A_504 = arith.addf %dot_general3A_499, %add3A_503 : vector<6x256xf32>
    %add3A_505 = arith.addf %add3A_291, %add3A_504 : vector<6x256xf32>
    %get3A_506 = arith.constant 0 : index
    %get3A_507 = arith.constant 0 : index
    %get3A_508 = vector.load %arg18[%get3A_506, %get3A_507] : memref<1x256xf32, #tpu.memory_space<vmem>>, vector<1x256xf32>
    %get3A_509 = arith.constant 0 : index
    %get3A_510 = arith.constant 0 : index
    %get3A_511 = vector.load %arg19[%get3A_509, %get3A_510] : memref<1x256xf32, #tpu.memory_space<vmem>>, vector<1x256xf32>
    %reduce_sum3A_512 = arith.constant dense<0.000000e+00> : vector<6xf32>
    %reduce_sum3A_513 = vector.multi_reduction <add>, %add3A_505, %reduce_sum3A_512 [1] : vector<6x256xf32> to vector<6xf32>
    %broadcast_in_dim3A_514 = vector.shape_cast %reduce_sum3A_513 : vector<6xf32> to vector<6x1xf32>
    %div3A_515 = arith.constant 2.560000e+02 : f32
    %div3A_516 = vector.broadcast %div3A_515 : f32 to vector<6x1xf32>
    %div3A_517 = arith.divf %broadcast_in_dim3A_514, %div3A_516 : vector<6x1xf32>
    %sub3A_518 = vector.broadcast %div3A_517 : vector<6x1xf32> to vector<6x256xf32>
    %sub3A_519 = arith.subf %add3A_505, %sub3A_518 : vector<6x256xf32>
    %integer_pow3A_520 = arith.mulf %sub3A_519, %sub3A_519 : vector<6x256xf32>
    %reduce_sum3A_521 = arith.constant dense<0.000000e+00> : vector<6xf32>
    %reduce_sum3A_522 = vector.multi_reduction <add>, %integer_pow3A_520, %reduce_sum3A_521 [1] : vector<6x256xf32> to vector<6xf32>
    %broadcast_in_dim3A_523 = vector.shape_cast %reduce_sum3A_522 : vector<6xf32> to vector<6x1xf32>
    %div3A_524 = arith.constant 2.560000e+02 : f32
    %div3A_525 = vector.broadcast %div3A_524 : f32 to vector<6x1xf32>
    %div3A_526 = arith.divf %broadcast_in_dim3A_523, %div3A_525 : vector<6x1xf32>
    %sub3A_527 = vector.broadcast %div3A_517 : vector<6x1xf32> to vector<6x256xf32>
    %sub3A_528 = arith.subf %add3A_505, %sub3A_527 : vector<6x256xf32>
    %add3A_529 = arith.constant 9.99999974E-6 : f32
    %add3A_530 = vector.broadcast %add3A_529 : f32 to vector<6x1xf32>
    %add3A_531 = arith.addf %div3A_526, %add3A_530 : vector<6x1xf32>
    %sqrt3A_532 = math.sqrt %add3A_531 : vector<6x1xf32>
    %div3A_533 = vector.broadcast %sqrt3A_532 : vector<6x1xf32> to vector<6x256xf32>
    %div3A_534 = arith.divf %sub3A_528, %div3A_533 : vector<6x256xf32>
    %mul3A_535 = vector.broadcast %get3A_508 : vector<1x256xf32> to vector<6x256xf32>
    %mul3A_536 = arith.mulf %div3A_534, %mul3A_535 : vector<6x256xf32>
    %add3A_537 = vector.broadcast %get3A_511 : vector<1x256xf32> to vector<6x256xf32>
    %add3A_538 = arith.addf %mul3A_536, %add3A_537 : vector<6x256xf32>
    %get3A_539 = arith.constant 0 : index
    %get3A_540 = arith.constant 0 : index
    %get3A_541 = vector.load %arg20[%get3A_539, %get3A_540] : memref<512x256xf32, #tpu.memory_space<vmem>>, vector<512x256xf32>
    %dot_general3A_542 = arith.constant dense<0.000000e+00> : vector<6x512xf32>
    %dot_general3A_543 = tpu.matmul %add3A_538, %get3A_541, %dot_general3A_542 {dimension_numbers = #tpu.dot_dimension_numbers<[1], [1], [0], [0], [0, 0, 1, 0], [], []>, transpose_lhs_hint = false} : vector<6x256xf32>, vector<512x256xf32>, vector<6x512xf32> -> vector<6x512xf32>
    %get3A_544 = arith.constant 0 : index
    %get3A_545 = arith.constant 0 : index
    %get3A_546 = vector.load %arg21[%get3A_544, %get3A_545] : memref<1x512xf32, #tpu.memory_space<vmem>>, vector<1x512xf32>
    %add3A_547 = vector.broadcast %get3A_546 : vector<1x512xf32> to vector<6x512xf32>
    %add3A_548 = arith.addf %dot_general3A_543, %add3A_547 : vector<6x512xf32>
    %max3A_549 = arith.constant 0.000000e+00 : f32
    %max3A_550 = vector.broadcast %max3A_549 : f32 to vector<6x512xf32>
    %max3A_551 = arith.maximumf %add3A_548, %max3A_550 : vector<6x512xf32>
    %get3A_552 = arith.constant 0 : index
    %get3A_553 = arith.constant 0 : index
    %get3A_554 = vector.load %arg22[%get3A_552, %get3A_553] : memref<256x512xf32, #tpu.memory_space<vmem>>, vector<256x512xf32>
    %dot_general3A_555 = arith.constant dense<0.000000e+00> : vector<6x256xf32>
    %dot_general3A_556 = tpu.matmul %max3A_551, %get3A_554, %dot_general3A_555 {dimension_numbers = #tpu.dot_dimension_numbers<[1], [1], [0], [0], [0, 0, 1, 0], [], []>, transpose_lhs_hint = false} : vector<6x512xf32>, vector<256x512xf32>, vector<6x256xf32> -> vector<6x256xf32>
    %get3A_557 = arith.constant 0 : index
    %get3A_558 = arith.constant 0 : index
    %get3A_559 = vector.load %arg23[%get3A_557, %get3A_558] : memref<1x256xf32, #tpu.memory_space<vmem>>, vector<1x256xf32>
    %add3A_560 = vector.broadcast %get3A_559 : vector<1x256xf32> to vector<6x256xf32>
    %add3A_561 = arith.addf %dot_general3A_556, %add3A_560 : vector<6x256xf32>
    %add3A_562 = arith.addf %add3A_538, %add3A_561 : vector<6x256xf32>
    %get3A_563 = arith.constant 0 : index
    %get3A_564 = arith.constant 0 : index
    %get3A_565 = vector.load %arg24[%get3A_563, %get3A_564] : memref<1x256xf32, #tpu.memory_space<vmem>>, vector<1x256xf32>
    %get3A_566 = arith.constant 0 : index
    %get3A_567 = arith.constant 0 : index
    %get3A_568 = vector.load %arg25[%get3A_566, %get3A_567] : memref<1x256xf32, #tpu.memory_space<vmem>>, vector<1x256xf32>
    %reduce_sum3A_569 = arith.constant dense<0.000000e+00> : vector<6xf32>
    %reduce_sum3A_570 = vector.multi_reduction <add>, %add3A_562, %reduce_sum3A_569 [1] : vector<6x256xf32> to vector<6xf32>
    %broadcast_in_dim3A_571 = vector.shape_cast %reduce_sum3A_570 : vector<6xf32> to vector<6x1xf32>
    %div3A_572 = arith.constant 2.560000e+02 : f32
    %div3A_573 = vector.broadcast %div3A_572 : f32 to vector<6x1xf32>
    %div3A_574 = arith.divf %broadcast_in_dim3A_571, %div3A_573 : vector<6x1xf32>
    %sub3A_575 = vector.broadcast %div3A_574 : vector<6x1xf32> to vector<6x256xf32>
    %sub3A_576 = arith.subf %add3A_562, %sub3A_575 : vector<6x256xf32>
    %integer_pow3A_577 = arith.mulf %sub3A_576, %sub3A_576 : vector<6x256xf32>
    %reduce_sum3A_578 = arith.constant dense<0.000000e+00> : vector<6xf32>
    %reduce_sum3A_579 = vector.multi_reduction <add>, %integer_pow3A_577, %reduce_sum3A_578 [1] : vector<6x256xf32> to vector<6xf32>
    %broadcast_in_dim3A_580 = vector.shape_cast %reduce_sum3A_579 : vector<6xf32> to vector<6x1xf32>
    %div3A_581 = arith.constant 2.560000e+02 : f32
    %div3A_582 = vector.broadcast %div3A_581 : f32 to vector<6x1xf32>
    %div3A_583 = arith.divf %broadcast_in_dim3A_580, %div3A_582 : vector<6x1xf32>
    %sub3A_584 = vector.broadcast %div3A_574 : vector<6x1xf32> to vector<6x256xf32>
    %sub3A_585 = arith.subf %add3A_562, %sub3A_584 : vector<6x256xf32>
    %add3A_586 = arith.constant 9.99999974E-6 : f32
    %add3A_587 = vector.broadcast %add3A_586 : f32 to vector<6x1xf32>
    %add3A_588 = arith.addf %div3A_583, %add3A_587 : vector<6x1xf32>
    %sqrt3A_589 = math.sqrt %add3A_588 : vector<6x1xf32>
    %div3A_590 = vector.broadcast %sqrt3A_589 : vector<6x1xf32> to vector<6x256xf32>
    %div3A_591 = arith.divf %sub3A_585, %div3A_590 : vector<6x256xf32>
    %mul3A_592 = vector.broadcast %get3A_565 : vector<1x256xf32> to vector<6x256xf32>
    %mul3A_593 = arith.mulf %div3A_591, %mul3A_592 : vector<6x256xf32>
    %add3A_594 = vector.broadcast %get3A_568 : vector<1x256xf32> to vector<6x256xf32>
    %add3A_595 = arith.addf %mul3A_593, %add3A_594 : vector<6x256xf32>
    %get3A_596 = arith.constant 0 : index
    %get3A_597 = arith.constant 0 : index
    %get3A_598 = vector.load %arg1[%get3A_596, %get3A_597] : memref<6x256xf32, #tpu.memory_space<vmem>>, vector<6x256xf32>
    %get3A_599 = arith.constant 0 : index
    %get3A_600 = arith.constant 0 : index
    %get3A_601 = vector.load %arg26[%get3A_599, %get3A_600] : memref<768x256xf32, #tpu.memory_space<vmem>>, vector<768x256xf32>
    %dot_general3A_602 = arith.constant dense<0.000000e+00> : vector<6x768xf32>
    %dot_general3A_603 = tpu.matmul %get3A_598, %get3A_601, %dot_general3A_602 {dimension_numbers = #tpu.dot_dimension_numbers<[1], [1], [0], [0], [0, 0, 1, 0], [], []>, transpose_lhs_hint = false} : vector<6x256xf32>, vector<768x256xf32>, vector<6x768xf32> -> vector<6x768xf32>
    %get3A_604 = arith.constant 0 : index
    %get3A_605 = arith.constant 0 : index
    %get3A_606 = vector.load %arg27[%get3A_604, %get3A_605] : memref<1x768xf32, #tpu.memory_space<vmem>>, vector<1x768xf32>
    %add3A_607 = vector.broadcast %get3A_606 : vector<1x768xf32> to vector<6x768xf32>
    %add3A_608 = arith.addf %dot_general3A_603, %add3A_607 : vector<6x768xf32>
    %slice3A_609 = vector.extract_strided_slice %add3A_608 {offsets = [0, 0], sizes = [6, 32], strides = [1, 1]} : vector<6x768xf32> to vector<6x32xf32>
    %slice3A_610 = vector.extract_strided_slice %add3A_608 {offsets = [0, 256], sizes = [6, 32], strides = [1, 1]} : vector<6x768xf32> to vector<6x32xf32>
    %slice3A_611 = vector.extract_strided_slice %add3A_608 {offsets = [0, 512], sizes = [6, 32], strides = [1, 1]} : vector<6x768xf32> to vector<6x32xf32>
    %dot_general3A_612 = arith.constant dense<0.000000e+00> : vector<6x6xf32>
    %dot_general3A_613 = tpu.matmul %slice3A_609, %slice3A_610, %dot_general3A_612 {dimension_numbers = #tpu.dot_dimension_numbers<[1], [1], [0], [0], [0, 0, 1, 0], [], []>, transpose_lhs_hint = false} : vector<6x32xf32>, vector<6x32xf32>, vector<6x6xf32> -> vector<6x6xf32>
    %mul3A_614 = arith.constant 0.176776692 : f32
    %mul3A_615 = vector.broadcast %mul3A_614 : f32 to vector<6x6xf32>
    %mul3A_616 = arith.mulf %dot_general3A_613, %mul3A_615 : vector<6x6xf32>
    %reduce_max3A_617 = arith.constant dense<0xFF800000> : vector<6xf32>
    %reduce_max3A_618 = vector.multi_reduction <maximumf>, %mul3A_616, %reduce_max3A_617 [1] : vector<6x6xf32> to vector<6xf32>
    %max3A_619 = arith.constant 0xFF800000 : f32
    %max3A_620 = vector.broadcast %max3A_619 : f32 to vector<6xf32>
    %max3A_621 = arith.maximumf %max3A_620, %reduce_max3A_618 : vector<6xf32>
    %broadcast_in_dim3A_622 = vector.shape_cast %max3A_621 : vector<6xf32> to vector<6x1xf32>
    %sub3A_623 = vector.broadcast %broadcast_in_dim3A_622 : vector<6x1xf32> to vector<6x6xf32>
    %sub3A_624 = arith.subf %mul3A_616, %sub3A_623 : vector<6x6xf32>
    %exp3A_625 = math.exp %sub3A_624 : vector<6x6xf32>
    %reduce_sum3A_626 = arith.constant dense<0.000000e+00> : vector<6xf32>
    %reduce_sum3A_627 = vector.multi_reduction <add>, %exp3A_625, %reduce_sum3A_626 [1] : vector<6x6xf32> to vector<6xf32>
    %broadcast_in_dim3A_628 = vector.shape_cast %reduce_sum3A_627 : vector<6xf32> to vector<6x1xf32>
    %div3A_629 = vector.broadcast %broadcast_in_dim3A_628 : vector<6x1xf32> to vector<6x6xf32>
    %div3A_630 = arith.divf %exp3A_625, %div3A_629 : vector<6x6xf32>
    %dot_general3A_631 = arith.constant dense<0.000000e+00> : vector<6x32xf32>
    %dot_general3A_632 = tpu.matmul %div3A_630, %slice3A_611, %dot_general3A_631 {dimension_numbers = #tpu.dot_dimension_numbers<[1], [0], [0], [1], [0, 0, 1, 1], [], []>, transpose_lhs_hint = false} : vector<6x6xf32>, vector<6x32xf32>, vector<6x32xf32> -> vector<6x32xf32>
    %slice3A_633 = vector.extract_strided_slice %add3A_608 {offsets = [0, 32], sizes = [6, 32], strides = [1, 1]} : vector<6x768xf32> to vector<6x32xf32>
    %slice3A_634 = vector.extract_strided_slice %add3A_608 {offsets = [0, 288], sizes = [6, 32], strides = [1, 1]} : vector<6x768xf32> to vector<6x32xf32>
    %slice3A_635 = vector.extract_strided_slice %add3A_608 {offsets = [0, 544], sizes = [6, 32], strides = [1, 1]} : vector<6x768xf32> to vector<6x32xf32>
    %dot_general3A_636 = arith.constant dense<0.000000e+00> : vector<6x6xf32>
    %dot_general3A_637 = tpu.matmul %slice3A_633, %slice3A_634, %dot_general3A_636 {dimension_numbers = #tpu.dot_dimension_numbers<[1], [1], [0], [0], [0, 0, 1, 0], [], []>, transpose_lhs_hint = false} : vector<6x32xf32>, vector<6x32xf32>, vector<6x6xf32> -> vector<6x6xf32>
    %mul3A_638 = arith.constant 0.176776692 : f32
    %mul3A_639 = vector.broadcast %mul3A_638 : f32 to vector<6x6xf32>
    %mul3A_640 = arith.mulf %dot_general3A_637, %mul3A_639 : vector<6x6xf32>
    %reduce_max3A_641 = arith.constant dense<0xFF800000> : vector<6xf32>
    %reduce_max3A_642 = vector.multi_reduction <maximumf>, %mul3A_640, %reduce_max3A_641 [1] : vector<6x6xf32> to vector<6xf32>
    %max3A_643 = arith.constant 0xFF800000 : f32
    %max3A_644 = vector.broadcast %max3A_643 : f32 to vector<6xf32>
    %max3A_645 = arith.maximumf %max3A_644, %reduce_max3A_642 : vector<6xf32>
    %broadcast_in_dim3A_646 = vector.shape_cast %max3A_645 : vector<6xf32> to vector<6x1xf32>
    %sub3A_647 = vector.broadcast %broadcast_in_dim3A_646 : vector<6x1xf32> to vector<6x6xf32>
    %sub3A_648 = arith.subf %mul3A_640, %sub3A_647 : vector<6x6xf32>
    %exp3A_649 = math.exp %sub3A_648 : vector<6x6xf32>
    %reduce_sum3A_650 = arith.constant dense<0.000000e+00> : vector<6xf32>
    %reduce_sum3A_651 = vector.multi_reduction <add>, %exp3A_649, %reduce_sum3A_650 [1] : vector<6x6xf32> to vector<6xf32>
    %broadcast_in_dim3A_652 = vector.shape_cast %reduce_sum3A_651 : vector<6xf32> to vector<6x1xf32>
    %div3A_653 = vector.broadcast %broadcast_in_dim3A_652 : vector<6x1xf32> to vector<6x6xf32>
    %div3A_654 = arith.divf %exp3A_649, %div3A_653 : vector<6x6xf32>
    %dot_general3A_655 = arith.constant dense<0.000000e+00> : vector<6x32xf32>
    %dot_general3A_656 = tpu.matmul %div3A_654, %slice3A_635, %dot_general3A_655 {dimension_numbers = #tpu.dot_dimension_numbers<[1], [0], [0], [1], [0, 0, 1, 1], [], []>, transpose_lhs_hint = false} : vector<6x6xf32>, vector<6x32xf32>, vector<6x32xf32> -> vector<6x32xf32>
    %slice3A_657 = vector.extract_strided_slice %add3A_608 {offsets = [0, 64], sizes = [6, 32], strides = [1, 1]} : vector<6x768xf32> to vector<6x32xf32>
    %slice3A_658 = vector.extract_strided_slice %add3A_608 {offsets = [0, 320], sizes = [6, 32], strides = [1, 1]} : vector<6x768xf32> to vector<6x32xf32>
    %slice3A_659 = vector.extract_strided_slice %add3A_608 {offsets = [0, 576], sizes = [6, 32], strides = [1, 1]} : vector<6x768xf32> to vector<6x32xf32>
    %dot_general3A_660 = arith.constant dense<0.000000e+00> : vector<6x6xf32>
    %dot_general3A_661 = tpu.matmul %slice3A_657, %slice3A_658, %dot_general3A_660 {dimension_numbers = #tpu.dot_dimension_numbers<[1], [1], [0], [0], [0, 0, 1, 0], [], []>, transpose_lhs_hint = false} : vector<6x32xf32>, vector<6x32xf32>, vector<6x6xf32> -> vector<6x6xf32>
    %mul3A_662 = arith.constant 0.176776692 : f32
    %mul3A_663 = vector.broadcast %mul3A_662 : f32 to vector<6x6xf32>
    %mul3A_664 = arith.mulf %dot_general3A_661, %mul3A_663 : vector<6x6xf32>
    %reduce_max3A_665 = arith.constant dense<0xFF800000> : vector<6xf32>
    %reduce_max3A_666 = vector.multi_reduction <maximumf>, %mul3A_664, %reduce_max3A_665 [1] : vector<6x6xf32> to vector<6xf32>
    %max3A_667 = arith.constant 0xFF800000 : f32
    %max3A_668 = vector.broadcast %max3A_667 : f32 to vector<6xf32>
    %max3A_669 = arith.maximumf %max3A_668, %reduce_max3A_666 : vector<6xf32>
    %broadcast_in_dim3A_670 = vector.shape_cast %max3A_669 : vector<6xf32> to vector<6x1xf32>
    %sub3A_671 = vector.broadcast %broadcast_in_dim3A_670 : vector<6x1xf32> to vector<6x6xf32>
    %sub3A_672 = arith.subf %mul3A_664, %sub3A_671 : vector<6x6xf32>
    %exp3A_673 = math.exp %sub3A_672 : vector<6x6xf32>
    %reduce_sum3A_674 = arith.constant dense<0.000000e+00> : vector<6xf32>
    %reduce_sum3A_675 = vector.multi_reduction <add>, %exp3A_673, %reduce_sum3A_674 [1] : vector<6x6xf32> to vector<6xf32>
    %broadcast_in_dim3A_676 = vector.shape_cast %reduce_sum3A_675 : vector<6xf32> to vector<6x1xf32>
    %div3A_677 = vector.broadcast %broadcast_in_dim3A_676 : vector<6x1xf32> to vector<6x6xf32>
    %div3A_678 = arith.divf %exp3A_673, %div3A_677 : vector<6x6xf32>
    %dot_general3A_679 = arith.constant dense<0.000000e+00> : vector<6x32xf32>
    %dot_general3A_680 = tpu.matmul %div3A_678, %slice3A_659, %dot_general3A_679 {dimension_numbers = #tpu.dot_dimension_numbers<[1], [0], [0], [1], [0, 0, 1, 1], [], []>, transpose_lhs_hint = false} : vector<6x6xf32>, vector<6x32xf32>, vector<6x32xf32> -> vector<6x32xf32>
    %slice3A_681 = vector.extract_strided_slice %add3A_608 {offsets = [0, 96], sizes = [6, 32], strides = [1, 1]} : vector<6x768xf32> to vector<6x32xf32>
    %slice3A_682 = vector.extract_strided_slice %add3A_608 {offsets = [0, 352], sizes = [6, 32], strides = [1, 1]} : vector<6x768xf32> to vector<6x32xf32>
    %slice3A_683 = vector.extract_strided_slice %add3A_608 {offsets = [0, 608], sizes = [6, 32], strides = [1, 1]} : vector<6x768xf32> to vector<6x32xf32>
    %dot_general3A_684 = arith.constant dense<0.000000e+00> : vector<6x6xf32>
    %dot_general3A_685 = tpu.matmul %slice3A_681, %slice3A_682, %dot_general3A_684 {dimension_numbers = #tpu.dot_dimension_numbers<[1], [1], [0], [0], [0, 0, 1, 0], [], []>, transpose_lhs_hint = false} : vector<6x32xf32>, vector<6x32xf32>, vector<6x6xf32> -> vector<6x6xf32>
    %mul3A_686 = arith.constant 0.176776692 : f32
    %mul3A_687 = vector.broadcast %mul3A_686 : f32 to vector<6x6xf32>
    %mul3A_688 = arith.mulf %dot_general3A_685, %mul3A_687 : vector<6x6xf32>
    %reduce_max3A_689 = arith.constant dense<0xFF800000> : vector<6xf32>
    %reduce_max3A_690 = vector.multi_reduction <maximumf>, %mul3A_688, %reduce_max3A_689 [1] : vector<6x6xf32> to vector<6xf32>
    %max3A_691 = arith.constant 0xFF800000 : f32
    %max3A_692 = vector.broadcast %max3A_691 : f32 to vector<6xf32>
    %max3A_693 = arith.maximumf %max3A_692, %reduce_max3A_690 : vector<6xf32>
    %broadcast_in_dim3A_694 = vector.shape_cast %max3A_693 : vector<6xf32> to vector<6x1xf32>
    %sub3A_695 = vector.broadcast %broadcast_in_dim3A_694 : vector<6x1xf32> to vector<6x6xf32>
    %sub3A_696 = arith.subf %mul3A_688, %sub3A_695 : vector<6x6xf32>
    %exp3A_697 = math.exp %sub3A_696 : vector<6x6xf32>
    %reduce_sum3A_698 = arith.constant dense<0.000000e+00> : vector<6xf32>
    %reduce_sum3A_699 = vector.multi_reduction <add>, %exp3A_697, %reduce_sum3A_698 [1] : vector<6x6xf32> to vector<6xf32>
    %broadcast_in_dim3A_700 = vector.shape_cast %reduce_sum3A_699 : vector<6xf32> to vector<6x1xf32>
    %div3A_701 = vector.broadcast %broadcast_in_dim3A_700 : vector<6x1xf32> to vector<6x6xf32>
    %div3A_702 = arith.divf %exp3A_697, %div3A_701 : vector<6x6xf32>
    %dot_general3A_703 = arith.constant dense<0.000000e+00> : vector<6x32xf32>
    %dot_general3A_704 = tpu.matmul %div3A_702, %slice3A_683, %dot_general3A_703 {dimension_numbers = #tpu.dot_dimension_numbers<[1], [0], [0], [1], [0, 0, 1, 1], [], []>, transpose_lhs_hint = false} : vector<6x6xf32>, vector<6x32xf32>, vector<6x32xf32> -> vector<6x32xf32>
    %slice3A_705 = vector.extract_strided_slice %add3A_608 {offsets = [0, 128], sizes = [6, 32], strides = [1, 1]} : vector<6x768xf32> to vector<6x32xf32>
    %slice3A_706 = vector.extract_strided_slice %add3A_608 {offsets = [0, 384], sizes = [6, 32], strides = [1, 1]} : vector<6x768xf32> to vector<6x32xf32>
    %slice3A_707 = vector.extract_strided_slice %add3A_608 {offsets = [0, 640], sizes = [6, 32], strides = [1, 1]} : vector<6x768xf32> to vector<6x32xf32>
    %dot_general3A_708 = arith.constant dense<0.000000e+00> : vector<6x6xf32>
    %dot_general3A_709 = tpu.matmul %slice3A_705, %slice3A_706, %dot_general3A_708 {dimension_numbers = #tpu.dot_dimension_numbers<[1], [1], [0], [0], [0, 0, 1, 0], [], []>, transpose_lhs_hint = false} : vector<6x32xf32>, vector<6x32xf32>, vector<6x6xf32> -> vector<6x6xf32>
    %mul3A_710 = arith.constant 0.176776692 : f32
    %mul3A_711 = vector.broadcast %mul3A_710 : f32 to vector<6x6xf32>
    %mul3A_712 = arith.mulf %dot_general3A_709, %mul3A_711 : vector<6x6xf32>
    %reduce_max3A_713 = arith.constant dense<0xFF800000> : vector<6xf32>
    %reduce_max3A_714 = vector.multi_reduction <maximumf>, %mul3A_712, %reduce_max3A_713 [1] : vector<6x6xf32> to vector<6xf32>
    %max3A_715 = arith.constant 0xFF800000 : f32
    %max3A_716 = vector.broadcast %max3A_715 : f32 to vector<6xf32>
    %max3A_717 = arith.maximumf %max3A_716, %reduce_max3A_714 : vector<6xf32>
    %broadcast_in_dim3A_718 = vector.shape_cast %max3A_717 : vector<6xf32> to vector<6x1xf32>
    %sub3A_719 = vector.broadcast %broadcast_in_dim3A_718 : vector<6x1xf32> to vector<6x6xf32>
    %sub3A_720 = arith.subf %mul3A_712, %sub3A_719 : vector<6x6xf32>
    %exp3A_721 = math.exp %sub3A_720 : vector<6x6xf32>
    %reduce_sum3A_722 = arith.constant dense<0.000000e+00> : vector<6xf32>
    %reduce_sum3A_723 = vector.multi_reduction <add>, %exp3A_721, %reduce_sum3A_722 [1] : vector<6x6xf32> to vector<6xf32>
    %broadcast_in_dim3A_724 = vector.shape_cast %reduce_sum3A_723 : vector<6xf32> to vector<6x1xf32>
    %div3A_725 = vector.broadcast %broadcast_in_dim3A_724 : vector<6x1xf32> to vector<6x6xf32>
    %div3A_726 = arith.divf %exp3A_721, %div3A_725 : vector<6x6xf32>
    %dot_general3A_727 = arith.constant dense<0.000000e+00> : vector<6x32xf32>
    %dot_general3A_728 = tpu.matmul %div3A_726, %slice3A_707, %dot_general3A_727 {dimension_numbers = #tpu.dot_dimension_numbers<[1], [0], [0], [1], [0, 0, 1, 1], [], []>, transpose_lhs_hint = false} : vector<6x6xf32>, vector<6x32xf32>, vector<6x32xf32> -> vector<6x32xf32>
    %slice3A_729 = vector.extract_strided_slice %add3A_608 {offsets = [0, 160], sizes = [6, 32], strides = [1, 1]} : vector<6x768xf32> to vector<6x32xf32>
    %slice3A_730 = vector.extract_strided_slice %add3A_608 {offsets = [0, 416], sizes = [6, 32], strides = [1, 1]} : vector<6x768xf32> to vector<6x32xf32>
    %slice3A_731 = vector.extract_strided_slice %add3A_608 {offsets = [0, 672], sizes = [6, 32], strides = [1, 1]} : vector<6x768xf32> to vector<6x32xf32>
    %dot_general3A_732 = arith.constant dense<0.000000e+00> : vector<6x6xf32>
    %dot_general3A_733 = tpu.matmul %slice3A_729, %slice3A_730, %dot_general3A_732 {dimension_numbers = #tpu.dot_dimension_numbers<[1], [1], [0], [0], [0, 0, 1, 0], [], []>, transpose_lhs_hint = false} : vector<6x32xf32>, vector<6x32xf32>, vector<6x6xf32> -> vector<6x6xf32>
    %mul3A_734 = arith.constant 0.176776692 : f32
    %mul3A_735 = vector.broadcast %mul3A_734 : f32 to vector<6x6xf32>
    %mul3A_736 = arith.mulf %dot_general3A_733, %mul3A_735 : vector<6x6xf32>
    %reduce_max3A_737 = arith.constant dense<0xFF800000> : vector<6xf32>
    %reduce_max3A_738 = vector.multi_reduction <maximumf>, %mul3A_736, %reduce_max3A_737 [1] : vector<6x6xf32> to vector<6xf32>
    %max3A_739 = arith.constant 0xFF800000 : f32
    %max3A_740 = vector.broadcast %max3A_739 : f32 to vector<6xf32>
    %max3A_741 = arith.maximumf %max3A_740, %reduce_max3A_738 : vector<6xf32>
    %broadcast_in_dim3A_742 = vector.shape_cast %max3A_741 : vector<6xf32> to vector<6x1xf32>
    %sub3A_743 = vector.broadcast %broadcast_in_dim3A_742 : vector<6x1xf32> to vector<6x6xf32>
    %sub3A_744 = arith.subf %mul3A_736, %sub3A_743 : vector<6x6xf32>
    %exp3A_745 = math.exp %sub3A_744 : vector<6x6xf32>
    %reduce_sum3A_746 = arith.constant dense<0.000000e+00> : vector<6xf32>
    %reduce_sum3A_747 = vector.multi_reduction <add>, %exp3A_745, %reduce_sum3A_746 [1] : vector<6x6xf32> to vector<6xf32>
    %broadcast_in_dim3A_748 = vector.shape_cast %reduce_sum3A_747 : vector<6xf32> to vector<6x1xf32>
    %div3A_749 = vector.broadcast %broadcast_in_dim3A_748 : vector<6x1xf32> to vector<6x6xf32>
    %div3A_750 = arith.divf %exp3A_745, %div3A_749 : vector<6x6xf32>
    %dot_general3A_751 = arith.constant dense<0.000000e+00> : vector<6x32xf32>
    %dot_general3A_752 = tpu.matmul %div3A_750, %slice3A_731, %dot_general3A_751 {dimension_numbers = #tpu.dot_dimension_numbers<[1], [0], [0], [1], [0, 0, 1, 1], [], []>, transpose_lhs_hint = false} : vector<6x6xf32>, vector<6x32xf32>, vector<6x32xf32> -> vector<6x32xf32>
    %slice3A_753 = vector.extract_strided_slice %add3A_608 {offsets = [0, 192], sizes = [6, 32], strides = [1, 1]} : vector<6x768xf32> to vector<6x32xf32>
    %slice3A_754 = vector.extract_strided_slice %add3A_608 {offsets = [0, 448], sizes = [6, 32], strides = [1, 1]} : vector<6x768xf32> to vector<6x32xf32>
    %slice3A_755 = vector.extract_strided_slice %add3A_608 {offsets = [0, 704], sizes = [6, 32], strides = [1, 1]} : vector<6x768xf32> to vector<6x32xf32>
    %dot_general3A_756 = arith.constant dense<0.000000e+00> : vector<6x6xf32>
    %dot_general3A_757 = tpu.matmul %slice3A_753, %slice3A_754, %dot_general3A_756 {dimension_numbers = #tpu.dot_dimension_numbers<[1], [1], [0], [0], [0, 0, 1, 0], [], []>, transpose_lhs_hint = false} : vector<6x32xf32>, vector<6x32xf32>, vector<6x6xf32> -> vector<6x6xf32>
    %mul3A_758 = arith.constant 0.176776692 : f32
    %mul3A_759 = vector.broadcast %mul3A_758 : f32 to vector<6x6xf32>
    %mul3A_760 = arith.mulf %dot_general3A_757, %mul3A_759 : vector<6x6xf32>
    %reduce_max3A_761 = arith.constant dense<0xFF800000> : vector<6xf32>
    %reduce_max3A_762 = vector.multi_reduction <maximumf>, %mul3A_760, %reduce_max3A_761 [1] : vector<6x6xf32> to vector<6xf32>
    %max3A_763 = arith.constant 0xFF800000 : f32
    %max3A_764 = vector.broadcast %max3A_763 : f32 to vector<6xf32>
    %max3A_765 = arith.maximumf %max3A_764, %reduce_max3A_762 : vector<6xf32>
    %broadcast_in_dim3A_766 = vector.shape_cast %max3A_765 : vector<6xf32> to vector<6x1xf32>
    %sub3A_767 = vector.broadcast %broadcast_in_dim3A_766 : vector<6x1xf32> to vector<6x6xf32>
    %sub3A_768 = arith.subf %mul3A_760, %sub3A_767 : vector<6x6xf32>
    %exp3A_769 = math.exp %sub3A_768 : vector<6x6xf32>
    %reduce_sum3A_770 = arith.constant dense<0.000000e+00> : vector<6xf32>
    %reduce_sum3A_771 = vector.multi_reduction <add>, %exp3A_769, %reduce_sum3A_770 [1] : vector<6x6xf32> to vector<6xf32>
    %broadcast_in_dim3A_772 = vector.shape_cast %reduce_sum3A_771 : vector<6xf32> to vector<6x1xf32>
    %div3A_773 = vector.broadcast %broadcast_in_dim3A_772 : vector<6x1xf32> to vector<6x6xf32>
    %div3A_774 = arith.divf %exp3A_769, %div3A_773 : vector<6x6xf32>
    %dot_general3A_775 = arith.constant dense<0.000000e+00> : vector<6x32xf32>
    %dot_general3A_776 = tpu.matmul %div3A_774, %slice3A_755, %dot_general3A_775 {dimension_numbers = #tpu.dot_dimension_numbers<[1], [0], [0], [1], [0, 0, 1, 1], [], []>, transpose_lhs_hint = false} : vector<6x6xf32>, vector<6x32xf32>, vector<6x32xf32> -> vector<6x32xf32>
    %slice3A_777 = vector.extract_strided_slice %add3A_608 {offsets = [0, 224], sizes = [6, 32], strides = [1, 1]} : vector<6x768xf32> to vector<6x32xf32>
    %slice3A_778 = vector.extract_strided_slice %add3A_608 {offsets = [0, 480], sizes = [6, 32], strides = [1, 1]} : vector<6x768xf32> to vector<6x32xf32>
    %slice3A_779 = vector.extract_strided_slice %add3A_608 {offsets = [0, 736], sizes = [6, 32], strides = [1, 1]} : vector<6x768xf32> to vector<6x32xf32>
    %dot_general3A_780 = arith.constant dense<0.000000e+00> : vector<6x6xf32>
    %dot_general3A_781 = tpu.matmul %slice3A_777, %slice3A_778, %dot_general3A_780 {dimension_numbers = #tpu.dot_dimension_numbers<[1], [1], [0], [0], [0, 0, 1, 0], [], []>, transpose_lhs_hint = false} : vector<6x32xf32>, vector<6x32xf32>, vector<6x6xf32> -> vector<6x6xf32>
    %mul3A_782 = arith.constant 0.176776692 : f32
    %mul3A_783 = vector.broadcast %mul3A_782 : f32 to vector<6x6xf32>
    %mul3A_784 = arith.mulf %dot_general3A_781, %mul3A_783 : vector<6x6xf32>
    %reduce_max3A_785 = arith.constant dense<0xFF800000> : vector<6xf32>
    %reduce_max3A_786 = vector.multi_reduction <maximumf>, %mul3A_784, %reduce_max3A_785 [1] : vector<6x6xf32> to vector<6xf32>
    %max3A_787 = arith.constant 0xFF800000 : f32
    %max3A_788 = vector.broadcast %max3A_787 : f32 to vector<6xf32>
    %max3A_789 = arith.maximumf %max3A_788, %reduce_max3A_786 : vector<6xf32>
    %broadcast_in_dim3A_790 = vector.shape_cast %max3A_789 : vector<6xf32> to vector<6x1xf32>
    %sub3A_791 = vector.broadcast %broadcast_in_dim3A_790 : vector<6x1xf32> to vector<6x6xf32>
    %sub3A_792 = arith.subf %mul3A_784, %sub3A_791 : vector<6x6xf32>
    %exp3A_793 = math.exp %sub3A_792 : vector<6x6xf32>
    %reduce_sum3A_794 = arith.constant dense<0.000000e+00> : vector<6xf32>
    %reduce_sum3A_795 = vector.multi_reduction <add>, %exp3A_793, %reduce_sum3A_794 [1] : vector<6x6xf32> to vector<6xf32>
    %broadcast_in_dim3A_796 = vector.shape_cast %reduce_sum3A_795 : vector<6xf32> to vector<6x1xf32>
    %div3A_797 = vector.broadcast %broadcast_in_dim3A_796 : vector<6x1xf32> to vector<6x6xf32>
    %div3A_798 = arith.divf %exp3A_793, %div3A_797 : vector<6x6xf32>
    %dot_general3A_799 = arith.constant dense<0.000000e+00> : vector<6x32xf32>
    %dot_general3A_800 = tpu.matmul %div3A_798, %slice3A_779, %dot_general3A_799 {dimension_numbers = #tpu.dot_dimension_numbers<[1], [0], [0], [1], [0, 0, 1, 1], [], []>, transpose_lhs_hint = false} : vector<6x6xf32>, vector<6x32xf32>, vector<6x32xf32> -> vector<6x32xf32>
    %concatenate3A_801 = tpu.concatenate %dot_general3A_632, %dot_general3A_656, %dot_general3A_680, %dot_general3A_704, %dot_general3A_728, %dot_general3A_752, %dot_general3A_776, %dot_general3A_800 in 1 : vector<6x32xf32>, vector<6x32xf32>, vector<6x32xf32>, vector<6x32xf32>, vector<6x32xf32>, vector<6x32xf32>, vector<6x32xf32>, vector<6x32xf32> -> vector<6x256xf32>
    %get3A_802 = arith.constant 0 : index
    %get3A_803 = arith.constant 0 : index
    %get3A_804 = vector.load %arg28[%get3A_802, %get3A_803] : memref<256x256xf32, #tpu.memory_space<vmem>>, vector<256x256xf32>
    %dot_general3A_805 = arith.constant dense<0.000000e+00> : vector<6x256xf32>
    %dot_general3A_806 = tpu.matmul %concatenate3A_801, %get3A_804, %dot_general3A_805 {dimension_numbers = #tpu.dot_dimension_numbers<[1], [1], [0], [0], [0, 0, 1, 0], [], []>, transpose_lhs_hint = false} : vector<6x256xf32>, vector<256x256xf32>, vector<6x256xf32> -> vector<6x256xf32>
    %get3A_807 = arith.constant 0 : index
    %get3A_808 = arith.constant 0 : index
    %get3A_809 = vector.load %arg29[%get3A_807, %get3A_808] : memref<1x256xf32, #tpu.memory_space<vmem>>, vector<1x256xf32>
    %add3A_810 = vector.broadcast %get3A_809 : vector<1x256xf32> to vector<6x256xf32>
    %add3A_811 = arith.addf %dot_general3A_806, %add3A_810 : vector<6x256xf32>
    %add3A_812 = arith.addf %get3A_598, %add3A_811 : vector<6x256xf32>
    %get3A_813 = arith.constant 0 : index
    %get3A_814 = arith.constant 0 : index
    %get3A_815 = vector.load %arg30[%get3A_813, %get3A_814] : memref<1x256xf32, #tpu.memory_space<vmem>>, vector<1x256xf32>
    %get3A_816 = arith.constant 0 : index
    %get3A_817 = arith.constant 0 : index
    %get3A_818 = vector.load %arg31[%get3A_816, %get3A_817] : memref<1x256xf32, #tpu.memory_space<vmem>>, vector<1x256xf32>
    %reduce_sum3A_819 = arith.constant dense<0.000000e+00> : vector<6xf32>
    %reduce_sum3A_820 = vector.multi_reduction <add>, %add3A_812, %reduce_sum3A_819 [1] : vector<6x256xf32> to vector<6xf32>
    %broadcast_in_dim3A_821 = vector.shape_cast %reduce_sum3A_820 : vector<6xf32> to vector<6x1xf32>
    %div3A_822 = arith.constant 2.560000e+02 : f32
    %div3A_823 = vector.broadcast %div3A_822 : f32 to vector<6x1xf32>
    %div3A_824 = arith.divf %broadcast_in_dim3A_821, %div3A_823 : vector<6x1xf32>
    %sub3A_825 = vector.broadcast %div3A_824 : vector<6x1xf32> to vector<6x256xf32>
    %sub3A_826 = arith.subf %add3A_812, %sub3A_825 : vector<6x256xf32>
    %integer_pow3A_827 = arith.mulf %sub3A_826, %sub3A_826 : vector<6x256xf32>
    %reduce_sum3A_828 = arith.constant dense<0.000000e+00> : vector<6xf32>
    %reduce_sum3A_829 = vector.multi_reduction <add>, %integer_pow3A_827, %reduce_sum3A_828 [1] : vector<6x256xf32> to vector<6xf32>
    %broadcast_in_dim3A_830 = vector.shape_cast %reduce_sum3A_829 : vector<6xf32> to vector<6x1xf32>
    %div3A_831 = arith.constant 2.560000e+02 : f32
    %div3A_832 = vector.broadcast %div3A_831 : f32 to vector<6x1xf32>
    %div3A_833 = arith.divf %broadcast_in_dim3A_830, %div3A_832 : vector<6x1xf32>
    %sub3A_834 = vector.broadcast %div3A_824 : vector<6x1xf32> to vector<6x256xf32>
    %sub3A_835 = arith.subf %add3A_812, %sub3A_834 : vector<6x256xf32>
    %add3A_836 = arith.constant 9.99999974E-6 : f32
    %add3A_837 = vector.broadcast %add3A_836 : f32 to vector<6x1xf32>
    %add3A_838 = arith.addf %div3A_833, %add3A_837 : vector<6x1xf32>
    %sqrt3A_839 = math.sqrt %add3A_838 : vector<6x1xf32>
    %div3A_840 = vector.broadcast %sqrt3A_839 : vector<6x1xf32> to vector<6x256xf32>
    %div3A_841 = arith.divf %sub3A_835, %div3A_840 : vector<6x256xf32>
    %mul3A_842 = vector.broadcast %get3A_815 : vector<1x256xf32> to vector<6x256xf32>
    %mul3A_843 = arith.mulf %div3A_841, %mul3A_842 : vector<6x256xf32>
    %add3A_844 = vector.broadcast %get3A_818 : vector<1x256xf32> to vector<6x256xf32>
    %add3A_845 = arith.addf %mul3A_843, %add3A_844 : vector<6x256xf32>
    %get3A_846 = arith.constant 0 : index
    %get3A_847 = arith.constant 0 : index
    %get3A_848 = vector.load %arg32[%get3A_846, %get3A_847] : memref<512x256xf32, #tpu.memory_space<vmem>>, vector<512x256xf32>
    %dot_general3A_849 = arith.constant dense<0.000000e+00> : vector<6x512xf32>
    %dot_general3A_850 = tpu.matmul %add3A_845, %get3A_848, %dot_general3A_849 {dimension_numbers = #tpu.dot_dimension_numbers<[1], [1], [0], [0], [0, 0, 1, 0], [], []>, transpose_lhs_hint = false} : vector<6x256xf32>, vector<512x256xf32>, vector<6x512xf32> -> vector<6x512xf32>
    %get3A_851 = arith.constant 0 : index
    %get3A_852 = arith.constant 0 : index
    %get3A_853 = vector.load %arg33[%get3A_851, %get3A_852] : memref<1x512xf32, #tpu.memory_space<vmem>>, vector<1x512xf32>
    %add3A_854 = vector.broadcast %get3A_853 : vector<1x512xf32> to vector<6x512xf32>
    %add3A_855 = arith.addf %dot_general3A_850, %add3A_854 : vector<6x512xf32>
    %max3A_856 = arith.constant 0.000000e+00 : f32
    %max3A_857 = vector.broadcast %max3A_856 : f32 to vector<6x512xf32>
    %max3A_858 = arith.maximumf %add3A_855, %max3A_857 : vector<6x512xf32>
    %get3A_859 = arith.constant 0 : index
    %get3A_860 = arith.constant 0 : index
    %get3A_861 = vector.load %arg34[%get3A_859, %get3A_860] : memref<256x512xf32, #tpu.memory_space<vmem>>, vector<256x512xf32>
    %dot_general3A_862 = arith.constant dense<0.000000e+00> : vector<6x256xf32>
    %dot_general3A_863 = tpu.matmul %max3A_858, %get3A_861, %dot_general3A_862 {dimension_numbers = #tpu.dot_dimension_numbers<[1], [1], [0], [0], [0, 0, 1, 0], [], []>, transpose_lhs_hint = false} : vector<6x512xf32>, vector<256x512xf32>, vector<6x256xf32> -> vector<6x256xf32>
    %get3A_864 = arith.constant 0 : index
    %get3A_865 = arith.constant 0 : index
    %get3A_866 = vector.load %arg35[%get3A_864, %get3A_865] : memref<1x256xf32, #tpu.memory_space<vmem>>, vector<1x256xf32>
    %add3A_867 = vector.broadcast %get3A_866 : vector<1x256xf32> to vector<6x256xf32>
    %add3A_868 = arith.addf %dot_general3A_863, %add3A_867 : vector<6x256xf32>
    %add3A_869 = arith.addf %add3A_845, %add3A_868 : vector<6x256xf32>
    %get3A_870 = arith.constant 0 : index
    %get3A_871 = arith.constant 0 : index
    %get3A_872 = vector.load %arg36[%get3A_870, %get3A_871] : memref<1x256xf32, #tpu.memory_space<vmem>>, vector<1x256xf32>
    %get3A_873 = arith.constant 0 : index
    %get3A_874 = arith.constant 0 : index
    %get3A_875 = vector.load %arg37[%get3A_873, %get3A_874] : memref<1x256xf32, #tpu.memory_space<vmem>>, vector<1x256xf32>
    %reduce_sum3A_876 = arith.constant dense<0.000000e+00> : vector<6xf32>
    %reduce_sum3A_877 = vector.multi_reduction <add>, %add3A_869, %reduce_sum3A_876 [1] : vector<6x256xf32> to vector<6xf32>
    %broadcast_in_dim3A_878 = vector.shape_cast %reduce_sum3A_877 : vector<6xf32> to vector<6x1xf32>
    %div3A_879 = arith.constant 2.560000e+02 : f32
    %div3A_880 = vector.broadcast %div3A_879 : f32 to vector<6x1xf32>
    %div3A_881 = arith.divf %broadcast_in_dim3A_878, %div3A_880 : vector<6x1xf32>
    %sub3A_882 = vector.broadcast %div3A_881 : vector<6x1xf32> to vector<6x256xf32>
    %sub3A_883 = arith.subf %add3A_869, %sub3A_882 : vector<6x256xf32>
    %integer_pow3A_884 = arith.mulf %sub3A_883, %sub3A_883 : vector<6x256xf32>
    %reduce_sum3A_885 = arith.constant dense<0.000000e+00> : vector<6xf32>
    %reduce_sum3A_886 = vector.multi_reduction <add>, %integer_pow3A_884, %reduce_sum3A_885 [1] : vector<6x256xf32> to vector<6xf32>
    %broadcast_in_dim3A_887 = vector.shape_cast %reduce_sum3A_886 : vector<6xf32> to vector<6x1xf32>
    %div3A_888 = arith.constant 2.560000e+02 : f32
    %div3A_889 = vector.broadcast %div3A_888 : f32 to vector<6x1xf32>
    %div3A_890 = arith.divf %broadcast_in_dim3A_887, %div3A_889 : vector<6x1xf32>
    %sub3A_891 = vector.broadcast %div3A_881 : vector<6x1xf32> to vector<6x256xf32>
    %sub3A_892 = arith.subf %add3A_869, %sub3A_891 : vector<6x256xf32>
    %add3A_893 = arith.constant 9.99999974E-6 : f32
    %add3A_894 = vector.broadcast %add3A_893 : f32 to vector<6x1xf32>
    %add3A_895 = arith.addf %div3A_890, %add3A_894 : vector<6x1xf32>
    %sqrt3A_896 = math.sqrt %add3A_895 : vector<6x1xf32>
    %div3A_897 = vector.broadcast %sqrt3A_896 : vector<6x1xf32> to vector<6x256xf32>
    %div3A_898 = arith.divf %sub3A_892, %div3A_897 : vector<6x256xf32>
    %mul3A_899 = vector.broadcast %get3A_872 : vector<1x256xf32> to vector<6x256xf32>
    %mul3A_900 = arith.mulf %div3A_898, %mul3A_899 : vector<6x256xf32>
    %add3A_901 = vector.broadcast %get3A_875 : vector<1x256xf32> to vector<6x256xf32>
    %add3A_902 = arith.addf %mul3A_900, %add3A_901 : vector<6x256xf32>
    %get3A_903 = arith.constant 0 : index
    %get3A_904 = arith.constant 0 : index
    %get3A_905 = vector.load %arg38[%get3A_903, %get3A_904] : memref<768x256xf32, #tpu.memory_space<vmem>>, vector<768x256xf32>
    %dot_general3A_906 = arith.constant dense<0.000000e+00> : vector<6x768xf32>
    %dot_general3A_907 = tpu.matmul %add3A_902, %get3A_905, %dot_general3A_906 {dimension_numbers = #tpu.dot_dimension_numbers<[1], [1], [0], [0], [0, 0, 1, 0], [], []>, transpose_lhs_hint = false} : vector<6x256xf32>, vector<768x256xf32>, vector<6x768xf32> -> vector<6x768xf32>
    %get3A_908 = arith.constant 0 : index
    %get3A_909 = arith.constant 0 : index
    %get3A_910 = vector.load %arg39[%get3A_908, %get3A_909] : memref<1x768xf32, #tpu.memory_space<vmem>>, vector<1x768xf32>
    %add3A_911 = vector.broadcast %get3A_910 : vector<1x768xf32> to vector<6x768xf32>
    %add3A_912 = arith.addf %dot_general3A_907, %add3A_911 : vector<6x768xf32>
    %slice3A_913 = vector.extract_strided_slice %add3A_912 {offsets = [0, 0], sizes = [6, 32], strides = [1, 1]} : vector<6x768xf32> to vector<6x32xf32>
    %slice3A_914 = vector.extract_strided_slice %add3A_912 {offsets = [0, 256], sizes = [6, 32], strides = [1, 1]} : vector<6x768xf32> to vector<6x32xf32>
    %slice3A_915 = vector.extract_strided_slice %add3A_912 {offsets = [0, 512], sizes = [6, 32], strides = [1, 1]} : vector<6x768xf32> to vector<6x32xf32>
    %dot_general3A_916 = arith.constant dense<0.000000e+00> : vector<6x6xf32>
    %dot_general3A_917 = tpu.matmul %slice3A_913, %slice3A_914, %dot_general3A_916 {dimension_numbers = #tpu.dot_dimension_numbers<[1], [1], [0], [0], [0, 0, 1, 0], [], []>, transpose_lhs_hint = false} : vector<6x32xf32>, vector<6x32xf32>, vector<6x6xf32> -> vector<6x6xf32>
    %mul3A_918 = arith.constant 0.176776692 : f32
    %mul3A_919 = vector.broadcast %mul3A_918 : f32 to vector<6x6xf32>
    %mul3A_920 = arith.mulf %dot_general3A_917, %mul3A_919 : vector<6x6xf32>
    %reduce_max3A_921 = arith.constant dense<0xFF800000> : vector<6xf32>
    %reduce_max3A_922 = vector.multi_reduction <maximumf>, %mul3A_920, %reduce_max3A_921 [1] : vector<6x6xf32> to vector<6xf32>
    %max3A_923 = arith.constant 0xFF800000 : f32
    %max3A_924 = vector.broadcast %max3A_923 : f32 to vector<6xf32>
    %max3A_925 = arith.maximumf %max3A_924, %reduce_max3A_922 : vector<6xf32>
    %broadcast_in_dim3A_926 = vector.shape_cast %max3A_925 : vector<6xf32> to vector<6x1xf32>
    %sub3A_927 = vector.broadcast %broadcast_in_dim3A_926 : vector<6x1xf32> to vector<6x6xf32>
    %sub3A_928 = arith.subf %mul3A_920, %sub3A_927 : vector<6x6xf32>
    %exp3A_929 = math.exp %sub3A_928 : vector<6x6xf32>
    %reduce_sum3A_930 = arith.constant dense<0.000000e+00> : vector<6xf32>
    %reduce_sum3A_931 = vector.multi_reduction <add>, %exp3A_929, %reduce_sum3A_930 [1] : vector<6x6xf32> to vector<6xf32>
    %broadcast_in_dim3A_932 = vector.shape_cast %reduce_sum3A_931 : vector<6xf32> to vector<6x1xf32>
    %div3A_933 = vector.broadcast %broadcast_in_dim3A_932 : vector<6x1xf32> to vector<6x6xf32>
    %div3A_934 = arith.divf %exp3A_929, %div3A_933 : vector<6x6xf32>
    %dot_general3A_935 = arith.constant dense<0.000000e+00> : vector<6x32xf32>
    %dot_general3A_936 = tpu.matmul %div3A_934, %slice3A_915, %dot_general3A_935 {dimension_numbers = #tpu.dot_dimension_numbers<[1], [0], [0], [1], [0, 0, 1, 1], [], []>, transpose_lhs_hint = false} : vector<6x6xf32>, vector<6x32xf32>, vector<6x32xf32> -> vector<6x32xf32>
    %slice3A_937 = vector.extract_strided_slice %add3A_912 {offsets = [0, 32], sizes = [6, 32], strides = [1, 1]} : vector<6x768xf32> to vector<6x32xf32>
    %slice3A_938 = vector.extract_strided_slice %add3A_912 {offsets = [0, 288], sizes = [6, 32], strides = [1, 1]} : vector<6x768xf32> to vector<6x32xf32>
    %slice3A_939 = vector.extract_strided_slice %add3A_912 {offsets = [0, 544], sizes = [6, 32], strides = [1, 1]} : vector<6x768xf32> to vector<6x32xf32>
    %dot_general3A_940 = arith.constant dense<0.000000e+00> : vector<6x6xf32>
    %dot_general3A_941 = tpu.matmul %slice3A_937, %slice3A_938, %dot_general3A_940 {dimension_numbers = #tpu.dot_dimension_numbers<[1], [1], [0], [0], [0, 0, 1, 0], [], []>, transpose_lhs_hint = false} : vector<6x32xf32>, vector<6x32xf32>, vector<6x6xf32> -> vector<6x6xf32>
    %mul3A_942 = arith.constant 0.176776692 : f32
    %mul3A_943 = vector.broadcast %mul3A_942 : f32 to vector<6x6xf32>
    %mul3A_944 = arith.mulf %dot_general3A_941, %mul3A_943 : vector<6x6xf32>
    %reduce_max3A_945 = arith.constant dense<0xFF800000> : vector<6xf32>
    %reduce_max3A_946 = vector.multi_reduction <maximumf>, %mul3A_944, %reduce_max3A_945 [1] : vector<6x6xf32> to vector<6xf32>
    %max3A_947 = arith.constant 0xFF800000 : f32
    %max3A_948 = vector.broadcast %max3A_947 : f32 to vector<6xf32>
    %max3A_949 = arith.maximumf %max3A_948, %reduce_max3A_946 : vector<6xf32>
    %broadcast_in_dim3A_950 = vector.shape_cast %max3A_949 : vector<6xf32> to vector<6x1xf32>
    %sub3A_951 = vector.broadcast %broadcast_in_dim3A_950 : vector<6x1xf32> to vector<6x6xf32>
    %sub3A_952 = arith.subf %mul3A_944, %sub3A_951 : vector<6x6xf32>
    %exp3A_953 = math.exp %sub3A_952 : vector<6x6xf32>
    %reduce_sum3A_954 = arith.constant dense<0.000000e+00> : vector<6xf32>
    %reduce_sum3A_955 = vector.multi_reduction <add>, %exp3A_953, %reduce_sum3A_954 [1] : vector<6x6xf32> to vector<6xf32>
    %broadcast_in_dim3A_956 = vector.shape_cast %reduce_sum3A_955 : vector<6xf32> to vector<6x1xf32>
    %div3A_957 = vector.broadcast %broadcast_in_dim3A_956 : vector<6x1xf32> to vector<6x6xf32>
    %div3A_958 = arith.divf %exp3A_953, %div3A_957 : vector<6x6xf32>
    %dot_general3A_959 = arith.constant dense<0.000000e+00> : vector<6x32xf32>
    %dot_general3A_960 = tpu.matmul %div3A_958, %slice3A_939, %dot_general3A_959 {dimension_numbers = #tpu.dot_dimension_numbers<[1], [0], [0], [1], [0, 0, 1, 1], [], []>, transpose_lhs_hint = false} : vector<6x6xf32>, vector<6x32xf32>, vector<6x32xf32> -> vector<6x32xf32>
    %slice3A_961 = vector.extract_strided_slice %add3A_912 {offsets = [0, 64], sizes = [6, 32], strides = [1, 1]} : vector<6x768xf32> to vector<6x32xf32>
    %slice3A_962 = vector.extract_strided_slice %add3A_912 {offsets = [0, 320], sizes = [6, 32], strides = [1, 1]} : vector<6x768xf32> to vector<6x32xf32>
    %slice3A_963 = vector.extract_strided_slice %add3A_912 {offsets = [0, 576], sizes = [6, 32], strides = [1, 1]} : vector<6x768xf32> to vector<6x32xf32>
    %dot_general3A_964 = arith.constant dense<0.000000e+00> : vector<6x6xf32>
    %dot_general3A_965 = tpu.matmul %slice3A_961, %slice3A_962, %dot_general3A_964 {dimension_numbers = #tpu.dot_dimension_numbers<[1], [1], [0], [0], [0, 0, 1, 0], [], []>, transpose_lhs_hint = false} : vector<6x32xf32>, vector<6x32xf32>, vector<6x6xf32> -> vector<6x6xf32>
    %mul3A_966 = arith.constant 0.176776692 : f32
    %mul3A_967 = vector.broadcast %mul3A_966 : f32 to vector<6x6xf32>
    %mul3A_968 = arith.mulf %dot_general3A_965, %mul3A_967 : vector<6x6xf32>
    %reduce_max3A_969 = arith.constant dense<0xFF800000> : vector<6xf32>
    %reduce_max3A_970 = vector.multi_reduction <maximumf>, %mul3A_968, %reduce_max3A_969 [1] : vector<6x6xf32> to vector<6xf32>
    %max3A_971 = arith.constant 0xFF800000 : f32
    %max3A_972 = vector.broadcast %max3A_971 : f32 to vector<6xf32>
    %max3A_973 = arith.maximumf %max3A_972, %reduce_max3A_970 : vector<6xf32>
    %broadcast_in_dim3A_974 = vector.shape_cast %max3A_973 : vector<6xf32> to vector<6x1xf32>
    %sub3A_975 = vector.broadcast %broadcast_in_dim3A_974 : vector<6x1xf32> to vector<6x6xf32>
    %sub3A_976 = arith.subf %mul3A_968, %sub3A_975 : vector<6x6xf32>
    %exp3A_977 = math.exp %sub3A_976 : vector<6x6xf32>
    %reduce_sum3A_978 = arith.constant dense<0.000000e+00> : vector<6xf32>
    %reduce_sum3A_979 = vector.multi_reduction <add>, %exp3A_977, %reduce_sum3A_978 [1] : vector<6x6xf32> to vector<6xf32>
    %broadcast_in_dim3A_980 = vector.shape_cast %reduce_sum3A_979 : vector<6xf32> to vector<6x1xf32>
    %div3A_981 = vector.broadcast %broadcast_in_dim3A_980 : vector<6x1xf32> to vector<6x6xf32>
    %div3A_982 = arith.divf %exp3A_977, %div3A_981 : vector<6x6xf32>
    %dot_general3A_983 = arith.constant dense<0.000000e+00> : vector<6x32xf32>
    %dot_general3A_984 = tpu.matmul %div3A_982, %slice3A_963, %dot_general3A_983 {dimension_numbers = #tpu.dot_dimension_numbers<[1], [0], [0], [1], [0, 0, 1, 1], [], []>, transpose_lhs_hint = false} : vector<6x6xf32>, vector<6x32xf32>, vector<6x32xf32> -> vector<6x32xf32>
    %slice3A_985 = vector.extract_strided_slice %add3A_912 {offsets = [0, 96], sizes = [6, 32], strides = [1, 1]} : vector<6x768xf32> to vector<6x32xf32>
    %slice3A_986 = vector.extract_strided_slice %add3A_912 {offsets = [0, 352], sizes = [6, 32], strides = [1, 1]} : vector<6x768xf32> to vector<6x32xf32>
    %slice3A_987 = vector.extract_strided_slice %add3A_912 {offsets = [0, 608], sizes = [6, 32], strides = [1, 1]} : vector<6x768xf32> to vector<6x32xf32>
    %dot_general3A_988 = arith.constant dense<0.000000e+00> : vector<6x6xf32>
    %dot_general3A_989 = tpu.matmul %slice3A_985, %slice3A_986, %dot_general3A_988 {dimension_numbers = #tpu.dot_dimension_numbers<[1], [1], [0], [0], [0, 0, 1, 0], [], []>, transpose_lhs_hint = false} : vector<6x32xf32>, vector<6x32xf32>, vector<6x6xf32> -> vector<6x6xf32>
    %mul3A_990 = arith.constant 0.176776692 : f32
    %mul3A_991 = vector.broadcast %mul3A_990 : f32 to vector<6x6xf32>
    %mul3A_992 = arith.mulf %dot_general3A_989, %mul3A_991 : vector<6x6xf32>
    %reduce_max3A_993 = arith.constant dense<0xFF800000> : vector<6xf32>
    %reduce_max3A_994 = vector.multi_reduction <maximumf>, %mul3A_992, %reduce_max3A_993 [1] : vector<6x6xf32> to vector<6xf32>
    %max3A_995 = arith.constant 0xFF800000 : f32
    %max3A_996 = vector.broadcast %max3A_995 : f32 to vector<6xf32>
    %max3A_997 = arith.maximumf %max3A_996, %reduce_max3A_994 : vector<6xf32>
    %broadcast_in_dim3A_998 = vector.shape_cast %max3A_997 : vector<6xf32> to vector<6x1xf32>
    %sub3A_999 = vector.broadcast %broadcast_in_dim3A_998 : vector<6x1xf32> to vector<6x6xf32>
    %sub3A_1000 = arith.subf %mul3A_992, %sub3A_999 : vector<6x6xf32>
    %exp3A_1001 = math.exp %sub3A_1000 : vector<6x6xf32>
    %reduce_sum3A_1002 = arith.constant dense<0.000000e+00> : vector<6xf32>
    %reduce_sum3A_1003 = vector.multi_reduction <add>, %exp3A_1001, %reduce_sum3A_1002 [1] : vector<6x6xf32> to vector<6xf32>
    %broadcast_in_dim3A_1004 = vector.shape_cast %reduce_sum3A_1003 : vector<6xf32> to vector<6x1xf32>
    %div3A_1005 = vector.broadcast %broadcast_in_dim3A_1004 : vector<6x1xf32> to vector<6x6xf32>
    %div3A_1006 = arith.divf %exp3A_1001, %div3A_1005 : vector<6x6xf32>
    %dot_general3A_1007 = arith.constant dense<0.000000e+00> : vector<6x32xf32>
    %dot_general3A_1008 = tpu.matmul %div3A_1006, %slice3A_987, %dot_general3A_1007 {dimension_numbers = #tpu.dot_dimension_numbers<[1], [0], [0], [1], [0, 0, 1, 1], [], []>, transpose_lhs_hint = false} : vector<6x6xf32>, vector<6x32xf32>, vector<6x32xf32> -> vector<6x32xf32>
    %slice3A_1009 = vector.extract_strided_slice %add3A_912 {offsets = [0, 128], sizes = [6, 32], strides = [1, 1]} : vector<6x768xf32> to vector<6x32xf32>
    %slice3A_1010 = vector.extract_strided_slice %add3A_912 {offsets = [0, 384], sizes = [6, 32], strides = [1, 1]} : vector<6x768xf32> to vector<6x32xf32>
    %slice3A_1011 = vector.extract_strided_slice %add3A_912 {offsets = [0, 640], sizes = [6, 32], strides = [1, 1]} : vector<6x768xf32> to vector<6x32xf32>
    %dot_general3A_1012 = arith.constant dense<0.000000e+00> : vector<6x6xf32>
    %dot_general3A_1013 = tpu.matmul %slice3A_1009, %slice3A_1010, %dot_general3A_1012 {dimension_numbers = #tpu.dot_dimension_numbers<[1], [1], [0], [0], [0, 0, 1, 0], [], []>, transpose_lhs_hint = false} : vector<6x32xf32>, vector<6x32xf32>, vector<6x6xf32> -> vector<6x6xf32>
    %mul3A_1014 = arith.constant 0.176776692 : f32
    %mul3A_1015 = vector.broadcast %mul3A_1014 : f32 to vector<6x6xf32>
    %mul3A_1016 = arith.mulf %dot_general3A_1013, %mul3A_1015 : vector<6x6xf32>
    %reduce_max3A_1017 = arith.constant dense<0xFF800000> : vector<6xf32>
    %reduce_max3A_1018 = vector.multi_reduction <maximumf>, %mul3A_1016, %reduce_max3A_1017 [1] : vector<6x6xf32> to vector<6xf32>
    %max3A_1019 = arith.constant 0xFF800000 : f32
    %max3A_1020 = vector.broadcast %max3A_1019 : f32 to vector<6xf32>
    %max3A_1021 = arith.maximumf %max3A_1020, %reduce_max3A_1018 : vector<6xf32>
    %broadcast_in_dim3A_1022 = vector.shape_cast %max3A_1021 : vector<6xf32> to vector<6x1xf32>
    %sub3A_1023 = vector.broadcast %broadcast_in_dim3A_1022 : vector<6x1xf32> to vector<6x6xf32>
    %sub3A_1024 = arith.subf %mul3A_1016, %sub3A_1023 : vector<6x6xf32>
    %exp3A_1025 = math.exp %sub3A_1024 : vector<6x6xf32>
    %reduce_sum3A_1026 = arith.constant dense<0.000000e+00> : vector<6xf32>
    %reduce_sum3A_1027 = vector.multi_reduction <add>, %exp3A_1025, %reduce_sum3A_1026 [1] : vector<6x6xf32> to vector<6xf32>
    %broadcast_in_dim3A_1028 = vector.shape_cast %reduce_sum3A_1027 : vector<6xf32> to vector<6x1xf32>
    %div3A_1029 = vector.broadcast %broadcast_in_dim3A_1028 : vector<6x1xf32> to vector<6x6xf32>
    %div3A_1030 = arith.divf %exp3A_1025, %div3A_1029 : vector<6x6xf32>
    %dot_general3A_1031 = arith.constant dense<0.000000e+00> : vector<6x32xf32>
    %dot_general3A_1032 = tpu.matmul %div3A_1030, %slice3A_1011, %dot_general3A_1031 {dimension_numbers = #tpu.dot_dimension_numbers<[1], [0], [0], [1], [0, 0, 1, 1], [], []>, transpose_lhs_hint = false} : vector<6x6xf32>, vector<6x32xf32>, vector<6x32xf32> -> vector<6x32xf32>
    %slice3A_1033 = vector.extract_strided_slice %add3A_912 {offsets = [0, 160], sizes = [6, 32], strides = [1, 1]} : vector<6x768xf32> to vector<6x32xf32>
    %slice3A_1034 = vector.extract_strided_slice %add3A_912 {offsets = [0, 416], sizes = [6, 32], strides = [1, 1]} : vector<6x768xf32> to vector<6x32xf32>
    %slice3A_1035 = vector.extract_strided_slice %add3A_912 {offsets = [0, 672], sizes = [6, 32], strides = [1, 1]} : vector<6x768xf32> to vector<6x32xf32>
    %dot_general3A_1036 = arith.constant dense<0.000000e+00> : vector<6x6xf32>
    %dot_general3A_1037 = tpu.matmul %slice3A_1033, %slice3A_1034, %dot_general3A_1036 {dimension_numbers = #tpu.dot_dimension_numbers<[1], [1], [0], [0], [0, 0, 1, 0], [], []>, transpose_lhs_hint = false} : vector<6x32xf32>, vector<6x32xf32>, vector<6x6xf32> -> vector<6x6xf32>
    %mul3A_1038 = arith.constant 0.176776692 : f32
    %mul3A_1039 = vector.broadcast %mul3A_1038 : f32 to vector<6x6xf32>
    %mul3A_1040 = arith.mulf %dot_general3A_1037, %mul3A_1039 : vector<6x6xf32>
    %reduce_max3A_1041 = arith.constant dense<0xFF800000> : vector<6xf32>
    %reduce_max3A_1042 = vector.multi_reduction <maximumf>, %mul3A_1040, %reduce_max3A_1041 [1] : vector<6x6xf32> to vector<6xf32>
    %max3A_1043 = arith.constant 0xFF800000 : f32
    %max3A_1044 = vector.broadcast %max3A_1043 : f32 to vector<6xf32>
    %max3A_1045 = arith.maximumf %max3A_1044, %reduce_max3A_1042 : vector<6xf32>
    %broadcast_in_dim3A_1046 = vector.shape_cast %max3A_1045 : vector<6xf32> to vector<6x1xf32>
    %sub3A_1047 = vector.broadcast %broadcast_in_dim3A_1046 : vector<6x1xf32> to vector<6x6xf32>
    %sub3A_1048 = arith.subf %mul3A_1040, %sub3A_1047 : vector<6x6xf32>
    %exp3A_1049 = math.exp %sub3A_1048 : vector<6x6xf32>
    %reduce_sum3A_1050 = arith.constant dense<0.000000e+00> : vector<6xf32>
    %reduce_sum3A_1051 = vector.multi_reduction <add>, %exp3A_1049, %reduce_sum3A_1050 [1] : vector<6x6xf32> to vector<6xf32>
    %broadcast_in_dim3A_1052 = vector.shape_cast %reduce_sum3A_1051 : vector<6xf32> to vector<6x1xf32>
    %div3A_1053 = vector.broadcast %broadcast_in_dim3A_1052 : vector<6x1xf32> to vector<6x6xf32>
    %div3A_1054 = arith.divf %exp3A_1049, %div3A_1053 : vector<6x6xf32>
    %dot_general3A_1055 = arith.constant dense<0.000000e+00> : vector<6x32xf32>
    %dot_general3A_1056 = tpu.matmul %div3A_1054, %slice3A_1035, %dot_general3A_1055 {dimension_numbers = #tpu.dot_dimension_numbers<[1], [0], [0], [1], [0, 0, 1, 1], [], []>, transpose_lhs_hint = false} : vector<6x6xf32>, vector<6x32xf32>, vector<6x32xf32> -> vector<6x32xf32>
    %slice3A_1057 = vector.extract_strided_slice %add3A_912 {offsets = [0, 192], sizes = [6, 32], strides = [1, 1]} : vector<6x768xf32> to vector<6x32xf32>
    %slice3A_1058 = vector.extract_strided_slice %add3A_912 {offsets = [0, 448], sizes = [6, 32], strides = [1, 1]} : vector<6x768xf32> to vector<6x32xf32>
    %slice3A_1059 = vector.extract_strided_slice %add3A_912 {offsets = [0, 704], sizes = [6, 32], strides = [1, 1]} : vector<6x768xf32> to vector<6x32xf32>
    %dot_general3A_1060 = arith.constant dense<0.000000e+00> : vector<6x6xf32>
    %dot_general3A_1061 = tpu.matmul %slice3A_1057, %slice3A_1058, %dot_general3A_1060 {dimension_numbers = #tpu.dot_dimension_numbers<[1], [1], [0], [0], [0, 0, 1, 0], [], []>, transpose_lhs_hint = false} : vector<6x32xf32>, vector<6x32xf32>, vector<6x6xf32> -> vector<6x6xf32>
    %mul3A_1062 = arith.constant 0.176776692 : f32
    %mul3A_1063 = vector.broadcast %mul3A_1062 : f32 to vector<6x6xf32>
    %mul3A_1064 = arith.mulf %dot_general3A_1061, %mul3A_1063 : vector<6x6xf32>
    %reduce_max3A_1065 = arith.constant dense<0xFF800000> : vector<6xf32>
    %reduce_max3A_1066 = vector.multi_reduction <maximumf>, %mul3A_1064, %reduce_max3A_1065 [1] : vector<6x6xf32> to vector<6xf32>
    %max3A_1067 = arith.constant 0xFF800000 : f32
    %max3A_1068 = vector.broadcast %max3A_1067 : f32 to vector<6xf32>
    %max3A_1069 = arith.maximumf %max3A_1068, %reduce_max3A_1066 : vector<6xf32>
    %broadcast_in_dim3A_1070 = vector.shape_cast %max3A_1069 : vector<6xf32> to vector<6x1xf32>
    %sub3A_1071 = vector.broadcast %broadcast_in_dim3A_1070 : vector<6x1xf32> to vector<6x6xf32>
    %sub3A_1072 = arith.subf %mul3A_1064, %sub3A_1071 : vector<6x6xf32>
    %exp3A_1073 = math.exp %sub3A_1072 : vector<6x6xf32>
    %reduce_sum3A_1074 = arith.constant dense<0.000000e+00> : vector<6xf32>
    %reduce_sum3A_1075 = vector.multi_reduction <add>, %exp3A_1073, %reduce_sum3A_1074 [1] : vector<6x6xf32> to vector<6xf32>
    %broadcast_in_dim3A_1076 = vector.shape_cast %reduce_sum3A_1075 : vector<6xf32> to vector<6x1xf32>
    %div3A_1077 = vector.broadcast %broadcast_in_dim3A_1076 : vector<6x1xf32> to vector<6x6xf32>
    %div3A_1078 = arith.divf %exp3A_1073, %div3A_1077 : vector<6x6xf32>
    %dot_general3A_1079 = arith.constant dense<0.000000e+00> : vector<6x32xf32>
    %dot_general3A_1080 = tpu.matmul %div3A_1078, %slice3A_1059, %dot_general3A_1079 {dimension_numbers = #tpu.dot_dimension_numbers<[1], [0], [0], [1], [0, 0, 1, 1], [], []>, transpose_lhs_hint = false} : vector<6x6xf32>, vector<6x32xf32>, vector<6x32xf32> -> vector<6x32xf32>
    %slice3A_1081 = vector.extract_strided_slice %add3A_912 {offsets = [0, 224], sizes = [6, 32], strides = [1, 1]} : vector<6x768xf32> to vector<6x32xf32>
    %slice3A_1082 = vector.extract_strided_slice %add3A_912 {offsets = [0, 480], sizes = [6, 32], strides = [1, 1]} : vector<6x768xf32> to vector<6x32xf32>
    %slice3A_1083 = vector.extract_strided_slice %add3A_912 {offsets = [0, 736], sizes = [6, 32], strides = [1, 1]} : vector<6x768xf32> to vector<6x32xf32>
    %dot_general3A_1084 = arith.constant dense<0.000000e+00> : vector<6x6xf32>
    %dot_general3A_1085 = tpu.matmul %slice3A_1081, %slice3A_1082, %dot_general3A_1084 {dimension_numbers = #tpu.dot_dimension_numbers<[1], [1], [0], [0], [0, 0, 1, 0], [], []>, transpose_lhs_hint = false} : vector<6x32xf32>, vector<6x32xf32>, vector<6x6xf32> -> vector<6x6xf32>
    %mul3A_1086 = arith.constant 0.176776692 : f32
    %mul3A_1087 = vector.broadcast %mul3A_1086 : f32 to vector<6x6xf32>
    %mul3A_1088 = arith.mulf %dot_general3A_1085, %mul3A_1087 : vector<6x6xf32>
    %reduce_max3A_1089 = arith.constant dense<0xFF800000> : vector<6xf32>
    %reduce_max3A_1090 = vector.multi_reduction <maximumf>, %mul3A_1088, %reduce_max3A_1089 [1] : vector<6x6xf32> to vector<6xf32>
    %max3A_1091 = arith.constant 0xFF800000 : f32
    %max3A_1092 = vector.broadcast %max3A_1091 : f32 to vector<6xf32>
    %max3A_1093 = arith.maximumf %max3A_1092, %reduce_max3A_1090 : vector<6xf32>
    %broadcast_in_dim3A_1094 = vector.shape_cast %max3A_1093 : vector<6xf32> to vector<6x1xf32>
    %sub3A_1095 = vector.broadcast %broadcast_in_dim3A_1094 : vector<6x1xf32> to vector<6x6xf32>
    %sub3A_1096 = arith.subf %mul3A_1088, %sub3A_1095 : vector<6x6xf32>
    %exp3A_1097 = math.exp %sub3A_1096 : vector<6x6xf32>
    %reduce_sum3A_1098 = arith.constant dense<0.000000e+00> : vector<6xf32>
    %reduce_sum3A_1099 = vector.multi_reduction <add>, %exp3A_1097, %reduce_sum3A_1098 [1] : vector<6x6xf32> to vector<6xf32>
    %broadcast_in_dim3A_1100 = vector.shape_cast %reduce_sum3A_1099 : vector<6xf32> to vector<6x1xf32>
    %div3A_1101 = vector.broadcast %broadcast_in_dim3A_1100 : vector<6x1xf32> to vector<6x6xf32>
    %div3A_1102 = arith.divf %exp3A_1097, %div3A_1101 : vector<6x6xf32>
    %dot_general3A_1103 = arith.constant dense<0.000000e+00> : vector<6x32xf32>
    %dot_general3A_1104 = tpu.matmul %div3A_1102, %slice3A_1083, %dot_general3A_1103 {dimension_numbers = #tpu.dot_dimension_numbers<[1], [0], [0], [1], [0, 0, 1, 1], [], []>, transpose_lhs_hint = false} : vector<6x6xf32>, vector<6x32xf32>, vector<6x32xf32> -> vector<6x32xf32>
    %concatenate3A_1105 = tpu.concatenate %dot_general3A_936, %dot_general3A_960, %dot_general3A_984, %dot_general3A_1008, %dot_general3A_1032, %dot_general3A_1056, %dot_general3A_1080, %dot_general3A_1104 in 1 : vector<6x32xf32>, vector<6x32xf32>, vector<6x32xf32>, vector<6x32xf32>, vector<6x32xf32>, vector<6x32xf32>, vector<6x32xf32>, vector<6x32xf32> -> vector<6x256xf32>
    %get3A_1106 = arith.constant 0 : index
    %get3A_1107 = arith.constant 0 : index
    %get3A_1108 = vector.load %arg40[%get3A_1106, %get3A_1107] : memref<256x256xf32, #tpu.memory_space<vmem>>, vector<256x256xf32>
    %dot_general3A_1109 = arith.constant dense<0.000000e+00> : vector<6x256xf32>
    %dot_general3A_1110 = tpu.matmul %concatenate3A_1105, %get3A_1108, %dot_general3A_1109 {dimension_numbers = #tpu.dot_dimension_numbers<[1], [1], [0], [0], [0, 0, 1, 0], [], []>, transpose_lhs_hint = false} : vector<6x256xf32>, vector<256x256xf32>, vector<6x256xf32> -> vector<6x256xf32>
    %get3A_1111 = arith.constant 0 : index
    %get3A_1112 = arith.constant 0 : index
    %get3A_1113 = vector.load %arg41[%get3A_1111, %get3A_1112] : memref<1x256xf32, #tpu.memory_space<vmem>>, vector<1x256xf32>
    %add3A_1114 = vector.broadcast %get3A_1113 : vector<1x256xf32> to vector<6x256xf32>
    %add3A_1115 = arith.addf %dot_general3A_1110, %add3A_1114 : vector<6x256xf32>
    %add3A_1116 = arith.addf %add3A_902, %add3A_1115 : vector<6x256xf32>
    %get3A_1117 = arith.constant 0 : index
    %get3A_1118 = arith.constant 0 : index
    %get3A_1119 = vector.load %arg42[%get3A_1117, %get3A_1118] : memref<1x256xf32, #tpu.memory_space<vmem>>, vector<1x256xf32>
    %get3A_1120 = arith.constant 0 : index
    %get3A_1121 = arith.constant 0 : index
    %get3A_1122 = vector.load %arg43[%get3A_1120, %get3A_1121] : memref<1x256xf32, #tpu.memory_space<vmem>>, vector<1x256xf32>
    %reduce_sum3A_1123 = arith.constant dense<0.000000e+00> : vector<6xf32>
    %reduce_sum3A_1124 = vector.multi_reduction <add>, %add3A_1116, %reduce_sum3A_1123 [1] : vector<6x256xf32> to vector<6xf32>
    %broadcast_in_dim3A_1125 = vector.shape_cast %reduce_sum3A_1124 : vector<6xf32> to vector<6x1xf32>
    %div3A_1126 = arith.constant 2.560000e+02 : f32
    %div3A_1127 = vector.broadcast %div3A_1126 : f32 to vector<6x1xf32>
    %div3A_1128 = arith.divf %broadcast_in_dim3A_1125, %div3A_1127 : vector<6x1xf32>
    %sub3A_1129 = vector.broadcast %div3A_1128 : vector<6x1xf32> to vector<6x256xf32>
    %sub3A_1130 = arith.subf %add3A_1116, %sub3A_1129 : vector<6x256xf32>
    %integer_pow3A_1131 = arith.mulf %sub3A_1130, %sub3A_1130 : vector<6x256xf32>
    %reduce_sum3A_1132 = arith.constant dense<0.000000e+00> : vector<6xf32>
    %reduce_sum3A_1133 = vector.multi_reduction <add>, %integer_pow3A_1131, %reduce_sum3A_1132 [1] : vector<6x256xf32> to vector<6xf32>
    %broadcast_in_dim3A_1134 = vector.shape_cast %reduce_sum3A_1133 : vector<6xf32> to vector<6x1xf32>
    %div3A_1135 = arith.constant 2.560000e+02 : f32
    %div3A_1136 = vector.broadcast %div3A_1135 : f32 to vector<6x1xf32>
    %div3A_1137 = arith.divf %broadcast_in_dim3A_1134, %div3A_1136 : vector<6x1xf32>
    %sub3A_1138 = vector.broadcast %div3A_1128 : vector<6x1xf32> to vector<6x256xf32>
    %sub3A_1139 = arith.subf %add3A_1116, %sub3A_1138 : vector<6x256xf32>
    %add3A_1140 = arith.constant 9.99999974E-6 : f32
    %add3A_1141 = vector.broadcast %add3A_1140 : f32 to vector<6x1xf32>
    %add3A_1142 = arith.addf %div3A_1137, %add3A_1141 : vector<6x1xf32>
    %sqrt3A_1143 = math.sqrt %add3A_1142 : vector<6x1xf32>
    %div3A_1144 = vector.broadcast %sqrt3A_1143 : vector<6x1xf32> to vector<6x256xf32>
    %div3A_1145 = arith.divf %sub3A_1139, %div3A_1144 : vector<6x256xf32>
    %mul3A_1146 = vector.broadcast %get3A_1119 : vector<1x256xf32> to vector<6x256xf32>
    %mul3A_1147 = arith.mulf %div3A_1145, %mul3A_1146 : vector<6x256xf32>
    %add3A_1148 = vector.broadcast %get3A_1122 : vector<1x256xf32> to vector<6x256xf32>
    %add3A_1149 = arith.addf %mul3A_1147, %add3A_1148 : vector<6x256xf32>
    %get3A_1150 = arith.constant 0 : index
    %get3A_1151 = arith.constant 0 : index
    %get3A_1152 = vector.load %arg44[%get3A_1150, %get3A_1151] : memref<512x256xf32, #tpu.memory_space<vmem>>, vector<512x256xf32>
    %dot_general3A_1153 = arith.constant dense<0.000000e+00> : vector<6x512xf32>
    %dot_general3A_1154 = tpu.matmul %add3A_1149, %get3A_1152, %dot_general3A_1153 {dimension_numbers = #tpu.dot_dimension_numbers<[1], [1], [0], [0], [0, 0, 1, 0], [], []>, transpose_lhs_hint = false} : vector<6x256xf32>, vector<512x256xf32>, vector<6x512xf32> -> vector<6x512xf32>
    %get3A_1155 = arith.constant 0 : index
    %get3A_1156 = arith.constant 0 : index
    %get3A_1157 = vector.load %arg45[%get3A_1155, %get3A_1156] : memref<1x512xf32, #tpu.memory_space<vmem>>, vector<1x512xf32>
    %add3A_1158 = vector.broadcast %get3A_1157 : vector<1x512xf32> to vector<6x512xf32>
    %add3A_1159 = arith.addf %dot_general3A_1154, %add3A_1158 : vector<6x512xf32>
    %max3A_1160 = arith.constant 0.000000e+00 : f32
    %max3A_1161 = vector.broadcast %max3A_1160 : f32 to vector<6x512xf32>
    %max3A_1162 = arith.maximumf %add3A_1159, %max3A_1161 : vector<6x512xf32>
    %get3A_1163 = arith.constant 0 : index
    %get3A_1164 = arith.constant 0 : index
    %get3A_1165 = vector.load %arg46[%get3A_1163, %get3A_1164] : memref<256x512xf32, #tpu.memory_space<vmem>>, vector<256x512xf32>
    %dot_general3A_1166 = arith.constant dense<0.000000e+00> : vector<6x256xf32>
    %dot_general3A_1167 = tpu.matmul %max3A_1162, %get3A_1165, %dot_general3A_1166 {dimension_numbers = #tpu.dot_dimension_numbers<[1], [1], [0], [0], [0, 0, 1, 0], [], []>, transpose_lhs_hint = false} : vector<6x512xf32>, vector<256x512xf32>, vector<6x256xf32> -> vector<6x256xf32>
    %get3A_1168 = arith.constant 0 : index
    %get3A_1169 = arith.constant 0 : index
    %get3A_1170 = vector.load %arg47[%get3A_1168, %get3A_1169] : memref<1x256xf32, #tpu.memory_space<vmem>>, vector<1x256xf32>
    %add3A_1171 = vector.broadcast %get3A_1170 : vector<1x256xf32> to vector<6x256xf32>
    %add3A_1172 = arith.addf %dot_general3A_1167, %add3A_1171 : vector<6x256xf32>
    %add3A_1173 = arith.addf %add3A_1149, %add3A_1172 : vector<6x256xf32>
    %get3A_1174 = arith.constant 0 : index
    %get3A_1175 = arith.constant 0 : index
    %get3A_1176 = vector.load %arg48[%get3A_1174, %get3A_1175] : memref<1x256xf32, #tpu.memory_space<vmem>>, vector<1x256xf32>
    %get3A_1177 = arith.constant 0 : index
    %get3A_1178 = arith.constant 0 : index
    %get3A_1179 = vector.load %arg49[%get3A_1177, %get3A_1178] : memref<1x256xf32, #tpu.memory_space<vmem>>, vector<1x256xf32>
    %reduce_sum3A_1180 = arith.constant dense<0.000000e+00> : vector<6xf32>
    %reduce_sum3A_1181 = vector.multi_reduction <add>, %add3A_1173, %reduce_sum3A_1180 [1] : vector<6x256xf32> to vector<6xf32>
    %broadcast_in_dim3A_1182 = vector.shape_cast %reduce_sum3A_1181 : vector<6xf32> to vector<6x1xf32>
    %div3A_1183 = arith.constant 2.560000e+02 : f32
    %div3A_1184 = vector.broadcast %div3A_1183 : f32 to vector<6x1xf32>
    %div3A_1185 = arith.divf %broadcast_in_dim3A_1182, %div3A_1184 : vector<6x1xf32>
    %sub3A_1186 = vector.broadcast %div3A_1185 : vector<6x1xf32> to vector<6x256xf32>
    %sub3A_1187 = arith.subf %add3A_1173, %sub3A_1186 : vector<6x256xf32>
    %integer_pow3A_1188 = arith.mulf %sub3A_1187, %sub3A_1187 : vector<6x256xf32>
    %reduce_sum3A_1189 = arith.constant dense<0.000000e+00> : vector<6xf32>
    %reduce_sum3A_1190 = vector.multi_reduction <add>, %integer_pow3A_1188, %reduce_sum3A_1189 [1] : vector<6x256xf32> to vector<6xf32>
    %broadcast_in_dim3A_1191 = vector.shape_cast %reduce_sum3A_1190 : vector<6xf32> to vector<6x1xf32>
    %div3A_1192 = arith.constant 2.560000e+02 : f32
    %div3A_1193 = vector.broadcast %div3A_1192 : f32 to vector<6x1xf32>
    %div3A_1194 = arith.divf %broadcast_in_dim3A_1191, %div3A_1193 : vector<6x1xf32>
    %sub3A_1195 = vector.broadcast %div3A_1185 : vector<6x1xf32> to vector<6x256xf32>
    %sub3A_1196 = arith.subf %add3A_1173, %sub3A_1195 : vector<6x256xf32>
    %add3A_1197 = arith.constant 9.99999974E-6 : f32
    %add3A_1198 = vector.broadcast %add3A_1197 : f32 to vector<6x1xf32>
    %add3A_1199 = arith.addf %div3A_1194, %add3A_1198 : vector<6x1xf32>
    %sqrt3A_1200 = math.sqrt %add3A_1199 : vector<6x1xf32>
    %div3A_1201 = vector.broadcast %sqrt3A_1200 : vector<6x1xf32> to vector<6x256xf32>
    %div3A_1202 = arith.divf %sub3A_1196, %div3A_1201 : vector<6x256xf32>
    %mul3A_1203 = vector.broadcast %get3A_1176 : vector<1x256xf32> to vector<6x256xf32>
    %mul3A_1204 = arith.mulf %div3A_1202, %mul3A_1203 : vector<6x256xf32>
    %add3A_1205 = vector.broadcast %get3A_1179 : vector<1x256xf32> to vector<6x256xf32>
    %add3A_1206 = arith.addf %mul3A_1204, %add3A_1205 : vector<6x256xf32>
    %get3A_1207 = arith.constant 0 : index
    %get3A_1208 = arith.constant 0 : index
    %get3A_1209 = vector.load %arg50[%get3A_1207, %get3A_1208] : memref<256x256xf32, #tpu.memory_space<vmem>>, vector<256x256xf32>
    %dot_general3A_1210 = arith.constant dense<0.000000e+00> : vector<6x256xf32>
    %dot_general3A_1211 = tpu.matmul %add3A_595, %get3A_1209, %dot_general3A_1210 {dimension_numbers = #tpu.dot_dimension_numbers<[1], [1], [0], [0], [0, 0, 1, 0], [], []>, transpose_lhs_hint = false} : vector<6x256xf32>, vector<256x256xf32>, vector<6x256xf32> -> vector<6x256xf32>
    %get3A_1212 = arith.constant 0 : index
    %get3A_1213 = arith.constant 0 : index
    %get3A_1214 = vector.load %arg51[%get3A_1212, %get3A_1213] : memref<1x256xf32, #tpu.memory_space<vmem>>, vector<1x256xf32>
    %add3A_1215 = vector.broadcast %get3A_1214 : vector<1x256xf32> to vector<6x256xf32>
    %add3A_1216 = arith.addf %dot_general3A_1211, %add3A_1215 : vector<6x256xf32>
    %tanh3A = math.tanh %add3A_1216 : vector<6x256xf32>
    %get3A_1217 = arith.constant 0 : index
    %get3A_1218 = arith.constant 0 : index
    %get3A_1219 = vector.load %arg52[%get3A_1217, %get3A_1218] : memref<256x256xf32, #tpu.memory_space<vmem>>, vector<256x256xf32>
    %dot_general3A_1220 = arith.constant dense<0.000000e+00> : vector<6x256xf32>
    %dot_general3A_1221 = tpu.matmul %add3A_595, %get3A_1219, %dot_general3A_1220 {dimension_numbers = #tpu.dot_dimension_numbers<[1], [1], [0], [0], [0, 0, 1, 0], [], []>, transpose_lhs_hint = false} : vector<6x256xf32>, vector<256x256xf32>, vector<6x256xf32> -> vector<6x256xf32>
    %get3A_1222 = arith.constant 0 : index
    %get3A_1223 = arith.constant 0 : index
    %get3A_1224 = vector.load %arg53[%get3A_1222, %get3A_1223] : memref<1x256xf32, #tpu.memory_space<vmem>>, vector<1x256xf32>
    %add3A_1225 = vector.broadcast %get3A_1224 : vector<1x256xf32> to vector<6x256xf32>
    %add3A_1226 = arith.addf %dot_general3A_1221, %add3A_1225 : vector<6x256xf32>
    %neg3A = arith.constant 0.000000e+00 : f32
    %neg3A_1227 = vector.broadcast %neg3A : f32 to vector<6x256xf32>
    %neg3A_1228 = arith.subf %neg3A_1227, %add3A_1226 : vector<6x256xf32>
    %exp3A_1229 = math.exp %neg3A_1228 : vector<6x256xf32>
    %add3A_1230 = arith.constant 1.000000e+00 : f32
    %add3A_1231 = vector.broadcast %add3A_1230 : f32 to vector<6x256xf32>
    %add3A_1232 = arith.addf %add3A_1231, %exp3A_1229 : vector<6x256xf32>
    %div3A_1233 = arith.constant 1.000000e+00 : f32
    %div3A_1234 = vector.broadcast %div3A_1233 : f32 to vector<6x256xf32>
    %div3A_1235 = arith.divf %div3A_1234, %add3A_1232 : vector<6x256xf32>
    %mul3A_1236 = arith.mulf %tanh3A, %div3A_1235 : vector<6x256xf32>
    %get3A_1237 = arith.constant 0 : index
    %get3A_1238 = arith.constant 0 : index
    %get3A_1239 = vector.load %arg54[%get3A_1237, %get3A_1238] : memref<1x256xf32, #tpu.memory_space<vmem>>, vector<1x256xf32>
    %mul3A_1240 = vector.broadcast %get3A_1239 : vector<1x256xf32> to vector<6x256xf32>
    %mul3A_1241 = arith.mulf %mul3A_1236, %mul3A_1240 : vector<6x256xf32>
    %reduce_sum3A_1242 = arith.constant dense<0.000000e+00> : vector<6xf32>
    %reduce_sum3A_1243 = vector.multi_reduction <add>, %mul3A_1241, %reduce_sum3A_1242 [1] : vector<6x256xf32> to vector<6xf32>
    %broadcast_in_dim3A_1244 = vector.shape_cast %reduce_sum3A_1243 : vector<6xf32> to vector<6x1xf32>
    %get3A_1245 = arith.constant 0 : index
    %get3A_1246 = arith.constant 0 : index
    %get3A_1247 = vector.load %arg55[%get3A_1245, %get3A_1246] : memref<1x1xf32, #tpu.memory_space<vmem>>, vector<1x1xf32>
    %add3A_1248 = vector.broadcast %get3A_1247 : vector<1x1xf32> to vector<6x1xf32>
    %add3A_1249 = arith.addf %broadcast_in_dim3A_1244, %add3A_1248 : vector<6x1xf32>
    %reduce_max3A_1250 = arith.constant dense<0xFF800000> : vector<1xf32>
    %reduce_max3A_1251 = vector.multi_reduction <maximumf>, %add3A_1249, %reduce_max3A_1250 [0] : vector<6x1xf32> to vector<1xf32>
    %max3A_1252 = arith.constant 0xFF800000 : f32
    %max3A_1253 = vector.broadcast %max3A_1252 : f32 to vector<1xf32>
    %max3A_1254 = arith.maximumf %max3A_1253, %reduce_max3A_1251 : vector<1xf32>
    %broadcast_in_dim3A_1255 = vector.shape_cast %max3A_1254 : vector<1xf32> to vector<1x1xf32>
    %sub3A_1256 = vector.broadcast %broadcast_in_dim3A_1255 : vector<1x1xf32> to vector<6x1xf32>
    %sub3A_1257 = arith.subf %add3A_1249, %sub3A_1256 : vector<6x1xf32>
    %exp3A_1258 = math.exp %sub3A_1257 : vector<6x1xf32>
    %reduce_sum3A_1259 = arith.constant dense<0.000000e+00> : vector<1xf32>
    %reduce_sum3A_1260 = vector.multi_reduction <add>, %exp3A_1258, %reduce_sum3A_1259 [0] : vector<6x1xf32> to vector<1xf32>
    %broadcast_in_dim3A_1261 = vector.shape_cast %reduce_sum3A_1260 : vector<1xf32> to vector<1x1xf32>
    %div3A_1262 = vector.broadcast %broadcast_in_dim3A_1261 : vector<1x1xf32> to vector<6x1xf32>
    %div3A_1263 = arith.divf %exp3A_1258, %div3A_1262 : vector<6x1xf32>
    %mul3A_1264 = vector.broadcast %div3A_1263 : vector<6x1xf32> to vector<6x256xf32>
    %mul3A_1265 = arith.mulf %mul3A_1264, %add3A_595 : vector<6x256xf32>
    %reduce_sum3A_1266 = arith.constant dense<0.000000e+00> : vector<256xf32>
    %reduce_sum3A_1267 = vector.multi_reduction <add>, %mul3A_1265, %reduce_sum3A_1266 [0] : vector<6x256xf32> to vector<256xf32>
    %broadcast_in_dim3A_1268 = vector.shape_cast %reduce_sum3A_1267 : vector<256xf32> to vector<1x256xf32>
    %get3A_1269 = arith.constant 0 : index
    %get3A_1270 = arith.constant 0 : index
    %get3A_1271 = vector.load %arg62[%get3A_1269, %get3A_1270] : memref<256x256xf32, #tpu.memory_space<vmem>>, vector<256x256xf32>
    %dot_general3A_1272 = arith.constant dense<0.000000e+00> : vector<1x256xf32>
    %dot_general3A_1273 = tpu.matmul %broadcast_in_dim3A_1268, %get3A_1271, %dot_general3A_1272 {dimension_numbers = #tpu.dot_dimension_numbers<[1], [1], [0], [0], [0, 0, 1, 0], [], []>, transpose_lhs_hint = false} : vector<1x256xf32>, vector<256x256xf32>, vector<1x256xf32> -> vector<1x256xf32>
    %get3A_1274 = arith.constant 0 : index
    %get3A_1275 = arith.constant 0 : index
    %get3A_1276 = vector.load %arg63[%get3A_1274, %get3A_1275] : memref<1x256xf32, #tpu.memory_space<vmem>>, vector<1x256xf32>
    %add3A_1277 = arith.addf %dot_general3A_1273, %get3A_1276 : vector<1x256xf32>
    %max3A_1278 = arith.constant 0.000000e+00 : f32
    %max3A_1279 = vector.broadcast %max3A_1278 : f32 to vector<1x256xf32>
    %max3A_1280 = arith.maximumf %add3A_1277, %max3A_1279 : vector<1x256xf32>
    %get3A_1281 = arith.constant 0 : index
    %get3A_1282 = arith.constant 0 : index
    %get3A_1283 = vector.load %arg56[%get3A_1281, %get3A_1282] : memref<256x256xf32, #tpu.memory_space<vmem>>, vector<256x256xf32>
    %dot_general3A_1284 = arith.constant dense<0.000000e+00> : vector<6x256xf32>
    %dot_general3A_1285 = tpu.matmul %add3A_1206, %get3A_1283, %dot_general3A_1284 {dimension_numbers = #tpu.dot_dimension_numbers<[1], [1], [0], [0], [0, 0, 1, 0], [], []>, transpose_lhs_hint = false} : vector<6x256xf32>, vector<256x256xf32>, vector<6x256xf32> -> vector<6x256xf32>
    %get3A_1286 = arith.constant 0 : index
    %get3A_1287 = arith.constant 0 : index
    %get3A_1288 = vector.load %arg57[%get3A_1286, %get3A_1287] : memref<1x256xf32, #tpu.memory_space<vmem>>, vector<1x256xf32>
    %add3A_1289 = vector.broadcast %get3A_1288 : vector<1x256xf32> to vector<6x256xf32>
    %add3A_1290 = arith.addf %dot_general3A_1285, %add3A_1289 : vector<6x256xf32>
    %tanh3A_1291 = math.tanh %add3A_1290 : vector<6x256xf32>
    %get3A_1292 = arith.constant 0 : index
    %get3A_1293 = arith.constant 0 : index
    %get3A_1294 = vector.load %arg58[%get3A_1292, %get3A_1293] : memref<256x256xf32, #tpu.memory_space<vmem>>, vector<256x256xf32>
    %dot_general3A_1295 = arith.constant dense<0.000000e+00> : vector<6x256xf32>
    %dot_general3A_1296 = tpu.matmul %add3A_1206, %get3A_1294, %dot_general3A_1295 {dimension_numbers = #tpu.dot_dimension_numbers<[1], [1], [0], [0], [0, 0, 1, 0], [], []>, transpose_lhs_hint = false} : vector<6x256xf32>, vector<256x256xf32>, vector<6x256xf32> -> vector<6x256xf32>
    %get3A_1297 = arith.constant 0 : index
    %get3A_1298 = arith.constant 0 : index
    %get3A_1299 = vector.load %arg59[%get3A_1297, %get3A_1298] : memref<1x256xf32, #tpu.memory_space<vmem>>, vector<1x256xf32>
    %add3A_1300 = vector.broadcast %get3A_1299 : vector<1x256xf32> to vector<6x256xf32>
    %add3A_1301 = arith.addf %dot_general3A_1296, %add3A_1300 : vector<6x256xf32>
    %neg3A_1302 = arith.constant 0.000000e+00 : f32
    %neg3A_1303 = vector.broadcast %neg3A_1302 : f32 to vector<6x256xf32>
    %neg3A_1304 = arith.subf %neg3A_1303, %add3A_1301 : vector<6x256xf32>
    %exp3A_1305 = math.exp %neg3A_1304 : vector<6x256xf32>
    %add3A_1306 = arith.constant 1.000000e+00 : f32
    %add3A_1307 = vector.broadcast %add3A_1306 : f32 to vector<6x256xf32>
    %add3A_1308 = arith.addf %add3A_1307, %exp3A_1305 : vector<6x256xf32>
    %div3A_1309 = arith.constant 1.000000e+00 : f32
    %div3A_1310 = vector.broadcast %div3A_1309 : f32 to vector<6x256xf32>
    %div3A_1311 = arith.divf %div3A_1310, %add3A_1308 : vector<6x256xf32>
    %mul3A_1312 = arith.mulf %tanh3A_1291, %div3A_1311 : vector<6x256xf32>
    %get3A_1313 = arith.constant 0 : index
    %get3A_1314 = arith.constant 0 : index
    %get3A_1315 = vector.load %arg60[%get3A_1313, %get3A_1314] : memref<1x256xf32, #tpu.memory_space<vmem>>, vector<1x256xf32>
    %mul3A_1316 = vector.broadcast %get3A_1315 : vector<1x256xf32> to vector<6x256xf32>
    %mul3A_1317 = arith.mulf %mul3A_1312, %mul3A_1316 : vector<6x256xf32>
    %reduce_sum3A_1318 = arith.constant dense<0.000000e+00> : vector<6xf32>
    %reduce_sum3A_1319 = vector.multi_reduction <add>, %mul3A_1317, %reduce_sum3A_1318 [1] : vector<6x256xf32> to vector<6xf32>
    %broadcast_in_dim3A_1320 = vector.shape_cast %reduce_sum3A_1319 : vector<6xf32> to vector<6x1xf32>
    %get3A_1321 = arith.constant 0 : index
    %get3A_1322 = arith.constant 0 : index
    %get3A_1323 = vector.load %arg61[%get3A_1321, %get3A_1322] : memref<1x1xf32, #tpu.memory_space<vmem>>, vector<1x1xf32>
    %add3A_1324 = vector.broadcast %get3A_1323 : vector<1x1xf32> to vector<6x1xf32>
    %add3A_1325 = arith.addf %broadcast_in_dim3A_1320, %add3A_1324 : vector<6x1xf32>
    %reduce_max3A_1326 = arith.constant dense<0xFF800000> : vector<1xf32>
    %reduce_max3A_1327 = vector.multi_reduction <maximumf>, %add3A_1325, %reduce_max3A_1326 [0] : vector<6x1xf32> to vector<1xf32>
    %max3A_1328 = arith.constant 0xFF800000 : f32
    %max3A_1329 = vector.broadcast %max3A_1328 : f32 to vector<1xf32>
    %max3A_1330 = arith.maximumf %max3A_1329, %reduce_max3A_1327 : vector<1xf32>
    %broadcast_in_dim3A_1331 = vector.shape_cast %max3A_1330 : vector<1xf32> to vector<1x1xf32>
    %sub3A_1332 = vector.broadcast %broadcast_in_dim3A_1331 : vector<1x1xf32> to vector<6x1xf32>
    %sub3A_1333 = arith.subf %add3A_1325, %sub3A_1332 : vector<6x1xf32>
    %exp3A_1334 = math.exp %sub3A_1333 : vector<6x1xf32>
    %reduce_sum3A_1335 = arith.constant dense<0.000000e+00> : vector<1xf32>
    %reduce_sum3A_1336 = vector.multi_reduction <add>, %exp3A_1334, %reduce_sum3A_1335 [0] : vector<6x1xf32> to vector<1xf32>
    %broadcast_in_dim3A_1337 = vector.shape_cast %reduce_sum3A_1336 : vector<1xf32> to vector<1x1xf32>
    %div3A_1338 = vector.broadcast %broadcast_in_dim3A_1337 : vector<1x1xf32> to vector<6x1xf32>
    %div3A_1339 = arith.divf %exp3A_1334, %div3A_1338 : vector<6x1xf32>
    %mul3A_1340 = vector.broadcast %div3A_1339 : vector<6x1xf32> to vector<6x256xf32>
    %mul3A_1341 = arith.mulf %mul3A_1340, %add3A_1206 : vector<6x256xf32>
    %reduce_sum3A_1342 = arith.constant dense<0.000000e+00> : vector<256xf32>
    %reduce_sum3A_1343 = vector.multi_reduction <add>, %mul3A_1341, %reduce_sum3A_1342 [0] : vector<6x256xf32> to vector<256xf32>
    %broadcast_in_dim3A_1344 = vector.shape_cast %reduce_sum3A_1343 : vector<256xf32> to vector<1x256xf32>
    %get3A_1345 = arith.constant 0 : index
    %get3A_1346 = arith.constant 0 : index
    %get3A_1347 = vector.load %arg64[%get3A_1345, %get3A_1346] : memref<256x256xf32, #tpu.memory_space<vmem>>, vector<256x256xf32>
    %dot_general3A_1348 = arith.constant dense<0.000000e+00> : vector<1x256xf32>
    %dot_general3A_1349 = tpu.matmul %broadcast_in_dim3A_1344, %get3A_1347, %dot_general3A_1348 {dimension_numbers = #tpu.dot_dimension_numbers<[1], [1], [0], [0], [0, 0, 1, 0], [], []>, transpose_lhs_hint = false} : vector<1x256xf32>, vector<256x256xf32>, vector<1x256xf32> -> vector<1x256xf32>
    %get3A_1350 = arith.constant 0 : index
    %get3A_1351 = arith.constant 0 : index
    %get3A_1352 = vector.load %arg65[%get3A_1350, %get3A_1351] : memref<1x256xf32, #tpu.memory_space<vmem>>, vector<1x256xf32>
    %add3A_1353 = arith.addf %dot_general3A_1349, %get3A_1352 : vector<1x256xf32>
    %max3A_1354 = arith.constant 0.000000e+00 : f32
    %max3A_1355 = vector.broadcast %max3A_1354 : f32 to vector<1x256xf32>
    %max3A_1356 = arith.maximumf %add3A_1353, %max3A_1355 : vector<1x256xf32>
    %concatenate3A_1357 = tpu.concatenate %max3A_1280, %max3A_1356 in 1 : vector<1x256xf32>, vector<1x256xf32> -> vector<1x512xf32>
    %get3A_1358 = arith.constant 0 : index
    %get3A_1359 = arith.constant 0 : index
    %get3A_1360 = vector.load %arg66[%get3A_1358, %get3A_1359] : memref<256x512xf32, #tpu.memory_space<vmem>>, vector<256x512xf32>
    %dot_general3A_1361 = arith.constant dense<0.000000e+00> : vector<1x256xf32>
    %dot_general3A_1362 = tpu.matmul %concatenate3A_1357, %get3A_1360, %dot_general3A_1361 {dimension_numbers = #tpu.dot_dimension_numbers<[1], [1], [0], [0], [0, 0, 1, 0], [], []>, transpose_lhs_hint = false} : vector<1x512xf32>, vector<256x512xf32>, vector<1x256xf32> -> vector<1x256xf32>
    %get3A_1363 = arith.constant 0 : index
    %get3A_1364 = arith.constant 0 : index
    %get3A_1365 = vector.load %arg67[%get3A_1363, %get3A_1364] : memref<1x256xf32, #tpu.memory_space<vmem>>, vector<1x256xf32>
    %add3A_1366 = arith.addf %dot_general3A_1362, %get3A_1365 : vector<1x256xf32>
    %max3A_1367 = arith.constant 0.000000e+00 : f32
    %max3A_1368 = vector.broadcast %max3A_1367 : f32 to vector<1x256xf32>
    %max3A_1369 = arith.maximumf %add3A_1366, %max3A_1368 : vector<1x256xf32>
    %get3A_1370 = arith.constant 0 : index
    %get3A_1371 = arith.constant 0 : index
    %get3A_1372 = vector.load %arg68[%get3A_1370, %get3A_1371] : memref<256x256xf32, #tpu.memory_space<vmem>>, vector<256x256xf32>
    %dot_general3A_1373 = arith.constant dense<0.000000e+00> : vector<1x256xf32>
    %dot_general3A_1374 = tpu.matmul %max3A_1369, %get3A_1372, %dot_general3A_1373 {dimension_numbers = #tpu.dot_dimension_numbers<[1], [1], [0], [0], [0, 0, 1, 0], [], []>, transpose_lhs_hint = false} : vector<1x256xf32>, vector<256x256xf32>, vector<1x256xf32> -> vector<1x256xf32>
    %get3A_1375 = arith.constant 0 : index
    %get3A_1376 = arith.constant 0 : index
    %get3A_1377 = vector.load %arg69[%get3A_1375, %get3A_1376] : memref<1x256xf32, #tpu.memory_space<vmem>>, vector<1x256xf32>
    %add3A_1378 = arith.addf %dot_general3A_1374, %get3A_1377 : vector<1x256xf32>
    %max3A_1379 = arith.constant 0.000000e+00 : f32
    %max3A_1380 = vector.broadcast %max3A_1379 : f32 to vector<1x256xf32>
    %max3A_1381 = arith.maximumf %add3A_1378, %max3A_1380 : vector<1x256xf32>
    %get3A_1382 = arith.constant 0 : index
    %get3A_1383 = arith.constant 0 : index
    %get3A_1384 = vector.load %arg70[%get3A_1382, %get3A_1383] : memref<4x256xf32, #tpu.memory_space<vmem>>, vector<4x256xf32>
    %dot_general3A_1385 = arith.constant dense<0.000000e+00> : vector<1x4xf32>
    %dot_general3A_1386 = tpu.matmul %max3A_1381, %get3A_1384, %dot_general3A_1385 {dimension_numbers = #tpu.dot_dimension_numbers<[1], [1], [0], [0], [0, 0, 1, 0], [], []>, transpose_lhs_hint = false} : vector<1x256xf32>, vector<4x256xf32>, vector<1x4xf32> -> vector<1x4xf32>
    %get3A_1387 = arith.constant 0 : index
    %get3A_1388 = arith.constant 0 : index
    %get3A_1389 = vector.load %arg71[%get3A_1387, %get3A_1388] : memref<1x4xf32, #tpu.memory_space<vmem>>, vector<1x4xf32>
    %add3A_1390 = arith.addf %dot_general3A_1386, %get3A_1389 : vector<1x4xf32>
    %swap3A = arith.constant 0 : index
    %swap3A_1391 = arith.constant 0 : index
    %swap3A_1392 = vector.load %arg72[%swap3A, %swap3A_1391] : memref<1x4xf32, #tpu.memory_space<vmem>>, vector<1x4xf32>
    tpu.vector_store %arg72[%swap3A, %swap3A_1391], %add3A_1390 {strides = array<i32>} : memref<1x4xf32, #tpu.memory_space<vmem>>, vector<1x4xf32>,
    return
  }
}

</mosaic_0001>

<sc_bundles>
// kernel: kernel.10.cloned.1.call-start
scs
__scs_entry_jumppad:
0x0: {  	(pc) =	sbr.rel $0x88, $3  }
0x1: {  	(tag) =	ssettag $0x0;
	lr =	simm.s32 $0x1  }
0x2: {  	[smem:$0x3F32] =	sst lr;
	_ =	strace $0xD0000000  }
0x3: {  	_ = 	snop  }
0x4: {  	_ = 	snop  }
0x5: {  	_ = 	snop  }
0x6: {  	_ = 	snop  }
0x7: {  	_ = 	snop  }
__scs_overlays_trampoline_lowered:
0x8: {  	[smem:$0x3F41] =	sst s0  }
0x9: {  	[smem:$0x3F42] =	sst s1  }
0xa: {  	[smem:$0x3F43] =	sst s2  }
0xb: {  	[smem:$0x3F44] =	sst s3  }
0xc: {  	[smem:$0x3F45] =	sst s4  }
0xd: {  	[smem:$0x3F46] =	sst s5  }
0xe: {  	[smem:$0x3F47] =	sst s6  }
0xf: {  	[smem:$0x3F48] =	sst s7  }
0x10: {  	[smem:$0x3F49] =	sst s8  }
0x11: {  	[smem:$0x3F4A] =	sst s9;
	s0 =	simm.s32 @!p0 $0x0  }
0x12: {  	s1 =	sld [smem:$0x3F30];
	s0 =	simm.s32 @p0 $0x1  }
0x13: {  	[smem:$0x3F4B] =	sst s0;
	s0 =	simm.s32 @!p1 $0x0  }
0x14: {  	s2 =	sld [smem:$0x3F2F];
	s0 =	simm.s32 @p1 $0x1  }
0x15: {  	[smem:$0x3F4C] =	sst s0;
	s0 =	simm.s32 @!p2 $0x0  }
0x16: {  	s3 =	sld [smem:$0x3FDB];
	s0 =	simm.s32 @p2 $0x1  }
0x17: {  	s4 =	simm.s32 $0x1BF5;
	[smem:$0x3F4E] =	sst s0  }
0x18: {  	s0 =	sld [smem:$0x3F31];
	_ =	swait.ge [sflag:s4], $0x0  }
0x19: {  	s7 =	sld [smem:$0x3F32]  }
0x1a: {  	s8 =	sadd.s32 $0xFFFFE003, lr  }
0x1b: {  	s9 =	sadd.s32 $0xFFFFFEF7, lr;
	s5 =	simm.s32 $0xFFFFFFFF;
	p2 =	slt.u32 s8, $0xFFFFF086  }
0x1c: {  	p1 =	slt.u32 s9, $0xF7A;
	s5 =	simm.s32 @!p2 $0x0  }
0x1d: {  	s5 =	simm.s32 @p1 $0x1;
	p0 =	seq.s32 s7, s2  }
0x1e: {  	s7 =	smul.u32 @!p0 $0xF7A, s2;
	p2 =	seq.s32 @!p0 s5, $0x0  }
0x1f: {  	s9 =	smul.u32 $0xF7A, s1;
	s8 =	simm.s32 @!p0 $0x1BF5;
	p2 =	por !p2, p0  }
0x20: {  	[sflag:s8] =	ssyncset.s32 @!p0 $0xFFFFF086;
	s6 =	sadd.s32 @!p0 s3, s7;
	s7 =	simm.s32 @!p0 $0x108  }
0x21: {  	s3 =	sadd.s32 s3, s9;
	s6 =	sadd.s32 @!p0 $0x88, s6;
	s7 =	simm.s32 @p2 $0x1082  }
0x22: {  	[simem:s7], [sflag:s8] =	dma.local @!p0 [hbm:s6], $0xF7A  }
0x23: {  	s9 =	sor.u32 $0xD0000000, s2;
	s6 =	simm.s32 $0x108;
	_ =	swait.ge @!p0 [sflag:s8], $0x0  }
0x24: {  	s3 =	sadd.s32 $0x88, s3;
	s6 =	simm.s32 @!p1 $0x1082;
	[sflag:s4] =	ssyncset.s32 $0xFFFFF086  }
0x25: {  	[simem:s6], [sflag:s4] =	dma.local [hbm:s3], $0xF7A  }
0x26: {  	[smem:$0x3F32] =	sst s1;
	(tag) =	ssettag s2;
	_ =	strace s9  }
0x27: {  	s1 =	sld [smem:$0x3F42]  }
0x28: {  	s2 =	sld [smem:$0x3F43]  }
0x29: {  	s4 =	sld [smem:$0x3F45]  }
0x2a: {  	p0 =	seq.s32 s5, $0x0;
	s5 =	sld [smem:$0x3F46]  }
0x2b: {  	s6 =	sld [smem:$0x3F47]  }
0x2c: {  	s7 =	sld [smem:$0x3F48]  }
0x2d: {  	s3 =	simm.s32 $0x108;
	s8 =	sld [smem:$0x3F49]  }
0x2e: {  	s3 =	simm.s32 @!p0 $0x1082;
	s9 =	sld [smem:$0x3F4A]  }
0x2f: {  	lr =	sadd.s32 s0, s3;
	s0 =	sld [smem:$0x3F41]  }
0x30: {  	s3 =	sld [smem:$0x3F44]  }
0x31: {  	[smem:$0x3F4D] =	sst s10  }
0x32: {  	s10 =	sld [smem:$0x3F4B];
	_ =	sdelay $0x3  }
0x33: {  	p0 =	seq.s32 s10, $0x1;
	s10 =	sld [smem:$0x3F4D];
	_ =	sdelay $0x3  }
0x34: {  	[smem:$0x3F4D] =	sst s10  }
0x35: {  	s10 =	sld [smem:$0x3F4C];
	_ =	sdelay $0x3  }
0x36: {  	p1 =	seq.s32 s10, $0x1;
	s10 =	sld [smem:$0x3F4D];
	_ =	sdelay $0x3  }
0x37: {  	[smem:$0x3F4D] =	sst s10  }
0x38: {  	s10 =	sld [smem:$0x3F4E]  }
0x39: {  	_ = 	snop;
	(pc) =	sbr.ind lr, $3  }
0x3a: {  	_ = 	snop  }
0x3b: {  	_ = 	snop  }
0x3c: {  	p2 =	seq.s32 s10, $0x1;
	s10 =	sld [smem:$0x3F4D]  }
0x3d: {  	_ =	shalt  }
0x3e: {  	_ =	shalt  }
0x3f: {  	_ =	shalt  }
0x40: {  	_ =	shalt  }
0x41: {  	_ =	shalt  }
0x42: {  	_ =	shalt  }
0x43: {  	_ =	shalt  }
0x44: {  	_ =	shalt  }
0x45: {  	_ =	shalt  }
0x46: {  	_ =	shalt  }
0x47: {  	_ =	shalt  }
0x48: {  	_ =	shalt  }
0x49: {  	_ =	shalt  }
0x4a: {  	_ =	shalt  }
0x4b: {  	_ =	shalt  }
0x4c: {  	_ =	shalt  }
0x4d: {  	_ =	shalt  }
0x4e: {  	_ =	shalt  }
0x4f: {  	_ =	shalt  }
0x50: {  	_ =	shalt  }
0x51: {  	_ =	shalt  }
0x52: {  	_ =	shalt  }
0x53: {  	_ =	shalt  }
0x54: {  	_ =	shalt  }
0x55: {  	_ =	shalt  }
0x56: {  	_ =	shalt  }
0x57: {  	_ =	shalt  }
0x58: {  	_ =	shalt  }
0x59: {  	_ =	shalt  }
0x5a: {  	_ =	shalt  }
0x5b: {  	_ =	shalt  }
0x5c: {  	_ =	shalt  }
0x5d: {  	_ =	shalt  }
0x5e: {  	_ =	shalt  }
0x5f: {  	_ =	shalt  }
0x60: {  	_ =	shalt  }
0x61: {  	_ =	shalt  }
0x62: {  	_ =	shalt  }
0x63: {  	_ =	shalt  }
0x64: {  	_ =	shalt  }
0x65: {  	_ =	shalt  }
0x66: {  	_ =	shalt  }
0x67: {  	_ =	shalt  }
0x68: {  	_ =	shalt  }
0x69: {  	_ =	shalt  }
0x6a: {  	_ =	shalt  }
0x6b: {  	_ =	shalt  }
0x6c: {  	_ =	shalt  }
0x6d: {  	_ =	shalt  }
0x6e: {  	_ =	shalt  }
0x6f: {  	_ =	shalt  }
0x70: {  	_ =	shalt  }
0x71: {  	_ =	shalt  }
0x72: {  	_ =	shalt  }
0x73: {  	_ =	shalt  }
0x74: {  	_ =	shalt  }
0x75: {  	_ =	shalt  }
0x76: {  	_ =	shalt  }
0x77: {  	_ =	shalt  }
0x78: {  	_ =	shalt  }
0x79: {  	_ =	shalt  }
0x7a: {  	_ =	shalt  }
0x7b: {  	_ =	shalt  }
0x7c: {  	_ =	shalt  }
0x7d: {  	_ =	shalt  }
0x7e: {  	_ =	shalt  }
0x7f: {  	_ =	shalt  }
0x80: {  	_ =	shalt  }
0x81: {  	_ =	shalt  }
0x82: {  	_ =	shalt  }
0x83: {  	_ =	shalt  }
0x84: {  	_ =	shalt  }
0x85: {  	_ =	shalt  }
0x86: {  	_ =	shalt  }
0x87: {  	_ =	shalt  }
.Lfunc_end0:
.L_simem_size_0:
called_computation_lowered:
.L_overlay_start_0:
0x88: {  	s2 =	sld [smem:$0x3FD9]  }
0x89: {  	s3 =	sld [smem:$0x3FFE];
	_ =	sdelay $0x1  }
0x8a: {  	s1 =	srdreg.scid  }
0x8b: {  	s0 =	sand.u32 $0x1, s1  }
0x8c: {  	s16 =	sshll.u32 s0, $0xA;
	s2 =	sadd.s32 s3, s2  }
0x8d: {  	s2 =	sadd.s32 s2, s16  }
0x8e: {  	[smem:$0x3F59] =	sst s2  }
0x8f: {  	_ = 	snop  }
0x90: {  	(tm) =	ssettm $0x1  }
0x91: {  	s17 =	sld [smem:$0x3FFB];
	_ =	sdelay $0x3  }
0x92: {  	_ =	strace s17  }
0x93: {  	s2 =	sld [smem:$0x3FFC];
	_ =	sdelay $0x3  }
0x94: {  	_ =	strace s2  }
0x95: {  	s2 =	sld [smem:$0x3FFD];
	_ =	sdelay $0x3  }
0x96: {  	_ =	strace s2  }
0x97: {  	_ =	strace $0x8FFFFFFF  }
0x98: {  	s18 =	sld [smem:$0x3FDB];
	_ =	sdelay $0x1  }
0x99: {  	s19 =	simm.s32 $_scs_section_size  }
0x9a: {  	s4 =	simm.s32 $_size__tile_overlayer_lowered;
	s5 =	simm.s32 $_tile_overlayer_lowered  }
0x9b: {  	s22 =	simm.s32 $0x1BFF;
	s21 =	sshll.u32 s5, $0x1;
	s2 =	sadd.s32 s19, s18  }
0x9c: {  	s6 =	simm.s32 $0x0;
	s20 =	sshll.u32 s4, $0x1;
	s4 =	sadd.s32 s21, s2  }
0x9d: {  	[timem:s6], [sflag:s22] =	dma.local [hbm:s4], s20  }
0x9e: {  	_ =	swait.ge [sflag:s22], s20  }
0x9f: {  	s3 =	ssub.s32 $0x0, s20;
	[sflag:s22] =	ssyncset.done $0x0  }
0xa0: {  	[sflag:s22] =	ssyncadd.s32 s3;
	_ =	sdelay $0x1  }
0xa1: {  	s23 =	simm.s32 $0x1B8B  }
0xa2: {  	_ =	swait.ge [sflag:s23], $0x1  }
0xa3: {  	[sflag:s23] =	ssyncset.done $0x0  }
0xa4: {  	s25 =	simm.s32 $0x1B8E;
	s24 =	sld [smem:$0x3FFE];
	[sflag:s23] =	ssyncadd.s32 $0xFFFFFFFF  }
0xa5: {  	s26 =	simm.s32 $execute0_lowered;
	[smem:$0x3FD2] =	sst s25  }
0xa6: {  	s4 =	sshll.u32 s26, $0x1;
	_ =	strace $0x80000046;
	[dreg:$0x1] =	wrdreg $0xFFFFFFFF  }
0xa7: {  	s28 =	simm.s32 $_size_execute0_lowered;
	s2 =	sadd.s32 s2, s4;
	[dreg:$0x0] =	wrdreg $0x0  }
0xa8: {  	s4 =	sshll.u32 s28, $0x1;
	[dreg:$0x2] =	wrdreg s2  }
0xa9: {  	[dreg:$0x3] =	wrdreg s4  }
0xaa: {  	[dreg:$0x4] =	wrdreg $0xC0  }
0xab: {  	_ =	task [dreg:s6], $0x5FFFF  }
0xac: {  	[dreg:$0x1] =	wrdreg $0xFFFFFFFF  }
0xad: {  	[dreg:$0x0] =	wrdreg $0x60  }
0xae: {  	[dreg:$0x2] =	wrdreg s24  }
0xaf: {  	[dreg:$0x3] =	wrdreg $0x9  }
0xb0: {  	_ =	task.clear_ibuf [dreg:s6], $0x4FFFF;
	_ =	strace $0x90000046  }
0xb1: {  	s29 =	simm.s32 $0x9;
	_ =	strace $0x80000048  }
0xb2: {  	_ =	swait.ge [sflag:s29], $0x1  }
0xb3: {  	[sflag:s29] =	ssyncadd.s32 $0xFFFFFFFF  }
0xb4: {  	_ =	strace $0x90000048  }
0xb5: {  	_ =	sfence  }
0xb6: {  	s30 =	sld [smem:$0x0];
	_ =	sdelay $0x2  }
0xb7: {  	s31 =	sshll.u32 s1, $0xD;
	s1 =	sshrl.u32 s1, $0x2  }
0xb8: {  	s3 =	sand.u32 $0x4000, s31;
	s1 =	sadd.s32 s1, s30  }
0xb9: {  	s0 =	sor.u32 s3, s0;
	s1 =	sshll.u32 s1, $0x11  }
0xba: {  	s0 =	sor.u32 s1, s0  }
0xbb: {  	s0 =	sadd.s32 $0x8F2B, s0  }
0xbc: {  	[sflag:s0] =	ssyncadd.remote.s32 $0x1  }
0xbd: {  	_ =	sfence.sel $0xFFFF  }
0xbe: {  	[dreg:$0x0] =	wrdreg $0xFFFFFFFF;
	(pc) =	sbr.abs _section_cstart, $3  }
0xbf: {  	[dreg:$0x1] =	wrdreg $0xFFFFFFFF  }
0xc0: {  	_ =	task.clear_ibuf [dreg:s6], $0x2FFFF;
	_ =	strace $0x9FFFFFFF  }
0xc1: {  	(tm) =	ssettm $0x7FFFFFFF  }
tec
execute0_lowered:
.L_overlay_start_1:
0x0: {  	(tag) =	ssettag $0x1  }
0x1: {  	s1 =	srdreg.scid;
	s0 =	stileid.u32  }
0x2: {  	s25 =	sand.u32 $0x1, s1;
	s31 =	sshll.u32 s0, $0x1  }
0x3: {  	s20 =	sor.u32 s25, s31  }
0x4: {  	s18 =	rddreg [dreg:$0x0];
	s2 =	simm.s32 $0x0;
	s3 =	sshll.u32 s20, $0x7  }
0x5: {  	s4 =	simm.s32 $0x3;
	[smem:$0x7FF] =	sst s2;
	s3 =	sadd.s32 s3, s18  }
0x6: {  	s1 =	rddreg [dreg:$0x1];
	_ =	strace $0x80000047;
	s3 =	sadd.s32 $0x1E000, s3  }
0x7: {  	[tilespmem:s2], [sflag:$0x3] =	stream.linear.gather [hbm4b:s3+s2], $0x300, $0x38;
	[tilespmem:$0x18400] =	vst v63  }
0x8: {  	_ =	swait.ge [sflag:s4], $0x300  }
0x9: {  	s6 =	simm.s32 $0x80;
	[sflag:s4] =	ssyncset.done $0x0  }
0xa: {  	s7 =	simm.s32 $0x400;
	s5 =	sadd.s32 $0xE000, s18;
	[sflag:s4] =	ssyncadd.s32 $0xFFFFFD00  }
0xb: {  	[tilespmem:s7], [sflag:$0x1] =	stream.indirect.gather [hbm4b:s5+s6], $0x80, s2, s6, $0xb8;
	[tilespmem:$0x18400] =	vst v63  }
0xc: {  	s8 =	simm.s32 $0x4400  }
0xd: {  	[tilespmem:s8], [sflag:$0x1] =	stream.indirect.gather [hbm4b:s5+s6], $0x80, s6, s6, $0xb8;
	[tilespmem:$0x18400] =	vst v63  }
0xe: {  	s9 =	simm.s32 $0x100;
	s10 =	simm.s32 $0x8400  }
0xf: {  	[tilespmem:s10], [sflag:$0x1] =	stream.indirect.gather [hbm4b:s5+s6], $0x80, s9, s6, $0xb8;
	[tilespmem:$0x18400] =	vst v63  }
0x10: {  	s11 =	simm.s32 $0x180;
	s12 =	simm.s32 $0xC400  }
0x11: {  	[tilespmem:s12], [sflag:$0x1] =	stream.indirect.gather [hbm4b:s5+s6], $0x80, s11, s6, $0xb8;
	[tilespmem:$0x18400] =	vst v63  }
0x12: {  	s13 =	simm.s32 $0x200;
	s14 =	simm.s32 $0x10400  }
0x13: {  	[tilespmem:s14], [sflag:$0x1] =	stream.indirect.gather [hbm4b:s5+s6], $0x80, s13, s6, $0xb8;
	[tilespmem:$0x18400] =	vst v63  }
0x14: {  	s15 =	simm.s32 $0x280;
	s16 =	simm.s32 $0x14400;
	s17 =	simm.s32 $0x1  }
0x15: {  	[tilespmem:s16], [sflag:$0x1] =	stream.indirect.gather [hbm4b:s5+s6], $0x80, s15, s6, $0xb8;
	[tilespmem:$0x18400] =	vst v63  }
0x16: {  	s19 =	smul.u32 $0x3000, s20;
	_ =	swait.ge [sflag:s17], $0x4000  }
0x17: {  	s21 =	sadd.s32 $0x1F000, s18;
	[sflag:s17] =	ssyncset.done $0x0  }
0x18: {  	s18 =	sadd.s32 s21, s19;
	[sflag:s17] =	ssyncadd.s32 $0xFFFFC000  }
0x19: {  	[hbm4b:s18+s2] =	stream.linear.scatter [tilespmem:s7], [sflag:$0x2], $0x4000, $0x38;
	[tilespmem:$0x18400] =	vst v63  }
0x1a: {  	_ =	swait.ge [sflag:s17], $0x4000  }
0x1b: {  	[sflag:s17] =	ssyncset.done $0x0  }
0x1c: {  	s20 =	smul.u32 $0x18000, s20;
	s19 =	sadd.s32 $0x800, s18;
	[sflag:s17] =	ssyncadd.s32 $0xFFFFC000  }
0x1d: {  	[hbm4b:s19+s2] =	stream.linear.scatter [tilespmem:s8], [sflag:$0x2], $0x4000, $0x38;
	[tilespmem:$0x18400] =	vst v63  }
0x1e: {  	s20 =	sshrl.u32 s20, $0x3;
	_ =	swait.ge [sflag:s17], $0x4000  }
0x1f: {  	s23 =	sadd.s32 s21, s20;
	[sflag:s17] =	ssyncset.done $0x0  }
0x20: {  	s20 =	sadd.s32 $0x1000, s23;
	[sflag:s17] =	ssyncadd.s32 $0xFFFFC000  }
0x21: {  	[hbm4b:s20+s2] =	stream.linear.scatter [tilespmem:s10], [sflag:$0x2], $0x4000, $0x38;
	[tilespmem:$0x18400] =	vst v63  }
0x22: {  	_ =	swait.ge [sflag:s17], $0x4000  }
0x23: {  	[sflag:s17] =	ssyncset.done $0x0  }
0x24: {  	s21 =	sadd.s32 $0x1800, s23;
	[sflag:s17] =	ssyncadd.s32 $0xFFFFC000  }
0x25: {  	[hbm4b:s21+s2] =	stream.linear.scatter [tilespmem:s12], [sflag:$0x2], $0x4000, $0x38;
	[tilespmem:$0x18400] =	vst v63  }
0x26: {  	_ =	swait.ge [sflag:s17], $0x4000  }
0x27: {  	[sflag:s17] =	ssyncset.done $0x0  }
0x28: {  	s22 =	sadd.s32 $0x2000, s23;
	[sflag:s17] =	ssyncadd.s32 $0xFFFFC000  }
0x29: {  	[hbm4b:s22+s2] =	stream.linear.scatter [tilespmem:s14], [sflag:$0x2], $0x4000, $0x38;
	[tilespmem:$0x18400] =	vst v63  }
0x2a: {  	_ =	swait.ge [sflag:s17], $0x4000  }
0x2b: {  	[sflag:s17] =	ssyncset.done $0x0  }
0x2c: {  	s24 =	sadd.s32 $0x2800, s23;
	s23 =	simm.s32 $0x2;
	[sflag:s17] =	ssyncadd.s32 $0xFFFFC000  }
0x2d: {  	[hbm4b:s24+s2] =	stream.linear.scatter [tilespmem:s16], [sflag:$0x2], $0x4000, $0x38;
	[tilespmem:$0x18400] =	vst v63  }
0x2e: {  	_ =	swait.ge [sflag:s23], $0x4000  }
0x2f: {  	[sflag:s23] =	ssyncset.done $0x0  }
0x30: {  	[sflag:s23] =	ssyncadd.s32 $0xFFFFC000  }
0x31: {  	_ =	swait.ge [sflag:s23], $0x4000  }
0x32: {  	[sflag:s23] =	ssyncset.done $0x0  }
0x33: {  	[sflag:s23] =	ssyncadd.s32 $0xFFFFC000  }
0x34: {  	_ =	swait.ge [sflag:s23], $0x4000  }
0x35: {  	s25 =	ssub.s32 $0x2, s25;
	[sflag:s23] =	ssyncset.done $0x0  }
0x36: {  	s26 =	sshrl.u32 s25, $0x1;
	[sflag:s23] =	ssyncadd.s32 $0xFFFFC000  }
0x37: {  	s25 =	ssub.s32 s25, s26;
	_ =	swait.ge [sflag:s23], $0x4000  }
0x38: {  	s25 =	smax.u32 s25, $0x1;
	[sflag:s23] =	ssyncset.done $0x0  }
0x39: {  	p0 =	sne.s32 s25, $0x1;
	[sflag:s23] =	ssyncadd.s32 $0xFFFFC000  }
.Ltmp0:
0x3a: {  	_ =	swait.ge [sflag:s23], $0x4000;
	(pc) =	sbr.rel @!p0 .LBB2_2-.Ltmp0, $4  }
0x3b: {  	[sflag:s23] =	ssyncset.done $0x0  }
0x3c: {  	[sflag:s23] =	ssyncadd.s32 $0xFFFFC000  }
0x3d: {  	_ =	swait.ge [sflag:s23], $0x4000  }
0x3e: {  	s25 =	sadd.s32 $0xFFFFFFFF, s25;
	[sflag:s23] =	ssyncset.done $0x0  }
.LBB2_1:
0x3f: {  	p0 =	sne.s32 s25, $0x1;
	s25 =	sadd.s32 $0xFFFFFFFF, s25;
	[sflag:s23] =	ssyncadd.s32 $0xFFFFC000  }
0x40: {  	[tilespmem:s2], [sflag:$0x3] =	stream.linear.gather [hbm4b:s3+s2], $0x300, $0x38;
	[tilespmem:$0x18400] =	vst v63  }
0x41: {  	_ =	swait.ge [sflag:s4], $0x300  }
0x42: {  	[sflag:s4] =	ssyncset.done $0x0  }
0x43: {  	[sflag:s4] =	ssyncadd.s32 $0xFFFFFD00  }
0x44: {  	[tilespmem:s7], [sflag:$0x1] =	stream.indirect.gather [hbm4b:s5+s6], $0x80, s2, s6, $0xb8;
	[tilespmem:$0x18400] =	vst v63  }
0x45: {  	_ = 	snop  }
0x46: {  	[tilespmem:s8], [sflag:$0x1] =	stream.indirect.gather [hbm4b:s5+s6], $0x80, s6, s6, $0xb8;
	[tilespmem:$0x18400] =	vst v63  }
0x47: {  	_ = 	snop  }
0x48: {  	[tilespmem:s10], [sflag:$0x1] =	stream.indirect.gather [hbm4b:s5+s6], $0x80, s9, s6, $0xb8;
	[tilespmem:$0x18400] =	vst v63  }
0x49: {  	_ = 	snop  }
0x4a: {  	[tilespmem:s12], [sflag:$0x1] =	stream.indirect.gather [hbm4b:s5+s6], $0x80, s11, s6, $0xb8;
	[tilespmem:$0x18400] =	vst v63  }
0x4b: {  	_ = 	snop  }
0x4c: {  	[tilespmem:s14], [sflag:$0x1] =	stream.indirect.gather [hbm4b:s5+s6], $0x80, s13, s6, $0xb8;
	[tilespmem:$0x18400] =	vst v63  }
0x4d: {  	_ = 	snop  }
0x4e: {  	[tilespmem:s16], [sflag:$0x1] =	stream.indirect.gather [hbm4b:s5+s6], $0x80, s15, s6, $0xb8;
	[tilespmem:$0x18400] =	vst v63  }
0x4f: {  	_ =	swait.ge [sflag:s17], $0x4000  }
0x50: {  	[sflag:s17] =	ssyncset.done $0x0  }
0x51: {  	[sflag:s17] =	ssyncadd.s32 $0xFFFFC000  }
0x52: {  	[hbm4b:s18+s2] =	stream.linear.scatter [tilespmem:s7], [sflag:$0x2], $0x4000, $0x38;
	[tilespmem:$0x18400] =	vst v63  }
0x53: {  	_ =	swait.ge [sflag:s17], $0x4000  }
0x54: {  	[sflag:s17] =	ssyncset.done $0x0  }
0x55: {  	[sflag:s17] =	ssyncadd.s32 $0xFFFFC000  }
0x56: {  	[hbm4b:s19+s2] =	stream.linear.scatter [tilespmem:s8], [sflag:$0x2], $0x4000, $0x38;
	[tilespmem:$0x18400] =	vst v63  }
0x57: {  	_ =	swait.ge [sflag:s17], $0x4000  }
0x58: {  	[sflag:s17] =	ssyncset.done $0x0  }
0x59: {  	[sflag:s17] =	ssyncadd.s32 $0xFFFFC000  }
0x5a: {  	[hbm4b:s20+s2] =	stream.linear.scatter [tilespmem:s10], [sflag:$0x2], $0x4000, $0x38;
	[tilespmem:$0x18400] =	vst v63  }
0x5b: {  	_ =	swait.ge [sflag:s17], $0x4000  }
0x5c: {  	[sflag:s17] =	ssyncset.done $0x0  }
0x5d: {  	[sflag:s17] =	ssyncadd.s32 $0xFFFFC000  }
0x5e: {  	[hbm4b:s21+s2] =	stream.linear.scatter [tilespmem:s12], [sflag:$0x2], $0x4000, $0x38;
	[tilespmem:$0x18400] =	vst v63  }
0x5f: {  	_ =	swait.ge [sflag:s17], $0x4000  }
0x60: {  	[sflag:s17] =	ssyncset.done $0x0  }
0x61: {  	[sflag:s17] =	ssyncadd.s32 $0xFFFFC000  }
0x62: {  	[hbm4b:s22+s2] =	stream.linear.scatter [tilespmem:s14], [sflag:$0x2], $0x4000, $0x38;
	[tilespmem:$0x18400] =	vst v63  }
0x63: {  	_ =	swait.ge [sflag:s17], $0x4000  }
0x64: {  	[sflag:s17] =	ssyncset.done $0x0  }
0x65: {  	[sflag:s17] =	ssyncadd.s32 $0xFFFFC000  }
0x66: {  	[hbm4b:s24+s2] =	stream.linear.scatter [tilespmem:s16], [sflag:$0x2], $0x4000, $0x38;
	[tilespmem:$0x18400] =	vst v63  }
0x67: {  	_ =	swait.ge [sflag:s23], $0x4000  }
0x68: {  	[sflag:s23] =	ssyncset.done $0x0  }
0x69: {  	[sflag:s23] =	ssyncadd.s32 $0xFFFFC000  }
0x6a: {  	_ =	swait.ge [sflag:s23], $0x4000  }
0x6b: {  	[sflag:s23] =	ssyncset.done $0x0  }
0x6c: {  	[sflag:s23] =	ssyncadd.s32 $0xFFFFC000  }
0x6d: {  	_ =	swait.ge [sflag:s23], $0x4000  }
0x6e: {  	[sflag:s23] =	ssyncset.done $0x0  }
0x6f: {  	[sflag:s23] =	ssyncadd.s32 $0xFFFFC000  }
0x70: {  	_ =	swait.ge [sflag:s23], $0x4000  }
0x71: {  	[sflag:s23] =	ssyncset.done $0x0  }
0x72: {  	[sflag:s23] =	ssyncadd.s32 $0xFFFFC000  }
.Ltmp1:
0x73: {  	_ =	swait.ge [sflag:s23], $0x4000;
	(pc) =	sbr.rel @p0 .LBB2_1-.Ltmp1, $4  }
0x74: {  	[sflag:s23] =	ssyncset.done $0x0  }
0x75: {  	[sflag:s23] =	ssyncadd.s32 $0xFFFFC000  }
0x76: {  	_ =	swait.ge [sflag:s23], $0x4000  }
0x77: {  	[sflag:s23] =	ssyncset.done $0x0  }
.LBB2_2:
0x78: {  	[sflag:s23] =	ssyncadd.s32 $0xFFFFC000  }
0x79: {  	_ =	sfence.sel $0x180000  }
0x7a: {  	[bflag:$0x0] =	sbarrier.arrive $0xFFFF  }
0x7b: {  	p0 =	sne.s32 s0, $0x0;
	_ =	strace $0x90000047  }
0x7c: {  	s0 =	sadd.s32 @!p0 $0x100000, s1;
	[bflag:$0x2] =	sbarrier.arrive $0xFFFF  }
0x7d: {  	[sflag:s0] =	ssyncadd.tile.s32 @!p0 $0x1;
	_ =	shalt  }
.Lfunc_end2:
_tile_overlayer_lowered:
.L_overlay_start_2:
0x7e: {  	(tag) =	ssettag $0x2  }
0x7f: {  	s0 =	rddreg [dreg:$0x0];
	s2 =	stileid.u32  }
0x80: {  	s1 =	rddreg [dreg:$0x1];
	p0 =	sne.s32 s2, $0x0  }
0x81: {  	s3 =	rddreg [dreg:$0x2];
	[bflag:$0x3] =	sbarrier.arrive $0xFFFF;
	s2 =	simm.s32 @!p0 $0x1C03  }
0x82: {  	[timem:s3], [sflag:s2] =	dma.local @!p0 [hbm:s0], s1  }
0x83: {  	s0 =	simm.s32 @!p0 $0x3  }
0x84: {  	_ =	swait.ge @!p0 [sflag:s0], s1  }
0x85: {  	s1 =	ssub.s32 @!p0 $0x0, s1;
	[sflag:s0] =	ssyncset.done @!p0 $0x0  }
0x86: {  	[sflag:s0] =	ssyncadd.s32 @!p0 s1  }
0x87: {  	[bflag:$0x3] =	sbarrier.arrive $0xFFFF  }
0x88: {  	_ =	shalt  }

</sc_bundles>
